<compile_context>
chip_gen: v7x
topology: tpu7x:2x2x1
jax: 0.10.2.dev20260603
libtpu: 0.0.44.dev20260713+nightly
codegen_flags: <defaults>
</compile_context>

<pallas_src>
import functools
import math

import jax
import jax.numpy as jnp
from jax import lax
from jax.experimental import pallas as pl
from jax.experimental.pallas import tpu as pltpu
from jax.experimental.pallas import tpu_sc as plsc

LANES = 16
NUM_CORES = 2
NUM_SUBCORES = 16
NUM_WORKERS = NUM_CORES * NUM_SUBCORES

SUCCESS_REWARD = 1.0
FAILURE_REWARD = 0.01
SHAPING_COEF = 0.5
LOG_SUCCESS = math.log(SUCCESS_REWARD)
LOG_FAILURE = math.log(FAILURE_REWARD)


def _pick_block(chunk: int) -> int:
    for cand in (8192, 8000, 6400, 5120, 4096, 4000, 3200, 2048, 1600,
                 1024, 800, 512, 400, 256, 128, 64, 32, 16):
        if chunk % cand == 0:
            return cand
    raise ValueError(f"no block size divides chunk={chunk}")


GROUP = 160


def _tree_sum(xs):
    xs = list(xs)
    while len(xs) > 1:
        nxt = [xs[i] + xs[i + 1] for i in range(0, len(xs) - 1, 2)]
        if len(xs) % 2 == 1:
            nxt.append(xs[-1])
        xs = nxt
    return xs[0]


def _sc_segment_body(chunk, block, num_graphs,
                     sel_hbm, lab_hbm, seg_hbm,
                     tp_out, ps_out, ts_out,
                     sel_a, lab_a, seg_a, sel_b, lab_b, seg_b,
                     acc_tp, acc_ps, acc_ts, cur_ref, sem_a, sem_b):
    wid = lax.axis_index("s") * NUM_CORES + lax.axis_index("c")
    lane = lax.iota(jnp.int32, LANES)
    l0 = lane == 0
    l15 = lane == LANES - 1
    zeros = jnp.zeros((LANES,), jnp.float32)

    def zero_body(i, carry):
        acc_tp[pl.ds(i * LANES, LANES)] = zeros
        acc_ps[pl.ds(i * LANES, LANES)] = zeros
        acc_ts[pl.ds(i * LANES, LANES)] = zeros
        return carry

    lax.fori_loop(0, num_graphs // LANES, zero_body, 0)
    cur_ref[0] = 0

    def load_vals(bufs, o):
        sel_buf, lab_buf, _ = bufs
        pred = sel_buf[pl.ds(o, LANES)]
        lab = lab_buf[pl.ds(o, LANES)]
        tm = lab > 0.5
        targ = jnp.where(tm, 1.0, 0.0).astype(jnp.float32)
        pt = jnp.where(tm, pred, 0.0).astype(jnp.float32)
        return pt, pred, targ

    def general_vec(bufs, o):
        seg_buf = bufs[2]
        s = seg_buf[pl.ds(o + 8, LANES)]
        sprev = seg_buf[pl.ds(o + 7, LANES)]
        snext = seg_buf[pl.ds(o + 9, LANES)]
        m_end = (s != snext) | l15
        m_start = (s != sprev) | l0
        vals = load_vals(bufs, o)
        for acc, v in zip((acc_tp, acc_ps, acc_ts), vals):
            c = plsc.cumsum(v)
            plsc.addupdate_scatter(acc, [s], c, mask=m_end)
            plsc.addupdate_scatter(acc, [s], v - c, mask=m_start)

    def flush(a3):
        idx = jnp.full((LANES,), cur_ref[0], dtype=jnp.int32)
        for acc, av in zip((acc_tp, acc_ps, acc_ts), a3):
            tot = jnp.sum(av)
            totv = jnp.full((LANES,), tot, dtype=jnp.float32)
            plsc.addupdate_scatter(acc, [idx], totv, mask=l0)

    def group_sums(bufs, o, nvec):
        vals = [load_vals(bufs, o + k * LANES) for k in range(nvec)]
        return [_tree_sum([v[a] for v in vals]) for a in range(3)]

    def make_group_body(bufs):
        def group_body(g, a3):
            o = g * GROUP
            seg_buf = bufs[2]
            s_first = seg_buf[pl.ds(o + 8, LANES)][0]
            s_last = seg_buf[pl.ds(o + 8 + GROUP - LANES, LANES)][LANES - 1]
            uniform = (s_first == cur_ref[0]) & (s_last == s_first)

            sums = group_sums(bufs, o, GROUP // LANES)

            @pl.when(jnp.logical_not(uniform))
            def _():
                flush(a3)
                for k in range(GROUP // LANES):
                    general_vec(bufs, o + k * LANES)
                cur_ref[0] = s_last

            return tuple(
                jnp.where(uniform, av + sv, 0.0)
                for av, sv in zip(a3, sums))

        return group_body

    bufs_a = (sel_a, lab_a, seg_a)
    bufs_b = (sel_b, lab_b, seg_b)
    body_a = make_group_body(bufs_a)
    body_b = make_group_body(bufs_b)

    def issue(bufs, sem, b):
        base = wid * chunk + b * block
        pltpu.async_copy(sel_hbm.at[pl.ds(base, block)], bufs[0], sem)
        pltpu.async_copy(lab_hbm.at[pl.ds(base, block)], bufs[1], sem)
        pltpu.async_copy(seg_hbm.at[pl.ds(base, block)],
                         bufs[2].at[pl.ds(8, block)], sem)

    def drain(bufs, sem):
        pltpu.make_async_copy(sel_hbm.at[pl.ds(0, block)], bufs[0], sem).wait()
        pltpu.make_async_copy(lab_hbm.at[pl.ds(0, block)], bufs[1], sem).wait()
        pltpu.make_async_copy(seg_hbm.at[pl.ds(0, block)],
                              bufs[2].at[pl.ds(8, block)], sem).wait()

    nb = chunk // block
    n_groups = block // GROUP
    issue(bufs_a, sem_a, 0)

    def pair_body(p, a3):
        b = 2 * p
        drain(bufs_a, sem_a)
        issue(bufs_b, sem_b, b + 1)
        a3 = lax.fori_loop(0, n_groups, body_a, a3)
        drain(bufs_b, sem_b)

        @pl.when(b + 2 < nb)
        def _():
            issue(bufs_a, sem_a, b + 2)

        return lax.fori_loop(0, n_groups, body_b, a3)

    a3 = lax.fori_loop(0, nb // 2, pair_body, (zeros, zeros, zeros))
    if nb % 2 == 1:
        drain(bufs_a, sem_a)
        a3 = lax.fori_loop(0, n_groups, body_a, a3)
    flush(a3)

    pltpu.sync_copy(acc_tp, tp_out.at[wid])
    pltpu.sync_copy(acc_ps, ps_out.at[wid])
    pltpu.sync_copy(acc_ts, ts_out.at[wid])


def _segment_partials(selected_mask, edge_labels, edge_batch, num_graphs):
    num_edges = selected_mask.shape[0]
    assert num_edges % (NUM_WORKERS * LANES) == 0
    chunk = num_edges // NUM_WORKERS
    block = _pick_block(chunk)
    assert block % GROUP == 0
    mesh = plsc.VectorSubcoreMesh(core_axis_name="c", subcore_axis_name="s",
                                  num_cores=NUM_CORES,
                                  num_subcores=NUM_SUBCORES)
    acc = jax.ShapeDtypeStruct((NUM_WORKERS, num_graphs), jnp.float32)
    run = pl.kernel(
        functools.partial(_sc_segment_body, chunk, block, num_graphs),
        out_type=(acc, acc, acc),
        mesh=mesh,
        compiler_params=pltpu.CompilerParams(needs_layout_passes=False),
        scratch_types=(
            pltpu.VMEM((block,), jnp.float32),
            pltpu.VMEM((block,), jnp.float32),
            pltpu.VMEM((block + 16,), jnp.int32),
            pltpu.VMEM((block,), jnp.float32),
            pltpu.VMEM((block,), jnp.float32),
            pltpu.VMEM((block + 16,), jnp.int32),
            pltpu.VMEM((num_graphs,), jnp.float32),
            pltpu.VMEM((num_graphs,), jnp.float32),
            pltpu.VMEM((num_graphs,), jnp.float32),
            pltpu.SMEM((1,), jnp.int32),
            pltpu.SemaphoreType.DMA,
            pltpu.SemaphoreType.DMA,
        ),
    )
    return run(selected_mask, edge_labels, edge_batch)


def _finalize_body(tp_ref, ps_ref, ts_ref, hit_ref,
                   reward_ref, logr_ref, succ_ref,
                   prec_ref, rec_ref, f1_ref):
    tp = jnp.sum(tp_ref[...], axis=0, keepdims=True)
    ps = jnp.sum(ps_ref[...], axis=0, keepdims=True)
    ts = jnp.sum(ts_ref[...], axis=0, keepdims=True)
    zeros = jnp.zeros_like(tp)
    prec = jnp.where(ps > 0, tp / jnp.maximum(ps, 1.0), zeros)
    rec = jnp.where(ts > 0, tp / jnp.maximum(ts, 1.0), zeros)
    f1 = 2.0 * prec * rec / (prec + rec + 1e-08)
    hit = hit_ref[...]
    logr = jnp.where(hit.astype(jnp.bool_),
                     jnp.float32(LOG_SUCCESS),
                     jnp.float32(LOG_FAILURE)) + SHAPING_COEF * f1
    reward_ref[...] = jnp.exp(logr)
    logr_ref[...] = logr
    succ_ref[...] = hit.astype(jnp.float32)
    prec_ref[...] = prec
    rec_ref[...] = rec
    f1_ref[...] = f1


def _finalize(tp_p, ps_p, ts_p, hit2d):
    g = hit2d.shape[1]
    out = jax.ShapeDtypeStruct((1, g), jnp.float32)
    return pl.pallas_call(
        _finalize_body,
        out_shape=(out,) * 6,
    )(tp_p, ps_p, ts_p, hit2d)


def kernel(selected_mask, edge_labels, edge_batch, answer_hit):
    num_graphs = answer_hit.shape[0]
    tp_p, ps_p, ts_p = _segment_partials(
        selected_mask.astype(jnp.float32),
        edge_labels.astype(jnp.float32),
        edge_batch.astype(jnp.int32),
        num_graphs,
    )
    outs = _finalize(tp_p, ps_p, ts_p,
                     answer_hit.astype(jnp.int32).reshape(1, num_graphs))
    return tuple(o.reshape(num_graphs) for o in outs)

# --- scband reference (transcript-rebuilt; emitter-appended) ---
"""Pipeline reference for scband-gflow-net-reward-40312563040656 (READ-ONLY COPY).

The authoritative reference and input builder live on the scoring server;
editing this copy changes nothing except your own understanding.
"""

import jax, jax.numpy as jnp
import numpy as np
import math

E = 6400000
G = 4096
SUCCESS_REWARD = 1.0
FAILURE_REWARD = 0.01
SHAPING_COEF = 0.5
LOG_SUCCESS = math.log(SUCCESS_REWARD)
LOG_FAILURE = math.log(FAILURE_REWARD)


def setup_inputs(seed: int = 0) -> dict:
    key = jax.random.key(seed)
    k1, k2, k3, k4 = jax.random.split(key, 4)
    selected_mask = jax.random.uniform(k1, (E,), dtype=jnp.float32)
    edge_labels = jax.random.uniform(k2, (E,), dtype=jnp.float32)
    edge_batch = jnp.sort(jax.random.randint(k3, (E,), 0, G, dtype=jnp.int64 if jax.config.read('jax_enable_x64') else jnp.int32)).astype(jnp.int32)
    answer_hit = jax.random.randint(k4, (G,), 0, 2, dtype=jnp.int32)
    return {"selected_mask": selected_mask, "edge_labels": edge_labels, "edge_batch": edge_batch, "answer_hit": answer_hit}


def reference(selected_mask, edge_labels, edge_batch, answer_hit):
    num_graphs = answer_hit.shape[0]
    pred = selected_mask.astype(jnp.float32)
    target = (edge_labels > 0.5).astype(jnp.float32)
    zeros = jnp.zeros((num_graphs,), dtype=jnp.float32)
    tp = jax.ops.segment_sum(pred * target, edge_batch, num_segments=num_graphs)
    pred_sum = jax.ops.segment_sum(pred, edge_batch, num_segments=num_graphs)
    target_sum = jax.ops.segment_sum(target, edge_batch, num_segments=num_graphs)
    precision = jnp.where(pred_sum > 0, tp / jnp.maximum(pred_sum, 1.0), zeros)
    recall = jnp.where(target_sum > 0, tp / jnp.maximum(target_sum, 1.0), zeros)
    f1 = 2.0 * precision * recall / (precision + recall + 1e-08)
    log_reward = jnp.where(answer_hit.astype(bool),
                           jnp.full((num_graphs,), LOG_SUCCESS, dtype=jnp.float32),
                           jnp.full((num_graphs,), LOG_FAILURE, dtype=jnp.float32))
    log_reward = log_reward + SHAPING_COEF * f1.astype(log_reward.dtype)
    reward = jnp.exp(log_reward)
    success = answer_hit.astype(jnp.float32)
    return (reward, log_reward, success, precision, recall, f1)

if __name__ == "__main__":
    import jax
    _d = setup_inputs()
    print(jax.jit(kernel)(*tuple(_d.values())))

</pallas_src>

<mosaic_0001>
#map = affine_map<(d0, d1) -> (0)>
#map1 = affine_map<(d0, d1) -> (0, 0)>
module attributes {stable_mosaic.version = 14 : i64} {
  func.func @_sc_segment_body(%arg0: i32, %arg1: i32, %arg2: memref<6400000xf32, #tpu.memory_space<hbm>>, %arg3: memref<6400000xf32, #tpu.memory_space<hbm>>, %arg4: memref<6400000xi32, #tpu.memory_space<hbm>>, %arg5: memref<32x4096xf32, #tpu.memory_space<hbm>>, %arg6: memref<32x4096xf32, #tpu.memory_space<hbm>>, %arg7: memref<32x4096xf32, #tpu.memory_space<hbm>>, %arg8: memref<8000xf32, #tpu.memory_space<vmem>>, %arg9: memref<8000xf32, #tpu.memory_space<vmem>>, %arg10: memref<8016xi32, #tpu.memory_space<vmem>>, %arg11: memref<8000xf32, #tpu.memory_space<vmem>>, %arg12: memref<8000xf32, #tpu.memory_space<vmem>>, %arg13: memref<8016xi32, #tpu.memory_space<vmem>>, %arg14: memref<4096xf32, #tpu.memory_space<vmem>>, %arg15: memref<4096xf32, #tpu.memory_space<vmem>>, %arg16: memref<4096xf32, #tpu.memory_space<vmem>>, %arg17: memref<1xi32, #tpu.memory_space<smem>>, %arg18: memref<!tpu.dma_semaphore, #tpu.memory_space<semaphore_mem>>, %arg19: memref<!tpu.dma_semaphore, #tpu.memory_space<semaphore_mem>>) attributes {dimension_semantics = [#tpu.dimension_semantics<core_parallel>, #tpu.dimension_semantics<subcore_parallel>], iteration_bounds = array<i64: 2, 16>, scalar_prefetch = 0 : i64, scratch_operands = 12 : i64, tpu.core_type = #tpu.core_type<sc_vector_subcore>, window_params = [{transform_indices = #map}, {transform_indices = #map}, {transform_indices = #map}, {transform_indices = #map1}, {transform_indices = #map1}, {transform_indices = #map1}]} {
    %mul3A = arith.constant 2 : i32
    %mul3A_0 = arith.muli %arg1, %mul3A : i32
    %add3A = arith.addi %mul3A_0, %arg0 : i32
    %iota3A = tpu.iota {dimensions = array<i32: 0>} : vector<16xi32>
    %eq3A = arith.constant 0 : i32
    %eq3A_1 = vector.broadcast %eq3A : i32 to vector<16xi32>
    %eq3A_2 = arith.cmpi eq, %iota3A, %eq3A_1 : vector<16xi32>
    %eq3A_3 = arith.constant 15 : i32
    %eq3A_4 = vector.broadcast %eq3A_3 : i32 to vector<16xi32>
    %eq3A_5 = arith.cmpi eq, %iota3A, %eq3A_4 : vector<16xi32>
    %broadcast_in_dim3A = arith.constant 0.000000e+00 : f32
    %broadcast_in_dim3A_6 = vector.broadcast %broadcast_in_dim3A : f32 to vector<16xf32>
    %scan3A = arith.constant 0 : i32
    %scan3A_7 = arith.constant 0 : i32
    %scan3A_8 = arith.constant 256 : i32
    %scan3A_9 = arith.addi %scan3A_7, %scan3A_8 : i32
    %scan3A_10 = arith.constant 1 : i32
    scf.for %scan3A_72 = %scan3A_7 to %scan3A_9 step %scan3A_10  : i32 {
      %mul3A_73 = arith.constant 16 : i32
      %mul3A_74 = arith.muli %scan3A_72, %mul3A_73 : i32
      %swap3A_75 = arith.index_cast %mul3A_74 : i32 to index
      %swap3A_76 = tpu.vector_load %arg14[%swap3A_75] {strides = array<i32>} : memref<4096xf32, #tpu.memory_space<vmem>>, vector<16xf32>,
      tpu.vector_store %arg14[%swap3A_75], %broadcast_in_dim3A_6 {strides = array<i32>} : memref<4096xf32, #tpu.memory_space<vmem>>, vector<16xf32>,
      %mul3A_77 = arith.constant 16 : i32
      %mul3A_78 = arith.muli %scan3A_72, %mul3A_77 : i32
      %swap3A_79 = arith.index_cast %mul3A_78 : i32 to index
      %swap3A_80 = tpu.vector_load %arg15[%swap3A_79] {strides = array<i32>} : memref<4096xf32, #tpu.memory_space<vmem>>, vector<16xf32>,
      tpu.vector_store %arg15[%swap3A_79], %broadcast_in_dim3A_6 {strides = array<i32>} : memref<4096xf32, #tpu.memory_space<vmem>>, vector<16xf32>,
      %mul3A_81 = arith.constant 16 : i32
      %mul3A_82 = arith.muli %scan3A_72, %mul3A_81 : i32
      %swap3A_83 = arith.index_cast %mul3A_82 : i32 to index
      %swap3A_84 = tpu.vector_load %arg16[%swap3A_83] {strides = array<i32>} : memref<4096xf32, #tpu.memory_space<vmem>>, vector<16xf32>,
      tpu.vector_store %arg16[%swap3A_83], %broadcast_in_dim3A_6 {strides = array<i32>} : memref<4096xf32, #tpu.memory_space<vmem>>, vector<16xf32>,
    }
    %scan3A_11 = arith.constant 256 : i32
    %swap3A = arith.constant 0 : i32
    %swap3A_12 = arith.constant 0 : i32
    %swap3A_13 = arith.index_cast %swap3A_12 : i32 to index
    %swap3A_14 = memref.load %arg17[%swap3A_13] : memref<1xi32, #tpu.memory_space<smem>>
    memref.store %swap3A, %arg17[%swap3A_13] : memref<1xi32, #tpu.memory_space<smem>>
    %mul3A_15 = arith.constant 200000 : i32
    %mul3A_16 = arith.muli %add3A, %mul3A_15 : i32
    %add3A_17 = arith.constant 0 : i32
    %add3A_18 = arith.addi %mul3A_16, %add3A_17 : i32
    %dma_start3A = tpu.memref_slice %arg2[%add3A_18] : memref<6400000xf32, #tpu.memory_space<hbm>> -> memref<8000xf32, #tpu.memory_space<hbm>>
    %dma_start3A_19 = tpu.memref_slice %arg2[%add3A_18] : memref<6400000xf32, #tpu.memory_space<hbm>> -> memref<8000xf32, #tpu.memory_space<hbm>>
    tpu.enqueue_dma source(%dma_start3A_19 : memref<8000xf32, #tpu.memory_space<hbm>>) target(%arg8 : memref<8000xf32, #tpu.memory_space<vmem>>) target_semaphore(%arg18 : memref<!tpu.dma_semaphore, #tpu.memory_space<semaphore_mem>>)
    %dma_start3A_20 = tpu.memref_slice %arg3[%add3A_18] : memref<6400000xf32, #tpu.memory_space<hbm>> -> memref<8000xf32, #tpu.memory_space<hbm>>
    %dma_start3A_21 = tpu.memref_slice %arg3[%add3A_18] : memref<6400000xf32, #tpu.memory_space<hbm>> -> memref<8000xf32, #tpu.memory_space<hbm>>
    tpu.enqueue_dma source(%dma_start3A_21 : memref<8000xf32, #tpu.memory_space<hbm>>) target(%arg9 : memref<8000xf32, #tpu.memory_space<vmem>>) target_semaphore(%arg18 : memref<!tpu.dma_semaphore, #tpu.memory_space<semaphore_mem>>)
    %dma_start3A_22 = arith.constant 8 : i32
    %dma_start3A_23 = tpu.memref_slice %arg10[%dma_start3A_22] : memref<8016xi32, #tpu.memory_space<vmem>> -> memref<8000xi32, #tpu.memory_space<vmem>>
    %dma_start3A_24 = tpu.memref_slice %arg4[%add3A_18] : memref<6400000xi32, #tpu.memory_space<hbm>> -> memref<8000xi32, #tpu.memory_space<hbm>>
    %dma_start3A_25 = arith.constant 8 : i32
    %dma_start3A_26 = tpu.memref_slice %arg10[%dma_start3A_25] : memref<8016xi32, #tpu.memory_space<vmem>> -> memref<8000xi32, #tpu.memory_space<vmem>>
    %dma_start3A_27 = tpu.memref_slice %arg4[%add3A_18] : memref<6400000xi32, #tpu.memory_space<hbm>> -> memref<8000xi32, #tpu.memory_space<hbm>>
    tpu.enqueue_dma source(%dma_start3A_27 : memref<8000xi32, #tpu.memory_space<hbm>>) target(%dma_start3A_26 : memref<8000xi32, #tpu.memory_space<vmem>>) target_semaphore(%arg18 : memref<!tpu.dma_semaphore, #tpu.memory_space<semaphore_mem>>)
    %scan3A_28 = arith.constant 0 : i32
    %scan3A_29 = arith.constant 12 : i32
    %scan3A_30 = arith.addi %scan3A_28, %scan3A_29 : i32
    %scan3A_31 = arith.constant 1 : i32
    %scan3A_32:3 = scf.for %scan3A_72 = %scan3A_28 to %scan3A_30 step %scan3A_31 iter_args(%scan3A_73 = %broadcast_in_dim3A_6, %scan3A_74 = %broadcast_in_dim3A_6, %scan3A_75 = %broadcast_in_dim3A_6) -> (vector<16xf32>, vector<16xf32>, vector<16xf32>)  : i32 {
      %mul3A_76 = arith.constant 2 : i32
      %mul3A_77 = arith.muli %mul3A_76, %scan3A_72 : i32
      %dma_wait3A_78 = arith.constant 0 : i32
      %dma_wait3A_79 = tpu.memref_slice %arg2[%dma_wait3A_78] : memref<6400000xf32, #tpu.memory_space<hbm>> -> memref<8000xf32, #tpu.memory_space<hbm>>
      %dma_wait3A_80 = arith.constant 0 : i32
      %dma_wait3A_81 = tpu.memref_slice %arg2[%dma_wait3A_80] : memref<6400000xf32, #tpu.memory_space<hbm>> -> memref<8000xf32, #tpu.memory_space<hbm>>
      tpu.wait_dma2 semaphore(%arg18 : memref<!tpu.dma_semaphore, #tpu.memory_space<semaphore_mem>>) src(%dma_wait3A_81 : memref<8000xf32, #tpu.memory_space<hbm>>) dst(%arg8 : memref<8000xf32, #tpu.memory_space<vmem>>)
      %dma_wait3A_82 = arith.constant 0 : i32
      %dma_wait3A_83 = tpu.memref_slice %arg3[%dma_wait3A_82] : memref<6400000xf32, #tpu.memory_space<hbm>> -> memref<8000xf32, #tpu.memory_space<hbm>>
      %dma_wait3A_84 = arith.constant 0 : i32
      %dma_wait3A_85 = tpu.memref_slice %arg3[%dma_wait3A_84] : memref<6400000xf32, #tpu.memory_space<hbm>> -> memref<8000xf32, #tpu.memory_space<hbm>>
      tpu.wait_dma2 semaphore(%arg18 : memref<!tpu.dma_semaphore, #tpu.memory_space<semaphore_mem>>) src(%dma_wait3A_85 : memref<8000xf32, #tpu.memory_space<hbm>>) dst(%arg9 : memref<8000xf32, #tpu.memory_space<vmem>>)
      %dma_wait3A_86 = arith.constant 8 : i32
      %dma_wait3A_87 = tpu.memref_slice %arg10[%dma_wait3A_86] : memref<8016xi32, #tpu.memory_space<vmem>> -> memref<8000xi32, #tpu.memory_space<vmem>>
      %dma_wait3A_88 = arith.constant 0 : i32
      %dma_wait3A_89 = tpu.memref_slice %arg4[%dma_wait3A_88] : memref<6400000xi32, #tpu.memory_space<hbm>> -> memref<8000xi32, #tpu.memory_space<hbm>>
      %dma_wait3A_90 = arith.constant 8 : i32
      %dma_wait3A_91 = tpu.memref_slice %arg10[%dma_wait3A_90] : memref<8016xi32, #tpu.memory_space<vmem>> -> memref<8000xi32, #tpu.memory_space<vmem>>
      %dma_wait3A_92 = arith.constant 0 : i32
      %dma_wait3A_93 = tpu.memref_slice %arg4[%dma_wait3A_92] : memref<6400000xi32, #tpu.memory_space<hbm>> -> memref<8000xi32, #tpu.memory_space<hbm>>
      tpu.wait_dma2 semaphore(%arg18 : memref<!tpu.dma_semaphore, #tpu.memory_space<semaphore_mem>>) src(%dma_wait3A_93 : memref<8000xi32, #tpu.memory_space<hbm>>) dst(%dma_wait3A_91 : memref<8000xi32, #tpu.memory_space<vmem>>)
      %add3A_94 = arith.constant 1 : i32
      %add3A_95 = arith.addi %mul3A_77, %add3A_94 : i32
      %mul3A_96 = arith.constant 200000 : i32
      %mul3A_97 = arith.muli %add3A, %mul3A_96 : i32
      %mul3A_98 = arith.constant 8000 : i32
      %mul3A_99 = arith.muli %add3A_95, %mul3A_98 : i32
      %add3A_100 = arith.addi %mul3A_97, %mul3A_99 : i32
      %dma_start3A_101 = tpu.memref_slice %arg2[%add3A_100] : memref<6400000xf32, #tpu.memory_space<hbm>> -> memref<8000xf32, #tpu.memory_space<hbm>>
      %dma_start3A_102 = tpu.memref_slice %arg2[%add3A_100] : memref<6400000xf32, #tpu.memory_space<hbm>> -> memref<8000xf32, #tpu.memory_space<hbm>>
      tpu.enqueue_dma source(%dma_start3A_102 : memref<8000xf32, #tpu.memory_space<hbm>>) target(%arg11 : memref<8000xf32, #tpu.memory_space<vmem>>) target_semaphore(%arg19 : memref<!tpu.dma_semaphore, #tpu.memory_space<semaphore_mem>>)
      %dma_start3A_103 = tpu.memref_slice %arg3[%add3A_100] : memref<6400000xf32, #tpu.memory_space<hbm>> -> memref<8000xf32, #tpu.memory_space<hbm>>
      %dma_start3A_104 = tpu.memref_slice %arg3[%add3A_100] : memref<6400000xf32, #tpu.memory_space<hbm>> -> memref<8000xf32, #tpu.memory_space<hbm>>
      tpu.enqueue_dma source(%dma_start3A_104 : memref<8000xf32, #tpu.memory_space<hbm>>) target(%arg12 : memref<8000xf32, #tpu.memory_space<vmem>>) target_semaphore(%arg19 : memref<!tpu.dma_semaphore, #tpu.memory_space<semaphore_mem>>)
      %dma_start3A_105 = arith.constant 8 : i32
      %dma_start3A_106 = tpu.memref_slice %arg13[%dma_start3A_105] : memref<8016xi32, #tpu.memory_space<vmem>> -> memref<8000xi32, #tpu.memory_space<vmem>>
      %dma_start3A_107 = tpu.memref_slice %arg4[%add3A_100] : memref<6400000xi32, #tpu.memory_space<hbm>> -> memref<8000xi32, #tpu.memory_space<hbm>>
      %dma_start3A_108 = arith.constant 8 : i32
      %dma_start3A_109 = tpu.memref_slice %arg13[%dma_start3A_108] : memref<8016xi32, #tpu.memory_space<vmem>> -> memref<8000xi32, #tpu.memory_space<vmem>>
      %dma_start3A_110 = tpu.memref_slice %arg4[%add3A_100] : memref<6400000xi32, #tpu.memory_space<hbm>> -> memref<8000xi32, #tpu.memory_space<hbm>>
      tpu.enqueue_dma source(%dma_start3A_110 : memref<8000xi32, #tpu.memory_space<hbm>>) target(%dma_start3A_109 : memref<8000xi32, #tpu.memory_space<vmem>>) target_semaphore(%arg19 : memref<!tpu.dma_semaphore, #tpu.memory_space<semaphore_mem>>)
      %scan3A_111 = arith.constant 0 : i32
      %scan3A_112 = arith.constant 50 : i32
      %scan3A_113 = arith.addi %scan3A_111, %scan3A_112 : i32
      %scan3A_114 = arith.constant 1 : i32
      %scan3A_115:3 = scf.for %scan3A_143 = %scan3A_111 to %scan3A_113 step %scan3A_114 iter_args(%scan3A_144 = %scan3A_73, %scan3A_145 = %scan3A_74, %scan3A_146 = %scan3A_75) -> (vector<16xf32>, vector<16xf32>, vector<16xf32>)  : i32 {
        %mul3A_147 = arith.constant 160 : i32
        %mul3A_148 = arith.muli %scan3A_143, %mul3A_147 : i32
        %add3A_149 = arith.constant 8 : i32
        %add3A_150 = arith.addi %mul3A_148, %add3A_149 : i32
        %get3A_151 = arith.index_cast %add3A_150 : i32 to index
        %get3A_152 = tpu.vector_load %arg10[%get3A_151] {strides = array<i32>} : memref<8016xi32, #tpu.memory_space<vmem>>, vector<16xi32>,
        %slice3A = vector.extract_strided_slice %get3A_152 {offsets = [0], sizes = [1], strides = [1]} : vector<16xi32> to vector<1xi32>
        %squeeze3A = vector.extract %slice3A[0] : i32 from vector<1xi32>
        %add3A_153 = arith.constant 8 : i32
        %add3A_154 = arith.addi %mul3A_148, %add3A_153 : i32
        %add3A_155 = arith.constant 160 : i32
        %add3A_156 = arith.addi %add3A_154, %add3A_155 : i32
        %sub3A = arith.constant 16 : i32
        %sub3A_157 = arith.subi %add3A_156, %sub3A : i32
        %get3A_158 = arith.index_cast %sub3A_157 : i32 to index
        %get3A_159 = tpu.vector_load %arg10[%get3A_158] {strides = array<i32>} : memref<8016xi32, #tpu.memory_space<vmem>>, vector<16xi32>,
        %slice3A_160 = vector.extract_strided_slice %get3A_159 {offsets = [15], sizes = [1], strides = [1]} : vector<16xi32> to vector<1xi32>
        %squeeze3A_161 = vector.extract %slice3A_160[0] : i32 from vector<1xi32>
        %get3A_162 = arith.constant 0 : i32
        %get3A_163 = arith.index_cast %get3A_162 : i32 to index
        %get3A_164 = memref.load %arg17[%get3A_163] : memref<1xi32, #tpu.memory_space<smem>>
        %eq3A_165 = arith.cmpi eq, %squeeze3A, %get3A_164 : i32
        %eq3A_166 = arith.cmpi eq, %squeeze3A_161, %squeeze3A : i32
        %and3A = arith.andi %eq3A_165, %eq3A_166 : i1
        %add3A_167 = arith.constant 0 : i32
        %add3A_168 = arith.addi %mul3A_148, %add3A_167 : i32
        %get3A_169 = arith.index_cast %add3A_168 : i32 to index
        %get3A_170 = tpu.vector_load %arg8[%get3A_169] {strides = array<i32>} : memref<8000xf32, #tpu.memory_space<vmem>>, vector<16xf32>,
        %get3A_171 = arith.index_cast %add3A_168 : i32 to index
        %get3A_172 = tpu.vector_load %arg9[%get3A_171] {strides = array<i32>} : memref<8000xf32, #tpu.memory_space<vmem>>, vector<16xf32>,
        %gt3A = arith.constant 5.000000e-01 : f32
        %gt3A_173 = vector.broadcast %gt3A : f32 to vector<16xf32>
        %gt3A_174 = arith.cmpf ogt, %get3A_172, %gt3A_173 : vector<16xf32>
        %jit3A = arith.constant 1.000000e+00 : f32
        %jit3A_175 = arith.constant 0.000000e+00 : f32
        %broadcast_in_dim3A_176 = vector.broadcast %jit3A : f32 to vector<16xf32>
        %broadcast_in_dim3A_177 = vector.broadcast %jit3A_175 : f32 to vector<16xf32>
        %select_n3A = arith.select %gt3A_174, %broadcast_in_dim3A_176, %broadcast_in_dim3A_177 : vector<16xi1>, vector<16xf32>
        %jit3A_178 = arith.constant 0.000000e+00 : f32
        %broadcast_in_dim3A_179 = vector.broadcast %jit3A_178 : f32 to vector<16xf32>
        %select_n3A_180 = arith.select %gt3A_174, %get3A_170, %broadcast_in_dim3A_179 : vector<16xi1>, vector<16xf32>
        %add3A_181 = arith.constant 16 : i32
        %add3A_182 = arith.addi %mul3A_148, %add3A_181 : i32
        %get3A_183 = arith.index_cast %add3A_182 : i32 to index
        %get3A_184 = tpu.vector_load %arg8[%get3A_183] {strides = array<i32>} : memref<8000xf32, #tpu.memory_space<vmem>>, vector<16xf32>,
        %get3A_185 = arith.index_cast %add3A_182 : i32 to index
        %get3A_186 = tpu.vector_load %arg9[%get3A_185] {strides = array<i32>} : memref<8000xf32, #tpu.memory_space<vmem>>, vector<16xf32>,
        %gt3A_187 = arith.constant 5.000000e-01 : f32
        %gt3A_188 = vector.broadcast %gt3A_187 : f32 to vector<16xf32>
        %gt3A_189 = arith.cmpf ogt, %get3A_186, %gt3A_188 : vector<16xf32>
        %jit3A_190 = arith.constant 1.000000e+00 : f32
        %jit3A_191 = arith.constant 0.000000e+00 : f32
        %broadcast_in_dim3A_192 = vector.broadcast %jit3A_190 : f32 to vector<16xf32>
        %broadcast_in_dim3A_193 = vector.broadcast %jit3A_191 : f32 to vector<16xf32>
        %select_n3A_194 = arith.select %gt3A_189, %broadcast_in_dim3A_192, %broadcast_in_dim3A_193 : vector<16xi1>, vector<16xf32>
        %jit3A_195 = arith.constant 0.000000e+00 : f32
        %broadcast_in_dim3A_196 = vector.broadcast %jit3A_195 : f32 to vector<16xf32>
        %select_n3A_197 = arith.select %gt3A_189, %get3A_184, %broadcast_in_dim3A_196 : vector<16xi1>, vector<16xf32>
        %add3A_198 = arith.constant 32 : i32
        %add3A_199 = arith.addi %mul3A_148, %add3A_198 : i32
        %get3A_200 = arith.index_cast %add3A_199 : i32 to index
        %get3A_201 = tpu.vector_load %arg8[%get3A_200] {strides = array<i32>} : memref<8000xf32, #tpu.memory_space<vmem>>, vector<16xf32>,
        %get3A_202 = arith.index_cast %add3A_199 : i32 to index
        %get3A_203 = tpu.vector_load %arg9[%get3A_202] {strides = array<i32>} : memref<8000xf32, #tpu.memory_space<vmem>>, vector<16xf32>,
        %gt3A_204 = arith.constant 5.000000e-01 : f32
        %gt3A_205 = vector.broadcast %gt3A_204 : f32 to vector<16xf32>
        %gt3A_206 = arith.cmpf ogt, %get3A_203, %gt3A_205 : vector<16xf32>
        %jit3A_207 = arith.constant 1.000000e+00 : f32
        %jit3A_208 = arith.constant 0.000000e+00 : f32
        %broadcast_in_dim3A_209 = vector.broadcast %jit3A_207 : f32 to vector<16xf32>
        %broadcast_in_dim3A_210 = vector.broadcast %jit3A_208 : f32 to vector<16xf32>
        %select_n3A_211 = arith.select %gt3A_206, %broadcast_in_dim3A_209, %broadcast_in_dim3A_210 : vector<16xi1>, vector<16xf32>
        %jit3A_212 = arith.constant 0.000000e+00 : f32
        %broadcast_in_dim3A_213 = vector.broadcast %jit3A_212 : f32 to vector<16xf32>
        %select_n3A_214 = arith.select %gt3A_206, %get3A_201, %broadcast_in_dim3A_213 : vector<16xi1>, vector<16xf32>
        %add3A_215 = arith.constant 48 : i32
        %add3A_216 = arith.addi %mul3A_148, %add3A_215 : i32
        %get3A_217 = arith.index_cast %add3A_216 : i32 to index
        %get3A_218 = tpu.vector_load %arg8[%get3A_217] {strides = array<i32>} : memref<8000xf32, #tpu.memory_space<vmem>>, vector<16xf32>,
        %get3A_219 = arith.index_cast %add3A_216 : i32 to index
        %get3A_220 = tpu.vector_load %arg9[%get3A_219] {strides = array<i32>} : memref<8000xf32, #tpu.memory_space<vmem>>, vector<16xf32>,
        %gt3A_221 = arith.constant 5.000000e-01 : f32
        %gt3A_222 = vector.broadcast %gt3A_221 : f32 to vector<16xf32>
        %gt3A_223 = arith.cmpf ogt, %get3A_220, %gt3A_222 : vector<16xf32>
        %jit3A_224 = arith.constant 1.000000e+00 : f32
        %jit3A_225 = arith.constant 0.000000e+00 : f32
        %broadcast_in_dim3A_226 = vector.broadcast %jit3A_224 : f32 to vector<16xf32>
        %broadcast_in_dim3A_227 = vector.broadcast %jit3A_225 : f32 to vector<16xf32>
        %select_n3A_228 = arith.select %gt3A_223, %broadcast_in_dim3A_226, %broadcast_in_dim3A_227 : vector<16xi1>, vector<16xf32>
        %jit3A_229 = arith.constant 0.000000e+00 : f32
        %broadcast_in_dim3A_230 = vector.broadcast %jit3A_229 : f32 to vector<16xf32>
        %select_n3A_231 = arith.select %gt3A_223, %get3A_218, %broadcast_in_dim3A_230 : vector<16xi1>, vector<16xf32>
        %add3A_232 = arith.constant 64 : i32
        %add3A_233 = arith.addi %mul3A_148, %add3A_232 : i32
        %get3A_234 = arith.index_cast %add3A_233 : i32 to index
        %get3A_235 = tpu.vector_load %arg8[%get3A_234] {strides = array<i32>} : memref<8000xf32, #tpu.memory_space<vmem>>, vector<16xf32>,
        %get3A_236 = arith.index_cast %add3A_233 : i32 to index
        %get3A_237 = tpu.vector_load %arg9[%get3A_236] {strides = array<i32>} : memref<8000xf32, #tpu.memory_space<vmem>>, vector<16xf32>,
        %gt3A_238 = arith.constant 5.000000e-01 : f32
        %gt3A_239 = vector.broadcast %gt3A_238 : f32 to vector<16xf32>
        %gt3A_240 = arith.cmpf ogt, %get3A_237, %gt3A_239 : vector<16xf32>
        %jit3A_241 = arith.constant 1.000000e+00 : f32
        %jit3A_242 = arith.constant 0.000000e+00 : f32
        %broadcast_in_dim3A_243 = vector.broadcast %jit3A_241 : f32 to vector<16xf32>
        %broadcast_in_dim3A_244 = vector.broadcast %jit3A_242 : f32 to vector<16xf32>
        %select_n3A_245 = arith.select %gt3A_240, %broadcast_in_dim3A_243, %broadcast_in_dim3A_244 : vector<16xi1>, vector<16xf32>
        %jit3A_246 = arith.constant 0.000000e+00 : f32
        %broadcast_in_dim3A_247 = vector.broadcast %jit3A_246 : f32 to vector<16xf32>
        %select_n3A_248 = arith.select %gt3A_240, %get3A_235, %broadcast_in_dim3A_247 : vector<16xi1>, vector<16xf32>
        %add3A_249 = arith.constant 80 : i32
        %add3A_250 = arith.addi %mul3A_148, %add3A_249 : i32
        %get3A_251 = arith.index_cast %add3A_250 : i32 to index
        %get3A_252 = tpu.vector_load %arg8[%get3A_251] {strides = array<i32>} : memref<8000xf32, #tpu.memory_space<vmem>>, vector<16xf32>,
        %get3A_253 = arith.index_cast %add3A_250 : i32 to index
        %get3A_254 = tpu.vector_load %arg9[%get3A_253] {strides = array<i32>} : memref<8000xf32, #tpu.memory_space<vmem>>, vector<16xf32>,
        %gt3A_255 = arith.constant 5.000000e-01 : f32
        %gt3A_256 = vector.broadcast %gt3A_255 : f32 to vector<16xf32>
        %gt3A_257 = arith.cmpf ogt, %get3A_254, %gt3A_256 : vector<16xf32>
        %jit3A_258 = arith.constant 1.000000e+00 : f32
        %jit3A_259 = arith.constant 0.000000e+00 : f32
        %broadcast_in_dim3A_260 = vector.broadcast %jit3A_258 : f32 to vector<16xf32>
        %broadcast_in_dim3A_261 = vector.broadcast %jit3A_259 : f32 to vector<16xf32>
        %select_n3A_262 = arith.select %gt3A_257, %broadcast_in_dim3A_260, %broadcast_in_dim3A_261 : vector<16xi1>, vector<16xf32>
        %jit3A_263 = arith.constant 0.000000e+00 : f32
        %broadcast_in_dim3A_264 = vector.broadcast %jit3A_263 : f32 to vector<16xf32>
        %select_n3A_265 = arith.select %gt3A_257, %get3A_252, %broadcast_in_dim3A_264 : vector<16xi1>, vector<16xf32>
        %add3A_266 = arith.constant 96 : i32
        %add3A_267 = arith.addi %mul3A_148, %add3A_266 : i32
        %get3A_268 = arith.index_cast %add3A_267 : i32 to index
        %get3A_269 = tpu.vector_load %arg8[%get3A_268] {strides = array<i32>} : memref<8000xf32, #tpu.memory_space<vmem>>, vector<16xf32>,
        %get3A_270 = arith.index_cast %add3A_267 : i32 to index
        %get3A_271 = tpu.vector_load %arg9[%get3A_270] {strides = array<i32>} : memref<8000xf32, #tpu.memory_space<vmem>>, vector<16xf32>,
        %gt3A_272 = arith.constant 5.000000e-01 : f32
        %gt3A_273 = vector.broadcast %gt3A_272 : f32 to vector<16xf32>
        %gt3A_274 = arith.cmpf ogt, %get3A_271, %gt3A_273 : vector<16xf32>
        %jit3A_275 = arith.constant 1.000000e+00 : f32
        %jit3A_276 = arith.constant 0.000000e+00 : f32
        %broadcast_in_dim3A_277 = vector.broadcast %jit3A_275 : f32 to vector<16xf32>
        %broadcast_in_dim3A_278 = vector.broadcast %jit3A_276 : f32 to vector<16xf32>
        %select_n3A_279 = arith.select %gt3A_274, %broadcast_in_dim3A_277, %broadcast_in_dim3A_278 : vector<16xi1>, vector<16xf32>
        %jit3A_280 = arith.constant 0.000000e+00 : f32
        %broadcast_in_dim3A_281 = vector.broadcast %jit3A_280 : f32 to vector<16xf32>
        %select_n3A_282 = arith.select %gt3A_274, %get3A_269, %broadcast_in_dim3A_281 : vector<16xi1>, vector<16xf32>
        %add3A_283 = arith.constant 112 : i32
        %add3A_284 = arith.addi %mul3A_148, %add3A_283 : i32
        %get3A_285 = arith.index_cast %add3A_284 : i32 to index
        %get3A_286 = tpu.vector_load %arg8[%get3A_285] {strides = array<i32>} : memref<8000xf32, #tpu.memory_space<vmem>>, vector<16xf32>,
        %get3A_287 = arith.index_cast %add3A_284 : i32 to index
        %get3A_288 = tpu.vector_load %arg9[%get3A_287] {strides = array<i32>} : memref<8000xf32, #tpu.memory_space<vmem>>, vector<16xf32>,
        %gt3A_289 = arith.constant 5.000000e-01 : f32
        %gt3A_290 = vector.broadcast %gt3A_289 : f32 to vector<16xf32>
        %gt3A_291 = arith.cmpf ogt, %get3A_288, %gt3A_290 : vector<16xf32>
        %jit3A_292 = arith.constant 1.000000e+00 : f32
        %jit3A_293 = arith.constant 0.000000e+00 : f32
        %broadcast_in_dim3A_294 = vector.broadcast %jit3A_292 : f32 to vector<16xf32>
        %broadcast_in_dim3A_295 = vector.broadcast %jit3A_293 : f32 to vector<16xf32>
        %select_n3A_296 = arith.select %gt3A_291, %broadcast_in_dim3A_294, %broadcast_in_dim3A_295 : vector<16xi1>, vector<16xf32>
        %jit3A_297 = arith.constant 0.000000e+00 : f32
        %broadcast_in_dim3A_298 = vector.broadcast %jit3A_297 : f32 to vector<16xf32>
        %select_n3A_299 = arith.select %gt3A_291, %get3A_286, %broadcast_in_dim3A_298 : vector<16xi1>, vector<16xf32>
        %add3A_300 = arith.constant 128 : i32
        %add3A_301 = arith.addi %mul3A_148, %add3A_300 : i32
        %get3A_302 = arith.index_cast %add3A_301 : i32 to index
        %get3A_303 = tpu.vector_load %arg8[%get3A_302] {strides = array<i32>} : memref<8000xf32, #tpu.memory_space<vmem>>, vector<16xf32>,
        %get3A_304 = arith.index_cast %add3A_301 : i32 to index
        %get3A_305 = tpu.vector_load %arg9[%get3A_304] {strides = array<i32>} : memref<8000xf32, #tpu.memory_space<vmem>>, vector<16xf32>,
        %gt3A_306 = arith.constant 5.000000e-01 : f32
        %gt3A_307 = vector.broadcast %gt3A_306 : f32 to vector<16xf32>
        %gt3A_308 = arith.cmpf ogt, %get3A_305, %gt3A_307 : vector<16xf32>
        %jit3A_309 = arith.constant 1.000000e+00 : f32
        %jit3A_310 = arith.constant 0.000000e+00 : f32
        %broadcast_in_dim3A_311 = vector.broadcast %jit3A_309 : f32 to vector<16xf32>
        %broadcast_in_dim3A_312 = vector.broadcast %jit3A_310 : f32 to vector<16xf32>
        %select_n3A_313 = arith.select %gt3A_308, %broadcast_in_dim3A_311, %broadcast_in_dim3A_312 : vector<16xi1>, vector<16xf32>
        %jit3A_314 = arith.constant 0.000000e+00 : f32
        %broadcast_in_dim3A_315 = vector.broadcast %jit3A_314 : f32 to vector<16xf32>
        %select_n3A_316 = arith.select %gt3A_308, %get3A_303, %broadcast_in_dim3A_315 : vector<16xi1>, vector<16xf32>
        %add3A_317 = arith.constant 144 : i32
        %add3A_318 = arith.addi %mul3A_148, %add3A_317 : i32
        %get3A_319 = arith.index_cast %add3A_318 : i32 to index
        %get3A_320 = tpu.vector_load %arg8[%get3A_319] {strides = array<i32>} : memref<8000xf32, #tpu.memory_space<vmem>>, vector<16xf32>,
        %get3A_321 = arith.index_cast %add3A_318 : i32 to index
        %get3A_322 = tpu.vector_load %arg9[%get3A_321] {strides = array<i32>} : memref<8000xf32, #tpu.memory_space<vmem>>, vector<16xf32>,
        %gt3A_323 = arith.constant 5.000000e-01 : f32
        %gt3A_324 = vector.broadcast %gt3A_323 : f32 to vector<16xf32>
        %gt3A_325 = arith.cmpf ogt, %get3A_322, %gt3A_324 : vector<16xf32>
        %jit3A_326 = arith.constant 1.000000e+00 : f32
        %jit3A_327 = arith.constant 0.000000e+00 : f32
        %broadcast_in_dim3A_328 = vector.broadcast %jit3A_326 : f32 to vector<16xf32>
        %broadcast_in_dim3A_329 = vector.broadcast %jit3A_327 : f32 to vector<16xf32>
        %select_n3A_330 = arith.select %gt3A_325, %broadcast_in_dim3A_328, %broadcast_in_dim3A_329 : vector<16xi1>, vector<16xf32>
        %jit3A_331 = arith.constant 0.000000e+00 : f32
        %broadcast_in_dim3A_332 = vector.broadcast %jit3A_331 : f32 to vector<16xf32>
        %select_n3A_333 = arith.select %gt3A_325, %get3A_320, %broadcast_in_dim3A_332 : vector<16xi1>, vector<16xf32>
        %add3A_334 = arith.addf %select_n3A_180, %select_n3A_197 : vector<16xf32>
        %add3A_335 = arith.addf %select_n3A_214, %select_n3A_231 : vector<16xf32>
        %add3A_336 = arith.addf %select_n3A_248, %select_n3A_265 : vector<16xf32>
        %add3A_337 = arith.addf %select_n3A_282, %select_n3A_299 : vector<16xf32>
        %add3A_338 = arith.addf %select_n3A_316, %select_n3A_333 : vector<16xf32>
        %add3A_339 = arith.addf %add3A_334, %add3A_335 : vector<16xf32>
        %add3A_340 = arith.addf %add3A_336, %add3A_337 : vector<16xf32>
        %add3A_341 = arith.addf %add3A_339, %add3A_340 : vector<16xf32>
        %add3A_342 = arith.addf %add3A_341, %add3A_338 : vector<16xf32>
        %add3A_343 = arith.addf %get3A_170, %get3A_184 : vector<16xf32>
        %add3A_344 = arith.addf %get3A_201, %get3A_218 : vector<16xf32>
        %add3A_345 = arith.addf %get3A_235, %get3A_252 : vector<16xf32>
        %add3A_346 = arith.addf %get3A_269, %get3A_286 : vector<16xf32>
        %add3A_347 = arith.addf %get3A_303, %get3A_320 : vector<16xf32>
        %add3A_348 = arith.addf %add3A_343, %add3A_344 : vector<16xf32>
        %add3A_349 = arith.addf %add3A_345, %add3A_346 : vector<16xf32>
        %add3A_350 = arith.addf %add3A_348, %add3A_349 : vector<16xf32>
        %add3A_351 = arith.addf %add3A_350, %add3A_347 : vector<16xf32>
        %add3A_352 = arith.addf %select_n3A, %select_n3A_194 : vector<16xf32>
        %add3A_353 = arith.addf %select_n3A_211, %select_n3A_228 : vector<16xf32>
        %add3A_354 = arith.addf %select_n3A_245, %select_n3A_262 : vector<16xf32>
        %add3A_355 = arith.addf %select_n3A_279, %select_n3A_296 : vector<16xf32>
        %add3A_356 = arith.addf %select_n3A_313, %select_n3A_330 : vector<16xf32>
        %add3A_357 = arith.addf %add3A_352, %add3A_353 : vector<16xf32>
        %add3A_358 = arith.addf %add3A_354, %add3A_355 : vector<16xf32>
        %add3A_359 = arith.addf %add3A_357, %add3A_358 : vector<16xf32>
        %add3A_360 = arith.addf %add3A_359, %add3A_356 : vector<16xf32>
        %not3A = arith.constant true
        %not3A_361 = arith.xori %and3A, %not3A : i1
        %convert_element_type3A_362 = arith.extui %not3A_361 : i1 to i32
        %cond3A_363 = arith.constant 0 : i32
        %cond3A_364 = arith.cmpi ne, %convert_element_type3A_362, %cond3A_363 : i32
        scf.if %cond3A_364 {
          %get3A_377 = arith.constant 0 : i32
          %get3A_378 = arith.index_cast %get3A_377 : i32 to index
          %get3A_379 = memref.load %arg17[%get3A_378] : memref<1xi32, #tpu.memory_space<smem>>
          %broadcast_in_dim3A_380 = vector.broadcast %get3A_379 : i32 to vector<16xi32>
          %reduce_sum3A_381 = arith.constant true
          %reduce_sum3A_382 = vector.broadcast %reduce_sum3A_381 : i1 to vector<16xi1>
          %reduce_sum3A_383 = tpu.scan <sum>, %scan3A_144 masked %reduce_sum3A_382 : vector<16xf32>, vector<16xi1> -> vector<16xf32>
          %reduce_sum3A_384 = vector.extract %reduce_sum3A_383[15] : f32 from vector<16xf32>
          %broadcast_in_dim3A_385 = vector.broadcast %reduce_sum3A_384 : f32 to vector<16xf32>
          tpu.vector_store_idx %arg14[%broadcast_in_dim3A_380], %broadcast_in_dim3A_385 masked %eq3A_2 {add = true} : memref<4096xf32, #tpu.memory_space<vmem>>[vector<16xi32>], vector<16xf32>, vector<16xi1>
          %reduce_sum3A_386 = arith.constant true
          %reduce_sum3A_387 = vector.broadcast %reduce_sum3A_386 : i1 to vector<16xi1>
          %reduce_sum3A_388 = tpu.scan <sum>, %scan3A_145 masked %reduce_sum3A_387 : vector<16xf32>, vector<16xi1> -> vector<16xf32>
          %reduce_sum3A_389 = vector.extract %reduce_sum3A_388[15] : f32 from vector<16xf32>
          %broadcast_in_dim3A_390 = vector.broadcast %reduce_sum3A_389 : f32 to vector<16xf32>
          tpu.vector_store_idx %arg15[%broadcast_in_dim3A_380], %broadcast_in_dim3A_390 masked %eq3A_2 {add = true} : memref<4096xf32, #tpu.memory_space<vmem>>[vector<16xi32>], vector<16xf32>, vector<16xi1>
          %reduce_sum3A_391 = arith.constant true
          %reduce_sum3A_392 = vector.broadcast %reduce_sum3A_391 : i1 to vector<16xi1>
          %reduce_sum3A_393 = tpu.scan <sum>, %scan3A_146 masked %reduce_sum3A_392 : vector<16xf32>, vector<16xi1> -> vector<16xf32>
          %reduce_sum3A_394 = vector.extract %reduce_sum3A_393[15] : f32 from vector<16xf32>
          %broadcast_in_dim3A_395 = vector.broadcast %reduce_sum3A_394 : f32 to vector<16xf32>
          tpu.vector_store_idx %arg16[%broadcast_in_dim3A_380], %broadcast_in_dim3A_395 masked %eq3A_2 {add = true} : memref<4096xf32, #tpu.memory_space<vmem>>[vector<16xi32>], vector<16xf32>, vector<16xi1>
          %add3A_396 = arith.constant 0 : i32
          %add3A_397 = arith.addi %mul3A_148, %add3A_396 : i32
          %add3A_398 = arith.constant 8 : i32
          %add3A_399 = arith.addi %add3A_397, %add3A_398 : i32
          %get3A_400 = arith.index_cast %add3A_399 : i32 to index
          %get3A_401 = tpu.vector_load %arg10[%get3A_400] {strides = array<i32>} : memref<8016xi32, #tpu.memory_space<vmem>>, vector<16xi32>,
          %add3A_402 = arith.constant 7 : i32
          %add3A_403 = arith.addi %add3A_397, %add3A_402 : i32
          %get3A_404 = arith.index_cast %add3A_403 : i32 to index
          %get3A_405 = tpu.vector_load %arg10[%get3A_404] {strides = array<i32>} : memref<8016xi32, #tpu.memory_space<vmem>>, vector<16xi32>,
          %add3A_406 = arith.constant 9 : i32
          %add3A_407 = arith.addi %add3A_397, %add3A_406 : i32
          %get3A_408 = arith.index_cast %add3A_407 : i32 to index
          %get3A_409 = tpu.vector_load %arg10[%get3A_408] {strides = array<i32>} : memref<8016xi32, #tpu.memory_space<vmem>>, vector<16xi32>,
          %ne3A = arith.cmpi ne, %get3A_401, %get3A_409 : vector<16xi32>
          %or3A = arith.ori %ne3A, %eq3A_5 : vector<16xi1>
          %ne3A_410 = arith.cmpi ne, %get3A_401, %get3A_405 : vector<16xi32>
          %or3A_411 = arith.ori %ne3A_410, %eq3A_2 : vector<16xi1>
          %get3A_412 = arith.index_cast %add3A_397 : i32 to index
          %get3A_413 = tpu.vector_load %arg8[%get3A_412] {strides = array<i32>} : memref<8000xf32, #tpu.memory_space<vmem>>, vector<16xf32>,
          %get3A_414 = arith.index_cast %add3A_397 : i32 to index
          %get3A_415 = tpu.vector_load %arg9[%get3A_414] {strides = array<i32>} : memref<8000xf32, #tpu.memory_space<vmem>>, vector<16xf32>,
          %gt3A_416 = arith.constant 5.000000e-01 : f32
          %gt3A_417 = vector.broadcast %gt3A_416 : f32 to vector<16xf32>
          %gt3A_418 = arith.cmpf ogt, %get3A_415, %gt3A_417 : vector<16xf32>
          %jit3A_419 = arith.constant 1.000000e+00 : f32
          %jit3A_420 = arith.constant 0.000000e+00 : f32
          %broadcast_in_dim3A_421 = vector.broadcast %jit3A_419 : f32 to vector<16xf32>
          %broadcast_in_dim3A_422 = vector.broadcast %jit3A_420 : f32 to vector<16xf32>
          %select_n3A_423 = arith.select %gt3A_418, %broadcast_in_dim3A_421, %broadcast_in_dim3A_422 : vector<16xi1>, vector<16xf32>
          %jit3A_424 = arith.constant 0.000000e+00 : f32
          %broadcast_in_dim3A_425 = vector.broadcast %jit3A_424 : f32 to vector<16xf32>
          %select_n3A_426 = arith.select %gt3A_418, %get3A_413, %broadcast_in_dim3A_425 : vector<16xi1>, vector<16xf32>
          %broadcast_in_dim3A_427 = arith.constant true
          %broadcast_in_dim3A_428 = vector.broadcast %broadcast_in_dim3A_427 : i1 to vector<16xi1>
          %masked_cumsum3A = tpu.scan <sum>, %select_n3A_426 masked %broadcast_in_dim3A_428 : vector<16xf32>, vector<16xi1> -> vector<16xf32>
          tpu.vector_store_idx %arg14[%get3A_401], %masked_cumsum3A masked %or3A {add = true} : memref<4096xf32, #tpu.memory_space<vmem>>[vector<16xi32>], vector<16xf32>, vector<16xi1>
          %sub3A_429 = arith.subf %select_n3A_426, %masked_cumsum3A : vector<16xf32>
          tpu.vector_store_idx %arg14[%get3A_401], %sub3A_429 masked %or3A_411 {add = true} : memref<4096xf32, #tpu.memory_space<vmem>>[vector<16xi32>], vector<16xf32>, vector<16xi1>
          %broadcast_in_dim3A_430 = arith.constant true
          %broadcast_in_dim3A_431 = vector.broadcast %broadcast_in_dim3A_430 : i1 to vector<16xi1>
          %masked_cumsum3A_432 = tpu.scan <sum>, %get3A_413 masked %broadcast_in_dim3A_431 : vector<16xf32>, vector<16xi1> -> vector<16xf32>
          tpu.vector_store_idx %arg15[%get3A_401], %masked_cumsum3A_432 masked %or3A {add = true} : memref<4096xf32, #tpu.memory_space<vmem>>[vector<16xi32>], vector<16xf32>, vector<16xi1>
          %sub3A_433 = arith.subf %get3A_413, %masked_cumsum3A_432 : vector<16xf32>
          tpu.vector_store_idx %arg15[%get3A_401], %sub3A_433 masked %or3A_411 {add = true} : memref<4096xf32, #tpu.memory_space<vmem>>[vector<16xi32>], vector<16xf32>, vector<16xi1>
          %broadcast_in_dim3A_434 = arith.constant true
          %broadcast_in_dim3A_435 = vector.broadcast %broadcast_in_dim3A_434 : i1 to vector<16xi1>
          %masked_cumsum3A_436 = tpu.scan <sum>, %select_n3A_423 masked %broadcast_in_dim3A_435 : vector<16xf32>, vector<16xi1> -> vector<16xf32>
          tpu.vector_store_idx %arg16[%get3A_401], %masked_cumsum3A_436 masked %or3A {add = true} : memref<4096xf32, #tpu.memory_space<vmem>>[vector<16xi32>], vector<16xf32>, vector<16xi1>
          %sub3A_437 = arith.subf %select_n3A_423, %masked_cumsum3A_436 : vector<16xf32>
          tpu.vector_store_idx %arg16[%get3A_401], %sub3A_437 masked %or3A_411 {add = true} : memref<4096xf32, #tpu.memory_space<vmem>>[vector<16xi32>], vector<16xf32>, vector<16xi1>
          %add3A_438 = arith.constant 16 : i32
          %add3A_439 = arith.addi %mul3A_148, %add3A_438 : i32
          %add3A_440 = arith.constant 8 : i32
          %add3A_441 = arith.addi %add3A_439, %add3A_440 : i32
          %get3A_442 = arith.index_cast %add3A_441 : i32 to index
          %get3A_443 = tpu.vector_load %arg10[%get3A_442] {strides = array<i32>} : memref<8016xi32, #tpu.memory_space<vmem>>, vector<16xi32>,
          %add3A_444 = arith.constant 7 : i32
          %add3A_445 = arith.addi %add3A_439, %add3A_444 : i32
          %get3A_446 = arith.index_cast %add3A_445 : i32 to index
          %get3A_447 = tpu.vector_load %arg10[%get3A_446] {strides = array<i32>} : memref<8016xi32, #tpu.memory_space<vmem>>, vector<16xi32>,
          %add3A_448 = arith.constant 9 : i32
          %add3A_449 = arith.addi %add3A_439, %add3A_448 : i32
          %get3A_450 = arith.index_cast %add3A_449 : i32 to index
          %get3A_451 = tpu.vector_load %arg10[%get3A_450] {strides = array<i32>} : memref<8016xi32, #tpu.memory_space<vmem>>, vector<16xi32>,
          %ne3A_452 = arith.cmpi ne, %get3A_443, %get3A_451 : vector<16xi32>
          %or3A_453 = arith.ori %ne3A_452, %eq3A_5 : vector<16xi1>
          %ne3A_454 = arith.cmpi ne, %get3A_443, %get3A_447 : vector<16xi32>
          %or3A_455 = arith.ori %ne3A_454, %eq3A_2 : vector<16xi1>
          %get3A_456 = arith.index_cast %add3A_439 : i32 to index
          %get3A_457 = tpu.vector_load %arg8[%get3A_456] {strides = array<i32>} : memref<8000xf32, #tpu.memory_space<vmem>>, vector<16xf32>,
          %get3A_458 = arith.index_cast %add3A_439 : i32 to index
          %get3A_459 = tpu.vector_load %arg9[%get3A_458] {strides = array<i32>} : memref<8000xf32, #tpu.memory_space<vmem>>, vector<16xf32>,
          %gt3A_460 = arith.constant 5.000000e-01 : f32
          %gt3A_461 = vector.broadcast %gt3A_460 : f32 to vector<16xf32>
          %gt3A_462 = arith.cmpf ogt, %get3A_459, %gt3A_461 : vector<16xf32>
          %jit3A_463 = arith.constant 1.000000e+00 : f32
          %jit3A_464 = arith.constant 0.000000e+00 : f32
          %broadcast_in_dim3A_465 = vector.broadcast %jit3A_463 : f32 to vector<16xf32>
          %broadcast_in_dim3A_466 = vector.broadcast %jit3A_464 : f32 to vector<16xf32>
          %select_n3A_467 = arith.select %gt3A_462, %broadcast_in_dim3A_465, %broadcast_in_dim3A_466 : vector<16xi1>, vector<16xf32>
          %jit3A_468 = arith.constant 0.000000e+00 : f32
          %broadcast_in_dim3A_469 = vector.broadcast %jit3A_468 : f32 to vector<16xf32>
          %select_n3A_470 = arith.select %gt3A_462, %get3A_457, %broadcast_in_dim3A_469 : vector<16xi1>, vector<16xf32>
          %broadcast_in_dim3A_471 = arith.constant true
          %broadcast_in_dim3A_472 = vector.broadcast %broadcast_in_dim3A_471 : i1 to vector<16xi1>
          %masked_cumsum3A_473 = tpu.scan <sum>, %select_n3A_470 masked %broadcast_in_dim3A_472 : vector<16xf32>, vector<16xi1> -> vector<16xf32>
          tpu.vector_store_idx %arg14[%get3A_443], %masked_cumsum3A_473 masked %or3A_453 {add = true} : memref<4096xf32, #tpu.memory_space<vmem>>[vector<16xi32>], vector<16xf32>, vector<16xi1>
          %sub3A_474 = arith.subf %select_n3A_470, %masked_cumsum3A_473 : vector<16xf32>
          tpu.vector_store_idx %arg14[%get3A_443], %sub3A_474 masked %or3A_455 {add = true} : memref<4096xf32, #tpu.memory_space<vmem>>[vector<16xi32>], vector<16xf32>, vector<16xi1>
          %broadcast_in_dim3A_475 = arith.constant true
          %broadcast_in_dim3A_476 = vector.broadcast %broadcast_in_dim3A_475 : i1 to vector<16xi1>
          %masked_cumsum3A_477 = tpu.scan <sum>, %get3A_457 masked %broadcast_in_dim3A_476 : vector<16xf32>, vector<16xi1> -> vector<16xf32>
          tpu.vector_store_idx %arg15[%get3A_443], %masked_cumsum3A_477 masked %or3A_453 {add = true} : memref<4096xf32, #tpu.memory_space<vmem>>[vector<16xi32>], vector<16xf32>, vector<16xi1>
          %sub3A_478 = arith.subf %get3A_457, %masked_cumsum3A_477 : vector<16xf32>
          tpu.vector_store_idx %arg15[%get3A_443], %sub3A_478 masked %or3A_455 {add = true} : memref<4096xf32, #tpu.memory_space<vmem>>[vector<16xi32>], vector<16xf32>, vector<16xi1>
          %broadcast_in_dim3A_479 = arith.constant true
          %broadcast_in_dim3A_480 = vector.broadcast %broadcast_in_dim3A_479 : i1 to vector<16xi1>
          %masked_cumsum3A_481 = tpu.scan <sum>, %select_n3A_467 masked %broadcast_in_dim3A_480 : vector<16xf32>, vector<16xi1> -> vector<16xf32>
          tpu.vector_store_idx %arg16[%get3A_443], %masked_cumsum3A_481 masked %or3A_453 {add = true} : memref<4096xf32, #tpu.memory_space<vmem>>[vector<16xi32>], vector<16xf32>, vector<16xi1>
          %sub3A_482 = arith.subf %select_n3A_467, %masked_cumsum3A_481 : vector<16xf32>
          tpu.vector_store_idx %arg16[%get3A_443], %sub3A_482 masked %or3A_455 {add = true} : memref<4096xf32, #tpu.memory_space<vmem>>[vector<16xi32>], vector<16xf32>, vector<16xi1>
          %add3A_483 = arith.constant 32 : i32
          %add3A_484 = arith.addi %mul3A_148, %add3A_483 : i32
          %add3A_485 = arith.constant 8 : i32
          %add3A_486 = arith.addi %add3A_484, %add3A_485 : i32
          %get3A_487 = arith.index_cast %add3A_486 : i32 to index
          %get3A_488 = tpu.vector_load %arg10[%get3A_487] {strides = array<i32>} : memref<8016xi32, #tpu.memory_space<vmem>>, vector<16xi32>,
          %add3A_489 = arith.constant 7 : i32
          %add3A_490 = arith.addi %add3A_484, %add3A_489 : i32
          %get3A_491 = arith.index_cast %add3A_490 : i32 to index
          %get3A_492 = tpu.vector_load %arg10[%get3A_491] {strides = array<i32>} : memref<8016xi32, #tpu.memory_space<vmem>>, vector<16xi32>,
          %add3A_493 = arith.constant 9 : i32
          %add3A_494 = arith.addi %add3A_484, %add3A_493 : i32
          %get3A_495 = arith.index_cast %add3A_494 : i32 to index
          %get3A_496 = tpu.vector_load %arg10[%get3A_495] {strides = array<i32>} : memref<8016xi32, #tpu.memory_space<vmem>>, vector<16xi32>,
          %ne3A_497 = arith.cmpi ne, %get3A_488, %get3A_496 : vector<16xi32>
          %or3A_498 = arith.ori %ne3A_497, %eq3A_5 : vector<16xi1>
          %ne3A_499 = arith.cmpi ne, %get3A_488, %get3A_492 : vector<16xi32>
          %or3A_500 = arith.ori %ne3A_499, %eq3A_2 : vector<16xi1>
          %get3A_501 = arith.index_cast %add3A_484 : i32 to index
          %get3A_502 = tpu.vector_load %arg8[%get3A_501] {strides = array<i32>} : memref<8000xf32, #tpu.memory_space<vmem>>, vector<16xf32>,
          %get3A_503 = arith.index_cast %add3A_484 : i32 to index
          %get3A_504 = tpu.vector_load %arg9[%get3A_503] {strides = array<i32>} : memref<8000xf32, #tpu.memory_space<vmem>>, vector<16xf32>,
          %gt3A_505 = arith.constant 5.000000e-01 : f32
          %gt3A_506 = vector.broadcast %gt3A_505 : f32 to vector<16xf32>
          %gt3A_507 = arith.cmpf ogt, %get3A_504, %gt3A_506 : vector<16xf32>
          %jit3A_508 = arith.constant 1.000000e+00 : f32
          %jit3A_509 = arith.constant 0.000000e+00 : f32
          %broadcast_in_dim3A_510 = vector.broadcast %jit3A_508 : f32 to vector<16xf32>
          %broadcast_in_dim3A_511 = vector.broadcast %jit3A_509 : f32 to vector<16xf32>
          %select_n3A_512 = arith.select %gt3A_507, %broadcast_in_dim3A_510, %broadcast_in_dim3A_511 : vector<16xi1>, vector<16xf32>
          %jit3A_513 = arith.constant 0.000000e+00 : f32
          %broadcast_in_dim3A_514 = vector.broadcast %jit3A_513 : f32 to vector<16xf32>
          %select_n3A_515 = arith.select %gt3A_507, %get3A_502, %broadcast_in_dim3A_514 : vector<16xi1>, vector<16xf32>
          %broadcast_in_dim3A_516 = arith.constant true
          %broadcast_in_dim3A_517 = vector.broadcast %broadcast_in_dim3A_516 : i1 to vector<16xi1>
          %masked_cumsum3A_518 = tpu.scan <sum>, %select_n3A_515 masked %broadcast_in_dim3A_517 : vector<16xf32>, vector<16xi1> -> vector<16xf32>
          tpu.vector_store_idx %arg14[%get3A_488], %masked_cumsum3A_518 masked %or3A_498 {add = true} : memref<4096xf32, #tpu.memory_space<vmem>>[vector<16xi32>], vector<16xf32>, vector<16xi1>
          %sub3A_519 = arith.subf %select_n3A_515, %masked_cumsum3A_518 : vector<16xf32>
          tpu.vector_store_idx %arg14[%get3A_488], %sub3A_519 masked %or3A_500 {add = true} : memref<4096xf32, #tpu.memory_space<vmem>>[vector<16xi32>], vector<16xf32>, vector<16xi1>
          %broadcast_in_dim3A_520 = arith.constant true
          %broadcast_in_dim3A_521 = vector.broadcast %broadcast_in_dim3A_520 : i1 to vector<16xi1>
          %masked_cumsum3A_522 = tpu.scan <sum>, %get3A_502 masked %broadcast_in_dim3A_521 : vector<16xf32>, vector<16xi1> -> vector<16xf32>
          tpu.vector_store_idx %arg15[%get3A_488], %masked_cumsum3A_522 masked %or3A_498 {add = true} : memref<4096xf32, #tpu.memory_space<vmem>>[vector<16xi32>], vector<16xf32>, vector<16xi1>
          %sub3A_523 = arith.subf %get3A_502, %masked_cumsum3A_522 : vector<16xf32>
          tpu.vector_store_idx %arg15[%get3A_488], %sub3A_523 masked %or3A_500 {add = true} : memref<4096xf32, #tpu.memory_space<vmem>>[vector<16xi32>], vector<16xf32>, vector<16xi1>
          %broadcast_in_dim3A_524 = arith.constant true
          %broadcast_in_dim3A_525 = vector.broadcast %broadcast_in_dim3A_524 : i1 to vector<16xi1>
          %masked_cumsum3A_526 = tpu.scan <sum>, %select_n3A_512 masked %broadcast_in_dim3A_525 : vector<16xf32>, vector<16xi1> -> vector<16xf32>
          tpu.vector_store_idx %arg16[%get3A_488], %masked_cumsum3A_526 masked %or3A_498 {add = true} : memref<4096xf32, #tpu.memory_space<vmem>>[vector<16xi32>], vector<16xf32>, vector<16xi1>
          %sub3A_527 = arith.subf %select_n3A_512, %masked_cumsum3A_526 : vector<16xf32>
          tpu.vector_store_idx %arg16[%get3A_488], %sub3A_527 masked %or3A_500 {add = true} : memref<4096xf32, #tpu.memory_space<vmem>>[vector<16xi32>], vector<16xf32>, vector<16xi1>
          %add3A_528 = arith.constant 48 : i32
          %add3A_529 = arith.addi %mul3A_148, %add3A_528 : i32
          %add3A_530 = arith.constant 8 : i32
          %add3A_531 = arith.addi %add3A_529, %add3A_530 : i32
          %get3A_532 = arith.index_cast %add3A_531 : i32 to index
          %get3A_533 = tpu.vector_load %arg10[%get3A_532] {strides = array<i32>} : memref<8016xi32, #tpu.memory_space<vmem>>, vector<16xi32>,
          %add3A_534 = arith.constant 7 : i32
          %add3A_535 = arith.addi %add3A_529, %add3A_534 : i32
          %get3A_536 = arith.index_cast %add3A_535 : i32 to index
          %get3A_537 = tpu.vector_load %arg10[%get3A_536] {strides = array<i32>} : memref<8016xi32, #tpu.memory_space<vmem>>, vector<16xi32>,
          %add3A_538 = arith.constant 9 : i32
          %add3A_539 = arith.addi %add3A_529, %add3A_538 : i32
          %get3A_540 = arith.index_cast %add3A_539 : i32 to index
          %get3A_541 = tpu.vector_load %arg10[%get3A_540] {strides = array<i32>} : memref<8016xi32, #tpu.memory_space<vmem>>, vector<16xi32>,
          %ne3A_542 = arith.cmpi ne, %get3A_533, %get3A_541 : vector<16xi32>
          %or3A_543 = arith.ori %ne3A_542, %eq3A_5 : vector<16xi1>
          %ne3A_544 = arith.cmpi ne, %get3A_533, %get3A_537 : vector<16xi32>
          %or3A_545 = arith.ori %ne3A_544, %eq3A_2 : vector<16xi1>
          %get3A_546 = arith.index_cast %add3A_529 : i32 to index
          %get3A_547 = tpu.vector_load %arg8[%get3A_546] {strides = array<i32>} : memref<8000xf32, #tpu.memory_space<vmem>>, vector<16xf32>,
          %get3A_548 = arith.index_cast %add3A_529 : i32 to index
          %get3A_549 = tpu.vector_load %arg9[%get3A_548] {strides = array<i32>} : memref<8000xf32, #tpu.memory_space<vmem>>, vector<16xf32>,
          %gt3A_550 = arith.constant 5.000000e-01 : f32
          %gt3A_551 = vector.broadcast %gt3A_550 : f32 to vector<16xf32>
          %gt3A_552 = arith.cmpf ogt, %get3A_549, %gt3A_551 : vector<16xf32>
          %jit3A_553 = arith.constant 1.000000e+00 : f32
          %jit3A_554 = arith.constant 0.000000e+00 : f32
          %broadcast_in_dim3A_555 = vector.broadcast %jit3A_553 : f32 to vector<16xf32>
          %broadcast_in_dim3A_556 = vector.broadcast %jit3A_554 : f32 to vector<16xf32>
          %select_n3A_557 = arith.select %gt3A_552, %broadcast_in_dim3A_555, %broadcast_in_dim3A_556 : vector<16xi1>, vector<16xf32>
          %jit3A_558 = arith.constant 0.000000e+00 : f32
          %broadcast_in_dim3A_559 = vector.broadcast %jit3A_558 : f32 to vector<16xf32>
          %select_n3A_560 = arith.select %gt3A_552, %get3A_547, %broadcast_in_dim3A_559 : vector<16xi1>, vector<16xf32>
          %broadcast_in_dim3A_561 = arith.constant true
          %broadcast_in_dim3A_562 = vector.broadcast %broadcast_in_dim3A_561 : i1 to vector<16xi1>
          %masked_cumsum3A_563 = tpu.scan <sum>, %select_n3A_560 masked %broadcast_in_dim3A_562 : vector<16xf32>, vector<16xi1> -> vector<16xf32>
          tpu.vector_store_idx %arg14[%get3A_533], %masked_cumsum3A_563 masked %or3A_543 {add = true} : memref<4096xf32, #tpu.memory_space<vmem>>[vector<16xi32>], vector<16xf32>, vector<16xi1>
          %sub3A_564 = arith.subf %select_n3A_560, %masked_cumsum3A_563 : vector<16xf32>
          tpu.vector_store_idx %arg14[%get3A_533], %sub3A_564 masked %or3A_545 {add = true} : memref<4096xf32, #tpu.memory_space<vmem>>[vector<16xi32>], vector<16xf32>, vector<16xi1>
          %broadcast_in_dim3A_565 = arith.constant true
          %broadcast_in_dim3A_566 = vector.broadcast %broadcast_in_dim3A_565 : i1 to vector<16xi1>
          %masked_cumsum3A_567 = tpu.scan <sum>, %get3A_547 masked %broadcast_in_dim3A_566 : vector<16xf32>, vector<16xi1> -> vector<16xf32>
          tpu.vector_store_idx %arg15[%get3A_533], %masked_cumsum3A_567 masked %or3A_543 {add = true} : memref<4096xf32, #tpu.memory_space<vmem>>[vector<16xi32>], vector<16xf32>, vector<16xi1>
          %sub3A_568 = arith.subf %get3A_547, %masked_cumsum3A_567 : vector<16xf32>
          tpu.vector_store_idx %arg15[%get3A_533], %sub3A_568 masked %or3A_545 {add = true} : memref<4096xf32, #tpu.memory_space<vmem>>[vector<16xi32>], vector<16xf32>, vector<16xi1>
          %broadcast_in_dim3A_569 = arith.constant true
          %broadcast_in_dim3A_570 = vector.broadcast %broadcast_in_dim3A_569 : i1 to vector<16xi1>
          %masked_cumsum3A_571 = tpu.scan <sum>, %select_n3A_557 masked %broadcast_in_dim3A_570 : vector<16xf32>, vector<16xi1> -> vector<16xf32>
          tpu.vector_store_idx %arg16[%get3A_533], %masked_cumsum3A_571 masked %or3A_543 {add = true} : memref<4096xf32, #tpu.memory_space<vmem>>[vector<16xi32>], vector<16xf32>, vector<16xi1>
          %sub3A_572 = arith.subf %select_n3A_557, %masked_cumsum3A_571 : vector<16xf32>
          tpu.vector_store_idx %arg16[%get3A_533], %sub3A_572 masked %or3A_545 {add = true} : memref<4096xf32, #tpu.memory_space<vmem>>[vector<16xi32>], vector<16xf32>, vector<16xi1>
          %add3A_573 = arith.constant 64 : i32
          %add3A_574 = arith.addi %mul3A_148, %add3A_573 : i32
          %add3A_575 = arith.constant 8 : i32
          %add3A_576 = arith.addi %add3A_574, %add3A_575 : i32
          %get3A_577 = arith.index_cast %add3A_576 : i32 to index
          %get3A_578 = tpu.vector_load %arg10[%get3A_577] {strides = array<i32>} : memref<8016xi32, #tpu.memory_space<vmem>>, vector<16xi32>,
          %add3A_579 = arith.constant 7 : i32
          %add3A_580 = arith.addi %add3A_574, %add3A_579 : i32
          %get3A_581 = arith.index_cast %add3A_580 : i32 to index
          %get3A_582 = tpu.vector_load %arg10[%get3A_581] {strides = array<i32>} : memref<8016xi32, #tpu.memory_space<vmem>>, vector<16xi32>,
          %add3A_583 = arith.constant 9 : i32
          %add3A_584 = arith.addi %add3A_574, %add3A_583 : i32
          %get3A_585 = arith.index_cast %add3A_584 : i32 to index
          %get3A_586 = tpu.vector_load %arg10[%get3A_585] {strides = array<i32>} : memref<8016xi32, #tpu.memory_space<vmem>>, vector<16xi32>,
          %ne3A_587 = arith.cmpi ne, %get3A_578, %get3A_586 : vector<16xi32>
          %or3A_588 = arith.ori %ne3A_587, %eq3A_5 : vector<16xi1>
          %ne3A_589 = arith.cmpi ne, %get3A_578, %get3A_582 : vector<16xi32>
          %or3A_590 = arith.ori %ne3A_589, %eq3A_2 : vector<16xi1>
          %get3A_591 = arith.index_cast %add3A_574 : i32 to index
          %get3A_592 = tpu.vector_load %arg8[%get3A_591] {strides = array<i32>} : memref<8000xf32, #tpu.memory_space<vmem>>, vector<16xf32>,
          %get3A_593 = arith.index_cast %add3A_574 : i32 to index
          %get3A_594 = tpu.vector_load %arg9[%get3A_593] {strides = array<i32>} : memref<8000xf32, #tpu.memory_space<vmem>>, vector<16xf32>,
          %gt3A_595 = arith.constant 5.000000e-01 : f32
          %gt3A_596 = vector.broadcast %gt3A_595 : f32 to vector<16xf32>
          %gt3A_597 = arith.cmpf ogt, %get3A_594, %gt3A_596 : vector<16xf32>
          %jit3A_598 = arith.constant 1.000000e+00 : f32
          %jit3A_599 = arith.constant 0.000000e+00 : f32
          %broadcast_in_dim3A_600 = vector.broadcast %jit3A_598 : f32 to vector<16xf32>
          %broadcast_in_dim3A_601 = vector.broadcast %jit3A_599 : f32 to vector<16xf32>
          %select_n3A_602 = arith.select %gt3A_597, %broadcast_in_dim3A_600, %broadcast_in_dim3A_601 : vector<16xi1>, vector<16xf32>
          %jit3A_603 = arith.constant 0.000000e+00 : f32
          %broadcast_in_dim3A_604 = vector.broadcast %jit3A_603 : f32 to vector<16xf32>
          %select_n3A_605 = arith.select %gt3A_597, %get3A_592, %broadcast_in_dim3A_604 : vector<16xi1>, vector<16xf32>
          %broadcast_in_dim3A_606 = arith.constant true
          %broadcast_in_dim3A_607 = vector.broadcast %broadcast_in_dim3A_606 : i1 to vector<16xi1>
          %masked_cumsum3A_608 = tpu.scan <sum>, %select_n3A_605 masked %broadcast_in_dim3A_607 : vector<16xf32>, vector<16xi1> -> vector<16xf32>
          tpu.vector_store_idx %arg14[%get3A_578], %masked_cumsum3A_608 masked %or3A_588 {add = true} : memref<4096xf32, #tpu.memory_space<vmem>>[vector<16xi32>], vector<16xf32>, vector<16xi1>
          %sub3A_609 = arith.subf %select_n3A_605, %masked_cumsum3A_608 : vector<16xf32>
          tpu.vector_store_idx %arg14[%get3A_578], %sub3A_609 masked %or3A_590 {add = true} : memref<4096xf32, #tpu.memory_space<vmem>>[vector<16xi32>], vector<16xf32>, vector<16xi1>
          %broadcast_in_dim3A_610 = arith.constant true
          %broadcast_in_dim3A_611 = vector.broadcast %broadcast_in_dim3A_610 : i1 to vector<16xi1>
          %masked_cumsum3A_612 = tpu.scan <sum>, %get3A_592 masked %broadcast_in_dim3A_611 : vector<16xf32>, vector<16xi1> -> vector<16xf32>
          tpu.vector_store_idx %arg15[%get3A_578], %masked_cumsum3A_612 masked %or3A_588 {add = true} : memref<4096xf32, #tpu.memory_space<vmem>>[vector<16xi32>], vector<16xf32>, vector<16xi1>
          %sub3A_613 = arith.subf %get3A_592, %masked_cumsum3A_612 : vector<16xf32>
          tpu.vector_store_idx %arg15[%get3A_578], %sub3A_613 masked %or3A_590 {add = true} : memref<4096xf32, #tpu.memory_space<vmem>>[vector<16xi32>], vector<16xf32>, vector<16xi1>
          %broadcast_in_dim3A_614 = arith.constant true
          %broadcast_in_dim3A_615 = vector.broadcast %broadcast_in_dim3A_614 : i1 to vector<16xi1>
          %masked_cumsum3A_616 = tpu.scan <sum>, %select_n3A_602 masked %broadcast_in_dim3A_615 : vector<16xf32>, vector<16xi1> -> vector<16xf32>
          tpu.vector_store_idx %arg16[%get3A_578], %masked_cumsum3A_616 masked %or3A_588 {add = true} : memref<4096xf32, #tpu.memory_space<vmem>>[vector<16xi32>], vector<16xf32>, vector<16xi1>
          %sub3A_617 = arith.subf %select_n3A_602, %masked_cumsum3A_616 : vector<16xf32>
          tpu.vector_store_idx %arg16[%get3A_578], %sub3A_617 masked %or3A_590 {add = true} : memref<4096xf32, #tpu.memory_space<vmem>>[vector<16xi32>], vector<16xf32>, vector<16xi1>
          %add3A_618 = arith.constant 80 : i32
          %add3A_619 = arith.addi %mul3A_148, %add3A_618 : i32
          %add3A_620 = arith.constant 8 : i32
          %add3A_621 = arith.addi %add3A_619, %add3A_620 : i32
          %get3A_622 = arith.index_cast %add3A_621 : i32 to index
          %get3A_623 = tpu.vector_load %arg10[%get3A_622] {strides = array<i32>} : memref<8016xi32, #tpu.memory_space<vmem>>, vector<16xi32>,
          %add3A_624 = arith.constant 7 : i32
          %add3A_625 = arith.addi %add3A_619, %add3A_624 : i32
          %get3A_626 = arith.index_cast %add3A_625 : i32 to index
          %get3A_627 = tpu.vector_load %arg10[%get3A_626] {strides = array<i32>} : memref<8016xi32, #tpu.memory_space<vmem>>, vector<16xi32>,
          %add3A_628 = arith.constant 9 : i32
          %add3A_629 = arith.addi %add3A_619, %add3A_628 : i32
          %get3A_630 = arith.index_cast %add3A_629 : i32 to index
          %get3A_631 = tpu.vector_load %arg10[%get3A_630] {strides = array<i32>} : memref<8016xi32, #tpu.memory_space<vmem>>, vector<16xi32>,
          %ne3A_632 = arith.cmpi ne, %get3A_623, %get3A_631 : vector<16xi32>
          %or3A_633 = arith.ori %ne3A_632, %eq3A_5 : vector<16xi1>
          %ne3A_634 = arith.cmpi ne, %get3A_623, %get3A_627 : vector<16xi32>
          %or3A_635 = arith.ori %ne3A_634, %eq3A_2 : vector<16xi1>
          %get3A_636 = arith.index_cast %add3A_619 : i32 to index
          %get3A_637 = tpu.vector_load %arg8[%get3A_636] {strides = array<i32>} : memref<8000xf32, #tpu.memory_space<vmem>>, vector<16xf32>,
          %get3A_638 = arith.index_cast %add3A_619 : i32 to index
          %get3A_639 = tpu.vector_load %arg9[%get3A_638] {strides = array<i32>} : memref<8000xf32, #tpu.memory_space<vmem>>, vector<16xf32>,
          %gt3A_640 = arith.constant 5.000000e-01 : f32
          %gt3A_641 = vector.broadcast %gt3A_640 : f32 to vector<16xf32>
          %gt3A_642 = arith.cmpf ogt, %get3A_639, %gt3A_641 : vector<16xf32>
          %jit3A_643 = arith.constant 1.000000e+00 : f32
          %jit3A_644 = arith.constant 0.000000e+00 : f32
          %broadcast_in_dim3A_645 = vector.broadcast %jit3A_643 : f32 to vector<16xf32>
          %broadcast_in_dim3A_646 = vector.broadcast %jit3A_644 : f32 to vector<16xf32>
          %select_n3A_647 = arith.select %gt3A_642, %broadcast_in_dim3A_645, %broadcast_in_dim3A_646 : vector<16xi1>, vector<16xf32>
          %jit3A_648 = arith.constant 0.000000e+00 : f32
          %broadcast_in_dim3A_649 = vector.broadcast %jit3A_648 : f32 to vector<16xf32>
          %select_n3A_650 = arith.select %gt3A_642, %get3A_637, %broadcast_in_dim3A_649 : vector<16xi1>, vector<16xf32>
          %broadcast_in_dim3A_651 = arith.constant true
          %broadcast_in_dim3A_652 = vector.broadcast %broadcast_in_dim3A_651 : i1 to vector<16xi1>
          %masked_cumsum3A_653 = tpu.scan <sum>, %select_n3A_650 masked %broadcast_in_dim3A_652 : vector<16xf32>, vector<16xi1> -> vector<16xf32>
          tpu.vector_store_idx %arg14[%get3A_623], %masked_cumsum3A_653 masked %or3A_633 {add = true} : memref<4096xf32, #tpu.memory_space<vmem>>[vector<16xi32>], vector<16xf32>, vector<16xi1>
          %sub3A_654 = arith.subf %select_n3A_650, %masked_cumsum3A_653 : vector<16xf32>
          tpu.vector_store_idx %arg14[%get3A_623], %sub3A_654 masked %or3A_635 {add = true} : memref<4096xf32, #tpu.memory_space<vmem>>[vector<16xi32>], vector<16xf32>, vector<16xi1>
          %broadcast_in_dim3A_655 = arith.constant true
          %broadcast_in_dim3A_656 = vector.broadcast %broadcast_in_dim3A_655 : i1 to vector<16xi1>
          %masked_cumsum3A_657 = tpu.scan <sum>, %get3A_637 masked %broadcast_in_dim3A_656 : vector<16xf32>, vector<16xi1> -> vector<16xf32>
          tpu.vector_store_idx %arg15[%get3A_623], %masked_cumsum3A_657 masked %or3A_633 {add = true} : memref<4096xf32, #tpu.memory_space<vmem>>[vector<16xi32>], vector<16xf32>, vector<16xi1>
          %sub3A_658 = arith.subf %get3A_637, %masked_cumsum3A_657 : vector<16xf32>
          tpu.vector_store_idx %arg15[%get3A_623], %sub3A_658 masked %or3A_635 {add = true} : memref<4096xf32, #tpu.memory_space<vmem>>[vector<16xi32>], vector<16xf32>, vector<16xi1>
          %broadcast_in_dim3A_659 = arith.constant true
          %broadcast_in_dim3A_660 = vector.broadcast %broadcast_in_dim3A_659 : i1 to vector<16xi1>
          %masked_cumsum3A_661 = tpu.scan <sum>, %select_n3A_647 masked %broadcast_in_dim3A_660 : vector<16xf32>, vector<16xi1> -> vector<16xf32>
          tpu.vector_store_idx %arg16[%get3A_623], %masked_cumsum3A_661 masked %or3A_633 {add = true} : memref<4096xf32, #tpu.memory_space<vmem>>[vector<16xi32>], vector<16xf32>, vector<16xi1>
          %sub3A_662 = arith.subf %select_n3A_647, %masked_cumsum3A_661 : vector<16xf32>
          tpu.vector_store_idx %arg16[%get3A_623], %sub3A_662 masked %or3A_635 {add = true} : memref<4096xf32, #tpu.memory_space<vmem>>[vector<16xi32>], vector<16xf32>, vector<16xi1>
          %add3A_663 = arith.constant 96 : i32
          %add3A_664 = arith.addi %mul3A_148, %add3A_663 : i32
          %add3A_665 = arith.constant 8 : i32
          %add3A_666 = arith.addi %add3A_664, %add3A_665 : i32
          %get3A_667 = arith.index_cast %add3A_666 : i32 to index
          %get3A_668 = tpu.vector_load %arg10[%get3A_667] {strides = array<i32>} : memref<8016xi32, #tpu.memory_space<vmem>>, vector<16xi32>,
          %add3A_669 = arith.constant 7 : i32
          %add3A_670 = arith.addi %add3A_664, %add3A_669 : i32
          %get3A_671 = arith.index_cast %add3A_670 : i32 to index
          %get3A_672 = tpu.vector_load %arg10[%get3A_671] {strides = array<i32>} : memref<8016xi32, #tpu.memory_space<vmem>>, vector<16xi32>,
          %add3A_673 = arith.constant 9 : i32
          %add3A_674 = arith.addi %add3A_664, %add3A_673 : i32
          %get3A_675 = arith.index_cast %add3A_674 : i32 to index
          %get3A_676 = tpu.vector_load %arg10[%get3A_675] {strides = array<i32>} : memref<8016xi32, #tpu.memory_space<vmem>>, vector<16xi32>,
          %ne3A_677 = arith.cmpi ne, %get3A_668, %get3A_676 : vector<16xi32>
          %or3A_678 = arith.ori %ne3A_677, %eq3A_5 : vector<16xi1>
          %ne3A_679 = arith.cmpi ne, %get3A_668, %get3A_672 : vector<16xi32>
          %or3A_680 = arith.ori %ne3A_679, %eq3A_2 : vector<16xi1>
          %get3A_681 = arith.index_cast %add3A_664 : i32 to index
          %get3A_682 = tpu.vector_load %arg8[%get3A_681] {strides = array<i32>} : memref<8000xf32, #tpu.memory_space<vmem>>, vector<16xf32>,
          %get3A_683 = arith.index_cast %add3A_664 : i32 to index
          %get3A_684 = tpu.vector_load %arg9[%get3A_683] {strides = array<i32>} : memref<8000xf32, #tpu.memory_space<vmem>>, vector<16xf32>,
          %gt3A_685 = arith.constant 5.000000e-01 : f32
          %gt3A_686 = vector.broadcast %gt3A_685 : f32 to vector<16xf32>
          %gt3A_687 = arith.cmpf ogt, %get3A_684, %gt3A_686 : vector<16xf32>
          %jit3A_688 = arith.constant 1.000000e+00 : f32
          %jit3A_689 = arith.constant 0.000000e+00 : f32
          %broadcast_in_dim3A_690 = vector.broadcast %jit3A_688 : f32 to vector<16xf32>
          %broadcast_in_dim3A_691 = vector.broadcast %jit3A_689 : f32 to vector<16xf32>
          %select_n3A_692 = arith.select %gt3A_687, %broadcast_in_dim3A_690, %broadcast_in_dim3A_691 : vector<16xi1>, vector<16xf32>
          %jit3A_693 = arith.constant 0.000000e+00 : f32
          %broadcast_in_dim3A_694 = vector.broadcast %jit3A_693 : f32 to vector<16xf32>
          %select_n3A_695 = arith.select %gt3A_687, %get3A_682, %broadcast_in_dim3A_694 : vector<16xi1>, vector<16xf32>
          %broadcast_in_dim3A_696 = arith.constant true
          %broadcast_in_dim3A_697 = vector.broadcast %broadcast_in_dim3A_696 : i1 to vector<16xi1>
          %masked_cumsum3A_698 = tpu.scan <sum>, %select_n3A_695 masked %broadcast_in_dim3A_697 : vector<16xf32>, vector<16xi1> -> vector<16xf32>
          tpu.vector_store_idx %arg14[%get3A_668], %masked_cumsum3A_698 masked %or3A_678 {add = true} : memref<4096xf32, #tpu.memory_space<vmem>>[vector<16xi32>], vector<16xf32>, vector<16xi1>
          %sub3A_699 = arith.subf %select_n3A_695, %masked_cumsum3A_698 : vector<16xf32>
          tpu.vector_store_idx %arg14[%get3A_668], %sub3A_699 masked %or3A_680 {add = true} : memref<4096xf32, #tpu.memory_space<vmem>>[vector<16xi32>], vector<16xf32>, vector<16xi1>
          %broadcast_in_dim3A_700 = arith.constant true
          %broadcast_in_dim3A_701 = vector.broadcast %broadcast_in_dim3A_700 : i1 to vector<16xi1>
          %masked_cumsum3A_702 = tpu.scan <sum>, %get3A_682 masked %broadcast_in_dim3A_701 : vector<16xf32>, vector<16xi1> -> vector<16xf32>
          tpu.vector_store_idx %arg15[%get3A_668], %masked_cumsum3A_702 masked %or3A_678 {add = true} : memref<4096xf32, #tpu.memory_space<vmem>>[vector<16xi32>], vector<16xf32>, vector<16xi1>
          %sub3A_703 = arith.subf %get3A_682, %masked_cumsum3A_702 : vector<16xf32>
          tpu.vector_store_idx %arg15[%get3A_668], %sub3A_703 masked %or3A_680 {add = true} : memref<4096xf32, #tpu.memory_space<vmem>>[vector<16xi32>], vector<16xf32>, vector<16xi1>
          %broadcast_in_dim3A_704 = arith.constant true
          %broadcast_in_dim3A_705 = vector.broadcast %broadcast_in_dim3A_704 : i1 to vector<16xi1>
          %masked_cumsum3A_706 = tpu.scan <sum>, %select_n3A_692 masked %broadcast_in_dim3A_705 : vector<16xf32>, vector<16xi1> -> vector<16xf32>
          tpu.vector_store_idx %arg16[%get3A_668], %masked_cumsum3A_706 masked %or3A_678 {add = true} : memref<4096xf32, #tpu.memory_space<vmem>>[vector<16xi32>], vector<16xf32>, vector<16xi1>
          %sub3A_707 = arith.subf %select_n3A_692, %masked_cumsum3A_706 : vector<16xf32>
          tpu.vector_store_idx %arg16[%get3A_668], %sub3A_707 masked %or3A_680 {add = true} : memref<4096xf32, #tpu.memory_space<vmem>>[vector<16xi32>], vector<16xf32>, vector<16xi1>
          %add3A_708 = arith.constant 112 : i32
          %add3A_709 = arith.addi %mul3A_148, %add3A_708 : i32
          %add3A_710 = arith.constant 8 : i32
          %add3A_711 = arith.addi %add3A_709, %add3A_710 : i32
          %get3A_712 = arith.index_cast %add3A_711 : i32 to index
          %get3A_713 = tpu.vector_load %arg10[%get3A_712] {strides = array<i32>} : memref<8016xi32, #tpu.memory_space<vmem>>, vector<16xi32>,
          %add3A_714 = arith.constant 7 : i32
          %add3A_715 = arith.addi %add3A_709, %add3A_714 : i32
          %get3A_716 = arith.index_cast %add3A_715 : i32 to index
          %get3A_717 = tpu.vector_load %arg10[%get3A_716] {strides = array<i32>} : memref<8016xi32, #tpu.memory_space<vmem>>, vector<16xi32>,
          %add3A_718 = arith.constant 9 : i32
          %add3A_719 = arith.addi %add3A_709, %add3A_718 : i32
          %get3A_720 = arith.index_cast %add3A_719 : i32 to index
          %get3A_721 = tpu.vector_load %arg10[%get3A_720] {strides = array<i32>} : memref<8016xi32, #tpu.memory_space<vmem>>, vector<16xi32>,
          %ne3A_722 = arith.cmpi ne, %get3A_713, %get3A_721 : vector<16xi32>
          %or3A_723 = arith.ori %ne3A_722, %eq3A_5 : vector<16xi1>
          %ne3A_724 = arith.cmpi ne, %get3A_713, %get3A_717 : vector<16xi32>
          %or3A_725 = arith.ori %ne3A_724, %eq3A_2 : vector<16xi1>
          %get3A_726 = arith.index_cast %add3A_709 : i32 to index
          %get3A_727 = tpu.vector_load %arg8[%get3A_726] {strides = array<i32>} : memref<8000xf32, #tpu.memory_space<vmem>>, vector<16xf32>,
          %get3A_728 = arith.index_cast %add3A_709 : i32 to index
          %get3A_729 = tpu.vector_load %arg9[%get3A_728] {strides = array<i32>} : memref<8000xf32, #tpu.memory_space<vmem>>, vector<16xf32>,
          %gt3A_730 = arith.constant 5.000000e-01 : f32
          %gt3A_731 = vector.broadcast %gt3A_730 : f32 to vector<16xf32>
          %gt3A_732 = arith.cmpf ogt, %get3A_729, %gt3A_731 : vector<16xf32>
          %jit3A_733 = arith.constant 1.000000e+00 : f32
          %jit3A_734 = arith.constant 0.000000e+00 : f32
          %broadcast_in_dim3A_735 = vector.broadcast %jit3A_733 : f32 to vector<16xf32>
          %broadcast_in_dim3A_736 = vector.broadcast %jit3A_734 : f32 to vector<16xf32>
          %select_n3A_737 = arith.select %gt3A_732, %broadcast_in_dim3A_735, %broadcast_in_dim3A_736 : vector<16xi1>, vector<16xf32>
          %jit3A_738 = arith.constant 0.000000e+00 : f32
          %broadcast_in_dim3A_739 = vector.broadcast %jit3A_738 : f32 to vector<16xf32>
          %select_n3A_740 = arith.select %gt3A_732, %get3A_727, %broadcast_in_dim3A_739 : vector<16xi1>, vector<16xf32>
          %broadcast_in_dim3A_741 = arith.constant true
          %broadcast_in_dim3A_742 = vector.broadcast %broadcast_in_dim3A_741 : i1 to vector<16xi1>
          %masked_cumsum3A_743 = tpu.scan <sum>, %select_n3A_740 masked %broadcast_in_dim3A_742 : vector<16xf32>, vector<16xi1> -> vector<16xf32>
          tpu.vector_store_idx %arg14[%get3A_713], %masked_cumsum3A_743 masked %or3A_723 {add = true} : memref<4096xf32, #tpu.memory_space<vmem>>[vector<16xi32>], vector<16xf32>, vector<16xi1>
          %sub3A_744 = arith.subf %select_n3A_740, %masked_cumsum3A_743 : vector<16xf32>
          tpu.vector_store_idx %arg14[%get3A_713], %sub3A_744 masked %or3A_725 {add = true} : memref<4096xf32, #tpu.memory_space<vmem>>[vector<16xi32>], vector<16xf32>, vector<16xi1>
          %broadcast_in_dim3A_745 = arith.constant true
          %broadcast_in_dim3A_746 = vector.broadcast %broadcast_in_dim3A_745 : i1 to vector<16xi1>
          %masked_cumsum3A_747 = tpu.scan <sum>, %get3A_727 masked %broadcast_in_dim3A_746 : vector<16xf32>, vector<16xi1> -> vector<16xf32>
          tpu.vector_store_idx %arg15[%get3A_713], %masked_cumsum3A_747 masked %or3A_723 {add = true} : memref<4096xf32, #tpu.memory_space<vmem>>[vector<16xi32>], vector<16xf32>, vector<16xi1>
          %sub3A_748 = arith.subf %get3A_727, %masked_cumsum3A_747 : vector<16xf32>
          tpu.vector_store_idx %arg15[%get3A_713], %sub3A_748 masked %or3A_725 {add = true} : memref<4096xf32, #tpu.memory_space<vmem>>[vector<16xi32>], vector<16xf32>, vector<16xi1>
          %broadcast_in_dim3A_749 = arith.constant true
          %broadcast_in_dim3A_750 = vector.broadcast %broadcast_in_dim3A_749 : i1 to vector<16xi1>
          %masked_cumsum3A_751 = tpu.scan <sum>, %select_n3A_737 masked %broadcast_in_dim3A_750 : vector<16xf32>, vector<16xi1> -> vector<16xf32>
          tpu.vector_store_idx %arg16[%get3A_713], %masked_cumsum3A_751 masked %or3A_723 {add = true} : memref<4096xf32, #tpu.memory_space<vmem>>[vector<16xi32>], vector<16xf32>, vector<16xi1>
          %sub3A_752 = arith.subf %select_n3A_737, %masked_cumsum3A_751 : vector<16xf32>
          tpu.vector_store_idx %arg16[%get3A_713], %sub3A_752 masked %or3A_725 {add = true} : memref<4096xf32, #tpu.memory_space<vmem>>[vector<16xi32>], vector<16xf32>, vector<16xi1>
          %add3A_753 = arith.constant 128 : i32
          %add3A_754 = arith.addi %mul3A_148, %add3A_753 : i32
          %add3A_755 = arith.constant 8 : i32
          %add3A_756 = arith.addi %add3A_754, %add3A_755 : i32
          %get3A_757 = arith.index_cast %add3A_756 : i32 to index
          %get3A_758 = tpu.vector_load %arg10[%get3A_757] {strides = array<i32>} : memref<8016xi32, #tpu.memory_space<vmem>>, vector<16xi32>,
          %add3A_759 = arith.constant 7 : i32
          %add3A_760 = arith.addi %add3A_754, %add3A_759 : i32
          %get3A_761 = arith.index_cast %add3A_760 : i32 to index
          %get3A_762 = tpu.vector_load %arg10[%get3A_761] {strides = array<i32>} : memref<8016xi32, #tpu.memory_space<vmem>>, vector<16xi32>,
          %add3A_763 = arith.constant 9 : i32
          %add3A_764 = arith.addi %add3A_754, %add3A_763 : i32
          %get3A_765 = arith.index_cast %add3A_764 : i32 to index
          %get3A_766 = tpu.vector_load %arg10[%get3A_765] {strides = array<i32>} : memref<8016xi32, #tpu.memory_space<vmem>>, vector<16xi32>,
          %ne3A_767 = arith.cmpi ne, %get3A_758, %get3A_766 : vector<16xi32>
          %or3A_768 = arith.ori %ne3A_767, %eq3A_5 : vector<16xi1>
          %ne3A_769 = arith.cmpi ne, %get3A_758, %get3A_762 : vector<16xi32>
          %or3A_770 = arith.ori %ne3A_769, %eq3A_2 : vector<16xi1>
          %get3A_771 = arith.index_cast %add3A_754 : i32 to index
          %get3A_772 = tpu.vector_load %arg8[%get3A_771] {strides = array<i32>} : memref<8000xf32, #tpu.memory_space<vmem>>, vector<16xf32>,
          %get3A_773 = arith.index_cast %add3A_754 : i32 to index
          %get3A_774 = tpu.vector_load %arg9[%get3A_773] {strides = array<i32>} : memref<8000xf32, #tpu.memory_space<vmem>>, vector<16xf32>,
          %gt3A_775 = arith.constant 5.000000e-01 : f32
          %gt3A_776 = vector.broadcast %gt3A_775 : f32 to vector<16xf32>
          %gt3A_777 = arith.cmpf ogt, %get3A_774, %gt3A_776 : vector<16xf32>
          %jit3A_778 = arith.constant 1.000000e+00 : f32
          %jit3A_779 = arith.constant 0.000000e+00 : f32
          %broadcast_in_dim3A_780 = vector.broadcast %jit3A_778 : f32 to vector<16xf32>
          %broadcast_in_dim3A_781 = vector.broadcast %jit3A_779 : f32 to vector<16xf32>
          %select_n3A_782 = arith.select %gt3A_777, %broadcast_in_dim3A_780, %broadcast_in_dim3A_781 : vector<16xi1>, vector<16xf32>
          %jit3A_783 = arith.constant 0.000000e+00 : f32
          %broadcast_in_dim3A_784 = vector.broadcast %jit3A_783 : f32 to vector<16xf32>
          %select_n3A_785 = arith.select %gt3A_777, %get3A_772, %broadcast_in_dim3A_784 : vector<16xi1>, vector<16xf32>
          %broadcast_in_dim3A_786 = arith.constant true
          %broadcast_in_dim3A_787 = vector.broadcast %broadcast_in_dim3A_786 : i1 to vector<16xi1>
          %masked_cumsum3A_788 = tpu.scan <sum>, %select_n3A_785 masked %broadcast_in_dim3A_787 : vector<16xf32>, vector<16xi1> -> vector<16xf32>
          tpu.vector_store_idx %arg14[%get3A_758], %masked_cumsum3A_788 masked %or3A_768 {add = true} : memref<4096xf32, #tpu.memory_space<vmem>>[vector<16xi32>], vector<16xf32>, vector<16xi1>
          %sub3A_789 = arith.subf %select_n3A_785, %masked_cumsum3A_788 : vector<16xf32>
          tpu.vector_store_idx %arg14[%get3A_758], %sub3A_789 masked %or3A_770 {add = true} : memref<4096xf32, #tpu.memory_space<vmem>>[vector<16xi32>], vector<16xf32>, vector<16xi1>
          %broadcast_in_dim3A_790 = arith.constant true
          %broadcast_in_dim3A_791 = vector.broadcast %broadcast_in_dim3A_790 : i1 to vector<16xi1>
          %masked_cumsum3A_792 = tpu.scan <sum>, %get3A_772 masked %broadcast_in_dim3A_791 : vector<16xf32>, vector<16xi1> -> vector<16xf32>
          tpu.vector_store_idx %arg15[%get3A_758], %masked_cumsum3A_792 masked %or3A_768 {add = true} : memref<4096xf32, #tpu.memory_space<vmem>>[vector<16xi32>], vector<16xf32>, vector<16xi1>
          %sub3A_793 = arith.subf %get3A_772, %masked_cumsum3A_792 : vector<16xf32>
          tpu.vector_store_idx %arg15[%get3A_758], %sub3A_793 masked %or3A_770 {add = true} : memref<4096xf32, #tpu.memory_space<vmem>>[vector<16xi32>], vector<16xf32>, vector<16xi1>
          %broadcast_in_dim3A_794 = arith.constant true
          %broadcast_in_dim3A_795 = vector.broadcast %broadcast_in_dim3A_794 : i1 to vector<16xi1>
          %masked_cumsum3A_796 = tpu.scan <sum>, %select_n3A_782 masked %broadcast_in_dim3A_795 : vector<16xf32>, vector<16xi1> -> vector<16xf32>
          tpu.vector_store_idx %arg16[%get3A_758], %masked_cumsum3A_796 masked %or3A_768 {add = true} : memref<4096xf32, #tpu.memory_space<vmem>>[vector<16xi32>], vector<16xf32>, vector<16xi1>
          %sub3A_797 = arith.subf %select_n3A_782, %masked_cumsum3A_796 : vector<16xf32>
          tpu.vector_store_idx %arg16[%get3A_758], %sub3A_797 masked %or3A_770 {add = true} : memref<4096xf32, #tpu.memory_space<vmem>>[vector<16xi32>], vector<16xf32>, vector<16xi1>
          %add3A_798 = arith.constant 144 : i32
          %add3A_799 = arith.addi %mul3A_148, %add3A_798 : i32
          %add3A_800 = arith.constant 8 : i32
          %add3A_801 = arith.addi %add3A_799, %add3A_800 : i32
          %get3A_802 = arith.index_cast %add3A_801 : i32 to index
          %get3A_803 = tpu.vector_load %arg10[%get3A_802] {strides = array<i32>} : memref<8016xi32, #tpu.memory_space<vmem>>, vector<16xi32>,
          %add3A_804 = arith.constant 7 : i32
          %add3A_805 = arith.addi %add3A_799, %add3A_804 : i32
          %get3A_806 = arith.index_cast %add3A_805 : i32 to index
          %get3A_807 = tpu.vector_load %arg10[%get3A_806] {strides = array<i32>} : memref<8016xi32, #tpu.memory_space<vmem>>, vector<16xi32>,
          %add3A_808 = arith.constant 9 : i32
          %add3A_809 = arith.addi %add3A_799, %add3A_808 : i32
          %get3A_810 = arith.index_cast %add3A_809 : i32 to index
          %get3A_811 = tpu.vector_load %arg10[%get3A_810] {strides = array<i32>} : memref<8016xi32, #tpu.memory_space<vmem>>, vector<16xi32>,
          %ne3A_812 = arith.cmpi ne, %get3A_803, %get3A_811 : vector<16xi32>
          %or3A_813 = arith.ori %ne3A_812, %eq3A_5 : vector<16xi1>
          %ne3A_814 = arith.cmpi ne, %get3A_803, %get3A_807 : vector<16xi32>
          %or3A_815 = arith.ori %ne3A_814, %eq3A_2 : vector<16xi1>
          %get3A_816 = arith.index_cast %add3A_799 : i32 to index
          %get3A_817 = tpu.vector_load %arg8[%get3A_816] {strides = array<i32>} : memref<8000xf32, #tpu.memory_space<vmem>>, vector<16xf32>,
          %get3A_818 = arith.index_cast %add3A_799 : i32 to index
          %get3A_819 = tpu.vector_load %arg9[%get3A_818] {strides = array<i32>} : memref<8000xf32, #tpu.memory_space<vmem>>, vector<16xf32>,
          %gt3A_820 = arith.constant 5.000000e-01 : f32
          %gt3A_821 = vector.broadcast %gt3A_820 : f32 to vector<16xf32>
          %gt3A_822 = arith.cmpf ogt, %get3A_819, %gt3A_821 : vector<16xf32>
          %jit3A_823 = arith.constant 1.000000e+00 : f32
          %jit3A_824 = arith.constant 0.000000e+00 : f32
          %broadcast_in_dim3A_825 = vector.broadcast %jit3A_823 : f32 to vector<16xf32>
          %broadcast_in_dim3A_826 = vector.broadcast %jit3A_824 : f32 to vector<16xf32>
          %select_n3A_827 = arith.select %gt3A_822, %broadcast_in_dim3A_825, %broadcast_in_dim3A_826 : vector<16xi1>, vector<16xf32>
          %jit3A_828 = arith.constant 0.000000e+00 : f32
          %broadcast_in_dim3A_829 = vector.broadcast %jit3A_828 : f32 to vector<16xf32>
          %select_n3A_830 = arith.select %gt3A_822, %get3A_817, %broadcast_in_dim3A_829 : vector<16xi1>, vector<16xf32>
          %broadcast_in_dim3A_831 = arith.constant true
          %broadcast_in_dim3A_832 = vector.broadcast %broadcast_in_dim3A_831 : i1 to vector<16xi1>
          %masked_cumsum3A_833 = tpu.scan <sum>, %select_n3A_830 masked %broadcast_in_dim3A_832 : vector<16xf32>, vector<16xi1> -> vector<16xf32>
          tpu.vector_store_idx %arg14[%get3A_803], %masked_cumsum3A_833 masked %or3A_813 {add = true} : memref<4096xf32, #tpu.memory_space<vmem>>[vector<16xi32>], vector<16xf32>, vector<16xi1>
          %sub3A_834 = arith.subf %select_n3A_830, %masked_cumsum3A_833 : vector<16xf32>
          tpu.vector_store_idx %arg14[%get3A_803], %sub3A_834 masked %or3A_815 {add = true} : memref<4096xf32, #tpu.memory_space<vmem>>[vector<16xi32>], vector<16xf32>, vector<16xi1>
          %broadcast_in_dim3A_835 = arith.constant true
          %broadcast_in_dim3A_836 = vector.broadcast %broadcast_in_dim3A_835 : i1 to vector<16xi1>
          %masked_cumsum3A_837 = tpu.scan <sum>, %get3A_817 masked %broadcast_in_dim3A_836 : vector<16xf32>, vector<16xi1> -> vector<16xf32>
          tpu.vector_store_idx %arg15[%get3A_803], %masked_cumsum3A_837 masked %or3A_813 {add = true} : memref<4096xf32, #tpu.memory_space<vmem>>[vector<16xi32>], vector<16xf32>, vector<16xi1>
          %sub3A_838 = arith.subf %get3A_817, %masked_cumsum3A_837 : vector<16xf32>
          tpu.vector_store_idx %arg15[%get3A_803], %sub3A_838 masked %or3A_815 {add = true} : memref<4096xf32, #tpu.memory_space<vmem>>[vector<16xi32>], vector<16xf32>, vector<16xi1>
          %broadcast_in_dim3A_839 = arith.constant true
          %broadcast_in_dim3A_840 = vector.broadcast %broadcast_in_dim3A_839 : i1 to vector<16xi1>
          %masked_cumsum3A_841 = tpu.scan <sum>, %select_n3A_827 masked %broadcast_in_dim3A_840 : vector<16xf32>, vector<16xi1> -> vector<16xf32>
          tpu.vector_store_idx %arg16[%get3A_803], %masked_cumsum3A_841 masked %or3A_813 {add = true} : memref<4096xf32, #tpu.memory_space<vmem>>[vector<16xi32>], vector<16xf32>, vector<16xi1>
          %sub3A_842 = arith.subf %select_n3A_827, %masked_cumsum3A_841 : vector<16xf32>
          tpu.vector_store_idx %arg16[%get3A_803], %sub3A_842 masked %or3A_815 {add = true} : memref<4096xf32, #tpu.memory_space<vmem>>[vector<16xi32>], vector<16xf32>, vector<16xi1>
          %swap3A_843 = arith.constant 0 : i32
          %swap3A_844 = arith.index_cast %swap3A_843 : i32 to index
          %swap3A_845 = memref.load %arg17[%swap3A_844] : memref<1xi32, #tpu.memory_space<smem>>
          memref.store %squeeze3A_161, %arg17[%swap3A_844] : memref<1xi32, #tpu.memory_space<smem>>
        } else {
        }
        %add3A_365 = arith.addf %scan3A_144, %add3A_342 : vector<16xf32>
        %jit3A_366 = arith.constant 0.000000e+00 : f32
        %broadcast_in_dim3A_367 = vector.broadcast %jit3A_366 : f32 to vector<16xf32>
        %select_n3A_368 = arith.select %and3A, %add3A_365, %broadcast_in_dim3A_367 : vector<16xf32>
        %add3A_369 = arith.addf %scan3A_145, %add3A_351 : vector<16xf32>
        %jit3A_370 = arith.constant 0.000000e+00 : f32
        %broadcast_in_dim3A_371 = vector.broadcast %jit3A_370 : f32 to vector<16xf32>
        %select_n3A_372 = arith.select %and3A, %add3A_369, %broadcast_in_dim3A_371 : vector<16xf32>
        %add3A_373 = arith.addf %scan3A_146, %add3A_360 : vector<16xf32>
        %jit3A_374 = arith.constant 0.000000e+00 : f32
        %broadcast_in_dim3A_375 = vector.broadcast %jit3A_374 : f32 to vector<16xf32>
        %select_n3A_376 = arith.select %and3A, %add3A_373, %broadcast_in_dim3A_375 : vector<16xf32>
        scf.yield %select_n3A_368, %select_n3A_372, %select_n3A_376 : vector<16xf32>, vector<16xf32>, vector<16xf32>
      }
      %scan3A_116 = arith.constant 50 : i32
      %dma_wait3A_117 = arith.constant 0 : i32
      %dma_wait3A_118 = tpu.memref_slice %arg2[%dma_wait3A_117] : memref<6400000xf32, #tpu.memory_space<hbm>> -> memref<8000xf32, #tpu.memory_space<hbm>>
      %dma_wait3A_119 = arith.constant 0 : i32
      %dma_wait3A_120 = tpu.memref_slice %arg2[%dma_wait3A_119] : memref<6400000xf32, #tpu.memory_space<hbm>> -> memref<8000xf32, #tpu.memory_space<hbm>>
      tpu.wait_dma2 semaphore(%arg19 : memref<!tpu.dma_semaphore, #tpu.memory_space<semaphore_mem>>) src(%dma_wait3A_120 : memref<8000xf32, #tpu.memory_space<hbm>>) dst(%arg11 : memref<8000xf32, #tpu.memory_space<vmem>>)
      %dma_wait3A_121 = arith.constant 0 : i32
      %dma_wait3A_122 = tpu.memref_slice %arg3[%dma_wait3A_121] : memref<6400000xf32, #tpu.memory_space<hbm>> -> memref<8000xf32, #tpu.memory_space<hbm>>
      %dma_wait3A_123 = arith.constant 0 : i32
      %dma_wait3A_124 = tpu.memref_slice %arg3[%dma_wait3A_123] : memref<6400000xf32, #tpu.memory_space<hbm>> -> memref<8000xf32, #tpu.memory_space<hbm>>
      tpu.wait_dma2 semaphore(%arg19 : memref<!tpu.dma_semaphore, #tpu.memory_space<semaphore_mem>>) src(%dma_wait3A_124 : memref<8000xf32, #tpu.memory_space<hbm>>) dst(%arg12 : memref<8000xf32, #tpu.memory_space<vmem>>)
      %dma_wait3A_125 = arith.constant 8 : i32
      %dma_wait3A_126 = tpu.memref_slice %arg13[%dma_wait3A_125] : memref<8016xi32, #tpu.memory_space<vmem>> -> memref<8000xi32, #tpu.memory_space<vmem>>
      %dma_wait3A_127 = arith.constant 0 : i32
      %dma_wait3A_128 = tpu.memref_slice %arg4[%dma_wait3A_127] : memref<6400000xi32, #tpu.memory_space<hbm>> -> memref<8000xi32, #tpu.memory_space<hbm>>
      %dma_wait3A_129 = arith.constant 8 : i32
      %dma_wait3A_130 = tpu.memref_slice %arg13[%dma_wait3A_129] : memref<8016xi32, #tpu.memory_space<vmem>> -> memref<8000xi32, #tpu.memory_space<vmem>>
      %dma_wait3A_131 = arith.constant 0 : i32
      %dma_wait3A_132 = tpu.memref_slice %arg4[%dma_wait3A_131] : memref<6400000xi32, #tpu.memory_space<hbm>> -> memref<8000xi32, #tpu.memory_space<hbm>>
      tpu.wait_dma2 semaphore(%arg19 : memref<!tpu.dma_semaphore, #tpu.memory_space<semaphore_mem>>) src(%dma_wait3A_132 : memref<8000xi32, #tpu.memory_space<hbm>>) dst(%dma_wait3A_130 : memref<8000xi32, #tpu.memory_space<vmem>>)
      %add3A_133 = arith.constant 2 : i32
      %add3A_134 = arith.addi %mul3A_77, %add3A_133 : i32
      %lt3A = arith.constant 25 : i32
      %lt3A_135 = arith.cmpi slt, %add3A_134, %lt3A : i32
      %convert_element_type3A = arith.extui %lt3A_135 : i1 to i32
      %cond3A = arith.constant 0 : i32
      %cond3A_136 = arith.cmpi ne, %convert_element_type3A, %cond3A : i32
      scf.if %cond3A_136 {
        %add3A_143 = arith.constant 2 : i32
        %add3A_144 = arith.addi %mul3A_77, %add3A_143 : i32
        %mul3A_145 = arith.constant 200000 : i32
        %mul3A_146 = arith.muli %add3A, %mul3A_145 : i32
        %mul3A_147 = arith.constant 8000 : i32
        %mul3A_148 = arith.muli %add3A_144, %mul3A_147 : i32
        %add3A_149 = arith.addi %mul3A_146, %mul3A_148 : i32
        %dma_start3A_150 = tpu.memref_slice %arg2[%add3A_149] : memref<6400000xf32, #tpu.memory_space<hbm>> -> memref<8000xf32, #tpu.memory_space<hbm>>
        %dma_start3A_151 = tpu.memref_slice %arg2[%add3A_149] : memref<6400000xf32, #tpu.memory_space<hbm>> -> memref<8000xf32, #tpu.memory_space<hbm>>
        tpu.enqueue_dma source(%dma_start3A_151 : memref<8000xf32, #tpu.memory_space<hbm>>) target(%arg8 : memref<8000xf32, #tpu.memory_space<vmem>>) target_semaphore(%arg18 : memref<!tpu.dma_semaphore, #tpu.memory_space<semaphore_mem>>)
        %dma_start3A_152 = tpu.memref_slice %arg3[%add3A_149] : memref<6400000xf32, #tpu.memory_space<hbm>> -> memref<8000xf32, #tpu.memory_space<hbm>>
        %dma_start3A_153 = tpu.memref_slice %arg3[%add3A_149] : memref<6400000xf32, #tpu.memory_space<hbm>> -> memref<8000xf32, #tpu.memory_space<hbm>>
        tpu.enqueue_dma source(%dma_start3A_153 : memref<8000xf32, #tpu.memory_space<hbm>>) target(%arg9 : memref<8000xf32, #tpu.memory_space<vmem>>) target_semaphore(%arg18 : memref<!tpu.dma_semaphore, #tpu.memory_space<semaphore_mem>>)
        %dma_start3A_154 = arith.constant 8 : i32
        %dma_start3A_155 = tpu.memref_slice %arg10[%dma_start3A_154] : memref<8016xi32, #tpu.memory_space<vmem>> -> memref<8000xi32, #tpu.memory_space<vmem>>
        %dma_start3A_156 = tpu.memref_slice %arg4[%add3A_149] : memref<6400000xi32, #tpu.memory_space<hbm>> -> memref<8000xi32, #tpu.memory_space<hbm>>
        %dma_start3A_157 = arith.constant 8 : i32
        %dma_start3A_158 = tpu.memref_slice %arg10[%dma_start3A_157] : memref<8016xi32, #tpu.memory_space<vmem>> -> memref<8000xi32, #tpu.memory_space<vmem>>
        %dma_start3A_159 = tpu.memref_slice %arg4[%add3A_149] : memref<6400000xi32, #tpu.memory_space<hbm>> -> memref<8000xi32, #tpu.memory_space<hbm>>
        tpu.enqueue_dma source(%dma_start3A_159 : memref<8000xi32, #tpu.memory_space<hbm>>) target(%dma_start3A_158 : memref<8000xi32, #tpu.memory_space<vmem>>) target_semaphore(%arg18 : memref<!tpu.dma_semaphore, #tpu.memory_space<semaphore_mem>>)
      } else {
      }
      %scan3A_137 = arith.constant 0 : i32
      %scan3A_138 = arith.constant 50 : i32
      %scan3A_139 = arith.addi %scan3A_137, %scan3A_138 : i32
      %scan3A_140 = arith.constant 1 : i32
      %scan3A_141:3 = scf.for %scan3A_143 = %scan3A_137 to %scan3A_139 step %scan3A_140 iter_args(%scan3A_144 = %scan3A_115#0, %scan3A_145 = %scan3A_115#1, %scan3A_146 = %scan3A_115#2) -> (vector<16xf32>, vector<16xf32>, vector<16xf32>)  : i32 {
        %mul3A_147 = arith.constant 160 : i32
        %mul3A_148 = arith.muli %scan3A_143, %mul3A_147 : i32
        %add3A_149 = arith.constant 8 : i32
        %add3A_150 = arith.addi %mul3A_148, %add3A_149 : i32
        %get3A_151 = arith.index_cast %add3A_150 : i32 to index
        %get3A_152 = tpu.vector_load %arg13[%get3A_151] {strides = array<i32>} : memref<8016xi32, #tpu.memory_space<vmem>>, vector<16xi32>,
        %slice3A = vector.extract_strided_slice %get3A_152 {offsets = [0], sizes = [1], strides = [1]} : vector<16xi32> to vector<1xi32>
        %squeeze3A = vector.extract %slice3A[0] : i32 from vector<1xi32>
        %add3A_153 = arith.constant 8 : i32
        %add3A_154 = arith.addi %mul3A_148, %add3A_153 : i32
        %add3A_155 = arith.constant 160 : i32
        %add3A_156 = arith.addi %add3A_154, %add3A_155 : i32
        %sub3A = arith.constant 16 : i32
        %sub3A_157 = arith.subi %add3A_156, %sub3A : i32
        %get3A_158 = arith.index_cast %sub3A_157 : i32 to index
        %get3A_159 = tpu.vector_load %arg13[%get3A_158] {strides = array<i32>} : memref<8016xi32, #tpu.memory_space<vmem>>, vector<16xi32>,
        %slice3A_160 = vector.extract_strided_slice %get3A_159 {offsets = [15], sizes = [1], strides = [1]} : vector<16xi32> to vector<1xi32>
        %squeeze3A_161 = vector.extract %slice3A_160[0] : i32 from vector<1xi32>
        %get3A_162 = arith.constant 0 : i32
        %get3A_163 = arith.index_cast %get3A_162 : i32 to index
        %get3A_164 = memref.load %arg17[%get3A_163] : memref<1xi32, #tpu.memory_space<smem>>
        %eq3A_165 = arith.cmpi eq, %squeeze3A, %get3A_164 : i32
        %eq3A_166 = arith.cmpi eq, %squeeze3A_161, %squeeze3A : i32
        %and3A = arith.andi %eq3A_165, %eq3A_166 : i1
        %add3A_167 = arith.constant 0 : i32
        %add3A_168 = arith.addi %mul3A_148, %add3A_167 : i32
        %get3A_169 = arith.index_cast %add3A_168 : i32 to index
        %get3A_170 = tpu.vector_load %arg11[%get3A_169] {strides = array<i32>} : memref<8000xf32, #tpu.memory_space<vmem>>, vector<16xf32>,
        %get3A_171 = arith.index_cast %add3A_168 : i32 to index
        %get3A_172 = tpu.vector_load %arg12[%get3A_171] {strides = array<i32>} : memref<8000xf32, #tpu.memory_space<vmem>>, vector<16xf32>,
        %gt3A = arith.constant 5.000000e-01 : f32
        %gt3A_173 = vector.broadcast %gt3A : f32 to vector<16xf32>
        %gt3A_174 = arith.cmpf ogt, %get3A_172, %gt3A_173 : vector<16xf32>
        %jit3A = arith.constant 1.000000e+00 : f32
        %jit3A_175 = arith.constant 0.000000e+00 : f32
        %broadcast_in_dim3A_176 = vector.broadcast %jit3A : f32 to vector<16xf32>
        %broadcast_in_dim3A_177 = vector.broadcast %jit3A_175 : f32 to vector<16xf32>
        %select_n3A = arith.select %gt3A_174, %broadcast_in_dim3A_176, %broadcast_in_dim3A_177 : vector<16xi1>, vector<16xf32>
        %jit3A_178 = arith.constant 0.000000e+00 : f32
        %broadcast_in_dim3A_179 = vector.broadcast %jit3A_178 : f32 to vector<16xf32>
        %select_n3A_180 = arith.select %gt3A_174, %get3A_170, %broadcast_in_dim3A_179 : vector<16xi1>, vector<16xf32>
        %add3A_181 = arith.constant 16 : i32
        %add3A_182 = arith.addi %mul3A_148, %add3A_181 : i32
        %get3A_183 = arith.index_cast %add3A_182 : i32 to index
        %get3A_184 = tpu.vector_load %arg11[%get3A_183] {strides = array<i32>} : memref<8000xf32, #tpu.memory_space<vmem>>, vector<16xf32>,
        %get3A_185 = arith.index_cast %add3A_182 : i32 to index
        %get3A_186 = tpu.vector_load %arg12[%get3A_185] {strides = array<i32>} : memref<8000xf32, #tpu.memory_space<vmem>>, vector<16xf32>,
        %gt3A_187 = arith.constant 5.000000e-01 : f32
        %gt3A_188 = vector.broadcast %gt3A_187 : f32 to vector<16xf32>
        %gt3A_189 = arith.cmpf ogt, %get3A_186, %gt3A_188 : vector<16xf32>
        %jit3A_190 = arith.constant 1.000000e+00 : f32
        %jit3A_191 = arith.constant 0.000000e+00 : f32
        %broadcast_in_dim3A_192 = vector.broadcast %jit3A_190 : f32 to vector<16xf32>
        %broadcast_in_dim3A_193 = vector.broadcast %jit3A_191 : f32 to vector<16xf32>
        %select_n3A_194 = arith.select %gt3A_189, %broadcast_in_dim3A_192, %broadcast_in_dim3A_193 : vector<16xi1>, vector<16xf32>
        %jit3A_195 = arith.constant 0.000000e+00 : f32
        %broadcast_in_dim3A_196 = vector.broadcast %jit3A_195 : f32 to vector<16xf32>
        %select_n3A_197 = arith.select %gt3A_189, %get3A_184, %broadcast_in_dim3A_196 : vector<16xi1>, vector<16xf32>
        %add3A_198 = arith.constant 32 : i32
        %add3A_199 = arith.addi %mul3A_148, %add3A_198 : i32
        %get3A_200 = arith.index_cast %add3A_199 : i32 to index
        %get3A_201 = tpu.vector_load %arg11[%get3A_200] {strides = array<i32>} : memref<8000xf32, #tpu.memory_space<vmem>>, vector<16xf32>,
        %get3A_202 = arith.index_cast %add3A_199 : i32 to index
        %get3A_203 = tpu.vector_load %arg12[%get3A_202] {strides = array<i32>} : memref<8000xf32, #tpu.memory_space<vmem>>, vector<16xf32>,
        %gt3A_204 = arith.constant 5.000000e-01 : f32
        %gt3A_205 = vector.broadcast %gt3A_204 : f32 to vector<16xf32>
        %gt3A_206 = arith.cmpf ogt, %get3A_203, %gt3A_205 : vector<16xf32>
        %jit3A_207 = arith.constant 1.000000e+00 : f32
        %jit3A_208 = arith.constant 0.000000e+00 : f32
        %broadcast_in_dim3A_209 = vector.broadcast %jit3A_207 : f32 to vector<16xf32>
        %broadcast_in_dim3A_210 = vector.broadcast %jit3A_208 : f32 to vector<16xf32>
        %select_n3A_211 = arith.select %gt3A_206, %broadcast_in_dim3A_209, %broadcast_in_dim3A_210 : vector<16xi1>, vector<16xf32>
        %jit3A_212 = arith.constant 0.000000e+00 : f32
        %broadcast_in_dim3A_213 = vector.broadcast %jit3A_212 : f32 to vector<16xf32>
        %select_n3A_214 = arith.select %gt3A_206, %get3A_201, %broadcast_in_dim3A_213 : vector<16xi1>, vector<16xf32>
        %add3A_215 = arith.constant 48 : i32
        %add3A_216 = arith.addi %mul3A_148, %add3A_215 : i32
        %get3A_217 = arith.index_cast %add3A_216 : i32 to index
        %get3A_218 = tpu.vector_load %arg11[%get3A_217] {strides = array<i32>} : memref<8000xf32, #tpu.memory_space<vmem>>, vector<16xf32>,
        %get3A_219 = arith.index_cast %add3A_216 : i32 to index
        %get3A_220 = tpu.vector_load %arg12[%get3A_219] {strides = array<i32>} : memref<8000xf32, #tpu.memory_space<vmem>>, vector<16xf32>,
        %gt3A_221 = arith.constant 5.000000e-01 : f32
        %gt3A_222 = vector.broadcast %gt3A_221 : f32 to vector<16xf32>
        %gt3A_223 = arith.cmpf ogt, %get3A_220, %gt3A_222 : vector<16xf32>
        %jit3A_224 = arith.constant 1.000000e+00 : f32
        %jit3A_225 = arith.constant 0.000000e+00 : f32
        %broadcast_in_dim3A_226 = vector.broadcast %jit3A_224 : f32 to vector<16xf32>
        %broadcast_in_dim3A_227 = vector.broadcast %jit3A_225 : f32 to vector<16xf32>
        %select_n3A_228 = arith.select %gt3A_223, %broadcast_in_dim3A_226, %broadcast_in_dim3A_227 : vector<16xi1>, vector<16xf32>
        %jit3A_229 = arith.constant 0.000000e+00 : f32
        %broadcast_in_dim3A_230 = vector.broadcast %jit3A_229 : f32 to vector<16xf32>
        %select_n3A_231 = arith.select %gt3A_223, %get3A_218, %broadcast_in_dim3A_230 : vector<16xi1>, vector<16xf32>
        %add3A_232 = arith.constant 64 : i32
        %add3A_233 = arith.addi %mul3A_148, %add3A_232 : i32
        %get3A_234 = arith.index_cast %add3A_233 : i32 to index
        %get3A_235 = tpu.vector_load %arg11[%get3A_234] {strides = array<i32>} : memref<8000xf32, #tpu.memory_space<vmem>>, vector<16xf32>,
        %get3A_236 = arith.index_cast %add3A_233 : i32 to index
        %get3A_237 = tpu.vector_load %arg12[%get3A_236] {strides = array<i32>} : memref<8000xf32, #tpu.memory_space<vmem>>, vector<16xf32>,
        %gt3A_238 = arith.constant 5.000000e-01 : f32
        %gt3A_239 = vector.broadcast %gt3A_238 : f32 to vector<16xf32>
        %gt3A_240 = arith.cmpf ogt, %get3A_237, %gt3A_239 : vector<16xf32>
        %jit3A_241 = arith.constant 1.000000e+00 : f32
        %jit3A_242 = arith.constant 0.000000e+00 : f32
        %broadcast_in_dim3A_243 = vector.broadcast %jit3A_241 : f32 to vector<16xf32>
        %broadcast_in_dim3A_244 = vector.broadcast %jit3A_242 : f32 to vector<16xf32>
        %select_n3A_245 = arith.select %gt3A_240, %broadcast_in_dim3A_243, %broadcast_in_dim3A_244 : vector<16xi1>, vector<16xf32>
        %jit3A_246 = arith.constant 0.000000e+00 : f32
        %broadcast_in_dim3A_247 = vector.broadcast %jit3A_246 : f32 to vector<16xf32>
        %select_n3A_248 = arith.select %gt3A_240, %get3A_235, %broadcast_in_dim3A_247 : vector<16xi1>, vector<16xf32>
        %add3A_249 = arith.constant 80 : i32
        %add3A_250 = arith.addi %mul3A_148, %add3A_249 : i32
        %get3A_251 = arith.index_cast %add3A_250 : i32 to index
        %get3A_252 = tpu.vector_load %arg11[%get3A_251] {strides = array<i32>} : memref<8000xf32, #tpu.memory_space<vmem>>, vector<16xf32>,
        %get3A_253 = arith.index_cast %add3A_250 : i32 to index
        %get3A_254 = tpu.vector_load %arg12[%get3A_253] {strides = array<i32>} : memref<8000xf32, #tpu.memory_space<vmem>>, vector<16xf32>,
        %gt3A_255 = arith.constant 5.000000e-01 : f32
        %gt3A_256 = vector.broadcast %gt3A_255 : f32 to vector<16xf32>
        %gt3A_257 = arith.cmpf ogt, %get3A_254, %gt3A_256 : vector<16xf32>
        %jit3A_258 = arith.constant 1.000000e+00 : f32
        %jit3A_259 = arith.constant 0.000000e+00 : f32
        %broadcast_in_dim3A_260 = vector.broadcast %jit3A_258 : f32 to vector<16xf32>
        %broadcast_in_dim3A_261 = vector.broadcast %jit3A_259 : f32 to vector<16xf32>
        %select_n3A_262 = arith.select %gt3A_257, %broadcast_in_dim3A_260, %broadcast_in_dim3A_261 : vector<16xi1>, vector<16xf32>
        %jit3A_263 = arith.constant 0.000000e+00 : f32
        %broadcast_in_dim3A_264 = vector.broadcast %jit3A_263 : f32 to vector<16xf32>
        %select_n3A_265 = arith.select %gt3A_257, %get3A_252, %broadcast_in_dim3A_264 : vector<16xi1>, vector<16xf32>
        %add3A_266 = arith.constant 96 : i32
        %add3A_267 = arith.addi %mul3A_148, %add3A_266 : i32
        %get3A_268 = arith.index_cast %add3A_267 : i32 to index
        %get3A_269 = tpu.vector_load %arg11[%get3A_268] {strides = array<i32>} : memref<8000xf32, #tpu.memory_space<vmem>>, vector<16xf32>,
        %get3A_270 = arith.index_cast %add3A_267 : i32 to index
        %get3A_271 = tpu.vector_load %arg12[%get3A_270] {strides = array<i32>} : memref<8000xf32, #tpu.memory_space<vmem>>, vector<16xf32>,
        %gt3A_272 = arith.constant 5.000000e-01 : f32
        %gt3A_273 = vector.broadcast %gt3A_272 : f32 to vector<16xf32>
        %gt3A_274 = arith.cmpf ogt, %get3A_271, %gt3A_273 : vector<16xf32>
        %jit3A_275 = arith.constant 1.000000e+00 : f32
        %jit3A_276 = arith.constant 0.000000e+00 : f32
        %broadcast_in_dim3A_277 = vector.broadcast %jit3A_275 : f32 to vector<16xf32>
        %broadcast_in_dim3A_278 = vector.broadcast %jit3A_276 : f32 to vector<16xf32>
        %select_n3A_279 = arith.select %gt3A_274, %broadcast_in_dim3A_277, %broadcast_in_dim3A_278 : vector<16xi1>, vector<16xf32>
        %jit3A_280 = arith.constant 0.000000e+00 : f32
        %broadcast_in_dim3A_281 = vector.broadcast %jit3A_280 : f32 to vector<16xf32>
        %select_n3A_282 = arith.select %gt3A_274, %get3A_269, %broadcast_in_dim3A_281 : vector<16xi1>, vector<16xf32>
        %add3A_283 = arith.constant 112 : i32
        %add3A_284 = arith.addi %mul3A_148, %add3A_283 : i32
        %get3A_285 = arith.index_cast %add3A_284 : i32 to index
        %get3A_286 = tpu.vector_load %arg11[%get3A_285] {strides = array<i32>} : memref<8000xf32, #tpu.memory_space<vmem>>, vector<16xf32>,
        %get3A_287 = arith.index_cast %add3A_284 : i32 to index
        %get3A_288 = tpu.vector_load %arg12[%get3A_287] {strides = array<i32>} : memref<8000xf32, #tpu.memory_space<vmem>>, vector<16xf32>,
        %gt3A_289 = arith.constant 5.000000e-01 : f32
        %gt3A_290 = vector.broadcast %gt3A_289 : f32 to vector<16xf32>
        %gt3A_291 = arith.cmpf ogt, %get3A_288, %gt3A_290 : vector<16xf32>
        %jit3A_292 = arith.constant 1.000000e+00 : f32
        %jit3A_293 = arith.constant 0.000000e+00 : f32
        %broadcast_in_dim3A_294 = vector.broadcast %jit3A_292 : f32 to vector<16xf32>
        %broadcast_in_dim3A_295 = vector.broadcast %jit3A_293 : f32 to vector<16xf32>
        %select_n3A_296 = arith.select %gt3A_291, %broadcast_in_dim3A_294, %broadcast_in_dim3A_295 : vector<16xi1>, vector<16xf32>
        %jit3A_297 = arith.constant 0.000000e+00 : f32
        %broadcast_in_dim3A_298 = vector.broadcast %jit3A_297 : f32 to vector<16xf32>
        %select_n3A_299 = arith.select %gt3A_291, %get3A_286, %broadcast_in_dim3A_298 : vector<16xi1>, vector<16xf32>
        %add3A_300 = arith.constant 128 : i32
        %add3A_301 = arith.addi %mul3A_148, %add3A_300 : i32
        %get3A_302 = arith.index_cast %add3A_301 : i32 to index
        %get3A_303 = tpu.vector_load %arg11[%get3A_302] {strides = array<i32>} : memref<8000xf32, #tpu.memory_space<vmem>>, vector<16xf32>,
        %get3A_304 = arith.index_cast %add3A_301 : i32 to index
        %get3A_305 = tpu.vector_load %arg12[%get3A_304] {strides = array<i32>} : memref<8000xf32, #tpu.memory_space<vmem>>, vector<16xf32>,
        %gt3A_306 = arith.constant 5.000000e-01 : f32
        %gt3A_307 = vector.broadcast %gt3A_306 : f32 to vector<16xf32>
        %gt3A_308 = arith.cmpf ogt, %get3A_305, %gt3A_307 : vector<16xf32>
        %jit3A_309 = arith.constant 1.000000e+00 : f32
        %jit3A_310 = arith.constant 0.000000e+00 : f32
        %broadcast_in_dim3A_311 = vector.broadcast %jit3A_309 : f32 to vector<16xf32>
        %broadcast_in_dim3A_312 = vector.broadcast %jit3A_310 : f32 to vector<16xf32>
        %select_n3A_313 = arith.select %gt3A_308, %broadcast_in_dim3A_311, %broadcast_in_dim3A_312 : vector<16xi1>, vector<16xf32>
        %jit3A_314 = arith.constant 0.000000e+00 : f32
        %broadcast_in_dim3A_315 = vector.broadcast %jit3A_314 : f32 to vector<16xf32>
        %select_n3A_316 = arith.select %gt3A_308, %get3A_303, %broadcast_in_dim3A_315 : vector<16xi1>, vector<16xf32>
        %add3A_317 = arith.constant 144 : i32
        %add3A_318 = arith.addi %mul3A_148, %add3A_317 : i32
        %get3A_319 = arith.index_cast %add3A_318 : i32 to index
        %get3A_320 = tpu.vector_load %arg11[%get3A_319] {strides = array<i32>} : memref<8000xf32, #tpu.memory_space<vmem>>, vector<16xf32>,
        %get3A_321 = arith.index_cast %add3A_318 : i32 to index
        %get3A_322 = tpu.vector_load %arg12[%get3A_321] {strides = array<i32>} : memref<8000xf32, #tpu.memory_space<vmem>>, vector<16xf32>,
        %gt3A_323 = arith.constant 5.000000e-01 : f32
        %gt3A_324 = vector.broadcast %gt3A_323 : f32 to vector<16xf32>
        %gt3A_325 = arith.cmpf ogt, %get3A_322, %gt3A_324 : vector<16xf32>
        %jit3A_326 = arith.constant 1.000000e+00 : f32
        %jit3A_327 = arith.constant 0.000000e+00 : f32
        %broadcast_in_dim3A_328 = vector.broadcast %jit3A_326 : f32 to vector<16xf32>
        %broadcast_in_dim3A_329 = vector.broadcast %jit3A_327 : f32 to vector<16xf32>
        %select_n3A_330 = arith.select %gt3A_325, %broadcast_in_dim3A_328, %broadcast_in_dim3A_329 : vector<16xi1>, vector<16xf32>
        %jit3A_331 = arith.constant 0.000000e+00 : f32
        %broadcast_in_dim3A_332 = vector.broadcast %jit3A_331 : f32 to vector<16xf32>
        %select_n3A_333 = arith.select %gt3A_325, %get3A_320, %broadcast_in_dim3A_332 : vector<16xi1>, vector<16xf32>
        %add3A_334 = arith.addf %select_n3A_180, %select_n3A_197 : vector<16xf32>
        %add3A_335 = arith.addf %select_n3A_214, %select_n3A_231 : vector<16xf32>
        %add3A_336 = arith.addf %select_n3A_248, %select_n3A_265 : vector<16xf32>
        %add3A_337 = arith.addf %select_n3A_282, %select_n3A_299 : vector<16xf32>
        %add3A_338 = arith.addf %select_n3A_316, %select_n3A_333 : vector<16xf32>
        %add3A_339 = arith.addf %add3A_334, %add3A_335 : vector<16xf32>
        %add3A_340 = arith.addf %add3A_336, %add3A_337 : vector<16xf32>
        %add3A_341 = arith.addf %add3A_339, %add3A_340 : vector<16xf32>
        %add3A_342 = arith.addf %add3A_341, %add3A_338 : vector<16xf32>
        %add3A_343 = arith.addf %get3A_170, %get3A_184 : vector<16xf32>
        %add3A_344 = arith.addf %get3A_201, %get3A_218 : vector<16xf32>
        %add3A_345 = arith.addf %get3A_235, %get3A_252 : vector<16xf32>
        %add3A_346 = arith.addf %get3A_269, %get3A_286 : vector<16xf32>
        %add3A_347 = arith.addf %get3A_303, %get3A_320 : vector<16xf32>
        %add3A_348 = arith.addf %add3A_343, %add3A_344 : vector<16xf32>
        %add3A_349 = arith.addf %add3A_345, %add3A_346 : vector<16xf32>
        %add3A_350 = arith.addf %add3A_348, %add3A_349 : vector<16xf32>
        %add3A_351 = arith.addf %add3A_350, %add3A_347 : vector<16xf32>
        %add3A_352 = arith.addf %select_n3A, %select_n3A_194 : vector<16xf32>
        %add3A_353 = arith.addf %select_n3A_211, %select_n3A_228 : vector<16xf32>
        %add3A_354 = arith.addf %select_n3A_245, %select_n3A_262 : vector<16xf32>
        %add3A_355 = arith.addf %select_n3A_279, %select_n3A_296 : vector<16xf32>
        %add3A_356 = arith.addf %select_n3A_313, %select_n3A_330 : vector<16xf32>
        %add3A_357 = arith.addf %add3A_352, %add3A_353 : vector<16xf32>
        %add3A_358 = arith.addf %add3A_354, %add3A_355 : vector<16xf32>
        %add3A_359 = arith.addf %add3A_357, %add3A_358 : vector<16xf32>
        %add3A_360 = arith.addf %add3A_359, %add3A_356 : vector<16xf32>
        %not3A = arith.constant true
        %not3A_361 = arith.xori %and3A, %not3A : i1
        %convert_element_type3A_362 = arith.extui %not3A_361 : i1 to i32
        %cond3A_363 = arith.constant 0 : i32
        %cond3A_364 = arith.cmpi ne, %convert_element_type3A_362, %cond3A_363 : i32
        scf.if %cond3A_364 {
          %get3A_377 = arith.constant 0 : i32
          %get3A_378 = arith.index_cast %get3A_377 : i32 to index
          %get3A_379 = memref.load %arg17[%get3A_378] : memref<1xi32, #tpu.memory_space<smem>>
          %broadcast_in_dim3A_380 = vector.broadcast %get3A_379 : i32 to vector<16xi32>
          %reduce_sum3A_381 = arith.constant true
          %reduce_sum3A_382 = vector.broadcast %reduce_sum3A_381 : i1 to vector<16xi1>
          %reduce_sum3A_383 = tpu.scan <sum>, %scan3A_144 masked %reduce_sum3A_382 : vector<16xf32>, vector<16xi1> -> vector<16xf32>
          %reduce_sum3A_384 = vector.extract %reduce_sum3A_383[15] : f32 from vector<16xf32>
          %broadcast_in_dim3A_385 = vector.broadcast %reduce_sum3A_384 : f32 to vector<16xf32>
          tpu.vector_store_idx %arg14[%broadcast_in_dim3A_380], %broadcast_in_dim3A_385 masked %eq3A_2 {add = true} : memref<4096xf32, #tpu.memory_space<vmem>>[vector<16xi32>], vector<16xf32>, vector<16xi1>
          %reduce_sum3A_386 = arith.constant true
          %reduce_sum3A_387 = vector.broadcast %reduce_sum3A_386 : i1 to vector<16xi1>
          %reduce_sum3A_388 = tpu.scan <sum>, %scan3A_145 masked %reduce_sum3A_387 : vector<16xf32>, vector<16xi1> -> vector<16xf32>
          %reduce_sum3A_389 = vector.extract %reduce_sum3A_388[15] : f32 from vector<16xf32>
          %broadcast_in_dim3A_390 = vector.broadcast %reduce_sum3A_389 : f32 to vector<16xf32>
          tpu.vector_store_idx %arg15[%broadcast_in_dim3A_380], %broadcast_in_dim3A_390 masked %eq3A_2 {add = true} : memref<4096xf32, #tpu.memory_space<vmem>>[vector<16xi32>], vector<16xf32>, vector<16xi1>
          %reduce_sum3A_391 = arith.constant true
          %reduce_sum3A_392 = vector.broadcast %reduce_sum3A_391 : i1 to vector<16xi1>
          %reduce_sum3A_393 = tpu.scan <sum>, %scan3A_146 masked %reduce_sum3A_392 : vector<16xf32>, vector<16xi1> -> vector<16xf32>
          %reduce_sum3A_394 = vector.extract %reduce_sum3A_393[15] : f32 from vector<16xf32>
          %broadcast_in_dim3A_395 = vector.broadcast %reduce_sum3A_394 : f32 to vector<16xf32>
          tpu.vector_store_idx %arg16[%broadcast_in_dim3A_380], %broadcast_in_dim3A_395 masked %eq3A_2 {add = true} : memref<4096xf32, #tpu.memory_space<vmem>>[vector<16xi32>], vector<16xf32>, vector<16xi1>
          %add3A_396 = arith.constant 0 : i32
          %add3A_397 = arith.addi %mul3A_148, %add3A_396 : i32
          %add3A_398 = arith.constant 8 : i32
          %add3A_399 = arith.addi %add3A_397, %add3A_398 : i32
          %get3A_400 = arith.index_cast %add3A_399 : i32 to index
          %get3A_401 = tpu.vector_load %arg13[%get3A_400] {strides = array<i32>} : memref<8016xi32, #tpu.memory_space<vmem>>, vector<16xi32>,
          %add3A_402 = arith.constant 7 : i32
          %add3A_403 = arith.addi %add3A_397, %add3A_402 : i32
          %get3A_404 = arith.index_cast %add3A_403 : i32 to index
          %get3A_405 = tpu.vector_load %arg13[%get3A_404] {strides = array<i32>} : memref<8016xi32, #tpu.memory_space<vmem>>, vector<16xi32>,
          %add3A_406 = arith.constant 9 : i32
          %add3A_407 = arith.addi %add3A_397, %add3A_406 : i32
          %get3A_408 = arith.index_cast %add3A_407 : i32 to index
          %get3A_409 = tpu.vector_load %arg13[%get3A_408] {strides = array<i32>} : memref<8016xi32, #tpu.memory_space<vmem>>, vector<16xi32>,
          %ne3A = arith.cmpi ne, %get3A_401, %get3A_409 : vector<16xi32>
          %or3A = arith.ori %ne3A, %eq3A_5 : vector<16xi1>
          %ne3A_410 = arith.cmpi ne, %get3A_401, %get3A_405 : vector<16xi32>
          %or3A_411 = arith.ori %ne3A_410, %eq3A_2 : vector<16xi1>
          %get3A_412 = arith.index_cast %add3A_397 : i32 to index
          %get3A_413 = tpu.vector_load %arg11[%get3A_412] {strides = array<i32>} : memref<8000xf32, #tpu.memory_space<vmem>>, vector<16xf32>,
          %get3A_414 = arith.index_cast %add3A_397 : i32 to index
          %get3A_415 = tpu.vector_load %arg12[%get3A_414] {strides = array<i32>} : memref<8000xf32, #tpu.memory_space<vmem>>, vector<16xf32>,
          %gt3A_416 = arith.constant 5.000000e-01 : f32
          %gt3A_417 = vector.broadcast %gt3A_416 : f32 to vector<16xf32>
          %gt3A_418 = arith.cmpf ogt, %get3A_415, %gt3A_417 : vector<16xf32>
          %jit3A_419 = arith.constant 1.000000e+00 : f32
          %jit3A_420 = arith.constant 0.000000e+00 : f32
          %broadcast_in_dim3A_421 = vector.broadcast %jit3A_419 : f32 to vector<16xf32>
          %broadcast_in_dim3A_422 = vector.broadcast %jit3A_420 : f32 to vector<16xf32>
          %select_n3A_423 = arith.select %gt3A_418, %broadcast_in_dim3A_421, %broadcast_in_dim3A_422 : vector<16xi1>, vector<16xf32>
          %jit3A_424 = arith.constant 0.000000e+00 : f32
          %broadcast_in_dim3A_425 = vector.broadcast %jit3A_424 : f32 to vector<16xf32>
          %select_n3A_426 = arith.select %gt3A_418, %get3A_413, %broadcast_in_dim3A_425 : vector<16xi1>, vector<16xf32>
          %broadcast_in_dim3A_427 = arith.constant true
          %broadcast_in_dim3A_428 = vector.broadcast %broadcast_in_dim3A_427 : i1 to vector<16xi1>
          %masked_cumsum3A = tpu.scan <sum>, %select_n3A_426 masked %broadcast_in_dim3A_428 : vector<16xf32>, vector<16xi1> -> vector<16xf32>
          tpu.vector_store_idx %arg14[%get3A_401], %masked_cumsum3A masked %or3A {add = true} : memref<4096xf32, #tpu.memory_space<vmem>>[vector<16xi32>], vector<16xf32>, vector<16xi1>
          %sub3A_429 = arith.subf %select_n3A_426, %masked_cumsum3A : vector<16xf32>
          tpu.vector_store_idx %arg14[%get3A_401], %sub3A_429 masked %or3A_411 {add = true} : memref<4096xf32, #tpu.memory_space<vmem>>[vector<16xi32>], vector<16xf32>, vector<16xi1>
          %broadcast_in_dim3A_430 = arith.constant true
          %broadcast_in_dim3A_431 = vector.broadcast %broadcast_in_dim3A_430 : i1 to vector<16xi1>
          %masked_cumsum3A_432 = tpu.scan <sum>, %get3A_413 masked %broadcast_in_dim3A_431 : vector<16xf32>, vector<16xi1> -> vector<16xf32>
          tpu.vector_store_idx %arg15[%get3A_401], %masked_cumsum3A_432 masked %or3A {add = true} : memref<4096xf32, #tpu.memory_space<vmem>>[vector<16xi32>], vector<16xf32>, vector<16xi1>
          %sub3A_433 = arith.subf %get3A_413, %masked_cumsum3A_432 : vector<16xf32>
          tpu.vector_store_idx %arg15[%get3A_401], %sub3A_433 masked %or3A_411 {add = true} : memref<4096xf32, #tpu.memory_space<vmem>>[vector<16xi32>], vector<16xf32>, vector<16xi1>
          %broadcast_in_dim3A_434 = arith.constant true
          %broadcast_in_dim3A_435 = vector.broadcast %broadcast_in_dim3A_434 : i1 to vector<16xi1>
          %masked_cumsum3A_436 = tpu.scan <sum>, %select_n3A_423 masked %broadcast_in_dim3A_435 : vector<16xf32>, vector<16xi1> -> vector<16xf32>
          tpu.vector_store_idx %arg16[%get3A_401], %masked_cumsum3A_436 masked %or3A {add = true} : memref<4096xf32, #tpu.memory_space<vmem>>[vector<16xi32>], vector<16xf32>, vector<16xi1>
          %sub3A_437 = arith.subf %select_n3A_423, %masked_cumsum3A_436 : vector<16xf32>
          tpu.vector_store_idx %arg16[%get3A_401], %sub3A_437 masked %or3A_411 {add = true} : memref<4096xf32, #tpu.memory_space<vmem>>[vector<16xi32>], vector<16xf32>, vector<16xi1>
          %add3A_438 = arith.constant 16 : i32
          %add3A_439 = arith.addi %mul3A_148, %add3A_438 : i32
          %add3A_440 = arith.constant 8 : i32
          %add3A_441 = arith.addi %add3A_439, %add3A_440 : i32
          %get3A_442 = arith.index_cast %add3A_441 : i32 to index
          %get3A_443 = tpu.vector_load %arg13[%get3A_442] {strides = array<i32>} : memref<8016xi32, #tpu.memory_space<vmem>>, vector<16xi32>,
          %add3A_444 = arith.constant 7 : i32
          %add3A_445 = arith.addi %add3A_439, %add3A_444 : i32
          %get3A_446 = arith.index_cast %add3A_445 : i32 to index
          %get3A_447 = tpu.vector_load %arg13[%get3A_446] {strides = array<i32>} : memref<8016xi32, #tpu.memory_space<vmem>>, vector<16xi32>,
          %add3A_448 = arith.constant 9 : i32
          %add3A_449 = arith.addi %add3A_439, %add3A_448 : i32
          %get3A_450 = arith.index_cast %add3A_449 : i32 to index
          %get3A_451 = tpu.vector_load %arg13[%get3A_450] {strides = array<i32>} : memref<8016xi32, #tpu.memory_space<vmem>>, vector<16xi32>,
          %ne3A_452 = arith.cmpi ne, %get3A_443, %get3A_451 : vector<16xi32>
          %or3A_453 = arith.ori %ne3A_452, %eq3A_5 : vector<16xi1>
          %ne3A_454 = arith.cmpi ne, %get3A_443, %get3A_447 : vector<16xi32>
          %or3A_455 = arith.ori %ne3A_454, %eq3A_2 : vector<16xi1>
          %get3A_456 = arith.index_cast %add3A_439 : i32 to index
          %get3A_457 = tpu.vector_load %arg11[%get3A_456] {strides = array<i32>} : memref<8000xf32, #tpu.memory_space<vmem>>, vector<16xf32>,
          %get3A_458 = arith.index_cast %add3A_439 : i32 to index
          %get3A_459 = tpu.vector_load %arg12[%get3A_458] {strides = array<i32>} : memref<8000xf32, #tpu.memory_space<vmem>>, vector<16xf32>,
          %gt3A_460 = arith.constant 5.000000e-01 : f32
          %gt3A_461 = vector.broadcast %gt3A_460 : f32 to vector<16xf32>
          %gt3A_462 = arith.cmpf ogt, %get3A_459, %gt3A_461 : vector<16xf32>
          %jit3A_463 = arith.constant 1.000000e+00 : f32
          %jit3A_464 = arith.constant 0.000000e+00 : f32
          %broadcast_in_dim3A_465 = vector.broadcast %jit3A_463 : f32 to vector<16xf32>
          %broadcast_in_dim3A_466 = vector.broadcast %jit3A_464 : f32 to vector<16xf32>
          %select_n3A_467 = arith.select %gt3A_462, %broadcast_in_dim3A_465, %broadcast_in_dim3A_466 : vector<16xi1>, vector<16xf32>
          %jit3A_468 = arith.constant 0.000000e+00 : f32
          %broadcast_in_dim3A_469 = vector.broadcast %jit3A_468 : f32 to vector<16xf32>
          %select_n3A_470 = arith.select %gt3A_462, %get3A_457, %broadcast_in_dim3A_469 : vector<16xi1>, vector<16xf32>
          %broadcast_in_dim3A_471 = arith.constant true
          %broadcast_in_dim3A_472 = vector.broadcast %broadcast_in_dim3A_471 : i1 to vector<16xi1>
          %masked_cumsum3A_473 = tpu.scan <sum>, %select_n3A_470 masked %broadcast_in_dim3A_472 : vector<16xf32>, vector<16xi1> -> vector<16xf32>
          tpu.vector_store_idx %arg14[%get3A_443], %masked_cumsum3A_473 masked %or3A_453 {add = true} : memref<4096xf32, #tpu.memory_space<vmem>>[vector<16xi32>], vector<16xf32>, vector<16xi1>
          %sub3A_474 = arith.subf %select_n3A_470, %masked_cumsum3A_473 : vector<16xf32>
          tpu.vector_store_idx %arg14[%get3A_443], %sub3A_474 masked %or3A_455 {add = true} : memref<4096xf32, #tpu.memory_space<vmem>>[vector<16xi32>], vector<16xf32>, vector<16xi1>
          %broadcast_in_dim3A_475 = arith.constant true
          %broadcast_in_dim3A_476 = vector.broadcast %broadcast_in_dim3A_475 : i1 to vector<16xi1>
          %masked_cumsum3A_477 = tpu.scan <sum>, %get3A_457 masked %broadcast_in_dim3A_476 : vector<16xf32>, vector<16xi1> -> vector<16xf32>
          tpu.vector_store_idx %arg15[%get3A_443], %masked_cumsum3A_477 masked %or3A_453 {add = true} : memref<4096xf32, #tpu.memory_space<vmem>>[vector<16xi32>], vector<16xf32>, vector<16xi1>
          %sub3A_478 = arith.subf %get3A_457, %masked_cumsum3A_477 : vector<16xf32>
          tpu.vector_store_idx %arg15[%get3A_443], %sub3A_478 masked %or3A_455 {add = true} : memref<4096xf32, #tpu.memory_space<vmem>>[vector<16xi32>], vector<16xf32>, vector<16xi1>
          %broadcast_in_dim3A_479 = arith.constant true
          %broadcast_in_dim3A_480 = vector.broadcast %broadcast_in_dim3A_479 : i1 to vector<16xi1>
          %masked_cumsum3A_481 = tpu.scan <sum>, %select_n3A_467 masked %broadcast_in_dim3A_480 : vector<16xf32>, vector<16xi1> -> vector<16xf32>
          tpu.vector_store_idx %arg16[%get3A_443], %masked_cumsum3A_481 masked %or3A_453 {add = true} : memref<4096xf32, #tpu.memory_space<vmem>>[vector<16xi32>], vector<16xf32>, vector<16xi1>
          %sub3A_482 = arith.subf %select_n3A_467, %masked_cumsum3A_481 : vector<16xf32>
          tpu.vector_store_idx %arg16[%get3A_443], %sub3A_482 masked %or3A_455 {add = true} : memref<4096xf32, #tpu.memory_space<vmem>>[vector<16xi32>], vector<16xf32>, vector<16xi1>
          %add3A_483 = arith.constant 32 : i32
          %add3A_484 = arith.addi %mul3A_148, %add3A_483 : i32
          %add3A_485 = arith.constant 8 : i32
          %add3A_486 = arith.addi %add3A_484, %add3A_485 : i32
          %get3A_487 = arith.index_cast %add3A_486 : i32 to index
          %get3A_488 = tpu.vector_load %arg13[%get3A_487] {strides = array<i32>} : memref<8016xi32, #tpu.memory_space<vmem>>, vector<16xi32>,
          %add3A_489 = arith.constant 7 : i32
          %add3A_490 = arith.addi %add3A_484, %add3A_489 : i32
          %get3A_491 = arith.index_cast %add3A_490 : i32 to index
          %get3A_492 = tpu.vector_load %arg13[%get3A_491] {strides = array<i32>} : memref<8016xi32, #tpu.memory_space<vmem>>, vector<16xi32>,
          %add3A_493 = arith.constant 9 : i32
          %add3A_494 = arith.addi %add3A_484, %add3A_493 : i32
          %get3A_495 = arith.index_cast %add3A_494 : i32 to index
          %get3A_496 = tpu.vector_load %arg13[%get3A_495] {strides = array<i32>} : memref<8016xi32, #tpu.memory_space<vmem>>, vector<16xi32>,
          %ne3A_497 = arith.cmpi ne, %get3A_488, %get3A_496 : vector<16xi32>
          %or3A_498 = arith.ori %ne3A_497, %eq3A_5 : vector<16xi1>
          %ne3A_499 = arith.cmpi ne, %get3A_488, %get3A_492 : vector<16xi32>
          %or3A_500 = arith.ori %ne3A_499, %eq3A_2 : vector<16xi1>
          %get3A_501 = arith.index_cast %add3A_484 : i32 to index
          %get3A_502 = tpu.vector_load %arg11[%get3A_501] {strides = array<i32>} : memref<8000xf32, #tpu.memory_space<vmem>>, vector<16xf32>,
          %get3A_503 = arith.index_cast %add3A_484 : i32 to index
          %get3A_504 = tpu.vector_load %arg12[%get3A_503] {strides = array<i32>} : memref<8000xf32, #tpu.memory_space<vmem>>, vector<16xf32>,
          %gt3A_505 = arith.constant 5.000000e-01 : f32
          %gt3A_506 = vector.broadcast %gt3A_505 : f32 to vector<16xf32>
          %gt3A_507 = arith.cmpf ogt, %get3A_504, %gt3A_506 : vector<16xf32>
          %jit3A_508 = arith.constant 1.000000e+00 : f32
          %jit3A_509 = arith.constant 0.000000e+00 : f32
          %broadcast_in_dim3A_510 = vector.broadcast %jit3A_508 : f32 to vector<16xf32>
          %broadcast_in_dim3A_511 = vector.broadcast %jit3A_509 : f32 to vector<16xf32>
          %select_n3A_512 = arith.select %gt3A_507, %broadcast_in_dim3A_510, %broadcast_in_dim3A_511 : vector<16xi1>, vector<16xf32>
          %jit3A_513 = arith.constant 0.000000e+00 : f32
          %broadcast_in_dim3A_514 = vector.broadcast %jit3A_513 : f32 to vector<16xf32>
          %select_n3A_515 = arith.select %gt3A_507, %get3A_502, %broadcast_in_dim3A_514 : vector<16xi1>, vector<16xf32>
          %broadcast_in_dim3A_516 = arith.constant true
          %broadcast_in_dim3A_517 = vector.broadcast %broadcast_in_dim3A_516 : i1 to vector<16xi1>
          %masked_cumsum3A_518 = tpu.scan <sum>, %select_n3A_515 masked %broadcast_in_dim3A_517 : vector<16xf32>, vector<16xi1> -> vector<16xf32>
          tpu.vector_store_idx %arg14[%get3A_488], %masked_cumsum3A_518 masked %or3A_498 {add = true} : memref<4096xf32, #tpu.memory_space<vmem>>[vector<16xi32>], vector<16xf32>, vector<16xi1>
          %sub3A_519 = arith.subf %select_n3A_515, %masked_cumsum3A_518 : vector<16xf32>
          tpu.vector_store_idx %arg14[%get3A_488], %sub3A_519 masked %or3A_500 {add = true} : memref<4096xf32, #tpu.memory_space<vmem>>[vector<16xi32>], vector<16xf32>, vector<16xi1>
          %broadcast_in_dim3A_520 = arith.constant true
          %broadcast_in_dim3A_521 = vector.broadcast %broadcast_in_dim3A_520 : i1 to vector<16xi1>
          %masked_cumsum3A_522 = tpu.scan <sum>, %get3A_502 masked %broadcast_in_dim3A_521 : vector<16xf32>, vector<16xi1> -> vector<16xf32>
          tpu.vector_store_idx %arg15[%get3A_488], %masked_cumsum3A_522 masked %or3A_498 {add = true} : memref<4096xf32, #tpu.memory_space<vmem>>[vector<16xi32>], vector<16xf32>, vector<16xi1>
          %sub3A_523 = arith.subf %get3A_502, %masked_cumsum3A_522 : vector<16xf32>
          tpu.vector_store_idx %arg15[%get3A_488], %sub3A_523 masked %or3A_500 {add = true} : memref<4096xf32, #tpu.memory_space<vmem>>[vector<16xi32>], vector<16xf32>, vector<16xi1>
          %broadcast_in_dim3A_524 = arith.constant true
          %broadcast_in_dim3A_525 = vector.broadcast %broadcast_in_dim3A_524 : i1 to vector<16xi1>
          %masked_cumsum3A_526 = tpu.scan <sum>, %select_n3A_512 masked %broadcast_in_dim3A_525 : vector<16xf32>, vector<16xi1> -> vector<16xf32>
          tpu.vector_store_idx %arg16[%get3A_488], %masked_cumsum3A_526 masked %or3A_498 {add = true} : memref<4096xf32, #tpu.memory_space<vmem>>[vector<16xi32>], vector<16xf32>, vector<16xi1>
          %sub3A_527 = arith.subf %select_n3A_512, %masked_cumsum3A_526 : vector<16xf32>
          tpu.vector_store_idx %arg16[%get3A_488], %sub3A_527 masked %or3A_500 {add = true} : memref<4096xf32, #tpu.memory_space<vmem>>[vector<16xi32>], vector<16xf32>, vector<16xi1>
          %add3A_528 = arith.constant 48 : i32
          %add3A_529 = arith.addi %mul3A_148, %add3A_528 : i32
          %add3A_530 = arith.constant 8 : i32
          %add3A_531 = arith.addi %add3A_529, %add3A_530 : i32
          %get3A_532 = arith.index_cast %add3A_531 : i32 to index
          %get3A_533 = tpu.vector_load %arg13[%get3A_532] {strides = array<i32>} : memref<8016xi32, #tpu.memory_space<vmem>>, vector<16xi32>,
          %add3A_534 = arith.constant 7 : i32
          %add3A_535 = arith.addi %add3A_529, %add3A_534 : i32
          %get3A_536 = arith.index_cast %add3A_535 : i32 to index
          %get3A_537 = tpu.vector_load %arg13[%get3A_536] {strides = array<i32>} : memref<8016xi32, #tpu.memory_space<vmem>>, vector<16xi32>,
          %add3A_538 = arith.constant 9 : i32
          %add3A_539 = arith.addi %add3A_529, %add3A_538 : i32
          %get3A_540 = arith.index_cast %add3A_539 : i32 to index
          %get3A_541 = tpu.vector_load %arg13[%get3A_540] {strides = array<i32>} : memref<8016xi32, #tpu.memory_space<vmem>>, vector<16xi32>,
          %ne3A_542 = arith.cmpi ne, %get3A_533, %get3A_541 : vector<16xi32>
          %or3A_543 = arith.ori %ne3A_542, %eq3A_5 : vector<16xi1>
          %ne3A_544 = arith.cmpi ne, %get3A_533, %get3A_537 : vector<16xi32>
          %or3A_545 = arith.ori %ne3A_544, %eq3A_2 : vector<16xi1>
          %get3A_546 = arith.index_cast %add3A_529 : i32 to index
          %get3A_547 = tpu.vector_load %arg11[%get3A_546] {strides = array<i32>} : memref<8000xf32, #tpu.memory_space<vmem>>, vector<16xf32>,
          %get3A_548 = arith.index_cast %add3A_529 : i32 to index
          %get3A_549 = tpu.vector_load %arg12[%get3A_548] {strides = array<i32>} : memref<8000xf32, #tpu.memory_space<vmem>>, vector<16xf32>,
          %gt3A_550 = arith.constant 5.000000e-01 : f32
          %gt3A_551 = vector.broadcast %gt3A_550 : f32 to vector<16xf32>
          %gt3A_552 = arith.cmpf ogt, %get3A_549, %gt3A_551 : vector<16xf32>
          %jit3A_553 = arith.constant 1.000000e+00 : f32
          %jit3A_554 = arith.constant 0.000000e+00 : f32
          %broadcast_in_dim3A_555 = vector.broadcast %jit3A_553 : f32 to vector<16xf32>
          %broadcast_in_dim3A_556 = vector.broadcast %jit3A_554 : f32 to vector<16xf32>
          %select_n3A_557 = arith.select %gt3A_552, %broadcast_in_dim3A_555, %broadcast_in_dim3A_556 : vector<16xi1>, vector<16xf32>
          %jit3A_558 = arith.constant 0.000000e+00 : f32
          %broadcast_in_dim3A_559 = vector.broadcast %jit3A_558 : f32 to vector<16xf32>
          %select_n3A_560 = arith.select %gt3A_552, %get3A_547, %broadcast_in_dim3A_559 : vector<16xi1>, vector<16xf32>
          %broadcast_in_dim3A_561 = arith.constant true
          %broadcast_in_dim3A_562 = vector.broadcast %broadcast_in_dim3A_561 : i1 to vector<16xi1>
          %masked_cumsum3A_563 = tpu.scan <sum>, %select_n3A_560 masked %broadcast_in_dim3A_562 : vector<16xf32>, vector<16xi1> -> vector<16xf32>
          tpu.vector_store_idx %arg14[%get3A_533], %masked_cumsum3A_563 masked %or3A_543 {add = true} : memref<4096xf32, #tpu.memory_space<vmem>>[vector<16xi32>], vector<16xf32>, vector<16xi1>
          %sub3A_564 = arith.subf %select_n3A_560, %masked_cumsum3A_563 : vector<16xf32>
          tpu.vector_store_idx %arg14[%get3A_533], %sub3A_564 masked %or3A_545 {add = true} : memref<4096xf32, #tpu.memory_space<vmem>>[vector<16xi32>], vector<16xf32>, vector<16xi1>
          %broadcast_in_dim3A_565 = arith.constant true
          %broadcast_in_dim3A_566 = vector.broadcast %broadcast_in_dim3A_565 : i1 to vector<16xi1>
          %masked_cumsum3A_567 = tpu.scan <sum>, %get3A_547 masked %broadcast_in_dim3A_566 : vector<16xf32>, vector<16xi1> -> vector<16xf32>
          tpu.vector_store_idx %arg15[%get3A_533], %masked_cumsum3A_567 masked %or3A_543 {add = true} : memref<4096xf32, #tpu.memory_space<vmem>>[vector<16xi32>], vector<16xf32>, vector<16xi1>
          %sub3A_568 = arith.subf %get3A_547, %masked_cumsum3A_567 : vector<16xf32>
          tpu.vector_store_idx %arg15[%get3A_533], %sub3A_568 masked %or3A_545 {add = true} : memref<4096xf32, #tpu.memory_space<vmem>>[vector<16xi32>], vector<16xf32>, vector<16xi1>
          %broadcast_in_dim3A_569 = arith.constant true
          %broadcast_in_dim3A_570 = vector.broadcast %broadcast_in_dim3A_569 : i1 to vector<16xi1>
          %masked_cumsum3A_571 = tpu.scan <sum>, %select_n3A_557 masked %broadcast_in_dim3A_570 : vector<16xf32>, vector<16xi1> -> vector<16xf32>
          tpu.vector_store_idx %arg16[%get3A_533], %masked_cumsum3A_571 masked %or3A_543 {add = true} : memref<4096xf32, #tpu.memory_space<vmem>>[vector<16xi32>], vector<16xf32>, vector<16xi1>
          %sub3A_572 = arith.subf %select_n3A_557, %masked_cumsum3A_571 : vector<16xf32>
          tpu.vector_store_idx %arg16[%get3A_533], %sub3A_572 masked %or3A_545 {add = true} : memref<4096xf32, #tpu.memory_space<vmem>>[vector<16xi32>], vector<16xf32>, vector<16xi1>
          %add3A_573 = arith.constant 64 : i32
          %add3A_574 = arith.addi %mul3A_148, %add3A_573 : i32
          %add3A_575 = arith.constant 8 : i32
          %add3A_576 = arith.addi %add3A_574, %add3A_575 : i32
          %get3A_577 = arith.index_cast %add3A_576 : i32 to index
          %get3A_578 = tpu.vector_load %arg13[%get3A_577] {strides = array<i32>} : memref<8016xi32, #tpu.memory_space<vmem>>, vector<16xi32>,
          %add3A_579 = arith.constant 7 : i32
          %add3A_580 = arith.addi %add3A_574, %add3A_579 : i32
          %get3A_581 = arith.index_cast %add3A_580 : i32 to index
          %get3A_582 = tpu.vector_load %arg13[%get3A_581] {strides = array<i32>} : memref<8016xi32, #tpu.memory_space<vmem>>, vector<16xi32>,
          %add3A_583 = arith.constant 9 : i32
          %add3A_584 = arith.addi %add3A_574, %add3A_583 : i32
          %get3A_585 = arith.index_cast %add3A_584 : i32 to index
          %get3A_586 = tpu.vector_load %arg13[%get3A_585] {strides = array<i32>} : memref<8016xi32, #tpu.memory_space<vmem>>, vector<16xi32>,
          %ne3A_587 = arith.cmpi ne, %get3A_578, %get3A_586 : vector<16xi32>
          %or3A_588 = arith.ori %ne3A_587, %eq3A_5 : vector<16xi1>
          %ne3A_589 = arith.cmpi ne, %get3A_578, %get3A_582 : vector<16xi32>
          %or3A_590 = arith.ori %ne3A_589, %eq3A_2 : vector<16xi1>
          %get3A_591 = arith.index_cast %add3A_574 : i32 to index
          %get3A_592 = tpu.vector_load %arg11[%get3A_591] {strides = array<i32>} : memref<8000xf32, #tpu.memory_space<vmem>>, vector<16xf32>,
          %get3A_593 = arith.index_cast %add3A_574 : i32 to index
          %get3A_594 = tpu.vector_load %arg12[%get3A_593] {strides = array<i32>} : memref<8000xf32, #tpu.memory_space<vmem>>, vector<16xf32>,
          %gt3A_595 = arith.constant 5.000000e-01 : f32
          %gt3A_596 = vector.broadcast %gt3A_595 : f32 to vector<16xf32>
          %gt3A_597 = arith.cmpf ogt, %get3A_594, %gt3A_596 : vector<16xf32>
          %jit3A_598 = arith.constant 1.000000e+00 : f32
          %jit3A_599 = arith.constant 0.000000e+00 : f32
          %broadcast_in_dim3A_600 = vector.broadcast %jit3A_598 : f32 to vector<16xf32>
          %broadcast_in_dim3A_601 = vector.broadcast %jit3A_599 : f32 to vector<16xf32>
          %select_n3A_602 = arith.select %gt3A_597, %broadcast_in_dim3A_600, %broadcast_in_dim3A_601 : vector<16xi1>, vector<16xf32>
          %jit3A_603 = arith.constant 0.000000e+00 : f32
          %broadcast_in_dim3A_604 = vector.broadcast %jit3A_603 : f32 to vector<16xf32>
          %select_n3A_605 = arith.select %gt3A_597, %get3A_592, %broadcast_in_dim3A_604 : vector<16xi1>, vector<16xf32>
          %broadcast_in_dim3A_606 = arith.constant true
          %broadcast_in_dim3A_607 = vector.broadcast %broadcast_in_dim3A_606 : i1 to vector<16xi1>
          %masked_cumsum3A_608 = tpu.scan <sum>, %select_n3A_605 masked %broadcast_in_dim3A_607 : vector<16xf32>, vector<16xi1> -> vector<16xf32>
          tpu.vector_store_idx %arg14[%get3A_578], %masked_cumsum3A_608 masked %or3A_588 {add = true} : memref<4096xf32, #tpu.memory_space<vmem>>[vector<16xi32>], vector<16xf32>, vector<16xi1>
          %sub3A_609 = arith.subf %select_n3A_605, %masked_cumsum3A_608 : vector<16xf32>
          tpu.vector_store_idx %arg14[%get3A_578], %sub3A_609 masked %or3A_590 {add = true} : memref<4096xf32, #tpu.memory_space<vmem>>[vector<16xi32>], vector<16xf32>, vector<16xi1>
          %broadcast_in_dim3A_610 = arith.constant true
          %broadcast_in_dim3A_611 = vector.broadcast %broadcast_in_dim3A_610 : i1 to vector<16xi1>
          %masked_cumsum3A_612 = tpu.scan <sum>, %get3A_592 masked %broadcast_in_dim3A_611 : vector<16xf32>, vector<16xi1> -> vector<16xf32>
          tpu.vector_store_idx %arg15[%get3A_578], %masked_cumsum3A_612 masked %or3A_588 {add = true} : memref<4096xf32, #tpu.memory_space<vmem>>[vector<16xi32>], vector<16xf32>, vector<16xi1>
          %sub3A_613 = arith.subf %get3A_592, %masked_cumsum3A_612 : vector<16xf32>
          tpu.vector_store_idx %arg15[%get3A_578], %sub3A_613 masked %or3A_590 {add = true} : memref<4096xf32, #tpu.memory_space<vmem>>[vector<16xi32>], vector<16xf32>, vector<16xi1>
          %broadcast_in_dim3A_614 = arith.constant true
          %broadcast_in_dim3A_615 = vector.broadcast %broadcast_in_dim3A_614 : i1 to vector<16xi1>
          %masked_cumsum3A_616 = tpu.scan <sum>, %select_n3A_602 masked %broadcast_in_dim3A_615 : vector<16xf32>, vector<16xi1> -> vector<16xf32>
          tpu.vector_store_idx %arg16[%get3A_578], %masked_cumsum3A_616 masked %or3A_588 {add = true} : memref<4096xf32, #tpu.memory_space<vmem>>[vector<16xi32>], vector<16xf32>, vector<16xi1>
          %sub3A_617 = arith.subf %select_n3A_602, %masked_cumsum3A_616 : vector<16xf32>
          tpu.vector_store_idx %arg16[%get3A_578], %sub3A_617 masked %or3A_590 {add = true} : memref<4096xf32, #tpu.memory_space<vmem>>[vector<16xi32>], vector<16xf32>, vector<16xi1>
          %add3A_618 = arith.constant 80 : i32
          %add3A_619 = arith.addi %mul3A_148, %add3A_618 : i32
          %add3A_620 = arith.constant 8 : i32
          %add3A_621 = arith.addi %add3A_619, %add3A_620 : i32
          %get3A_622 = arith.index_cast %add3A_621 : i32 to index
          %get3A_623 = tpu.vector_load %arg13[%get3A_622] {strides = array<i32>} : memref<8016xi32, #tpu.memory_space<vmem>>, vector<16xi32>,
          %add3A_624 = arith.constant 7 : i32
          %add3A_625 = arith.addi %add3A_619, %add3A_624 : i32
          %get3A_626 = arith.index_cast %add3A_625 : i32 to index
          %get3A_627 = tpu.vector_load %arg13[%get3A_626] {strides = array<i32>} : memref<8016xi32, #tpu.memory_space<vmem>>, vector<16xi32>,
          %add3A_628 = arith.constant 9 : i32
          %add3A_629 = arith.addi %add3A_619, %add3A_628 : i32
          %get3A_630 = arith.index_cast %add3A_629 : i32 to index
          %get3A_631 = tpu.vector_load %arg13[%get3A_630] {strides = array<i32>} : memref<8016xi32, #tpu.memory_space<vmem>>, vector<16xi32>,
          %ne3A_632 = arith.cmpi ne, %get3A_623, %get3A_631 : vector<16xi32>
          %or3A_633 = arith.ori %ne3A_632, %eq3A_5 : vector<16xi1>
          %ne3A_634 = arith.cmpi ne, %get3A_623, %get3A_627 : vector<16xi32>
          %or3A_635 = arith.ori %ne3A_634, %eq3A_2 : vector<16xi1>
          %get3A_636 = arith.index_cast %add3A_619 : i32 to index
          %get3A_637 = tpu.vector_load %arg11[%get3A_636] {strides = array<i32>} : memref<8000xf32, #tpu.memory_space<vmem>>, vector<16xf32>,
          %get3A_638 = arith.index_cast %add3A_619 : i32 to index
          %get3A_639 = tpu.vector_load %arg12[%get3A_638] {strides = array<i32>} : memref<8000xf32, #tpu.memory_space<vmem>>, vector<16xf32>,
          %gt3A_640 = arith.constant 5.000000e-01 : f32
          %gt3A_641 = vector.broadcast %gt3A_640 : f32 to vector<16xf32>
          %gt3A_642 = arith.cmpf ogt, %get3A_639, %gt3A_641 : vector<16xf32>
          %jit3A_643 = arith.constant 1.000000e+00 : f32
          %jit3A_644 = arith.constant 0.000000e+00 : f32
          %broadcast_in_dim3A_645 = vector.broadcast %jit3A_643 : f32 to vector<16xf32>
          %broadcast_in_dim3A_646 = vector.broadcast %jit3A_644 : f32 to vector<16xf32>
          %select_n3A_647 = arith.select %gt3A_642, %broadcast_in_dim3A_645, %broadcast_in_dim3A_646 : vector<16xi1>, vector<16xf32>
          %jit3A_648 = arith.constant 0.000000e+00 : f32
          %broadcast_in_dim3A_649 = vector.broadcast %jit3A_648 : f32 to vector<16xf32>
          %select_n3A_650 = arith.select %gt3A_642, %get3A_637, %broadcast_in_dim3A_649 : vector<16xi1>, vector<16xf32>
          %broadcast_in_dim3A_651 = arith.constant true
          %broadcast_in_dim3A_652 = vector.broadcast %broadcast_in_dim3A_651 : i1 to vector<16xi1>
          %masked_cumsum3A_653 = tpu.scan <sum>, %select_n3A_650 masked %broadcast_in_dim3A_652 : vector<16xf32>, vector<16xi1> -> vector<16xf32>
          tpu.vector_store_idx %arg14[%get3A_623], %masked_cumsum3A_653 masked %or3A_633 {add = true} : memref<4096xf32, #tpu.memory_space<vmem>>[vector<16xi32>], vector<16xf32>, vector<16xi1>
          %sub3A_654 = arith.subf %select_n3A_650, %masked_cumsum3A_653 : vector<16xf32>
          tpu.vector_store_idx %arg14[%get3A_623], %sub3A_654 masked %or3A_635 {add = true} : memref<4096xf32, #tpu.memory_space<vmem>>[vector<16xi32>], vector<16xf32>, vector<16xi1>
          %broadcast_in_dim3A_655 = arith.constant true
          %broadcast_in_dim3A_656 = vector.broadcast %broadcast_in_dim3A_655 : i1 to vector<16xi1>
          %masked_cumsum3A_657 = tpu.scan <sum>, %get3A_637 masked %broadcast_in_dim3A_656 : vector<16xf32>, vector<16xi1> -> vector<16xf32>
          tpu.vector_store_idx %arg15[%get3A_623], %masked_cumsum3A_657 masked %or3A_633 {add = true} : memref<4096xf32, #tpu.memory_space<vmem>>[vector<16xi32>], vector<16xf32>, vector<16xi1>
          %sub3A_658 = arith.subf %get3A_637, %masked_cumsum3A_657 : vector<16xf32>
          tpu.vector_store_idx %arg15[%get3A_623], %sub3A_658 masked %or3A_635 {add = true} : memref<4096xf32, #tpu.memory_space<vmem>>[vector<16xi32>], vector<16xf32>, vector<16xi1>
          %broadcast_in_dim3A_659 = arith.constant true
          %broadcast_in_dim3A_660 = vector.broadcast %broadcast_in_dim3A_659 : i1 to vector<16xi1>
          %masked_cumsum3A_661 = tpu.scan <sum>, %select_n3A_647 masked %broadcast_in_dim3A_660 : vector<16xf32>, vector<16xi1> -> vector<16xf32>
          tpu.vector_store_idx %arg16[%get3A_623], %masked_cumsum3A_661 masked %or3A_633 {add = true} : memref<4096xf32, #tpu.memory_space<vmem>>[vector<16xi32>], vector<16xf32>, vector<16xi1>
          %sub3A_662 = arith.subf %select_n3A_647, %masked_cumsum3A_661 : vector<16xf32>
          tpu.vector_store_idx %arg16[%get3A_623], %sub3A_662 masked %or3A_635 {add = true} : memref<4096xf32, #tpu.memory_space<vmem>>[vector<16xi32>], vector<16xf32>, vector<16xi1>
          %add3A_663 = arith.constant 96 : i32
          %add3A_664 = arith.addi %mul3A_148, %add3A_663 : i32
          %add3A_665 = arith.constant 8 : i32
          %add3A_666 = arith.addi %add3A_664, %add3A_665 : i32
          %get3A_667 = arith.index_cast %add3A_666 : i32 to index
          %get3A_668 = tpu.vector_load %arg13[%get3A_667] {strides = array<i32>} : memref<8016xi32, #tpu.memory_space<vmem>>, vector<16xi32>,
          %add3A_669 = arith.constant 7 : i32
          %add3A_670 = arith.addi %add3A_664, %add3A_669 : i32
          %get3A_671 = arith.index_cast %add3A_670 : i32 to index
          %get3A_672 = tpu.vector_load %arg13[%get3A_671] {strides = array<i32>} : memref<8016xi32, #tpu.memory_space<vmem>>, vector<16xi32>,
          %add3A_673 = arith.constant 9 : i32
          %add3A_674 = arith.addi %add3A_664, %add3A_673 : i32
          %get3A_675 = arith.index_cast %add3A_674 : i32 to index
          %get3A_676 = tpu.vector_load %arg13[%get3A_675] {strides = array<i32>} : memref<8016xi32, #tpu.memory_space<vmem>>, vector<16xi32>,
          %ne3A_677 = arith.cmpi ne, %get3A_668, %get3A_676 : vector<16xi32>
          %or3A_678 = arith.ori %ne3A_677, %eq3A_5 : vector<16xi1>
          %ne3A_679 = arith.cmpi ne, %get3A_668, %get3A_672 : vector<16xi32>
          %or3A_680 = arith.ori %ne3A_679, %eq3A_2 : vector<16xi1>
          %get3A_681 = arith.index_cast %add3A_664 : i32 to index
          %get3A_682 = tpu.vector_load %arg11[%get3A_681] {strides = array<i32>} : memref<8000xf32, #tpu.memory_space<vmem>>, vector<16xf32>,
          %get3A_683 = arith.index_cast %add3A_664 : i32 to index
          %get3A_684 = tpu.vector_load %arg12[%get3A_683] {strides = array<i32>} : memref<8000xf32, #tpu.memory_space<vmem>>, vector<16xf32>,
          %gt3A_685 = arith.constant 5.000000e-01 : f32
          %gt3A_686 = vector.broadcast %gt3A_685 : f32 to vector<16xf32>
          %gt3A_687 = arith.cmpf ogt, %get3A_684, %gt3A_686 : vector<16xf32>
          %jit3A_688 = arith.constant 1.000000e+00 : f32
          %jit3A_689 = arith.constant 0.000000e+00 : f32
          %broadcast_in_dim3A_690 = vector.broadcast %jit3A_688 : f32 to vector<16xf32>
          %broadcast_in_dim3A_691 = vector.broadcast %jit3A_689 : f32 to vector<16xf32>
          %select_n3A_692 = arith.select %gt3A_687, %broadcast_in_dim3A_690, %broadcast_in_dim3A_691 : vector<16xi1>, vector<16xf32>
          %jit3A_693 = arith.constant 0.000000e+00 : f32
          %broadcast_in_dim3A_694 = vector.broadcast %jit3A_693 : f32 to vector<16xf32>
          %select_n3A_695 = arith.select %gt3A_687, %get3A_682, %broadcast_in_dim3A_694 : vector<16xi1>, vector<16xf32>
          %broadcast_in_dim3A_696 = arith.constant true
          %broadcast_in_dim3A_697 = vector.broadcast %broadcast_in_dim3A_696 : i1 to vector<16xi1>
          %masked_cumsum3A_698 = tpu.scan <sum>, %select_n3A_695 masked %broadcast_in_dim3A_697 : vector<16xf32>, vector<16xi1> -> vector<16xf32>
          tpu.vector_store_idx %arg14[%get3A_668], %masked_cumsum3A_698 masked %or3A_678 {add = true} : memref<4096xf32, #tpu.memory_space<vmem>>[vector<16xi32>], vector<16xf32>, vector<16xi1>
          %sub3A_699 = arith.subf %select_n3A_695, %masked_cumsum3A_698 : vector<16xf32>
          tpu.vector_store_idx %arg14[%get3A_668], %sub3A_699 masked %or3A_680 {add = true} : memref<4096xf32, #tpu.memory_space<vmem>>[vector<16xi32>], vector<16xf32>, vector<16xi1>
          %broadcast_in_dim3A_700 = arith.constant true
          %broadcast_in_dim3A_701 = vector.broadcast %broadcast_in_dim3A_700 : i1 to vector<16xi1>
          %masked_cumsum3A_702 = tpu.scan <sum>, %get3A_682 masked %broadcast_in_dim3A_701 : vector<16xf32>, vector<16xi1> -> vector<16xf32>
          tpu.vector_store_idx %arg15[%get3A_668], %masked_cumsum3A_702 masked %or3A_678 {add = true} : memref<4096xf32, #tpu.memory_space<vmem>>[vector<16xi32>], vector<16xf32>, vector<16xi1>
          %sub3A_703 = arith.subf %get3A_682, %masked_cumsum3A_702 : vector<16xf32>
          tpu.vector_store_idx %arg15[%get3A_668], %sub3A_703 masked %or3A_680 {add = true} : memref<4096xf32, #tpu.memory_space<vmem>>[vector<16xi32>], vector<16xf32>, vector<16xi1>
          %broadcast_in_dim3A_704 = arith.constant true
          %broadcast_in_dim3A_705 = vector.broadcast %broadcast_in_dim3A_704 : i1 to vector<16xi1>
          %masked_cumsum3A_706 = tpu.scan <sum>, %select_n3A_692 masked %broadcast_in_dim3A_705 : vector<16xf32>, vector<16xi1> -> vector<16xf32>
          tpu.vector_store_idx %arg16[%get3A_668], %masked_cumsum3A_706 masked %or3A_678 {add = true} : memref<4096xf32, #tpu.memory_space<vmem>>[vector<16xi32>], vector<16xf32>, vector<16xi1>
          %sub3A_707 = arith.subf %select_n3A_692, %masked_cumsum3A_706 : vector<16xf32>
          tpu.vector_store_idx %arg16[%get3A_668], %sub3A_707 masked %or3A_680 {add = true} : memref<4096xf32, #tpu.memory_space<vmem>>[vector<16xi32>], vector<16xf32>, vector<16xi1>
          %add3A_708 = arith.constant 112 : i32
          %add3A_709 = arith.addi %mul3A_148, %add3A_708 : i32
          %add3A_710 = arith.constant 8 : i32
          %add3A_711 = arith.addi %add3A_709, %add3A_710 : i32
          %get3A_712 = arith.index_cast %add3A_711 : i32 to index
          %get3A_713 = tpu.vector_load %arg13[%get3A_712] {strides = array<i32>} : memref<8016xi32, #tpu.memory_space<vmem>>, vector<16xi32>,
          %add3A_714 = arith.constant 7 : i32
          %add3A_715 = arith.addi %add3A_709, %add3A_714 : i32
          %get3A_716 = arith.index_cast %add3A_715 : i32 to index
          %get3A_717 = tpu.vector_load %arg13[%get3A_716] {strides = array<i32>} : memref<8016xi32, #tpu.memory_space<vmem>>, vector<16xi32>,
          %add3A_718 = arith.constant 9 : i32
          %add3A_719 = arith.addi %add3A_709, %add3A_718 : i32
          %get3A_720 = arith.index_cast %add3A_719 : i32 to index
          %get3A_721 = tpu.vector_load %arg13[%get3A_720] {strides = array<i32>} : memref<8016xi32, #tpu.memory_space<vmem>>, vector<16xi32>,
          %ne3A_722 = arith.cmpi ne, %get3A_713, %get3A_721 : vector<16xi32>
          %or3A_723 = arith.ori %ne3A_722, %eq3A_5 : vector<16xi1>
          %ne3A_724 = arith.cmpi ne, %get3A_713, %get3A_717 : vector<16xi32>
          %or3A_725 = arith.ori %ne3A_724, %eq3A_2 : vector<16xi1>
          %get3A_726 = arith.index_cast %add3A_709 : i32 to index
          %get3A_727 = tpu.vector_load %arg11[%get3A_726] {strides = array<i32>} : memref<8000xf32, #tpu.memory_space<vmem>>, vector<16xf32>,
          %get3A_728 = arith.index_cast %add3A_709 : i32 to index
          %get3A_729 = tpu.vector_load %arg12[%get3A_728] {strides = array<i32>} : memref<8000xf32, #tpu.memory_space<vmem>>, vector<16xf32>,
          %gt3A_730 = arith.constant 5.000000e-01 : f32
          %gt3A_731 = vector.broadcast %gt3A_730 : f32 to vector<16xf32>
          %gt3A_732 = arith.cmpf ogt, %get3A_729, %gt3A_731 : vector<16xf32>
          %jit3A_733 = arith.constant 1.000000e+00 : f32
          %jit3A_734 = arith.constant 0.000000e+00 : f32
          %broadcast_in_dim3A_735 = vector.broadcast %jit3A_733 : f32 to vector<16xf32>
          %broadcast_in_dim3A_736 = vector.broadcast %jit3A_734 : f32 to vector<16xf32>
          %select_n3A_737 = arith.select %gt3A_732, %broadcast_in_dim3A_735, %broadcast_in_dim3A_736 : vector<16xi1>, vector<16xf32>
          %jit3A_738 = arith.constant 0.000000e+00 : f32
          %broadcast_in_dim3A_739 = vector.broadcast %jit3A_738 : f32 to vector<16xf32>
          %select_n3A_740 = arith.select %gt3A_732, %get3A_727, %broadcast_in_dim3A_739 : vector<16xi1>, vector<16xf32>
          %broadcast_in_dim3A_741 = arith.constant true
          %broadcast_in_dim3A_742 = vector.broadcast %broadcast_in_dim3A_741 : i1 to vector<16xi1>
          %masked_cumsum3A_743 = tpu.scan <sum>, %select_n3A_740 masked %broadcast_in_dim3A_742 : vector<16xf32>, vector<16xi1> -> vector<16xf32>
          tpu.vector_store_idx %arg14[%get3A_713], %masked_cumsum3A_743 masked %or3A_723 {add = true} : memref<4096xf32, #tpu.memory_space<vmem>>[vector<16xi32>], vector<16xf32>, vector<16xi1>
          %sub3A_744 = arith.subf %select_n3A_740, %masked_cumsum3A_743 : vector<16xf32>
          tpu.vector_store_idx %arg14[%get3A_713], %sub3A_744 masked %or3A_725 {add = true} : memref<4096xf32, #tpu.memory_space<vmem>>[vector<16xi32>], vector<16xf32>, vector<16xi1>
          %broadcast_in_dim3A_745 = arith.constant true
          %broadcast_in_dim3A_746 = vector.broadcast %broadcast_in_dim3A_745 : i1 to vector<16xi1>
          %masked_cumsum3A_747 = tpu.scan <sum>, %get3A_727 masked %broadcast_in_dim3A_746 : vector<16xf32>, vector<16xi1> -> vector<16xf32>
          tpu.vector_store_idx %arg15[%get3A_713], %masked_cumsum3A_747 masked %or3A_723 {add = true} : memref<4096xf32, #tpu.memory_space<vmem>>[vector<16xi32>], vector<16xf32>, vector<16xi1>
          %sub3A_748 = arith.subf %get3A_727, %masked_cumsum3A_747 : vector<16xf32>
          tpu.vector_store_idx %arg15[%get3A_713], %sub3A_748 masked %or3A_725 {add = true} : memref<4096xf32, #tpu.memory_space<vmem>>[vector<16xi32>], vector<16xf32>, vector<16xi1>
          %broadcast_in_dim3A_749 = arith.constant true
          %broadcast_in_dim3A_750 = vector.broadcast %broadcast_in_dim3A_749 : i1 to vector<16xi1>
          %masked_cumsum3A_751 = tpu.scan <sum>, %select_n3A_737 masked %broadcast_in_dim3A_750 : vector<16xf32>, vector<16xi1> -> vector<16xf32>
          tpu.vector_store_idx %arg16[%get3A_713], %masked_cumsum3A_751 masked %or3A_723 {add = true} : memref<4096xf32, #tpu.memory_space<vmem>>[vector<16xi32>], vector<16xf32>, vector<16xi1>
          %sub3A_752 = arith.subf %select_n3A_737, %masked_cumsum3A_751 : vector<16xf32>
          tpu.vector_store_idx %arg16[%get3A_713], %sub3A_752 masked %or3A_725 {add = true} : memref<4096xf32, #tpu.memory_space<vmem>>[vector<16xi32>], vector<16xf32>, vector<16xi1>
          %add3A_753 = arith.constant 128 : i32
          %add3A_754 = arith.addi %mul3A_148, %add3A_753 : i32
          %add3A_755 = arith.constant 8 : i32
          %add3A_756 = arith.addi %add3A_754, %add3A_755 : i32
          %get3A_757 = arith.index_cast %add3A_756 : i32 to index
          %get3A_758 = tpu.vector_load %arg13[%get3A_757] {strides = array<i32>} : memref<8016xi32, #tpu.memory_space<vmem>>, vector<16xi32>,
          %add3A_759 = arith.constant 7 : i32
          %add3A_760 = arith.addi %add3A_754, %add3A_759 : i32
          %get3A_761 = arith.index_cast %add3A_760 : i32 to index
          %get3A_762 = tpu.vector_load %arg13[%get3A_761] {strides = array<i32>} : memref<8016xi32, #tpu.memory_space<vmem>>, vector<16xi32>,
          %add3A_763 = arith.constant 9 : i32
          %add3A_764 = arith.addi %add3A_754, %add3A_763 : i32
          %get3A_765 = arith.index_cast %add3A_764 : i32 to index
          %get3A_766 = tpu.vector_load %arg13[%get3A_765] {strides = array<i32>} : memref<8016xi32, #tpu.memory_space<vmem>>, vector<16xi32>,
          %ne3A_767 = arith.cmpi ne, %get3A_758, %get3A_766 : vector<16xi32>
          %or3A_768 = arith.ori %ne3A_767, %eq3A_5 : vector<16xi1>
          %ne3A_769 = arith.cmpi ne, %get3A_758, %get3A_762 : vector<16xi32>
          %or3A_770 = arith.ori %ne3A_769, %eq3A_2 : vector<16xi1>
          %get3A_771 = arith.index_cast %add3A_754 : i32 to index
          %get3A_772 = tpu.vector_load %arg11[%get3A_771] {strides = array<i32>} : memref<8000xf32, #tpu.memory_space<vmem>>, vector<16xf32>,
          %get3A_773 = arith.index_cast %add3A_754 : i32 to index
          %get3A_774 = tpu.vector_load %arg12[%get3A_773] {strides = array<i32>} : memref<8000xf32, #tpu.memory_space<vmem>>, vector<16xf32>,
          %gt3A_775 = arith.constant 5.000000e-01 : f32
          %gt3A_776 = vector.broadcast %gt3A_775 : f32 to vector<16xf32>
          %gt3A_777 = arith.cmpf ogt, %get3A_774, %gt3A_776 : vector<16xf32>
          %jit3A_778 = arith.constant 1.000000e+00 : f32
          %jit3A_779 = arith.constant 0.000000e+00 : f32
          %broadcast_in_dim3A_780 = vector.broadcast %jit3A_778 : f32 to vector<16xf32>
          %broadcast_in_dim3A_781 = vector.broadcast %jit3A_779 : f32 to vector<16xf32>
          %select_n3A_782 = arith.select %gt3A_777, %broadcast_in_dim3A_780, %broadcast_in_dim3A_781 : vector<16xi1>, vector<16xf32>
          %jit3A_783 = arith.constant 0.000000e+00 : f32
          %broadcast_in_dim3A_784 = vector.broadcast %jit3A_783 : f32 to vector<16xf32>
          %select_n3A_785 = arith.select %gt3A_777, %get3A_772, %broadcast_in_dim3A_784 : vector<16xi1>, vector<16xf32>
          %broadcast_in_dim3A_786 = arith.constant true
          %broadcast_in_dim3A_787 = vector.broadcast %broadcast_in_dim3A_786 : i1 to vector<16xi1>
          %masked_cumsum3A_788 = tpu.scan <sum>, %select_n3A_785 masked %broadcast_in_dim3A_787 : vector<16xf32>, vector<16xi1> -> vector<16xf32>
          tpu.vector_store_idx %arg14[%get3A_758], %masked_cumsum3A_788 masked %or3A_768 {add = true} : memref<4096xf32, #tpu.memory_space<vmem>>[vector<16xi32>], vector<16xf32>, vector<16xi1>
          %sub3A_789 = arith.subf %select_n3A_785, %masked_cumsum3A_788 : vector<16xf32>
          tpu.vector_store_idx %arg14[%get3A_758], %sub3A_789 masked %or3A_770 {add = true} : memref<4096xf32, #tpu.memory_space<vmem>>[vector<16xi32>], vector<16xf32>, vector<16xi1>
          %broadcast_in_dim3A_790 = arith.constant true
          %broadcast_in_dim3A_791 = vector.broadcast %broadcast_in_dim3A_790 : i1 to vector<16xi1>
          %masked_cumsum3A_792 = tpu.scan <sum>, %get3A_772 masked %broadcast_in_dim3A_791 : vector<16xf32>, vector<16xi1> -> vector<16xf32>
          tpu.vector_store_idx %arg15[%get3A_758], %masked_cumsum3A_792 masked %or3A_768 {add = true} : memref<4096xf32, #tpu.memory_space<vmem>>[vector<16xi32>], vector<16xf32>, vector<16xi1>
          %sub3A_793 = arith.subf %get3A_772, %masked_cumsum3A_792 : vector<16xf32>
          tpu.vector_store_idx %arg15[%get3A_758], %sub3A_793 masked %or3A_770 {add = true} : memref<4096xf32, #tpu.memory_space<vmem>>[vector<16xi32>], vector<16xf32>, vector<16xi1>
          %broadcast_in_dim3A_794 = arith.constant true
          %broadcast_in_dim3A_795 = vector.broadcast %broadcast_in_dim3A_794 : i1 to vector<16xi1>
          %masked_cumsum3A_796 = tpu.scan <sum>, %select_n3A_782 masked %broadcast_in_dim3A_795 : vector<16xf32>, vector<16xi1> -> vector<16xf32>
          tpu.vector_store_idx %arg16[%get3A_758], %masked_cumsum3A_796 masked %or3A_768 {add = true} : memref<4096xf32, #tpu.memory_space<vmem>>[vector<16xi32>], vector<16xf32>, vector<16xi1>
          %sub3A_797 = arith.subf %select_n3A_782, %masked_cumsum3A_796 : vector<16xf32>
          tpu.vector_store_idx %arg16[%get3A_758], %sub3A_797 masked %or3A_770 {add = true} : memref<4096xf32, #tpu.memory_space<vmem>>[vector<16xi32>], vector<16xf32>, vector<16xi1>
          %add3A_798 = arith.constant 144 : i32
          %add3A_799 = arith.addi %mul3A_148, %add3A_798 : i32
          %add3A_800 = arith.constant 8 : i32
          %add3A_801 = arith.addi %add3A_799, %add3A_800 : i32
          %get3A_802 = arith.index_cast %add3A_801 : i32 to index
          %get3A_803 = tpu.vector_load %arg13[%get3A_802] {strides = array<i32>} : memref<8016xi32, #tpu.memory_space<vmem>>, vector<16xi32>,
          %add3A_804 = arith.constant 7 : i32
          %add3A_805 = arith.addi %add3A_799, %add3A_804 : i32
          %get3A_806 = arith.index_cast %add3A_805 : i32 to index
          %get3A_807 = tpu.vector_load %arg13[%get3A_806] {strides = array<i32>} : memref<8016xi32, #tpu.memory_space<vmem>>, vector<16xi32>,
          %add3A_808 = arith.constant 9 : i32
          %add3A_809 = arith.addi %add3A_799, %add3A_808 : i32
          %get3A_810 = arith.index_cast %add3A_809 : i32 to index
          %get3A_811 = tpu.vector_load %arg13[%get3A_810] {strides = array<i32>} : memref<8016xi32, #tpu.memory_space<vmem>>, vector<16xi32>,
          %ne3A_812 = arith.cmpi ne, %get3A_803, %get3A_811 : vector<16xi32>
          %or3A_813 = arith.ori %ne3A_812, %eq3A_5 : vector<16xi1>
          %ne3A_814 = arith.cmpi ne, %get3A_803, %get3A_807 : vector<16xi32>
          %or3A_815 = arith.ori %ne3A_814, %eq3A_2 : vector<16xi1>
          %get3A_816 = arith.index_cast %add3A_799 : i32 to index
          %get3A_817 = tpu.vector_load %arg11[%get3A_816] {strides = array<i32>} : memref<8000xf32, #tpu.memory_space<vmem>>, vector<16xf32>,
          %get3A_818 = arith.index_cast %add3A_799 : i32 to index
          %get3A_819 = tpu.vector_load %arg12[%get3A_818] {strides = array<i32>} : memref<8000xf32, #tpu.memory_space<vmem>>, vector<16xf32>,
          %gt3A_820 = arith.constant 5.000000e-01 : f32
          %gt3A_821 = vector.broadcast %gt3A_820 : f32 to vector<16xf32>
          %gt3A_822 = arith.cmpf ogt, %get3A_819, %gt3A_821 : vector<16xf32>
          %jit3A_823 = arith.constant 1.000000e+00 : f32
          %jit3A_824 = arith.constant 0.000000e+00 : f32
          %broadcast_in_dim3A_825 = vector.broadcast %jit3A_823 : f32 to vector<16xf32>
          %broadcast_in_dim3A_826 = vector.broadcast %jit3A_824 : f32 to vector<16xf32>
          %select_n3A_827 = arith.select %gt3A_822, %broadcast_in_dim3A_825, %broadcast_in_dim3A_826 : vector<16xi1>, vector<16xf32>
          %jit3A_828 = arith.constant 0.000000e+00 : f32
          %broadcast_in_dim3A_829 = vector.broadcast %jit3A_828 : f32 to vector<16xf32>
          %select_n3A_830 = arith.select %gt3A_822, %get3A_817, %broadcast_in_dim3A_829 : vector<16xi1>, vector<16xf32>
          %broadcast_in_dim3A_831 = arith.constant true
          %broadcast_in_dim3A_832 = vector.broadcast %broadcast_in_dim3A_831 : i1 to vector<16xi1>
          %masked_cumsum3A_833 = tpu.scan <sum>, %select_n3A_830 masked %broadcast_in_dim3A_832 : vector<16xf32>, vector<16xi1> -> vector<16xf32>
          tpu.vector_store_idx %arg14[%get3A_803], %masked_cumsum3A_833 masked %or3A_813 {add = true} : memref<4096xf32, #tpu.memory_space<vmem>>[vector<16xi32>], vector<16xf32>, vector<16xi1>
          %sub3A_834 = arith.subf %select_n3A_830, %masked_cumsum3A_833 : vector<16xf32>
          tpu.vector_store_idx %arg14[%get3A_803], %sub3A_834 masked %or3A_815 {add = true} : memref<4096xf32, #tpu.memory_space<vmem>>[vector<16xi32>], vector<16xf32>, vector<16xi1>
          %broadcast_in_dim3A_835 = arith.constant true
          %broadcast_in_dim3A_836 = vector.broadcast %broadcast_in_dim3A_835 : i1 to vector<16xi1>
          %masked_cumsum3A_837 = tpu.scan <sum>, %get3A_817 masked %broadcast_in_dim3A_836 : vector<16xf32>, vector<16xi1> -> vector<16xf32>
          tpu.vector_store_idx %arg15[%get3A_803], %masked_cumsum3A_837 masked %or3A_813 {add = true} : memref<4096xf32, #tpu.memory_space<vmem>>[vector<16xi32>], vector<16xf32>, vector<16xi1>
          %sub3A_838 = arith.subf %get3A_817, %masked_cumsum3A_837 : vector<16xf32>
          tpu.vector_store_idx %arg15[%get3A_803], %sub3A_838 masked %or3A_815 {add = true} : memref<4096xf32, #tpu.memory_space<vmem>>[vector<16xi32>], vector<16xf32>, vector<16xi1>
          %broadcast_in_dim3A_839 = arith.constant true
          %broadcast_in_dim3A_840 = vector.broadcast %broadcast_in_dim3A_839 : i1 to vector<16xi1>
          %masked_cumsum3A_841 = tpu.scan <sum>, %select_n3A_827 masked %broadcast_in_dim3A_840 : vector<16xf32>, vector<16xi1> -> vector<16xf32>
          tpu.vector_store_idx %arg16[%get3A_803], %masked_cumsum3A_841 masked %or3A_813 {add = true} : memref<4096xf32, #tpu.memory_space<vmem>>[vector<16xi32>], vector<16xf32>, vector<16xi1>
          %sub3A_842 = arith.subf %select_n3A_827, %masked_cumsum3A_841 : vector<16xf32>
          tpu.vector_store_idx %arg16[%get3A_803], %sub3A_842 masked %or3A_815 {add = true} : memref<4096xf32, #tpu.memory_space<vmem>>[vector<16xi32>], vector<16xf32>, vector<16xi1>
          %swap3A_843 = arith.constant 0 : i32
          %swap3A_844 = arith.index_cast %swap3A_843 : i32 to index
          %swap3A_845 = memref.load %arg17[%swap3A_844] : memref<1xi32, #tpu.memory_space<smem>>
          memref.store %squeeze3A_161, %arg17[%swap3A_844] : memref<1xi32, #tpu.memory_space<smem>>
        } else {
        }
        %add3A_365 = arith.addf %scan3A_144, %add3A_342 : vector<16xf32>
        %jit3A_366 = arith.constant 0.000000e+00 : f32
        %broadcast_in_dim3A_367 = vector.broadcast %jit3A_366 : f32 to vector<16xf32>
        %select_n3A_368 = arith.select %and3A, %add3A_365, %broadcast_in_dim3A_367 : vector<16xf32>
        %add3A_369 = arith.addf %scan3A_145, %add3A_351 : vector<16xf32>
        %jit3A_370 = arith.constant 0.000000e+00 : f32
        %broadcast_in_dim3A_371 = vector.broadcast %jit3A_370 : f32 to vector<16xf32>
        %select_n3A_372 = arith.select %and3A, %add3A_369, %broadcast_in_dim3A_371 : vector<16xf32>
        %add3A_373 = arith.addf %scan3A_146, %add3A_360 : vector<16xf32>
        %jit3A_374 = arith.constant 0.000000e+00 : f32
        %broadcast_in_dim3A_375 = vector.broadcast %jit3A_374 : f32 to vector<16xf32>
        %select_n3A_376 = arith.select %and3A, %add3A_373, %broadcast_in_dim3A_375 : vector<16xf32>
        scf.yield %select_n3A_368, %select_n3A_372, %select_n3A_376 : vector<16xf32>, vector<16xf32>, vector<16xf32>
      }
      %scan3A_142 = arith.constant 50 : i32
      scf.yield %scan3A_141#0, %scan3A_141#1, %scan3A_141#2 : vector<16xf32>, vector<16xf32>, vector<16xf32>
    }
    %scan3A_33 = arith.constant 12 : i32
    %dma_wait3A = arith.constant 0 : i32
    %dma_wait3A_34 = tpu.memref_slice %arg2[%dma_wait3A] : memref<6400000xf32, #tpu.memory_space<hbm>> -> memref<8000xf32, #tpu.memory_space<hbm>>
    %dma_wait3A_35 = arith.constant 0 : i32
    %dma_wait3A_36 = tpu.memref_slice %arg2[%dma_wait3A_35] : memref<6400000xf32, #tpu.memory_space<hbm>> -> memref<8000xf32, #tpu.memory_space<hbm>>
    tpu.wait_dma2 semaphore(%arg18 : memref<!tpu.dma_semaphore, #tpu.memory_space<semaphore_mem>>) src(%dma_wait3A_36 : memref<8000xf32, #tpu.memory_space<hbm>>) dst(%arg8 : memref<8000xf32, #tpu.memory_space<vmem>>)
    %dma_wait3A_37 = arith.constant 0 : i32
    %dma_wait3A_38 = tpu.memref_slice %arg3[%dma_wait3A_37] : memref<6400000xf32, #tpu.memory_space<hbm>> -> memref<8000xf32, #tpu.memory_space<hbm>>
    %dma_wait3A_39 = arith.constant 0 : i32
    %dma_wait3A_40 = tpu.memref_slice %arg3[%dma_wait3A_39] : memref<6400000xf32, #tpu.memory_space<hbm>> -> memref<8000xf32, #tpu.memory_space<hbm>>
    tpu.wait_dma2 semaphore(%arg18 : memref<!tpu.dma_semaphore, #tpu.memory_space<semaphore_mem>>) src(%dma_wait3A_40 : memref<8000xf32, #tpu.memory_space<hbm>>) dst(%arg9 : memref<8000xf32, #tpu.memory_space<vmem>>)
    %dma_wait3A_41 = arith.constant 8 : i32
    %dma_wait3A_42 = tpu.memref_slice %arg10[%dma_wait3A_41] : memref<8016xi32, #tpu.memory_space<vmem>> -> memref<8000xi32, #tpu.memory_space<vmem>>
    %dma_wait3A_43 = arith.constant 0 : i32
    %dma_wait3A_44 = tpu.memref_slice %arg4[%dma_wait3A_43] : memref<6400000xi32, #tpu.memory_space<hbm>> -> memref<8000xi32, #tpu.memory_space<hbm>>
    %dma_wait3A_45 = arith.constant 8 : i32
    %dma_wait3A_46 = tpu.memref_slice %arg10[%dma_wait3A_45] : memref<8016xi32, #tpu.memory_space<vmem>> -> memref<8000xi32, #tpu.memory_space<vmem>>
    %dma_wait3A_47 = arith.constant 0 : i32
    %dma_wait3A_48 = tpu.memref_slice %arg4[%dma_wait3A_47] : memref<6400000xi32, #tpu.memory_space<hbm>> -> memref<8000xi32, #tpu.memory_space<hbm>>
    tpu.wait_dma2 semaphore(%arg18 : memref<!tpu.dma_semaphore, #tpu.memory_space<semaphore_mem>>) src(%dma_wait3A_48 : memref<8000xi32, #tpu.memory_space<hbm>>) dst(%dma_wait3A_46 : memref<8000xi32, #tpu.memory_space<vmem>>)
    %scan3A_49 = arith.constant 0 : i32
    %scan3A_50 = arith.constant 50 : i32
    %scan3A_51 = arith.addi %scan3A_49, %scan3A_50 : i32
    %scan3A_52 = arith.constant 1 : i32
    %scan3A_53:3 = scf.for %scan3A_72 = %scan3A_49 to %scan3A_51 step %scan3A_52 iter_args(%scan3A_73 = %scan3A_32#0, %scan3A_74 = %scan3A_32#1, %scan3A_75 = %scan3A_32#2) -> (vector<16xf32>, vector<16xf32>, vector<16xf32>)  : i32 {
      %mul3A_76 = arith.constant 160 : i32
      %mul3A_77 = arith.muli %scan3A_72, %mul3A_76 : i32
      %add3A_78 = arith.constant 8 : i32
      %add3A_79 = arith.addi %mul3A_77, %add3A_78 : i32
      %get3A_80 = arith.index_cast %add3A_79 : i32 to index
      %get3A_81 = tpu.vector_load %arg10[%get3A_80] {strides = array<i32>} : memref<8016xi32, #tpu.memory_space<vmem>>, vector<16xi32>,
      %slice3A = vector.extract_strided_slice %get3A_81 {offsets = [0], sizes = [1], strides = [1]} : vector<16xi32> to vector<1xi32>
      %squeeze3A = vector.extract %slice3A[0] : i32 from vector<1xi32>
      %add3A_82 = arith.constant 8 : i32
      %add3A_83 = arith.addi %mul3A_77, %add3A_82 : i32
      %add3A_84 = arith.constant 160 : i32
      %add3A_85 = arith.addi %add3A_83, %add3A_84 : i32
      %sub3A = arith.constant 16 : i32
      %sub3A_86 = arith.subi %add3A_85, %sub3A : i32
      %get3A_87 = arith.index_cast %sub3A_86 : i32 to index
      %get3A_88 = tpu.vector_load %arg10[%get3A_87] {strides = array<i32>} : memref<8016xi32, #tpu.memory_space<vmem>>, vector<16xi32>,
      %slice3A_89 = vector.extract_strided_slice %get3A_88 {offsets = [15], sizes = [1], strides = [1]} : vector<16xi32> to vector<1xi32>
      %squeeze3A_90 = vector.extract %slice3A_89[0] : i32 from vector<1xi32>
      %get3A_91 = arith.constant 0 : i32
      %get3A_92 = arith.index_cast %get3A_91 : i32 to index
      %get3A_93 = memref.load %arg17[%get3A_92] : memref<1xi32, #tpu.memory_space<smem>>
      %eq3A_94 = arith.cmpi eq, %squeeze3A, %get3A_93 : i32
      %eq3A_95 = arith.cmpi eq, %squeeze3A_90, %squeeze3A : i32
      %and3A = arith.andi %eq3A_94, %eq3A_95 : i1
      %add3A_96 = arith.constant 0 : i32
      %add3A_97 = arith.addi %mul3A_77, %add3A_96 : i32
      %get3A_98 = arith.index_cast %add3A_97 : i32 to index
      %get3A_99 = tpu.vector_load %arg8[%get3A_98] {strides = array<i32>} : memref<8000xf32, #tpu.memory_space<vmem>>, vector<16xf32>,
      %get3A_100 = arith.index_cast %add3A_97 : i32 to index
      %get3A_101 = tpu.vector_load %arg9[%get3A_100] {strides = array<i32>} : memref<8000xf32, #tpu.memory_space<vmem>>, vector<16xf32>,
      %gt3A = arith.constant 5.000000e-01 : f32
      %gt3A_102 = vector.broadcast %gt3A : f32 to vector<16xf32>
      %gt3A_103 = arith.cmpf ogt, %get3A_101, %gt3A_102 : vector<16xf32>
      %jit3A = arith.constant 1.000000e+00 : f32
      %jit3A_104 = arith.constant 0.000000e+00 : f32
      %broadcast_in_dim3A_105 = vector.broadcast %jit3A : f32 to vector<16xf32>
      %broadcast_in_dim3A_106 = vector.broadcast %jit3A_104 : f32 to vector<16xf32>
      %select_n3A = arith.select %gt3A_103, %broadcast_in_dim3A_105, %broadcast_in_dim3A_106 : vector<16xi1>, vector<16xf32>
      %jit3A_107 = arith.constant 0.000000e+00 : f32
      %broadcast_in_dim3A_108 = vector.broadcast %jit3A_107 : f32 to vector<16xf32>
      %select_n3A_109 = arith.select %gt3A_103, %get3A_99, %broadcast_in_dim3A_108 : vector<16xi1>, vector<16xf32>
      %add3A_110 = arith.constant 16 : i32
      %add3A_111 = arith.addi %mul3A_77, %add3A_110 : i32
      %get3A_112 = arith.index_cast %add3A_111 : i32 to index
      %get3A_113 = tpu.vector_load %arg8[%get3A_112] {strides = array<i32>} : memref<8000xf32, #tpu.memory_space<vmem>>, vector<16xf32>,
      %get3A_114 = arith.index_cast %add3A_111 : i32 to index
      %get3A_115 = tpu.vector_load %arg9[%get3A_114] {strides = array<i32>} : memref<8000xf32, #tpu.memory_space<vmem>>, vector<16xf32>,
      %gt3A_116 = arith.constant 5.000000e-01 : f32
      %gt3A_117 = vector.broadcast %gt3A_116 : f32 to vector<16xf32>
      %gt3A_118 = arith.cmpf ogt, %get3A_115, %gt3A_117 : vector<16xf32>
      %jit3A_119 = arith.constant 1.000000e+00 : f32
      %jit3A_120 = arith.constant 0.000000e+00 : f32
      %broadcast_in_dim3A_121 = vector.broadcast %jit3A_119 : f32 to vector<16xf32>
      %broadcast_in_dim3A_122 = vector.broadcast %jit3A_120 : f32 to vector<16xf32>
      %select_n3A_123 = arith.select %gt3A_118, %broadcast_in_dim3A_121, %broadcast_in_dim3A_122 : vector<16xi1>, vector<16xf32>
      %jit3A_124 = arith.constant 0.000000e+00 : f32
      %broadcast_in_dim3A_125 = vector.broadcast %jit3A_124 : f32 to vector<16xf32>
      %select_n3A_126 = arith.select %gt3A_118, %get3A_113, %broadcast_in_dim3A_125 : vector<16xi1>, vector<16xf32>
      %add3A_127 = arith.constant 32 : i32
      %add3A_128 = arith.addi %mul3A_77, %add3A_127 : i32
      %get3A_129 = arith.index_cast %add3A_128 : i32 to index
      %get3A_130 = tpu.vector_load %arg8[%get3A_129] {strides = array<i32>} : memref<8000xf32, #tpu.memory_space<vmem>>, vector<16xf32>,
      %get3A_131 = arith.index_cast %add3A_128 : i32 to index
      %get3A_132 = tpu.vector_load %arg9[%get3A_131] {strides = array<i32>} : memref<8000xf32, #tpu.memory_space<vmem>>, vector<16xf32>,
      %gt3A_133 = arith.constant 5.000000e-01 : f32
      %gt3A_134 = vector.broadcast %gt3A_133 : f32 to vector<16xf32>
      %gt3A_135 = arith.cmpf ogt, %get3A_132, %gt3A_134 : vector<16xf32>
      %jit3A_136 = arith.constant 1.000000e+00 : f32
      %jit3A_137 = arith.constant 0.000000e+00 : f32
      %broadcast_in_dim3A_138 = vector.broadcast %jit3A_136 : f32 to vector<16xf32>
      %broadcast_in_dim3A_139 = vector.broadcast %jit3A_137 : f32 to vector<16xf32>
      %select_n3A_140 = arith.select %gt3A_135, %broadcast_in_dim3A_138, %broadcast_in_dim3A_139 : vector<16xi1>, vector<16xf32>
      %jit3A_141 = arith.constant 0.000000e+00 : f32
      %broadcast_in_dim3A_142 = vector.broadcast %jit3A_141 : f32 to vector<16xf32>
      %select_n3A_143 = arith.select %gt3A_135, %get3A_130, %broadcast_in_dim3A_142 : vector<16xi1>, vector<16xf32>
      %add3A_144 = arith.constant 48 : i32
      %add3A_145 = arith.addi %mul3A_77, %add3A_144 : i32
      %get3A_146 = arith.index_cast %add3A_145 : i32 to index
      %get3A_147 = tpu.vector_load %arg8[%get3A_146] {strides = array<i32>} : memref<8000xf32, #tpu.memory_space<vmem>>, vector<16xf32>,
      %get3A_148 = arith.index_cast %add3A_145 : i32 to index
      %get3A_149 = tpu.vector_load %arg9[%get3A_148] {strides = array<i32>} : memref<8000xf32, #tpu.memory_space<vmem>>, vector<16xf32>,
      %gt3A_150 = arith.constant 5.000000e-01 : f32
      %gt3A_151 = vector.broadcast %gt3A_150 : f32 to vector<16xf32>
      %gt3A_152 = arith.cmpf ogt, %get3A_149, %gt3A_151 : vector<16xf32>
      %jit3A_153 = arith.constant 1.000000e+00 : f32
      %jit3A_154 = arith.constant 0.000000e+00 : f32
      %broadcast_in_dim3A_155 = vector.broadcast %jit3A_153 : f32 to vector<16xf32>
      %broadcast_in_dim3A_156 = vector.broadcast %jit3A_154 : f32 to vector<16xf32>
      %select_n3A_157 = arith.select %gt3A_152, %broadcast_in_dim3A_155, %broadcast_in_dim3A_156 : vector<16xi1>, vector<16xf32>
      %jit3A_158 = arith.constant 0.000000e+00 : f32
      %broadcast_in_dim3A_159 = vector.broadcast %jit3A_158 : f32 to vector<16xf32>
      %select_n3A_160 = arith.select %gt3A_152, %get3A_147, %broadcast_in_dim3A_159 : vector<16xi1>, vector<16xf32>
      %add3A_161 = arith.constant 64 : i32
      %add3A_162 = arith.addi %mul3A_77, %add3A_161 : i32
      %get3A_163 = arith.index_cast %add3A_162 : i32 to index
      %get3A_164 = tpu.vector_load %arg8[%get3A_163] {strides = array<i32>} : memref<8000xf32, #tpu.memory_space<vmem>>, vector<16xf32>,
      %get3A_165 = arith.index_cast %add3A_162 : i32 to index
      %get3A_166 = tpu.vector_load %arg9[%get3A_165] {strides = array<i32>} : memref<8000xf32, #tpu.memory_space<vmem>>, vector<16xf32>,
      %gt3A_167 = arith.constant 5.000000e-01 : f32
      %gt3A_168 = vector.broadcast %gt3A_167 : f32 to vector<16xf32>
      %gt3A_169 = arith.cmpf ogt, %get3A_166, %gt3A_168 : vector<16xf32>
      %jit3A_170 = arith.constant 1.000000e+00 : f32
      %jit3A_171 = arith.constant 0.000000e+00 : f32
      %broadcast_in_dim3A_172 = vector.broadcast %jit3A_170 : f32 to vector<16xf32>
      %broadcast_in_dim3A_173 = vector.broadcast %jit3A_171 : f32 to vector<16xf32>
      %select_n3A_174 = arith.select %gt3A_169, %broadcast_in_dim3A_172, %broadcast_in_dim3A_173 : vector<16xi1>, vector<16xf32>
      %jit3A_175 = arith.constant 0.000000e+00 : f32
      %broadcast_in_dim3A_176 = vector.broadcast %jit3A_175 : f32 to vector<16xf32>
      %select_n3A_177 = arith.select %gt3A_169, %get3A_164, %broadcast_in_dim3A_176 : vector<16xi1>, vector<16xf32>
      %add3A_178 = arith.constant 80 : i32
      %add3A_179 = arith.addi %mul3A_77, %add3A_178 : i32
      %get3A_180 = arith.index_cast %add3A_179 : i32 to index
      %get3A_181 = tpu.vector_load %arg8[%get3A_180] {strides = array<i32>} : memref<8000xf32, #tpu.memory_space<vmem>>, vector<16xf32>,
      %get3A_182 = arith.index_cast %add3A_179 : i32 to index
      %get3A_183 = tpu.vector_load %arg9[%get3A_182] {strides = array<i32>} : memref<8000xf32, #tpu.memory_space<vmem>>, vector<16xf32>,
      %gt3A_184 = arith.constant 5.000000e-01 : f32
      %gt3A_185 = vector.broadcast %gt3A_184 : f32 to vector<16xf32>
      %gt3A_186 = arith.cmpf ogt, %get3A_183, %gt3A_185 : vector<16xf32>
      %jit3A_187 = arith.constant 1.000000e+00 : f32
      %jit3A_188 = arith.constant 0.000000e+00 : f32
      %broadcast_in_dim3A_189 = vector.broadcast %jit3A_187 : f32 to vector<16xf32>
      %broadcast_in_dim3A_190 = vector.broadcast %jit3A_188 : f32 to vector<16xf32>
      %select_n3A_191 = arith.select %gt3A_186, %broadcast_in_dim3A_189, %broadcast_in_dim3A_190 : vector<16xi1>, vector<16xf32>
      %jit3A_192 = arith.constant 0.000000e+00 : f32
      %broadcast_in_dim3A_193 = vector.broadcast %jit3A_192 : f32 to vector<16xf32>
      %select_n3A_194 = arith.select %gt3A_186, %get3A_181, %broadcast_in_dim3A_193 : vector<16xi1>, vector<16xf32>
      %add3A_195 = arith.constant 96 : i32
      %add3A_196 = arith.addi %mul3A_77, %add3A_195 : i32
      %get3A_197 = arith.index_cast %add3A_196 : i32 to index
      %get3A_198 = tpu.vector_load %arg8[%get3A_197] {strides = array<i32>} : memref<8000xf32, #tpu.memory_space<vmem>>, vector<16xf32>,
      %get3A_199 = arith.index_cast %add3A_196 : i32 to index
      %get3A_200 = tpu.vector_load %arg9[%get3A_199] {strides = array<i32>} : memref<8000xf32, #tpu.memory_space<vmem>>, vector<16xf32>,
      %gt3A_201 = arith.constant 5.000000e-01 : f32
      %gt3A_202 = vector.broadcast %gt3A_201 : f32 to vector<16xf32>
      %gt3A_203 = arith.cmpf ogt, %get3A_200, %gt3A_202 : vector<16xf32>
      %jit3A_204 = arith.constant 1.000000e+00 : f32
      %jit3A_205 = arith.constant 0.000000e+00 : f32
      %broadcast_in_dim3A_206 = vector.broadcast %jit3A_204 : f32 to vector<16xf32>
      %broadcast_in_dim3A_207 = vector.broadcast %jit3A_205 : f32 to vector<16xf32>
      %select_n3A_208 = arith.select %gt3A_203, %broadcast_in_dim3A_206, %broadcast_in_dim3A_207 : vector<16xi1>, vector<16xf32>
      %jit3A_209 = arith.constant 0.000000e+00 : f32
      %broadcast_in_dim3A_210 = vector.broadcast %jit3A_209 : f32 to vector<16xf32>
      %select_n3A_211 = arith.select %gt3A_203, %get3A_198, %broadcast_in_dim3A_210 : vector<16xi1>, vector<16xf32>
      %add3A_212 = arith.constant 112 : i32
      %add3A_213 = arith.addi %mul3A_77, %add3A_212 : i32
      %get3A_214 = arith.index_cast %add3A_213 : i32 to index
      %get3A_215 = tpu.vector_load %arg8[%get3A_214] {strides = array<i32>} : memref<8000xf32, #tpu.memory_space<vmem>>, vector<16xf32>,
      %get3A_216 = arith.index_cast %add3A_213 : i32 to index
      %get3A_217 = tpu.vector_load %arg9[%get3A_216] {strides = array<i32>} : memref<8000xf32, #tpu.memory_space<vmem>>, vector<16xf32>,
      %gt3A_218 = arith.constant 5.000000e-01 : f32
      %gt3A_219 = vector.broadcast %gt3A_218 : f32 to vector<16xf32>
      %gt3A_220 = arith.cmpf ogt, %get3A_217, %gt3A_219 : vector<16xf32>
      %jit3A_221 = arith.constant 1.000000e+00 : f32
      %jit3A_222 = arith.constant 0.000000e+00 : f32
      %broadcast_in_dim3A_223 = vector.broadcast %jit3A_221 : f32 to vector<16xf32>
      %broadcast_in_dim3A_224 = vector.broadcast %jit3A_222 : f32 to vector<16xf32>
      %select_n3A_225 = arith.select %gt3A_220, %broadcast_in_dim3A_223, %broadcast_in_dim3A_224 : vector<16xi1>, vector<16xf32>
      %jit3A_226 = arith.constant 0.000000e+00 : f32
      %broadcast_in_dim3A_227 = vector.broadcast %jit3A_226 : f32 to vector<16xf32>
      %select_n3A_228 = arith.select %gt3A_220, %get3A_215, %broadcast_in_dim3A_227 : vector<16xi1>, vector<16xf32>
      %add3A_229 = arith.constant 128 : i32
      %add3A_230 = arith.addi %mul3A_77, %add3A_229 : i32
      %get3A_231 = arith.index_cast %add3A_230 : i32 to index
      %get3A_232 = tpu.vector_load %arg8[%get3A_231] {strides = array<i32>} : memref<8000xf32, #tpu.memory_space<vmem>>, vector<16xf32>,
      %get3A_233 = arith.index_cast %add3A_230 : i32 to index
      %get3A_234 = tpu.vector_load %arg9[%get3A_233] {strides = array<i32>} : memref<8000xf32, #tpu.memory_space<vmem>>, vector<16xf32>,
      %gt3A_235 = arith.constant 5.000000e-01 : f32
      %gt3A_236 = vector.broadcast %gt3A_235 : f32 to vector<16xf32>
      %gt3A_237 = arith.cmpf ogt, %get3A_234, %gt3A_236 : vector<16xf32>
      %jit3A_238 = arith.constant 1.000000e+00 : f32
      %jit3A_239 = arith.constant 0.000000e+00 : f32
      %broadcast_in_dim3A_240 = vector.broadcast %jit3A_238 : f32 to vector<16xf32>
      %broadcast_in_dim3A_241 = vector.broadcast %jit3A_239 : f32 to vector<16xf32>
      %select_n3A_242 = arith.select %gt3A_237, %broadcast_in_dim3A_240, %broadcast_in_dim3A_241 : vector<16xi1>, vector<16xf32>
      %jit3A_243 = arith.constant 0.000000e+00 : f32
      %broadcast_in_dim3A_244 = vector.broadcast %jit3A_243 : f32 to vector<16xf32>
      %select_n3A_245 = arith.select %gt3A_237, %get3A_232, %broadcast_in_dim3A_244 : vector<16xi1>, vector<16xf32>
      %add3A_246 = arith.constant 144 : i32
      %add3A_247 = arith.addi %mul3A_77, %add3A_246 : i32
      %get3A_248 = arith.index_cast %add3A_247 : i32 to index
      %get3A_249 = tpu.vector_load %arg8[%get3A_248] {strides = array<i32>} : memref<8000xf32, #tpu.memory_space<vmem>>, vector<16xf32>,
      %get3A_250 = arith.index_cast %add3A_247 : i32 to index
      %get3A_251 = tpu.vector_load %arg9[%get3A_250] {strides = array<i32>} : memref<8000xf32, #tpu.memory_space<vmem>>, vector<16xf32>,
      %gt3A_252 = arith.constant 5.000000e-01 : f32
      %gt3A_253 = vector.broadcast %gt3A_252 : f32 to vector<16xf32>
      %gt3A_254 = arith.cmpf ogt, %get3A_251, %gt3A_253 : vector<16xf32>
      %jit3A_255 = arith.constant 1.000000e+00 : f32
      %jit3A_256 = arith.constant 0.000000e+00 : f32
      %broadcast_in_dim3A_257 = vector.broadcast %jit3A_255 : f32 to vector<16xf32>
      %broadcast_in_dim3A_258 = vector.broadcast %jit3A_256 : f32 to vector<16xf32>
      %select_n3A_259 = arith.select %gt3A_254, %broadcast_in_dim3A_257, %broadcast_in_dim3A_258 : vector<16xi1>, vector<16xf32>
      %jit3A_260 = arith.constant 0.000000e+00 : f32
      %broadcast_in_dim3A_261 = vector.broadcast %jit3A_260 : f32 to vector<16xf32>
      %select_n3A_262 = arith.select %gt3A_254, %get3A_249, %broadcast_in_dim3A_261 : vector<16xi1>, vector<16xf32>
      %add3A_263 = arith.addf %select_n3A_109, %select_n3A_126 : vector<16xf32>
      %add3A_264 = arith.addf %select_n3A_143, %select_n3A_160 : vector<16xf32>
      %add3A_265 = arith.addf %select_n3A_177, %select_n3A_194 : vector<16xf32>
      %add3A_266 = arith.addf %select_n3A_211, %select_n3A_228 : vector<16xf32>
      %add3A_267 = arith.addf %select_n3A_245, %select_n3A_262 : vector<16xf32>
      %add3A_268 = arith.addf %add3A_263, %add3A_264 : vector<16xf32>
      %add3A_269 = arith.addf %add3A_265, %add3A_266 : vector<16xf32>
      %add3A_270 = arith.addf %add3A_268, %add3A_269 : vector<16xf32>
      %add3A_271 = arith.addf %add3A_270, %add3A_267 : vector<16xf32>
      %add3A_272 = arith.addf %get3A_99, %get3A_113 : vector<16xf32>
      %add3A_273 = arith.addf %get3A_130, %get3A_147 : vector<16xf32>
      %add3A_274 = arith.addf %get3A_164, %get3A_181 : vector<16xf32>
      %add3A_275 = arith.addf %get3A_198, %get3A_215 : vector<16xf32>
      %add3A_276 = arith.addf %get3A_232, %get3A_249 : vector<16xf32>
      %add3A_277 = arith.addf %add3A_272, %add3A_273 : vector<16xf32>
      %add3A_278 = arith.addf %add3A_274, %add3A_275 : vector<16xf32>
      %add3A_279 = arith.addf %add3A_277, %add3A_278 : vector<16xf32>
      %add3A_280 = arith.addf %add3A_279, %add3A_276 : vector<16xf32>
      %add3A_281 = arith.addf %select_n3A, %select_n3A_123 : vector<16xf32>
      %add3A_282 = arith.addf %select_n3A_140, %select_n3A_157 : vector<16xf32>
      %add3A_283 = arith.addf %select_n3A_174, %select_n3A_191 : vector<16xf32>
      %add3A_284 = arith.addf %select_n3A_208, %select_n3A_225 : vector<16xf32>
      %add3A_285 = arith.addf %select_n3A_242, %select_n3A_259 : vector<16xf32>
      %add3A_286 = arith.addf %add3A_281, %add3A_282 : vector<16xf32>
      %add3A_287 = arith.addf %add3A_283, %add3A_284 : vector<16xf32>
      %add3A_288 = arith.addf %add3A_286, %add3A_287 : vector<16xf32>
      %add3A_289 = arith.addf %add3A_288, %add3A_285 : vector<16xf32>
      %not3A = arith.constant true
      %not3A_290 = arith.xori %and3A, %not3A : i1
      %convert_element_type3A = arith.extui %not3A_290 : i1 to i32
      %cond3A = arith.constant 0 : i32
      %cond3A_291 = arith.cmpi ne, %convert_element_type3A, %cond3A : i32
      scf.if %cond3A_291 {
        %get3A_304 = arith.constant 0 : i32
        %get3A_305 = arith.index_cast %get3A_304 : i32 to index
        %get3A_306 = memref.load %arg17[%get3A_305] : memref<1xi32, #tpu.memory_space<smem>>
        %broadcast_in_dim3A_307 = vector.broadcast %get3A_306 : i32 to vector<16xi32>
        %reduce_sum3A_308 = arith.constant true
        %reduce_sum3A_309 = vector.broadcast %reduce_sum3A_308 : i1 to vector<16xi1>
        %reduce_sum3A_310 = tpu.scan <sum>, %scan3A_73 masked %reduce_sum3A_309 : vector<16xf32>, vector<16xi1> -> vector<16xf32>
        %reduce_sum3A_311 = vector.extract %reduce_sum3A_310[15] : f32 from vector<16xf32>
        %broadcast_in_dim3A_312 = vector.broadcast %reduce_sum3A_311 : f32 to vector<16xf32>
        tpu.vector_store_idx %arg14[%broadcast_in_dim3A_307], %broadcast_in_dim3A_312 masked %eq3A_2 {add = true} : memref<4096xf32, #tpu.memory_space<vmem>>[vector<16xi32>], vector<16xf32>, vector<16xi1>
        %reduce_sum3A_313 = arith.constant true
        %reduce_sum3A_314 = vector.broadcast %reduce_sum3A_313 : i1 to vector<16xi1>
        %reduce_sum3A_315 = tpu.scan <sum>, %scan3A_74 masked %reduce_sum3A_314 : vector<16xf32>, vector<16xi1> -> vector<16xf32>
        %reduce_sum3A_316 = vector.extract %reduce_sum3A_315[15] : f32 from vector<16xf32>
        %broadcast_in_dim3A_317 = vector.broadcast %reduce_sum3A_316 : f32 to vector<16xf32>
        tpu.vector_store_idx %arg15[%broadcast_in_dim3A_307], %broadcast_in_dim3A_317 masked %eq3A_2 {add = true} : memref<4096xf32, #tpu.memory_space<vmem>>[vector<16xi32>], vector<16xf32>, vector<16xi1>
        %reduce_sum3A_318 = arith.constant true
        %reduce_sum3A_319 = vector.broadcast %reduce_sum3A_318 : i1 to vector<16xi1>
        %reduce_sum3A_320 = tpu.scan <sum>, %scan3A_75 masked %reduce_sum3A_319 : vector<16xf32>, vector<16xi1> -> vector<16xf32>
        %reduce_sum3A_321 = vector.extract %reduce_sum3A_320[15] : f32 from vector<16xf32>
        %broadcast_in_dim3A_322 = vector.broadcast %reduce_sum3A_321 : f32 to vector<16xf32>
        tpu.vector_store_idx %arg16[%broadcast_in_dim3A_307], %broadcast_in_dim3A_322 masked %eq3A_2 {add = true} : memref<4096xf32, #tpu.memory_space<vmem>>[vector<16xi32>], vector<16xf32>, vector<16xi1>
        %add3A_323 = arith.constant 0 : i32
        %add3A_324 = arith.addi %mul3A_77, %add3A_323 : i32
        %add3A_325 = arith.constant 8 : i32
        %add3A_326 = arith.addi %add3A_324, %add3A_325 : i32
        %get3A_327 = arith.index_cast %add3A_326 : i32 to index
        %get3A_328 = tpu.vector_load %arg10[%get3A_327] {strides = array<i32>} : memref<8016xi32, #tpu.memory_space<vmem>>, vector<16xi32>,
        %add3A_329 = arith.constant 7 : i32
        %add3A_330 = arith.addi %add3A_324, %add3A_329 : i32
        %get3A_331 = arith.index_cast %add3A_330 : i32 to index
        %get3A_332 = tpu.vector_load %arg10[%get3A_331] {strides = array<i32>} : memref<8016xi32, #tpu.memory_space<vmem>>, vector<16xi32>,
        %add3A_333 = arith.constant 9 : i32
        %add3A_334 = arith.addi %add3A_324, %add3A_333 : i32
        %get3A_335 = arith.index_cast %add3A_334 : i32 to index
        %get3A_336 = tpu.vector_load %arg10[%get3A_335] {strides = array<i32>} : memref<8016xi32, #tpu.memory_space<vmem>>, vector<16xi32>,
        %ne3A = arith.cmpi ne, %get3A_328, %get3A_336 : vector<16xi32>
        %or3A = arith.ori %ne3A, %eq3A_5 : vector<16xi1>
        %ne3A_337 = arith.cmpi ne, %get3A_328, %get3A_332 : vector<16xi32>
        %or3A_338 = arith.ori %ne3A_337, %eq3A_2 : vector<16xi1>
        %get3A_339 = arith.index_cast %add3A_324 : i32 to index
        %get3A_340 = tpu.vector_load %arg8[%get3A_339] {strides = array<i32>} : memref<8000xf32, #tpu.memory_space<vmem>>, vector<16xf32>,
        %get3A_341 = arith.index_cast %add3A_324 : i32 to index
        %get3A_342 = tpu.vector_load %arg9[%get3A_341] {strides = array<i32>} : memref<8000xf32, #tpu.memory_space<vmem>>, vector<16xf32>,
        %gt3A_343 = arith.constant 5.000000e-01 : f32
        %gt3A_344 = vector.broadcast %gt3A_343 : f32 to vector<16xf32>
        %gt3A_345 = arith.cmpf ogt, %get3A_342, %gt3A_344 : vector<16xf32>
        %jit3A_346 = arith.constant 1.000000e+00 : f32
        %jit3A_347 = arith.constant 0.000000e+00 : f32
        %broadcast_in_dim3A_348 = vector.broadcast %jit3A_346 : f32 to vector<16xf32>
        %broadcast_in_dim3A_349 = vector.broadcast %jit3A_347 : f32 to vector<16xf32>
        %select_n3A_350 = arith.select %gt3A_345, %broadcast_in_dim3A_348, %broadcast_in_dim3A_349 : vector<16xi1>, vector<16xf32>
        %jit3A_351 = arith.constant 0.000000e+00 : f32
        %broadcast_in_dim3A_352 = vector.broadcast %jit3A_351 : f32 to vector<16xf32>
        %select_n3A_353 = arith.select %gt3A_345, %get3A_340, %broadcast_in_dim3A_352 : vector<16xi1>, vector<16xf32>
        %broadcast_in_dim3A_354 = arith.constant true
        %broadcast_in_dim3A_355 = vector.broadcast %broadcast_in_dim3A_354 : i1 to vector<16xi1>
        %masked_cumsum3A = tpu.scan <sum>, %select_n3A_353 masked %broadcast_in_dim3A_355 : vector<16xf32>, vector<16xi1> -> vector<16xf32>
        tpu.vector_store_idx %arg14[%get3A_328], %masked_cumsum3A masked %or3A {add = true} : memref<4096xf32, #tpu.memory_space<vmem>>[vector<16xi32>], vector<16xf32>, vector<16xi1>
        %sub3A_356 = arith.subf %select_n3A_353, %masked_cumsum3A : vector<16xf32>
        tpu.vector_store_idx %arg14[%get3A_328], %sub3A_356 masked %or3A_338 {add = true} : memref<4096xf32, #tpu.memory_space<vmem>>[vector<16xi32>], vector<16xf32>, vector<16xi1>
        %broadcast_in_dim3A_357 = arith.constant true
        %broadcast_in_dim3A_358 = vector.broadcast %broadcast_in_dim3A_357 : i1 to vector<16xi1>
        %masked_cumsum3A_359 = tpu.scan <sum>, %get3A_340 masked %broadcast_in_dim3A_358 : vector<16xf32>, vector<16xi1> -> vector<16xf32>
        tpu.vector_store_idx %arg15[%get3A_328], %masked_cumsum3A_359 masked %or3A {add = true} : memref<4096xf32, #tpu.memory_space<vmem>>[vector<16xi32>], vector<16xf32>, vector<16xi1>
        %sub3A_360 = arith.subf %get3A_340, %masked_cumsum3A_359 : vector<16xf32>
        tpu.vector_store_idx %arg15[%get3A_328], %sub3A_360 masked %or3A_338 {add = true} : memref<4096xf32, #tpu.memory_space<vmem>>[vector<16xi32>], vector<16xf32>, vector<16xi1>
        %broadcast_in_dim3A_361 = arith.constant true
        %broadcast_in_dim3A_362 = vector.broadcast %broadcast_in_dim3A_361 : i1 to vector<16xi1>
        %masked_cumsum3A_363 = tpu.scan <sum>, %select_n3A_350 masked %broadcast_in_dim3A_362 : vector<16xf32>, vector<16xi1> -> vector<16xf32>
        tpu.vector_store_idx %arg16[%get3A_328], %masked_cumsum3A_363 masked %or3A {add = true} : memref<4096xf32, #tpu.memory_space<vmem>>[vector<16xi32>], vector<16xf32>, vector<16xi1>
        %sub3A_364 = arith.subf %select_n3A_350, %masked_cumsum3A_363 : vector<16xf32>
        tpu.vector_store_idx %arg16[%get3A_328], %sub3A_364 masked %or3A_338 {add = true} : memref<4096xf32, #tpu.memory_space<vmem>>[vector<16xi32>], vector<16xf32>, vector<16xi1>
        %add3A_365 = arith.constant 16 : i32
        %add3A_366 = arith.addi %mul3A_77, %add3A_365 : i32
        %add3A_367 = arith.constant 8 : i32
        %add3A_368 = arith.addi %add3A_366, %add3A_367 : i32
        %get3A_369 = arith.index_cast %add3A_368 : i32 to index
        %get3A_370 = tpu.vector_load %arg10[%get3A_369] {strides = array<i32>} : memref<8016xi32, #tpu.memory_space<vmem>>, vector<16xi32>,
        %add3A_371 = arith.constant 7 : i32
        %add3A_372 = arith.addi %add3A_366, %add3A_371 : i32
        %get3A_373 = arith.index_cast %add3A_372 : i32 to index
        %get3A_374 = tpu.vector_load %arg10[%get3A_373] {strides = array<i32>} : memref<8016xi32, #tpu.memory_space<vmem>>, vector<16xi32>,
        %add3A_375 = arith.constant 9 : i32
        %add3A_376 = arith.addi %add3A_366, %add3A_375 : i32
        %get3A_377 = arith.index_cast %add3A_376 : i32 to index
        %get3A_378 = tpu.vector_load %arg10[%get3A_377] {strides = array<i32>} : memref<8016xi32, #tpu.memory_space<vmem>>, vector<16xi32>,
        %ne3A_379 = arith.cmpi ne, %get3A_370, %get3A_378 : vector<16xi32>
        %or3A_380 = arith.ori %ne3A_379, %eq3A_5 : vector<16xi1>
        %ne3A_381 = arith.cmpi ne, %get3A_370, %get3A_374 : vector<16xi32>
        %or3A_382 = arith.ori %ne3A_381, %eq3A_2 : vector<16xi1>
        %get3A_383 = arith.index_cast %add3A_366 : i32 to index
        %get3A_384 = tpu.vector_load %arg8[%get3A_383] {strides = array<i32>} : memref<8000xf32, #tpu.memory_space<vmem>>, vector<16xf32>,
        %get3A_385 = arith.index_cast %add3A_366 : i32 to index
        %get3A_386 = tpu.vector_load %arg9[%get3A_385] {strides = array<i32>} : memref<8000xf32, #tpu.memory_space<vmem>>, vector<16xf32>,
        %gt3A_387 = arith.constant 5.000000e-01 : f32
        %gt3A_388 = vector.broadcast %gt3A_387 : f32 to vector<16xf32>
        %gt3A_389 = arith.cmpf ogt, %get3A_386, %gt3A_388 : vector<16xf32>
        %jit3A_390 = arith.constant 1.000000e+00 : f32
        %jit3A_391 = arith.constant 0.000000e+00 : f32
        %broadcast_in_dim3A_392 = vector.broadcast %jit3A_390 : f32 to vector<16xf32>
        %broadcast_in_dim3A_393 = vector.broadcast %jit3A_391 : f32 to vector<16xf32>
        %select_n3A_394 = arith.select %gt3A_389, %broadcast_in_dim3A_392, %broadcast_in_dim3A_393 : vector<16xi1>, vector<16xf32>
        %jit3A_395 = arith.constant 0.000000e+00 : f32
        %broadcast_in_dim3A_396 = vector.broadcast %jit3A_395 : f32 to vector<16xf32>
        %select_n3A_397 = arith.select %gt3A_389, %get3A_384, %broadcast_in_dim3A_396 : vector<16xi1>, vector<16xf32>
        %broadcast_in_dim3A_398 = arith.constant true
        %broadcast_in_dim3A_399 = vector.broadcast %broadcast_in_dim3A_398 : i1 to vector<16xi1>
        %masked_cumsum3A_400 = tpu.scan <sum>, %select_n3A_397 masked %broadcast_in_dim3A_399 : vector<16xf32>, vector<16xi1> -> vector<16xf32>
        tpu.vector_store_idx %arg14[%get3A_370], %masked_cumsum3A_400 masked %or3A_380 {add = true} : memref<4096xf32, #tpu.memory_space<vmem>>[vector<16xi32>], vector<16xf32>, vector<16xi1>
        %sub3A_401 = arith.subf %select_n3A_397, %masked_cumsum3A_400 : vector<16xf32>
        tpu.vector_store_idx %arg14[%get3A_370], %sub3A_401 masked %or3A_382 {add = true} : memref<4096xf32, #tpu.memory_space<vmem>>[vector<16xi32>], vector<16xf32>, vector<16xi1>
        %broadcast_in_dim3A_402 = arith.constant true
        %broadcast_in_dim3A_403 = vector.broadcast %broadcast_in_dim3A_402 : i1 to vector<16xi1>
        %masked_cumsum3A_404 = tpu.scan <sum>, %get3A_384 masked %broadcast_in_dim3A_403 : vector<16xf32>, vector<16xi1> -> vector<16xf32>
        tpu.vector_store_idx %arg15[%get3A_370], %masked_cumsum3A_404 masked %or3A_380 {add = true} : memref<4096xf32, #tpu.memory_space<vmem>>[vector<16xi32>], vector<16xf32>, vector<16xi1>
        %sub3A_405 = arith.subf %get3A_384, %masked_cumsum3A_404 : vector<16xf32>
        tpu.vector_store_idx %arg15[%get3A_370], %sub3A_405 masked %or3A_382 {add = true} : memref<4096xf32, #tpu.memory_space<vmem>>[vector<16xi32>], vector<16xf32>, vector<16xi1>
        %broadcast_in_dim3A_406 = arith.constant true
        %broadcast_in_dim3A_407 = vector.broadcast %broadcast_in_dim3A_406 : i1 to vector<16xi1>
        %masked_cumsum3A_408 = tpu.scan <sum>, %select_n3A_394 masked %broadcast_in_dim3A_407 : vector<16xf32>, vector<16xi1> -> vector<16xf32>
        tpu.vector_store_idx %arg16[%get3A_370], %masked_cumsum3A_408 masked %or3A_380 {add = true} : memref<4096xf32, #tpu.memory_space<vmem>>[vector<16xi32>], vector<16xf32>, vector<16xi1>
        %sub3A_409 = arith.subf %select_n3A_394, %masked_cumsum3A_408 : vector<16xf32>
        tpu.vector_store_idx %arg16[%get3A_370], %sub3A_409 masked %or3A_382 {add = true} : memref<4096xf32, #tpu.memory_space<vmem>>[vector<16xi32>], vector<16xf32>, vector<16xi1>
        %add3A_410 = arith.constant 32 : i32
        %add3A_411 = arith.addi %mul3A_77, %add3A_410 : i32
        %add3A_412 = arith.constant 8 : i32
        %add3A_413 = arith.addi %add3A_411, %add3A_412 : i32
        %get3A_414 = arith.index_cast %add3A_413 : i32 to index
        %get3A_415 = tpu.vector_load %arg10[%get3A_414] {strides = array<i32>} : memref<8016xi32, #tpu.memory_space<vmem>>, vector<16xi32>,
        %add3A_416 = arith.constant 7 : i32
        %add3A_417 = arith.addi %add3A_411, %add3A_416 : i32
        %get3A_418 = arith.index_cast %add3A_417 : i32 to index
        %get3A_419 = tpu.vector_load %arg10[%get3A_418] {strides = array<i32>} : memref<8016xi32, #tpu.memory_space<vmem>>, vector<16xi32>,
        %add3A_420 = arith.constant 9 : i32
        %add3A_421 = arith.addi %add3A_411, %add3A_420 : i32
        %get3A_422 = arith.index_cast %add3A_421 : i32 to index
        %get3A_423 = tpu.vector_load %arg10[%get3A_422] {strides = array<i32>} : memref<8016xi32, #tpu.memory_space<vmem>>, vector<16xi32>,
        %ne3A_424 = arith.cmpi ne, %get3A_415, %get3A_423 : vector<16xi32>
        %or3A_425 = arith.ori %ne3A_424, %eq3A_5 : vector<16xi1>
        %ne3A_426 = arith.cmpi ne, %get3A_415, %get3A_419 : vector<16xi32>
        %or3A_427 = arith.ori %ne3A_426, %eq3A_2 : vector<16xi1>
        %get3A_428 = arith.index_cast %add3A_411 : i32 to index
        %get3A_429 = tpu.vector_load %arg8[%get3A_428] {strides = array<i32>} : memref<8000xf32, #tpu.memory_space<vmem>>, vector<16xf32>,
        %get3A_430 = arith.index_cast %add3A_411 : i32 to index
        %get3A_431 = tpu.vector_load %arg9[%get3A_430] {strides = array<i32>} : memref<8000xf32, #tpu.memory_space<vmem>>, vector<16xf32>,
        %gt3A_432 = arith.constant 5.000000e-01 : f32
        %gt3A_433 = vector.broadcast %gt3A_432 : f32 to vector<16xf32>
        %gt3A_434 = arith.cmpf ogt, %get3A_431, %gt3A_433 : vector<16xf32>
        %jit3A_435 = arith.constant 1.000000e+00 : f32
        %jit3A_436 = arith.constant 0.000000e+00 : f32
        %broadcast_in_dim3A_437 = vector.broadcast %jit3A_435 : f32 to vector<16xf32>
        %broadcast_in_dim3A_438 = vector.broadcast %jit3A_436 : f32 to vector<16xf32>
        %select_n3A_439 = arith.select %gt3A_434, %broadcast_in_dim3A_437, %broadcast_in_dim3A_438 : vector<16xi1>, vector<16xf32>
        %jit3A_440 = arith.constant 0.000000e+00 : f32
        %broadcast_in_dim3A_441 = vector.broadcast %jit3A_440 : f32 to vector<16xf32>
        %select_n3A_442 = arith.select %gt3A_434, %get3A_429, %broadcast_in_dim3A_441 : vector<16xi1>, vector<16xf32>
        %broadcast_in_dim3A_443 = arith.constant true
        %broadcast_in_dim3A_444 = vector.broadcast %broadcast_in_dim3A_443 : i1 to vector<16xi1>
        %masked_cumsum3A_445 = tpu.scan <sum>, %select_n3A_442 masked %broadcast_in_dim3A_444 : vector<16xf32>, vector<16xi1> -> vector<16xf32>
        tpu.vector_store_idx %arg14[%get3A_415], %masked_cumsum3A_445 masked %or3A_425 {add = true} : memref<4096xf32, #tpu.memory_space<vmem>>[vector<16xi32>], vector<16xf32>, vector<16xi1>
        %sub3A_446 = arith.subf %select_n3A_442, %masked_cumsum3A_445 : vector<16xf32>
        tpu.vector_store_idx %arg14[%get3A_415], %sub3A_446 masked %or3A_427 {add = true} : memref<4096xf32, #tpu.memory_space<vmem>>[vector<16xi32>], vector<16xf32>, vector<16xi1>
        %broadcast_in_dim3A_447 = arith.constant true
        %broadcast_in_dim3A_448 = vector.broadcast %broadcast_in_dim3A_447 : i1 to vector<16xi1>
        %masked_cumsum3A_449 = tpu.scan <sum>, %get3A_429 masked %broadcast_in_dim3A_448 : vector<16xf32>, vector<16xi1> -> vector<16xf32>
        tpu.vector_store_idx %arg15[%get3A_415], %masked_cumsum3A_449 masked %or3A_425 {add = true} : memref<4096xf32, #tpu.memory_space<vmem>>[vector<16xi32>], vector<16xf32>, vector<16xi1>
        %sub3A_450 = arith.subf %get3A_429, %masked_cumsum3A_449 : vector<16xf32>
        tpu.vector_store_idx %arg15[%get3A_415], %sub3A_450 masked %or3A_427 {add = true} : memref<4096xf32, #tpu.memory_space<vmem>>[vector<16xi32>], vector<16xf32>, vector<16xi1>
        %broadcast_in_dim3A_451 = arith.constant true
        %broadcast_in_dim3A_452 = vector.broadcast %broadcast_in_dim3A_451 : i1 to vector<16xi1>
        %masked_cumsum3A_453 = tpu.scan <sum>, %select_n3A_439 masked %broadcast_in_dim3A_452 : vector<16xf32>, vector<16xi1> -> vector<16xf32>
        tpu.vector_store_idx %arg16[%get3A_415], %masked_cumsum3A_453 masked %or3A_425 {add = true} : memref<4096xf32, #tpu.memory_space<vmem>>[vector<16xi32>], vector<16xf32>, vector<16xi1>
        %sub3A_454 = arith.subf %select_n3A_439, %masked_cumsum3A_453 : vector<16xf32>
        tpu.vector_store_idx %arg16[%get3A_415], %sub3A_454 masked %or3A_427 {add = true} : memref<4096xf32, #tpu.memory_space<vmem>>[vector<16xi32>], vector<16xf32>, vector<16xi1>
        %add3A_455 = arith.constant 48 : i32
        %add3A_456 = arith.addi %mul3A_77, %add3A_455 : i32
        %add3A_457 = arith.constant 8 : i32
        %add3A_458 = arith.addi %add3A_456, %add3A_457 : i32
        %get3A_459 = arith.index_cast %add3A_458 : i32 to index
        %get3A_460 = tpu.vector_load %arg10[%get3A_459] {strides = array<i32>} : memref<8016xi32, #tpu.memory_space<vmem>>, vector<16xi32>,
        %add3A_461 = arith.constant 7 : i32
        %add3A_462 = arith.addi %add3A_456, %add3A_461 : i32
        %get3A_463 = arith.index_cast %add3A_462 : i32 to index
        %get3A_464 = tpu.vector_load %arg10[%get3A_463] {strides = array<i32>} : memref<8016xi32, #tpu.memory_space<vmem>>, vector<16xi32>,
        %add3A_465 = arith.constant 9 : i32
        %add3A_466 = arith.addi %add3A_456, %add3A_465 : i32
        %get3A_467 = arith.index_cast %add3A_466 : i32 to index
        %get3A_468 = tpu.vector_load %arg10[%get3A_467] {strides = array<i32>} : memref<8016xi32, #tpu.memory_space<vmem>>, vector<16xi32>,
        %ne3A_469 = arith.cmpi ne, %get3A_460, %get3A_468 : vector<16xi32>
        %or3A_470 = arith.ori %ne3A_469, %eq3A_5 : vector<16xi1>
        %ne3A_471 = arith.cmpi ne, %get3A_460, %get3A_464 : vector<16xi32>
        %or3A_472 = arith.ori %ne3A_471, %eq3A_2 : vector<16xi1>
        %get3A_473 = arith.index_cast %add3A_456 : i32 to index
        %get3A_474 = tpu.vector_load %arg8[%get3A_473] {strides = array<i32>} : memref<8000xf32, #tpu.memory_space<vmem>>, vector<16xf32>,
        %get3A_475 = arith.index_cast %add3A_456 : i32 to index
        %get3A_476 = tpu.vector_load %arg9[%get3A_475] {strides = array<i32>} : memref<8000xf32, #tpu.memory_space<vmem>>, vector<16xf32>,
        %gt3A_477 = arith.constant 5.000000e-01 : f32
        %gt3A_478 = vector.broadcast %gt3A_477 : f32 to vector<16xf32>
        %gt3A_479 = arith.cmpf ogt, %get3A_476, %gt3A_478 : vector<16xf32>
        %jit3A_480 = arith.constant 1.000000e+00 : f32
        %jit3A_481 = arith.constant 0.000000e+00 : f32
        %broadcast_in_dim3A_482 = vector.broadcast %jit3A_480 : f32 to vector<16xf32>
        %broadcast_in_dim3A_483 = vector.broadcast %jit3A_481 : f32 to vector<16xf32>
        %select_n3A_484 = arith.select %gt3A_479, %broadcast_in_dim3A_482, %broadcast_in_dim3A_483 : vector<16xi1>, vector<16xf32>
        %jit3A_485 = arith.constant 0.000000e+00 : f32
        %broadcast_in_dim3A_486 = vector.broadcast %jit3A_485 : f32 to vector<16xf32>
        %select_n3A_487 = arith.select %gt3A_479, %get3A_474, %broadcast_in_dim3A_486 : vector<16xi1>, vector<16xf32>
        %broadcast_in_dim3A_488 = arith.constant true
        %broadcast_in_dim3A_489 = vector.broadcast %broadcast_in_dim3A_488 : i1 to vector<16xi1>
        %masked_cumsum3A_490 = tpu.scan <sum>, %select_n3A_487 masked %broadcast_in_dim3A_489 : vector<16xf32>, vector<16xi1> -> vector<16xf32>
        tpu.vector_store_idx %arg14[%get3A_460], %masked_cumsum3A_490 masked %or3A_470 {add = true} : memref<4096xf32, #tpu.memory_space<vmem>>[vector<16xi32>], vector<16xf32>, vector<16xi1>
        %sub3A_491 = arith.subf %select_n3A_487, %masked_cumsum3A_490 : vector<16xf32>
        tpu.vector_store_idx %arg14[%get3A_460], %sub3A_491 masked %or3A_472 {add = true} : memref<4096xf32, #tpu.memory_space<vmem>>[vector<16xi32>], vector<16xf32>, vector<16xi1>
        %broadcast_in_dim3A_492 = arith.constant true
        %broadcast_in_dim3A_493 = vector.broadcast %broadcast_in_dim3A_492 : i1 to vector<16xi1>
        %masked_cumsum3A_494 = tpu.scan <sum>, %get3A_474 masked %broadcast_in_dim3A_493 : vector<16xf32>, vector<16xi1> -> vector<16xf32>
        tpu.vector_store_idx %arg15[%get3A_460], %masked_cumsum3A_494 masked %or3A_470 {add = true} : memref<4096xf32, #tpu.memory_space<vmem>>[vector<16xi32>], vector<16xf32>, vector<16xi1>
        %sub3A_495 = arith.subf %get3A_474, %masked_cumsum3A_494 : vector<16xf32>
        tpu.vector_store_idx %arg15[%get3A_460], %sub3A_495 masked %or3A_472 {add = true} : memref<4096xf32, #tpu.memory_space<vmem>>[vector<16xi32>], vector<16xf32>, vector<16xi1>
        %broadcast_in_dim3A_496 = arith.constant true
        %broadcast_in_dim3A_497 = vector.broadcast %broadcast_in_dim3A_496 : i1 to vector<16xi1>
        %masked_cumsum3A_498 = tpu.scan <sum>, %select_n3A_484 masked %broadcast_in_dim3A_497 : vector<16xf32>, vector<16xi1> -> vector<16xf32>
        tpu.vector_store_idx %arg16[%get3A_460], %masked_cumsum3A_498 masked %or3A_470 {add = true} : memref<4096xf32, #tpu.memory_space<vmem>>[vector<16xi32>], vector<16xf32>, vector<16xi1>
        %sub3A_499 = arith.subf %select_n3A_484, %masked_cumsum3A_498 : vector<16xf32>
        tpu.vector_store_idx %arg16[%get3A_460], %sub3A_499 masked %or3A_472 {add = true} : memref<4096xf32, #tpu.memory_space<vmem>>[vector<16xi32>], vector<16xf32>, vector<16xi1>
        %add3A_500 = arith.constant 64 : i32
        %add3A_501 = arith.addi %mul3A_77, %add3A_500 : i32
        %add3A_502 = arith.constant 8 : i32
        %add3A_503 = arith.addi %add3A_501, %add3A_502 : i32
        %get3A_504 = arith.index_cast %add3A_503 : i32 to index
        %get3A_505 = tpu.vector_load %arg10[%get3A_504] {strides = array<i32>} : memref<8016xi32, #tpu.memory_space<vmem>>, vector<16xi32>,
        %add3A_506 = arith.constant 7 : i32
        %add3A_507 = arith.addi %add3A_501, %add3A_506 : i32
        %get3A_508 = arith.index_cast %add3A_507 : i32 to index
        %get3A_509 = tpu.vector_load %arg10[%get3A_508] {strides = array<i32>} : memref<8016xi32, #tpu.memory_space<vmem>>, vector<16xi32>,
        %add3A_510 = arith.constant 9 : i32
        %add3A_511 = arith.addi %add3A_501, %add3A_510 : i32
        %get3A_512 = arith.index_cast %add3A_511 : i32 to index
        %get3A_513 = tpu.vector_load %arg10[%get3A_512] {strides = array<i32>} : memref<8016xi32, #tpu.memory_space<vmem>>, vector<16xi32>,
        %ne3A_514 = arith.cmpi ne, %get3A_505, %get3A_513 : vector<16xi32>
        %or3A_515 = arith.ori %ne3A_514, %eq3A_5 : vector<16xi1>
        %ne3A_516 = arith.cmpi ne, %get3A_505, %get3A_509 : vector<16xi32>
        %or3A_517 = arith.ori %ne3A_516, %eq3A_2 : vector<16xi1>
        %get3A_518 = arith.index_cast %add3A_501 : i32 to index
        %get3A_519 = tpu.vector_load %arg8[%get3A_518] {strides = array<i32>} : memref<8000xf32, #tpu.memory_space<vmem>>, vector<16xf32>,
        %get3A_520 = arith.index_cast %add3A_501 : i32 to index
        %get3A_521 = tpu.vector_load %arg9[%get3A_520] {strides = array<i32>} : memref<8000xf32, #tpu.memory_space<vmem>>, vector<16xf32>,
        %gt3A_522 = arith.constant 5.000000e-01 : f32
        %gt3A_523 = vector.broadcast %gt3A_522 : f32 to vector<16xf32>
        %gt3A_524 = arith.cmpf ogt, %get3A_521, %gt3A_523 : vector<16xf32>
        %jit3A_525 = arith.constant 1.000000e+00 : f32
        %jit3A_526 = arith.constant 0.000000e+00 : f32
        %broadcast_in_dim3A_527 = vector.broadcast %jit3A_525 : f32 to vector<16xf32>
        %broadcast_in_dim3A_528 = vector.broadcast %jit3A_526 : f32 to vector<16xf32>
        %select_n3A_529 = arith.select %gt3A_524, %broadcast_in_dim3A_527, %broadcast_in_dim3A_528 : vector<16xi1>, vector<16xf32>
        %jit3A_530 = arith.constant 0.000000e+00 : f32
        %broadcast_in_dim3A_531 = vector.broadcast %jit3A_530 : f32 to vector<16xf32>
        %select_n3A_532 = arith.select %gt3A_524, %get3A_519, %broadcast_in_dim3A_531 : vector<16xi1>, vector<16xf32>
        %broadcast_in_dim3A_533 = arith.constant true
        %broadcast_in_dim3A_534 = vector.broadcast %broadcast_in_dim3A_533 : i1 to vector<16xi1>
        %masked_cumsum3A_535 = tpu.scan <sum>, %select_n3A_532 masked %broadcast_in_dim3A_534 : vector<16xf32>, vector<16xi1> -> vector<16xf32>
        tpu.vector_store_idx %arg14[%get3A_505], %masked_cumsum3A_535 masked %or3A_515 {add = true} : memref<4096xf32, #tpu.memory_space<vmem>>[vector<16xi32>], vector<16xf32>, vector<16xi1>
        %sub3A_536 = arith.subf %select_n3A_532, %masked_cumsum3A_535 : vector<16xf32>
        tpu.vector_store_idx %arg14[%get3A_505], %sub3A_536 masked %or3A_517 {add = true} : memref<4096xf32, #tpu.memory_space<vmem>>[vector<16xi32>], vector<16xf32>, vector<16xi1>
        %broadcast_in_dim3A_537 = arith.constant true
        %broadcast_in_dim3A_538 = vector.broadcast %broadcast_in_dim3A_537 : i1 to vector<16xi1>
        %masked_cumsum3A_539 = tpu.scan <sum>, %get3A_519 masked %broadcast_in_dim3A_538 : vector<16xf32>, vector<16xi1> -> vector<16xf32>
        tpu.vector_store_idx %arg15[%get3A_505], %masked_cumsum3A_539 masked %or3A_515 {add = true} : memref<4096xf32, #tpu.memory_space<vmem>>[vector<16xi32>], vector<16xf32>, vector<16xi1>
        %sub3A_540 = arith.subf %get3A_519, %masked_cumsum3A_539 : vector<16xf32>
        tpu.vector_store_idx %arg15[%get3A_505], %sub3A_540 masked %or3A_517 {add = true} : memref<4096xf32, #tpu.memory_space<vmem>>[vector<16xi32>], vector<16xf32>, vector<16xi1>
        %broadcast_in_dim3A_541 = arith.constant true
        %broadcast_in_dim3A_542 = vector.broadcast %broadcast_in_dim3A_541 : i1 to vector<16xi1>
        %masked_cumsum3A_543 = tpu.scan <sum>, %select_n3A_529 masked %broadcast_in_dim3A_542 : vector<16xf32>, vector<16xi1> -> vector<16xf32>
        tpu.vector_store_idx %arg16[%get3A_505], %masked_cumsum3A_543 masked %or3A_515 {add = true} : memref<4096xf32, #tpu.memory_space<vmem>>[vector<16xi32>], vector<16xf32>, vector<16xi1>
        %sub3A_544 = arith.subf %select_n3A_529, %masked_cumsum3A_543 : vector<16xf32>
        tpu.vector_store_idx %arg16[%get3A_505], %sub3A_544 masked %or3A_517 {add = true} : memref<4096xf32, #tpu.memory_space<vmem>>[vector<16xi32>], vector<16xf32>, vector<16xi1>
        %add3A_545 = arith.constant 80 : i32
        %add3A_546 = arith.addi %mul3A_77, %add3A_545 : i32
        %add3A_547 = arith.constant 8 : i32
        %add3A_548 = arith.addi %add3A_546, %add3A_547 : i32
        %get3A_549 = arith.index_cast %add3A_548 : i32 to index
        %get3A_550 = tpu.vector_load %arg10[%get3A_549] {strides = array<i32>} : memref<8016xi32, #tpu.memory_space<vmem>>, vector<16xi32>,
        %add3A_551 = arith.constant 7 : i32
        %add3A_552 = arith.addi %add3A_546, %add3A_551 : i32
        %get3A_553 = arith.index_cast %add3A_552 : i32 to index
        %get3A_554 = tpu.vector_load %arg10[%get3A_553] {strides = array<i32>} : memref<8016xi32, #tpu.memory_space<vmem>>, vector<16xi32>,
        %add3A_555 = arith.constant 9 : i32
        %add3A_556 = arith.addi %add3A_546, %add3A_555 : i32
        %get3A_557 = arith.index_cast %add3A_556 : i32 to index
        %get3A_558 = tpu.vector_load %arg10[%get3A_557] {strides = array<i32>} : memref<8016xi32, #tpu.memory_space<vmem>>, vector<16xi32>,
        %ne3A_559 = arith.cmpi ne, %get3A_550, %get3A_558 : vector<16xi32>
        %or3A_560 = arith.ori %ne3A_559, %eq3A_5 : vector<16xi1>
        %ne3A_561 = arith.cmpi ne, %get3A_550, %get3A_554 : vector<16xi32>
        %or3A_562 = arith.ori %ne3A_561, %eq3A_2 : vector<16xi1>
        %get3A_563 = arith.index_cast %add3A_546 : i32 to index
        %get3A_564 = tpu.vector_load %arg8[%get3A_563] {strides = array<i32>} : memref<8000xf32, #tpu.memory_space<vmem>>, vector<16xf32>,
        %get3A_565 = arith.index_cast %add3A_546 : i32 to index
        %get3A_566 = tpu.vector_load %arg9[%get3A_565] {strides = array<i32>} : memref<8000xf32, #tpu.memory_space<vmem>>, vector<16xf32>,
        %gt3A_567 = arith.constant 5.000000e-01 : f32
        %gt3A_568 = vector.broadcast %gt3A_567 : f32 to vector<16xf32>
        %gt3A_569 = arith.cmpf ogt, %get3A_566, %gt3A_568 : vector<16xf32>
        %jit3A_570 = arith.constant 1.000000e+00 : f32
        %jit3A_571 = arith.constant 0.000000e+00 : f32
        %broadcast_in_dim3A_572 = vector.broadcast %jit3A_570 : f32 to vector<16xf32>
        %broadcast_in_dim3A_573 = vector.broadcast %jit3A_571 : f32 to vector<16xf32>
        %select_n3A_574 = arith.select %gt3A_569, %broadcast_in_dim3A_572, %broadcast_in_dim3A_573 : vector<16xi1>, vector<16xf32>
        %jit3A_575 = arith.constant 0.000000e+00 : f32
        %broadcast_in_dim3A_576 = vector.broadcast %jit3A_575 : f32 to vector<16xf32>
        %select_n3A_577 = arith.select %gt3A_569, %get3A_564, %broadcast_in_dim3A_576 : vector<16xi1>, vector<16xf32>
        %broadcast_in_dim3A_578 = arith.constant true
        %broadcast_in_dim3A_579 = vector.broadcast %broadcast_in_dim3A_578 : i1 to vector<16xi1>
        %masked_cumsum3A_580 = tpu.scan <sum>, %select_n3A_577 masked %broadcast_in_dim3A_579 : vector<16xf32>, vector<16xi1> -> vector<16xf32>
        tpu.vector_store_idx %arg14[%get3A_550], %masked_cumsum3A_580 masked %or3A_560 {add = true} : memref<4096xf32, #tpu.memory_space<vmem>>[vector<16xi32>], vector<16xf32>, vector<16xi1>
        %sub3A_581 = arith.subf %select_n3A_577, %masked_cumsum3A_580 : vector<16xf32>
        tpu.vector_store_idx %arg14[%get3A_550], %sub3A_581 masked %or3A_562 {add = true} : memref<4096xf32, #tpu.memory_space<vmem>>[vector<16xi32>], vector<16xf32>, vector<16xi1>
        %broadcast_in_dim3A_582 = arith.constant true
        %broadcast_in_dim3A_583 = vector.broadcast %broadcast_in_dim3A_582 : i1 to vector<16xi1>
        %masked_cumsum3A_584 = tpu.scan <sum>, %get3A_564 masked %broadcast_in_dim3A_583 : vector<16xf32>, vector<16xi1> -> vector<16xf32>
        tpu.vector_store_idx %arg15[%get3A_550], %masked_cumsum3A_584 masked %or3A_560 {add = true} : memref<4096xf32, #tpu.memory_space<vmem>>[vector<16xi32>], vector<16xf32>, vector<16xi1>
        %sub3A_585 = arith.subf %get3A_564, %masked_cumsum3A_584 : vector<16xf32>
        tpu.vector_store_idx %arg15[%get3A_550], %sub3A_585 masked %or3A_562 {add = true} : memref<4096xf32, #tpu.memory_space<vmem>>[vector<16xi32>], vector<16xf32>, vector<16xi1>
        %broadcast_in_dim3A_586 = arith.constant true
        %broadcast_in_dim3A_587 = vector.broadcast %broadcast_in_dim3A_586 : i1 to vector<16xi1>
        %masked_cumsum3A_588 = tpu.scan <sum>, %select_n3A_574 masked %broadcast_in_dim3A_587 : vector<16xf32>, vector<16xi1> -> vector<16xf32>
        tpu.vector_store_idx %arg16[%get3A_550], %masked_cumsum3A_588 masked %or3A_560 {add = true} : memref<4096xf32, #tpu.memory_space<vmem>>[vector<16xi32>], vector<16xf32>, vector<16xi1>
        %sub3A_589 = arith.subf %select_n3A_574, %masked_cumsum3A_588 : vector<16xf32>
        tpu.vector_store_idx %arg16[%get3A_550], %sub3A_589 masked %or3A_562 {add = true} : memref<4096xf32, #tpu.memory_space<vmem>>[vector<16xi32>], vector<16xf32>, vector<16xi1>
        %add3A_590 = arith.constant 96 : i32
        %add3A_591 = arith.addi %mul3A_77, %add3A_590 : i32
        %add3A_592 = arith.constant 8 : i32
        %add3A_593 = arith.addi %add3A_591, %add3A_592 : i32
        %get3A_594 = arith.index_cast %add3A_593 : i32 to index
        %get3A_595 = tpu.vector_load %arg10[%get3A_594] {strides = array<i32>} : memref<8016xi32, #tpu.memory_space<vmem>>, vector<16xi32>,
        %add3A_596 = arith.constant 7 : i32
        %add3A_597 = arith.addi %add3A_591, %add3A_596 : i32
        %get3A_598 = arith.index_cast %add3A_597 : i32 to index
        %get3A_599 = tpu.vector_load %arg10[%get3A_598] {strides = array<i32>} : memref<8016xi32, #tpu.memory_space<vmem>>, vector<16xi32>,
        %add3A_600 = arith.constant 9 : i32
        %add3A_601 = arith.addi %add3A_591, %add3A_600 : i32
        %get3A_602 = arith.index_cast %add3A_601 : i32 to index
        %get3A_603 = tpu.vector_load %arg10[%get3A_602] {strides = array<i32>} : memref<8016xi32, #tpu.memory_space<vmem>>, vector<16xi32>,
        %ne3A_604 = arith.cmpi ne, %get3A_595, %get3A_603 : vector<16xi32>
        %or3A_605 = arith.ori %ne3A_604, %eq3A_5 : vector<16xi1>
        %ne3A_606 = arith.cmpi ne, %get3A_595, %get3A_599 : vector<16xi32>
        %or3A_607 = arith.ori %ne3A_606, %eq3A_2 : vector<16xi1>
        %get3A_608 = arith.index_cast %add3A_591 : i32 to index
        %get3A_609 = tpu.vector_load %arg8[%get3A_608] {strides = array<i32>} : memref<8000xf32, #tpu.memory_space<vmem>>, vector<16xf32>,
        %get3A_610 = arith.index_cast %add3A_591 : i32 to index
        %get3A_611 = tpu.vector_load %arg9[%get3A_610] {strides = array<i32>} : memref<8000xf32, #tpu.memory_space<vmem>>, vector<16xf32>,
        %gt3A_612 = arith.constant 5.000000e-01 : f32
        %gt3A_613 = vector.broadcast %gt3A_612 : f32 to vector<16xf32>
        %gt3A_614 = arith.cmpf ogt, %get3A_611, %gt3A_613 : vector<16xf32>
        %jit3A_615 = arith.constant 1.000000e+00 : f32
        %jit3A_616 = arith.constant 0.000000e+00 : f32
        %broadcast_in_dim3A_617 = vector.broadcast %jit3A_615 : f32 to vector<16xf32>
        %broadcast_in_dim3A_618 = vector.broadcast %jit3A_616 : f32 to vector<16xf32>
        %select_n3A_619 = arith.select %gt3A_614, %broadcast_in_dim3A_617, %broadcast_in_dim3A_618 : vector<16xi1>, vector<16xf32>
        %jit3A_620 = arith.constant 0.000000e+00 : f32
        %broadcast_in_dim3A_621 = vector.broadcast %jit3A_620 : f32 to vector<16xf32>
        %select_n3A_622 = arith.select %gt3A_614, %get3A_609, %broadcast_in_dim3A_621 : vector<16xi1>, vector<16xf32>
        %broadcast_in_dim3A_623 = arith.constant true
        %broadcast_in_dim3A_624 = vector.broadcast %broadcast_in_dim3A_623 : i1 to vector<16xi1>
        %masked_cumsum3A_625 = tpu.scan <sum>, %select_n3A_622 masked %broadcast_in_dim3A_624 : vector<16xf32>, vector<16xi1> -> vector<16xf32>
        tpu.vector_store_idx %arg14[%get3A_595], %masked_cumsum3A_625 masked %or3A_605 {add = true} : memref<4096xf32, #tpu.memory_space<vmem>>[vector<16xi32>], vector<16xf32>, vector<16xi1>
        %sub3A_626 = arith.subf %select_n3A_622, %masked_cumsum3A_625 : vector<16xf32>
        tpu.vector_store_idx %arg14[%get3A_595], %sub3A_626 masked %or3A_607 {add = true} : memref<4096xf32, #tpu.memory_space<vmem>>[vector<16xi32>], vector<16xf32>, vector<16xi1>
        %broadcast_in_dim3A_627 = arith.constant true
        %broadcast_in_dim3A_628 = vector.broadcast %broadcast_in_dim3A_627 : i1 to vector<16xi1>
        %masked_cumsum3A_629 = tpu.scan <sum>, %get3A_609 masked %broadcast_in_dim3A_628 : vector<16xf32>, vector<16xi1> -> vector<16xf32>
        tpu.vector_store_idx %arg15[%get3A_595], %masked_cumsum3A_629 masked %or3A_605 {add = true} : memref<4096xf32, #tpu.memory_space<vmem>>[vector<16xi32>], vector<16xf32>, vector<16xi1>
        %sub3A_630 = arith.subf %get3A_609, %masked_cumsum3A_629 : vector<16xf32>
        tpu.vector_store_idx %arg15[%get3A_595], %sub3A_630 masked %or3A_607 {add = true} : memref<4096xf32, #tpu.memory_space<vmem>>[vector<16xi32>], vector<16xf32>, vector<16xi1>
        %broadcast_in_dim3A_631 = arith.constant true
        %broadcast_in_dim3A_632 = vector.broadcast %broadcast_in_dim3A_631 : i1 to vector<16xi1>
        %masked_cumsum3A_633 = tpu.scan <sum>, %select_n3A_619 masked %broadcast_in_dim3A_632 : vector<16xf32>, vector<16xi1> -> vector<16xf32>
        tpu.vector_store_idx %arg16[%get3A_595], %masked_cumsum3A_633 masked %or3A_605 {add = true} : memref<4096xf32, #tpu.memory_space<vmem>>[vector<16xi32>], vector<16xf32>, vector<16xi1>
        %sub3A_634 = arith.subf %select_n3A_619, %masked_cumsum3A_633 : vector<16xf32>
        tpu.vector_store_idx %arg16[%get3A_595], %sub3A_634 masked %or3A_607 {add = true} : memref<4096xf32, #tpu.memory_space<vmem>>[vector<16xi32>], vector<16xf32>, vector<16xi1>
        %add3A_635 = arith.constant 112 : i32
        %add3A_636 = arith.addi %mul3A_77, %add3A_635 : i32
        %add3A_637 = arith.constant 8 : i32
        %add3A_638 = arith.addi %add3A_636, %add3A_637 : i32
        %get3A_639 = arith.index_cast %add3A_638 : i32 to index
        %get3A_640 = tpu.vector_load %arg10[%get3A_639] {strides = array<i32>} : memref<8016xi32, #tpu.memory_space<vmem>>, vector<16xi32>,
        %add3A_641 = arith.constant 7 : i32
        %add3A_642 = arith.addi %add3A_636, %add3A_641 : i32
        %get3A_643 = arith.index_cast %add3A_642 : i32 to index
        %get3A_644 = tpu.vector_load %arg10[%get3A_643] {strides = array<i32>} : memref<8016xi32, #tpu.memory_space<vmem>>, vector<16xi32>,
        %add3A_645 = arith.constant 9 : i32
        %add3A_646 = arith.addi %add3A_636, %add3A_645 : i32
        %get3A_647 = arith.index_cast %add3A_646 : i32 to index
        %get3A_648 = tpu.vector_load %arg10[%get3A_647] {strides = array<i32>} : memref<8016xi32, #tpu.memory_space<vmem>>, vector<16xi32>,
        %ne3A_649 = arith.cmpi ne, %get3A_640, %get3A_648 : vector<16xi32>
        %or3A_650 = arith.ori %ne3A_649, %eq3A_5 : vector<16xi1>
        %ne3A_651 = arith.cmpi ne, %get3A_640, %get3A_644 : vector<16xi32>
        %or3A_652 = arith.ori %ne3A_651, %eq3A_2 : vector<16xi1>
        %get3A_653 = arith.index_cast %add3A_636 : i32 to index
        %get3A_654 = tpu.vector_load %arg8[%get3A_653] {strides = array<i32>} : memref<8000xf32, #tpu.memory_space<vmem>>, vector<16xf32>,
        %get3A_655 = arith.index_cast %add3A_636 : i32 to index
        %get3A_656 = tpu.vector_load %arg9[%get3A_655] {strides = array<i32>} : memref<8000xf32, #tpu.memory_space<vmem>>, vector<16xf32>,
        %gt3A_657 = arith.constant 5.000000e-01 : f32
        %gt3A_658 = vector.broadcast %gt3A_657 : f32 to vector<16xf32>
        %gt3A_659 = arith.cmpf ogt, %get3A_656, %gt3A_658 : vector<16xf32>
        %jit3A_660 = arith.constant 1.000000e+00 : f32
        %jit3A_661 = arith.constant 0.000000e+00 : f32
        %broadcast_in_dim3A_662 = vector.broadcast %jit3A_660 : f32 to vector<16xf32>
        %broadcast_in_dim3A_663 = vector.broadcast %jit3A_661 : f32 to vector<16xf32>
        %select_n3A_664 = arith.select %gt3A_659, %broadcast_in_dim3A_662, %broadcast_in_dim3A_663 : vector<16xi1>, vector<16xf32>
        %jit3A_665 = arith.constant 0.000000e+00 : f32
        %broadcast_in_dim3A_666 = vector.broadcast %jit3A_665 : f32 to vector<16xf32>
        %select_n3A_667 = arith.select %gt3A_659, %get3A_654, %broadcast_in_dim3A_666 : vector<16xi1>, vector<16xf32>
        %broadcast_in_dim3A_668 = arith.constant true
        %broadcast_in_dim3A_669 = vector.broadcast %broadcast_in_dim3A_668 : i1 to vector<16xi1>
        %masked_cumsum3A_670 = tpu.scan <sum>, %select_n3A_667 masked %broadcast_in_dim3A_669 : vector<16xf32>, vector<16xi1> -> vector<16xf32>
        tpu.vector_store_idx %arg14[%get3A_640], %masked_cumsum3A_670 masked %or3A_650 {add = true} : memref<4096xf32, #tpu.memory_space<vmem>>[vector<16xi32>], vector<16xf32>, vector<16xi1>
        %sub3A_671 = arith.subf %select_n3A_667, %masked_cumsum3A_670 : vector<16xf32>
        tpu.vector_store_idx %arg14[%get3A_640], %sub3A_671 masked %or3A_652 {add = true} : memref<4096xf32, #tpu.memory_space<vmem>>[vector<16xi32>], vector<16xf32>, vector<16xi1>
        %broadcast_in_dim3A_672 = arith.constant true
        %broadcast_in_dim3A_673 = vector.broadcast %broadcast_in_dim3A_672 : i1 to vector<16xi1>
        %masked_cumsum3A_674 = tpu.scan <sum>, %get3A_654 masked %broadcast_in_dim3A_673 : vector<16xf32>, vector<16xi1> -> vector<16xf32>
        tpu.vector_store_idx %arg15[%get3A_640], %masked_cumsum3A_674 masked %or3A_650 {add = true} : memref<4096xf32, #tpu.memory_space<vmem>>[vector<16xi32>], vector<16xf32>, vector<16xi1>
        %sub3A_675 = arith.subf %get3A_654, %masked_cumsum3A_674 : vector<16xf32>
        tpu.vector_store_idx %arg15[%get3A_640], %sub3A_675 masked %or3A_652 {add = true} : memref<4096xf32, #tpu.memory_space<vmem>>[vector<16xi32>], vector<16xf32>, vector<16xi1>
        %broadcast_in_dim3A_676 = arith.constant true
        %broadcast_in_dim3A_677 = vector.broadcast %broadcast_in_dim3A_676 : i1 to vector<16xi1>
        %masked_cumsum3A_678 = tpu.scan <sum>, %select_n3A_664 masked %broadcast_in_dim3A_677 : vector<16xf32>, vector<16xi1> -> vector<16xf32>
        tpu.vector_store_idx %arg16[%get3A_640], %masked_cumsum3A_678 masked %or3A_650 {add = true} : memref<4096xf32, #tpu.memory_space<vmem>>[vector<16xi32>], vector<16xf32>, vector<16xi1>
        %sub3A_679 = arith.subf %select_n3A_664, %masked_cumsum3A_678 : vector<16xf32>
        tpu.vector_store_idx %arg16[%get3A_640], %sub3A_679 masked %or3A_652 {add = true} : memref<4096xf32, #tpu.memory_space<vmem>>[vector<16xi32>], vector<16xf32>, vector<16xi1>
        %add3A_680 = arith.constant 128 : i32
        %add3A_681 = arith.addi %mul3A_77, %add3A_680 : i32
        %add3A_682 = arith.constant 8 : i32
        %add3A_683 = arith.addi %add3A_681, %add3A_682 : i32
        %get3A_684 = arith.index_cast %add3A_683 : i32 to index
        %get3A_685 = tpu.vector_load %arg10[%get3A_684] {strides = array<i32>} : memref<8016xi32, #tpu.memory_space<vmem>>, vector<16xi32>,
        %add3A_686 = arith.constant 7 : i32
        %add3A_687 = arith.addi %add3A_681, %add3A_686 : i32
        %get3A_688 = arith.index_cast %add3A_687 : i32 to index
        %get3A_689 = tpu.vector_load %arg10[%get3A_688] {strides = array<i32>} : memref<8016xi32, #tpu.memory_space<vmem>>, vector<16xi32>,
        %add3A_690 = arith.constant 9 : i32
        %add3A_691 = arith.addi %add3A_681, %add3A_690 : i32
        %get3A_692 = arith.index_cast %add3A_691 : i32 to index
        %get3A_693 = tpu.vector_load %arg10[%get3A_692] {strides = array<i32>} : memref<8016xi32, #tpu.memory_space<vmem>>, vector<16xi32>,
        %ne3A_694 = arith.cmpi ne, %get3A_685, %get3A_693 : vector<16xi32>
        %or3A_695 = arith.ori %ne3A_694, %eq3A_5 : vector<16xi1>
        %ne3A_696 = arith.cmpi ne, %get3A_685, %get3A_689 : vector<16xi32>
        %or3A_697 = arith.ori %ne3A_696, %eq3A_2 : vector<16xi1>
        %get3A_698 = arith.index_cast %add3A_681 : i32 to index
        %get3A_699 = tpu.vector_load %arg8[%get3A_698] {strides = array<i32>} : memref<8000xf32, #tpu.memory_space<vmem>>, vector<16xf32>,
        %get3A_700 = arith.index_cast %add3A_681 : i32 to index
        %get3A_701 = tpu.vector_load %arg9[%get3A_700] {strides = array<i32>} : memref<8000xf32, #tpu.memory_space<vmem>>, vector<16xf32>,
        %gt3A_702 = arith.constant 5.000000e-01 : f32
        %gt3A_703 = vector.broadcast %gt3A_702 : f32 to vector<16xf32>
        %gt3A_704 = arith.cmpf ogt, %get3A_701, %gt3A_703 : vector<16xf32>
        %jit3A_705 = arith.constant 1.000000e+00 : f32
        %jit3A_706 = arith.constant 0.000000e+00 : f32
        %broadcast_in_dim3A_707 = vector.broadcast %jit3A_705 : f32 to vector<16xf32>
        %broadcast_in_dim3A_708 = vector.broadcast %jit3A_706 : f32 to vector<16xf32>
        %select_n3A_709 = arith.select %gt3A_704, %broadcast_in_dim3A_707, %broadcast_in_dim3A_708 : vector<16xi1>, vector<16xf32>
        %jit3A_710 = arith.constant 0.000000e+00 : f32
        %broadcast_in_dim3A_711 = vector.broadcast %jit3A_710 : f32 to vector<16xf32>
        %select_n3A_712 = arith.select %gt3A_704, %get3A_699, %broadcast_in_dim3A_711 : vector<16xi1>, vector<16xf32>
        %broadcast_in_dim3A_713 = arith.constant true
        %broadcast_in_dim3A_714 = vector.broadcast %broadcast_in_dim3A_713 : i1 to vector<16xi1>
        %masked_cumsum3A_715 = tpu.scan <sum>, %select_n3A_712 masked %broadcast_in_dim3A_714 : vector<16xf32>, vector<16xi1> -> vector<16xf32>
        tpu.vector_store_idx %arg14[%get3A_685], %masked_cumsum3A_715 masked %or3A_695 {add = true} : memref<4096xf32, #tpu.memory_space<vmem>>[vector<16xi32>], vector<16xf32>, vector<16xi1>
        %sub3A_716 = arith.subf %select_n3A_712, %masked_cumsum3A_715 : vector<16xf32>
        tpu.vector_store_idx %arg14[%get3A_685], %sub3A_716 masked %or3A_697 {add = true} : memref<4096xf32, #tpu.memory_space<vmem>>[vector<16xi32>], vector<16xf32>, vector<16xi1>
        %broadcast_in_dim3A_717 = arith.constant true
        %broadcast_in_dim3A_718 = vector.broadcast %broadcast_in_dim3A_717 : i1 to vector<16xi1>
        %masked_cumsum3A_719 = tpu.scan <sum>, %get3A_699 masked %broadcast_in_dim3A_718 : vector<16xf32>, vector<16xi1> -> vector<16xf32>
        tpu.vector_store_idx %arg15[%get3A_685], %masked_cumsum3A_719 masked %or3A_695 {add = true} : memref<4096xf32, #tpu.memory_space<vmem>>[vector<16xi32>], vector<16xf32>, vector<16xi1>
        %sub3A_720 = arith.subf %get3A_699, %masked_cumsum3A_719 : vector<16xf32>
        tpu.vector_store_idx %arg15[%get3A_685], %sub3A_720 masked %or3A_697 {add = true} : memref<4096xf32, #tpu.memory_space<vmem>>[vector<16xi32>], vector<16xf32>, vector<16xi1>
        %broadcast_in_dim3A_721 = arith.constant true
        %broadcast_in_dim3A_722 = vector.broadcast %broadcast_in_dim3A_721 : i1 to vector<16xi1>
        %masked_cumsum3A_723 = tpu.scan <sum>, %select_n3A_709 masked %broadcast_in_dim3A_722 : vector<16xf32>, vector<16xi1> -> vector<16xf32>
        tpu.vector_store_idx %arg16[%get3A_685], %masked_cumsum3A_723 masked %or3A_695 {add = true} : memref<4096xf32, #tpu.memory_space<vmem>>[vector<16xi32>], vector<16xf32>, vector<16xi1>
        %sub3A_724 = arith.subf %select_n3A_709, %masked_cumsum3A_723 : vector<16xf32>
        tpu.vector_store_idx %arg16[%get3A_685], %sub3A_724 masked %or3A_697 {add = true} : memref<4096xf32, #tpu.memory_space<vmem>>[vector<16xi32>], vector<16xf32>, vector<16xi1>
        %add3A_725 = arith.constant 144 : i32
        %add3A_726 = arith.addi %mul3A_77, %add3A_725 : i32
        %add3A_727 = arith.constant 8 : i32
        %add3A_728 = arith.addi %add3A_726, %add3A_727 : i32
        %get3A_729 = arith.index_cast %add3A_728 : i32 to index
        %get3A_730 = tpu.vector_load %arg10[%get3A_729] {strides = array<i32>} : memref<8016xi32, #tpu.memory_space<vmem>>, vector<16xi32>,
        %add3A_731 = arith.constant 7 : i32
        %add3A_732 = arith.addi %add3A_726, %add3A_731 : i32
        %get3A_733 = arith.index_cast %add3A_732 : i32 to index
        %get3A_734 = tpu.vector_load %arg10[%get3A_733] {strides = array<i32>} : memref<8016xi32, #tpu.memory_space<vmem>>, vector<16xi32>,
        %add3A_735 = arith.constant 9 : i32
        %add3A_736 = arith.addi %add3A_726, %add3A_735 : i32
        %get3A_737 = arith.index_cast %add3A_736 : i32 to index
        %get3A_738 = tpu.vector_load %arg10[%get3A_737] {strides = array<i32>} : memref<8016xi32, #tpu.memory_space<vmem>>, vector<16xi32>,
        %ne3A_739 = arith.cmpi ne, %get3A_730, %get3A_738 : vector<16xi32>
        %or3A_740 = arith.ori %ne3A_739, %eq3A_5 : vector<16xi1>
        %ne3A_741 = arith.cmpi ne, %get3A_730, %get3A_734 : vector<16xi32>
        %or3A_742 = arith.ori %ne3A_741, %eq3A_2 : vector<16xi1>
        %get3A_743 = arith.index_cast %add3A_726 : i32 to index
        %get3A_744 = tpu.vector_load %arg8[%get3A_743] {strides = array<i32>} : memref<8000xf32, #tpu.memory_space<vmem>>, vector<16xf32>,
        %get3A_745 = arith.index_cast %add3A_726 : i32 to index
        %get3A_746 = tpu.vector_load %arg9[%get3A_745] {strides = array<i32>} : memref<8000xf32, #tpu.memory_space<vmem>>, vector<16xf32>,
        %gt3A_747 = arith.constant 5.000000e-01 : f32
        %gt3A_748 = vector.broadcast %gt3A_747 : f32 to vector<16xf32>
        %gt3A_749 = arith.cmpf ogt, %get3A_746, %gt3A_748 : vector<16xf32>
        %jit3A_750 = arith.constant 1.000000e+00 : f32
        %jit3A_751 = arith.constant 0.000000e+00 : f32
        %broadcast_in_dim3A_752 = vector.broadcast %jit3A_750 : f32 to vector<16xf32>
        %broadcast_in_dim3A_753 = vector.broadcast %jit3A_751 : f32 to vector<16xf32>
        %select_n3A_754 = arith.select %gt3A_749, %broadcast_in_dim3A_752, %broadcast_in_dim3A_753 : vector<16xi1>, vector<16xf32>
        %jit3A_755 = arith.constant 0.000000e+00 : f32
        %broadcast_in_dim3A_756 = vector.broadcast %jit3A_755 : f32 to vector<16xf32>
        %select_n3A_757 = arith.select %gt3A_749, %get3A_744, %broadcast_in_dim3A_756 : vector<16xi1>, vector<16xf32>
        %broadcast_in_dim3A_758 = arith.constant true
        %broadcast_in_dim3A_759 = vector.broadcast %broadcast_in_dim3A_758 : i1 to vector<16xi1>
        %masked_cumsum3A_760 = tpu.scan <sum>, %select_n3A_757 masked %broadcast_in_dim3A_759 : vector<16xf32>, vector<16xi1> -> vector<16xf32>
        tpu.vector_store_idx %arg14[%get3A_730], %masked_cumsum3A_760 masked %or3A_740 {add = true} : memref<4096xf32, #tpu.memory_space<vmem>>[vector<16xi32>], vector<16xf32>, vector<16xi1>
        %sub3A_761 = arith.subf %select_n3A_757, %masked_cumsum3A_760 : vector<16xf32>
        tpu.vector_store_idx %arg14[%get3A_730], %sub3A_761 masked %or3A_742 {add = true} : memref<4096xf32, #tpu.memory_space<vmem>>[vector<16xi32>], vector<16xf32>, vector<16xi1>
        %broadcast_in_dim3A_762 = arith.constant true
        %broadcast_in_dim3A_763 = vector.broadcast %broadcast_in_dim3A_762 : i1 to vector<16xi1>
        %masked_cumsum3A_764 = tpu.scan <sum>, %get3A_744 masked %broadcast_in_dim3A_763 : vector<16xf32>, vector<16xi1> -> vector<16xf32>
        tpu.vector_store_idx %arg15[%get3A_730], %masked_cumsum3A_764 masked %or3A_740 {add = true} : memref<4096xf32, #tpu.memory_space<vmem>>[vector<16xi32>], vector<16xf32>, vector<16xi1>
        %sub3A_765 = arith.subf %get3A_744, %masked_cumsum3A_764 : vector<16xf32>
        tpu.vector_store_idx %arg15[%get3A_730], %sub3A_765 masked %or3A_742 {add = true} : memref<4096xf32, #tpu.memory_space<vmem>>[vector<16xi32>], vector<16xf32>, vector<16xi1>
        %broadcast_in_dim3A_766 = arith.constant true
        %broadcast_in_dim3A_767 = vector.broadcast %broadcast_in_dim3A_766 : i1 to vector<16xi1>
        %masked_cumsum3A_768 = tpu.scan <sum>, %select_n3A_754 masked %broadcast_in_dim3A_767 : vector<16xf32>, vector<16xi1> -> vector<16xf32>
        tpu.vector_store_idx %arg16[%get3A_730], %masked_cumsum3A_768 masked %or3A_740 {add = true} : memref<4096xf32, #tpu.memory_space<vmem>>[vector<16xi32>], vector<16xf32>, vector<16xi1>
        %sub3A_769 = arith.subf %select_n3A_754, %masked_cumsum3A_768 : vector<16xf32>
        tpu.vector_store_idx %arg16[%get3A_730], %sub3A_769 masked %or3A_742 {add = true} : memref<4096xf32, #tpu.memory_space<vmem>>[vector<16xi32>], vector<16xf32>, vector<16xi1>
        %swap3A_770 = arith.constant 0 : i32
        %swap3A_771 = arith.index_cast %swap3A_770 : i32 to index
        %swap3A_772 = memref.load %arg17[%swap3A_771] : memref<1xi32, #tpu.memory_space<smem>>
        memref.store %squeeze3A_90, %arg17[%swap3A_771] : memref<1xi32, #tpu.memory_space<smem>>
      } else {
      }
      %add3A_292 = arith.addf %scan3A_73, %add3A_271 : vector<16xf32>
      %jit3A_293 = arith.constant 0.000000e+00 : f32
      %broadcast_in_dim3A_294 = vector.broadcast %jit3A_293 : f32 to vector<16xf32>
      %select_n3A_295 = arith.select %and3A, %add3A_292, %broadcast_in_dim3A_294 : vector<16xf32>
      %add3A_296 = arith.addf %scan3A_74, %add3A_280 : vector<16xf32>
      %jit3A_297 = arith.constant 0.000000e+00 : f32
      %broadcast_in_dim3A_298 = vector.broadcast %jit3A_297 : f32 to vector<16xf32>
      %select_n3A_299 = arith.select %and3A, %add3A_296, %broadcast_in_dim3A_298 : vector<16xf32>
      %add3A_300 = arith.addf %scan3A_75, %add3A_289 : vector<16xf32>
      %jit3A_301 = arith.constant 0.000000e+00 : f32
      %broadcast_in_dim3A_302 = vector.broadcast %jit3A_301 : f32 to vector<16xf32>
      %select_n3A_303 = arith.select %and3A, %add3A_300, %broadcast_in_dim3A_302 : vector<16xf32>
      scf.yield %select_n3A_295, %select_n3A_299, %select_n3A_303 : vector<16xf32>, vector<16xf32>, vector<16xf32>
    }
    %scan3A_54 = arith.constant 50 : i32
    %get3A = arith.constant 0 : i32
    %get3A_55 = arith.index_cast %get3A : i32 to index
    %get3A_56 = memref.load %arg17[%get3A_55] : memref<1xi32, #tpu.memory_space<smem>>
    %broadcast_in_dim3A_57 = vector.broadcast %get3A_56 : i32 to vector<16xi32>
    %reduce_sum3A = arith.constant true
    %reduce_sum3A_58 = vector.broadcast %reduce_sum3A : i1 to vector<16xi1>
    %reduce_sum3A_59 = tpu.scan <sum>, %scan3A_53#0 masked %reduce_sum3A_58 : vector<16xf32>, vector<16xi1> -> vector<16xf32>
    %reduce_sum3A_60 = vector.extract %reduce_sum3A_59[15] : f32 from vector<16xf32>
    %broadcast_in_dim3A_61 = vector.broadcast %reduce_sum3A_60 : f32 to vector<16xf32>
    tpu.vector_store_idx %arg14[%broadcast_in_dim3A_57], %broadcast_in_dim3A_61 masked %eq3A_2 {add = true} : memref<4096xf32, #tpu.memory_space<vmem>>[vector<16xi32>], vector<16xf32>, vector<16xi1>
    %reduce_sum3A_62 = arith.constant true
    %reduce_sum3A_63 = vector.broadcast %reduce_sum3A_62 : i1 to vector<16xi1>
    %reduce_sum3A_64 = tpu.scan <sum>, %scan3A_53#1 masked %reduce_sum3A_63 : vector<16xf32>, vector<16xi1> -> vector<16xf32>
    %reduce_sum3A_65 = vector.extract %reduce_sum3A_64[15] : f32 from vector<16xf32>
    %broadcast_in_dim3A_66 = vector.broadcast %reduce_sum3A_65 : f32 to vector<16xf32>
    tpu.vector_store_idx %arg15[%broadcast_in_dim3A_57], %broadcast_in_dim3A_66 masked %eq3A_2 {add = true} : memref<4096xf32, #tpu.memory_space<vmem>>[vector<16xi32>], vector<16xf32>, vector<16xi1>
    %reduce_sum3A_67 = arith.constant true
    %reduce_sum3A_68 = vector.broadcast %reduce_sum3A_67 : i1 to vector<16xi1>
    %reduce_sum3A_69 = tpu.scan <sum>, %scan3A_53#2 masked %reduce_sum3A_68 : vector<16xf32>, vector<16xi1> -> vector<16xf32>
    %reduce_sum3A_70 = vector.extract %reduce_sum3A_69[15] : f32 from vector<16xf32>
    %broadcast_in_dim3A_71 = vector.broadcast %reduce_sum3A_70 : f32 to vector<16xf32>
    tpu.vector_store_idx %arg16[%broadcast_in_dim3A_57], %broadcast_in_dim3A_71 masked %eq3A_2 {add = true} : memref<4096xf32, #tpu.memory_space<vmem>>[vector<16xi32>], vector<16xf32>, vector<16xi1>
    "tpu.region"() ({
      %run_scoped3A = tpu.sem_alloc : memref<!tpu.dma_semaphore, #tpu.memory_space<semaphore_mem>>
      %dma_start3A_72 = arith.constant 0 : i32
      %dma_start3A_73 = tpu.memref_slice %arg5[%add3A, %dma_start3A_72] : memref<32x4096xf32, #tpu.memory_space<hbm>> -> memref<1x4096xf32, #tpu.memory_space<hbm>>
      %dma_start3A_74 = tpu.memref_squeeze %dma_start3A_73 : memref<1x4096xf32, #tpu.memory_space<hbm>> -> memref<4096xf32, #tpu.memory_space<hbm>>
      %dma_start3A_75 = arith.constant 0 : i32
      %dma_start3A_76 = tpu.memref_slice %arg5[%add3A, %dma_start3A_75] : memref<32x4096xf32, #tpu.memory_space<hbm>> -> memref<1x4096xf32, #tpu.memory_space<hbm>>
      %dma_start3A_77 = tpu.memref_squeeze %dma_start3A_76 : memref<1x4096xf32, #tpu.memory_space<hbm>> -> memref<4096xf32, #tpu.memory_space<hbm>>
      tpu.enqueue_dma source(%arg14 : memref<4096xf32, #tpu.memory_space<vmem>>) target(%dma_start3A_77 : memref<4096xf32, #tpu.memory_space<hbm>>) target_semaphore(%run_scoped3A : memref<!tpu.dma_semaphore, #tpu.memory_space<semaphore_mem>>)
      %dma_wait3A_78 = arith.constant 0 : i32
      %dma_wait3A_79 = tpu.memref_slice %arg5[%add3A, %dma_wait3A_78] : memref<32x4096xf32, #tpu.memory_space<hbm>> -> memref<1x4096xf32, #tpu.memory_space<hbm>>
      %dma_wait3A_80 = tpu.memref_squeeze %dma_wait3A_79 : memref<1x4096xf32, #tpu.memory_space<hbm>> -> memref<4096xf32, #tpu.memory_space<hbm>>
      %dma_wait3A_81 = arith.constant 0 : i32
      %dma_wait3A_82 = tpu.memref_slice %arg5[%add3A, %dma_wait3A_81] : memref<32x4096xf32, #tpu.memory_space<hbm>> -> memref<1x4096xf32, #tpu.memory_space<hbm>>
      %dma_wait3A_83 = tpu.memref_squeeze %dma_wait3A_82 : memref<1x4096xf32, #tpu.memory_space<hbm>> -> memref<4096xf32, #tpu.memory_space<hbm>>
      tpu.wait_dma2 semaphore(%run_scoped3A : memref<!tpu.dma_semaphore, #tpu.memory_space<semaphore_mem>>) src(%arg14 : memref<4096xf32, #tpu.memory_space<vmem>>) dst(%dma_wait3A_83 : memref<4096xf32, #tpu.memory_space<hbm>>)
      tpu.yield
    }) : () -> ()
    "tpu.region"() ({
      %run_scoped3A = tpu.sem_alloc : memref<!tpu.dma_semaphore, #tpu.memory_space<semaphore_mem>>
      %dma_start3A_72 = arith.constant 0 : i32
      %dma_start3A_73 = tpu.memref_slice %arg6[%add3A, %dma_start3A_72] : memref<32x4096xf32, #tpu.memory_space<hbm>> -> memref<1x4096xf32, #tpu.memory_space<hbm>>
      %dma_start3A_74 = tpu.memref_squeeze %dma_start3A_73 : memref<1x4096xf32, #tpu.memory_space<hbm>> -> memref<4096xf32, #tpu.memory_space<hbm>>
      %dma_start3A_75 = arith.constant 0 : i32
      %dma_start3A_76 = tpu.memref_slice %arg6[%add3A, %dma_start3A_75] : memref<32x4096xf32, #tpu.memory_space<hbm>> -> memref<1x4096xf32, #tpu.memory_space<hbm>>
      %dma_start3A_77 = tpu.memref_squeeze %dma_start3A_76 : memref<1x4096xf32, #tpu.memory_space<hbm>> -> memref<4096xf32, #tpu.memory_space<hbm>>
      tpu.enqueue_dma source(%arg15 : memref<4096xf32, #tpu.memory_space<vmem>>) target(%dma_start3A_77 : memref<4096xf32, #tpu.memory_space<hbm>>) target_semaphore(%run_scoped3A : memref<!tpu.dma_semaphore, #tpu.memory_space<semaphore_mem>>)
      %dma_wait3A_78 = arith.constant 0 : i32
      %dma_wait3A_79 = tpu.memref_slice %arg6[%add3A, %dma_wait3A_78] : memref<32x4096xf32, #tpu.memory_space<hbm>> -> memref<1x4096xf32, #tpu.memory_space<hbm>>
      %dma_wait3A_80 = tpu.memref_squeeze %dma_wait3A_79 : memref<1x4096xf32, #tpu.memory_space<hbm>> -> memref<4096xf32, #tpu.memory_space<hbm>>
      %dma_wait3A_81 = arith.constant 0 : i32
      %dma_wait3A_82 = tpu.memref_slice %arg6[%add3A, %dma_wait3A_81] : memref<32x4096xf32, #tpu.memory_space<hbm>> -> memref<1x4096xf32, #tpu.memory_space<hbm>>
      %dma_wait3A_83 = tpu.memref_squeeze %dma_wait3A_82 : memref<1x4096xf32, #tpu.memory_space<hbm>> -> memref<4096xf32, #tpu.memory_space<hbm>>
      tpu.wait_dma2 semaphore(%run_scoped3A : memref<!tpu.dma_semaphore, #tpu.memory_space<semaphore_mem>>) src(%arg15 : memref<4096xf32, #tpu.memory_space<vmem>>) dst(%dma_wait3A_83 : memref<4096xf32, #tpu.memory_space<hbm>>)
      tpu.yield
    }) : () -> ()
    "tpu.region"() ({
      %run_scoped3A = tpu.sem_alloc : memref<!tpu.dma_semaphore, #tpu.memory_space<semaphore_mem>>
      %dma_start3A_72 = arith.constant 0 : i32
      %dma_start3A_73 = tpu.memref_slice %arg7[%add3A, %dma_start3A_72] : memref<32x4096xf32, #tpu.memory_space<hbm>> -> memref<1x4096xf32, #tpu.memory_space<hbm>>
      %dma_start3A_74 = tpu.memref_squeeze %dma_start3A_73 : memref<1x4096xf32, #tpu.memory_space<hbm>> -> memref<4096xf32, #tpu.memory_space<hbm>>
      %dma_start3A_75 = arith.constant 0 : i32
      %dma_start3A_76 = tpu.memref_slice %arg7[%add3A, %dma_start3A_75] : memref<32x4096xf32, #tpu.memory_space<hbm>> -> memref<1x4096xf32, #tpu.memory_space<hbm>>
      %dma_start3A_77 = tpu.memref_squeeze %dma_start3A_76 : memref<1x4096xf32, #tpu.memory_space<hbm>> -> memref<4096xf32, #tpu.memory_space<hbm>>
      tpu.enqueue_dma source(%arg16 : memref<4096xf32, #tpu.memory_space<vmem>>) target(%dma_start3A_77 : memref<4096xf32, #tpu.memory_space<hbm>>) target_semaphore(%run_scoped3A : memref<!tpu.dma_semaphore, #tpu.memory_space<semaphore_mem>>)
      %dma_wait3A_78 = arith.constant 0 : i32
      %dma_wait3A_79 = tpu.memref_slice %arg7[%add3A, %dma_wait3A_78] : memref<32x4096xf32, #tpu.memory_space<hbm>> -> memref<1x4096xf32, #tpu.memory_space<hbm>>
      %dma_wait3A_80 = tpu.memref_squeeze %dma_wait3A_79 : memref<1x4096xf32, #tpu.memory_space<hbm>> -> memref<4096xf32, #tpu.memory_space<hbm>>
      %dma_wait3A_81 = arith.constant 0 : i32
      %dma_wait3A_82 = tpu.memref_slice %arg7[%add3A, %dma_wait3A_81] : memref<32x4096xf32, #tpu.memory_space<hbm>> -> memref<1x4096xf32, #tpu.memory_space<hbm>>
      %dma_wait3A_83 = tpu.memref_squeeze %dma_wait3A_82 : memref<1x4096xf32, #tpu.memory_space<hbm>> -> memref<4096xf32, #tpu.memory_space<hbm>>
      tpu.wait_dma2 semaphore(%run_scoped3A : memref<!tpu.dma_semaphore, #tpu.memory_space<semaphore_mem>>) src(%arg16 : memref<4096xf32, #tpu.memory_space<vmem>>) dst(%dma_wait3A_83 : memref<4096xf32, #tpu.memory_space<hbm>>)
      tpu.yield
    }) : () -> ()
    return
  }
}

module attributes {stable_mosaic.version = 14 : i64} {
  func.func @_finalize_body(%arg0: memref<32x4096xf32, #tpu.memory_space<vmem>>, %arg1: memref<32x4096xf32, #tpu.memory_space<vmem>>, %arg2: memref<32x4096xf32, #tpu.memory_space<vmem>>, %arg3: memref<1x4096xi32, #tpu.memory_space<vmem>>, %arg4: memref<1x4096xf32, #tpu.memory_space<vmem>>, %arg5: memref<1x4096xf32, #tpu.memory_space<vmem>>, %arg6: memref<1x4096xf32, #tpu.memory_space<vmem>>, %arg7: memref<1x4096xf32, #tpu.memory_space<vmem>>, %arg8: memref<1x4096xf32, #tpu.memory_space<vmem>>, %arg9: memref<1x4096xf32, #tpu.memory_space<vmem>>) attributes {dimension_semantics = [], scalar_prefetch = 0 : i64, scratch_operands = 0 : i64, tpu.core_type = #tpu.core_type<tc>} {
    %get3A = arith.constant 0 : index
    %get3A_0 = arith.constant 0 : index
    %get3A_1 = vector.load %arg0[%get3A, %get3A_0] : memref<32x4096xf32, #tpu.memory_space<vmem>>, vector<32x4096xf32>
    %reduce_sum3A = arith.constant dense<0.000000e+00> : vector<4096xf32>
    %reduce_sum3A_2 = vector.multi_reduction <add>, %get3A_1, %reduce_sum3A [0] : vector<32x4096xf32> to vector<4096xf32>
    %broadcast_in_dim3A = vector.shape_cast %reduce_sum3A_2 : vector<4096xf32> to vector<1x4096xf32>
    %get3A_3 = arith.constant 0 : index
    %get3A_4 = arith.constant 0 : index
    %get3A_5 = vector.load %arg1[%get3A_3, %get3A_4] : memref<32x4096xf32, #tpu.memory_space<vmem>>, vector<32x4096xf32>
    %reduce_sum3A_6 = arith.constant dense<0.000000e+00> : vector<4096xf32>
    %reduce_sum3A_7 = vector.multi_reduction <add>, %get3A_5, %reduce_sum3A_6 [0] : vector<32x4096xf32> to vector<4096xf32>
    %broadcast_in_dim3A_8 = vector.shape_cast %reduce_sum3A_7 : vector<4096xf32> to vector<1x4096xf32>
    %get3A_9 = arith.constant 0 : index
    %get3A_10 = arith.constant 0 : index
    %get3A_11 = vector.load %arg2[%get3A_9, %get3A_10] : memref<32x4096xf32, #tpu.memory_space<vmem>>, vector<32x4096xf32>
    %reduce_sum3A_12 = arith.constant dense<0.000000e+00> : vector<4096xf32>
    %reduce_sum3A_13 = vector.multi_reduction <add>, %get3A_11, %reduce_sum3A_12 [0] : vector<32x4096xf32> to vector<4096xf32>
    %broadcast_in_dim3A_14 = vector.shape_cast %reduce_sum3A_13 : vector<4096xf32> to vector<1x4096xf32>
    %broadcast_in_dim3A_15 = arith.constant 0.000000e+00 : f32
    %broadcast_in_dim3A_16 = vector.broadcast %broadcast_in_dim3A_15 : f32 to vector<1x4096xf32>
    %gt3A = arith.constant 0.000000e+00 : f32
    %gt3A_17 = vector.broadcast %gt3A : f32 to vector<1x4096xf32>
    %gt3A_18 = arith.cmpf ogt, %broadcast_in_dim3A_8, %gt3A_17 : vector<1x4096xf32>
    %max3A = arith.constant 1.000000e+00 : f32
    %max3A_19 = vector.broadcast %max3A : f32 to vector<1x4096xf32>
    %max3A_20 = arith.maximumf %broadcast_in_dim3A_8, %max3A_19 : vector<1x4096xf32>
    %div3A = arith.divf %broadcast_in_dim3A, %max3A_20 : vector<1x4096xf32>
    %select_n3A = arith.select %gt3A_18, %div3A, %broadcast_in_dim3A_16 : vector<1x4096xi1>, vector<1x4096xf32>
    %gt3A_21 = arith.constant 0.000000e+00 : f32
    %gt3A_22 = vector.broadcast %gt3A_21 : f32 to vector<1x4096xf32>
    %gt3A_23 = arith.cmpf ogt, %broadcast_in_dim3A_14, %gt3A_22 : vector<1x4096xf32>
    %max3A_24 = arith.constant 1.000000e+00 : f32
    %max3A_25 = vector.broadcast %max3A_24 : f32 to vector<1x4096xf32>
    %max3A_26 = arith.maximumf %broadcast_in_dim3A_14, %max3A_25 : vector<1x4096xf32>
    %div3A_27 = arith.divf %broadcast_in_dim3A, %max3A_26 : vector<1x4096xf32>
    %select_n3A_28 = arith.select %gt3A_23, %div3A_27, %broadcast_in_dim3A_16 : vector<1x4096xi1>, vector<1x4096xf32>
    %mul3A = arith.constant 2.000000e+00 : f32
    %mul3A_29 = vector.broadcast %mul3A : f32 to vector<1x4096xf32>
    %mul3A_30 = arith.mulf %mul3A_29, %select_n3A : vector<1x4096xf32>
    %mul3A_31 = arith.mulf %mul3A_30, %select_n3A_28 : vector<1x4096xf32>
    %add3A = arith.addf %select_n3A, %select_n3A_28 : vector<1x4096xf32>
    %add3A_32 = arith.constant 9.99999993E-9 : f32
    %add3A_33 = vector.broadcast %add3A_32 : f32 to vector<1x4096xf32>
    %add3A_34 = arith.addf %add3A, %add3A_33 : vector<1x4096xf32>
    %div3A_35 = arith.divf %mul3A_31, %add3A_34 : vector<1x4096xf32>
    %get3A_36 = arith.constant 0 : index
    %get3A_37 = arith.constant 0 : index
    %get3A_38 = vector.load %arg3[%get3A_36, %get3A_37] : memref<1x4096xi32, #tpu.memory_space<vmem>>, vector<1x4096xi32>
    %convert_element_type3A = arith.constant 0 : i32
    %convert_element_type3A_39 = vector.broadcast %convert_element_type3A : i32 to vector<1x4096xi32>
    %convert_element_type3A_40 = arith.cmpi ne, %get3A_38, %convert_element_type3A_39 : vector<1x4096xi32>
    %jit3A = arith.constant 0.000000e+00 : f32
    %jit3A_41 = arith.constant -4.60517025 : f32
    %broadcast_in_dim3A_42 = vector.broadcast %jit3A : f32 to vector<1x4096xf32>
    %broadcast_in_dim3A_43 = vector.broadcast %jit3A_41 : f32 to vector<1x4096xf32>
    %select_n3A_44 = arith.select %convert_element_type3A_40, %broadcast_in_dim3A_42, %broadcast_in_dim3A_43 : vector<1x4096xi1>, vector<1x4096xf32>
    %mul3A_45 = arith.constant 5.000000e-01 : f32
    %mul3A_46 = vector.broadcast %mul3A_45 : f32 to vector<1x4096xf32>
    %mul3A_47 = arith.mulf %mul3A_46, %div3A_35 : vector<1x4096xf32>
    %add3A_48 = arith.addf %select_n3A_44, %mul3A_47 : vector<1x4096xf32>
    %exp3A = math.exp %add3A_48 : vector<1x4096xf32>
    %swap3A = arith.constant 0 : index
    %swap3A_49 = arith.constant 0 : index
    %swap3A_50 = vector.load %arg4[%swap3A, %swap3A_49] : memref<1x4096xf32, #tpu.memory_space<vmem>>, vector<1x4096xf32>
    tpu.vector_store %arg4[%swap3A, %swap3A_49], %exp3A {strides = array<i32>} : memref<1x4096xf32, #tpu.memory_space<vmem>>, vector<1x4096xf32>,
    %swap3A_51 = arith.constant 0 : index
    %swap3A_52 = arith.constant 0 : index
    %swap3A_53 = vector.load %arg5[%swap3A_51, %swap3A_52] : memref<1x4096xf32, #tpu.memory_space<vmem>>, vector<1x4096xf32>
    tpu.vector_store %arg5[%swap3A_51, %swap3A_52], %add3A_48 {strides = array<i32>} : memref<1x4096xf32, #tpu.memory_space<vmem>>, vector<1x4096xf32>,
    %convert_element_type3A_54 = arith.sitofp %get3A_38 : vector<1x4096xi32> to vector<1x4096xf32>
    %swap3A_55 = arith.constant 0 : index
    %swap3A_56 = arith.constant 0 : index
    %swap3A_57 = vector.load %arg6[%swap3A_55, %swap3A_56] : memref<1x4096xf32, #tpu.memory_space<vmem>>, vector<1x4096xf32>
    tpu.vector_store %arg6[%swap3A_55, %swap3A_56], %convert_element_type3A_54 {strides = array<i32>} : memref<1x4096xf32, #tpu.memory_space<vmem>>, vector<1x4096xf32>,
    %swap3A_58 = arith.constant 0 : index
    %swap3A_59 = arith.constant 0 : index
    %swap3A_60 = vector.load %arg7[%swap3A_58, %swap3A_59] : memref<1x4096xf32, #tpu.memory_space<vmem>>, vector<1x4096xf32>
    tpu.vector_store %arg7[%swap3A_58, %swap3A_59], %select_n3A {strides = array<i32>} : memref<1x4096xf32, #tpu.memory_space<vmem>>, vector<1x4096xf32>,
    %swap3A_61 = arith.constant 0 : index
    %swap3A_62 = arith.constant 0 : index
    %swap3A_63 = vector.load %arg8[%swap3A_61, %swap3A_62] : memref<1x4096xf32, #tpu.memory_space<vmem>>, vector<1x4096xf32>
    tpu.vector_store %arg8[%swap3A_61, %swap3A_62], %select_n3A_28 {strides = array<i32>} : memref<1x4096xf32, #tpu.memory_space<vmem>>, vector<1x4096xf32>,
    %swap3A_64 = arith.constant 0 : index
    %swap3A_65 = arith.constant 0 : index
    %swap3A_66 = vector.load %arg9[%swap3A_64, %swap3A_65] : memref<1x4096xf32, #tpu.memory_space<vmem>>, vector<1x4096xf32>
    tpu.vector_store %arg9[%swap3A_64, %swap3A_65], %div3A_35 {strides = array<i32>} : memref<1x4096xf32, #tpu.memory_space<vmem>>, vector<1x4096xf32>,
    return
  }
}

</mosaic_0001>

<sc_bundles>
// kernel: kernel.4.cloned.1.call-start
scs
__scs_entry_jumppad:
0x0: {  	(pc) =	sbr.rel $0x88, $3  }
0x1: {  	(tag) =	ssettag $0x0;
	lr =	simm.s32 $0x1  }
0x2: {  	[smem:$0x3F9D] =	sst lr;
	_ =	strace $0xD0000000  }
0x3: {  	_ = 	snop  }
0x4: {  	_ = 	snop  }
0x5: {  	_ = 	snop  }
0x6: {  	_ = 	snop  }
0x7: {  	_ = 	snop  }
__scs_overlays_trampoline_lowered:
0x8: {  	[smem:$0x3FAC] =	sst s0  }
0x9: {  	[smem:$0x3FAD] =	sst s1  }
0xa: {  	[smem:$0x3FAE] =	sst s2  }
0xb: {  	[smem:$0x3FAF] =	sst s3  }
0xc: {  	[smem:$0x3FB0] =	sst s4  }
0xd: {  	[smem:$0x3FB1] =	sst s5  }
0xe: {  	[smem:$0x3FB2] =	sst s6  }
0xf: {  	[smem:$0x3FB3] =	sst s7  }
0x10: {  	[smem:$0x3FB4] =	sst s8  }
0x11: {  	[smem:$0x3FB5] =	sst s9;
	s0 =	simm.s32 @!p0 $0x0  }
0x12: {  	s1 =	sld [smem:$0x3F9B];
	s0 =	simm.s32 @p0 $0x1  }
0x13: {  	[smem:$0x3FB6] =	sst s0;
	s0 =	simm.s32 @!p1 $0x0  }
0x14: {  	s2 =	sld [smem:$0x3F9A];
	s0 =	simm.s32 @p1 $0x1  }
0x15: {  	[smem:$0x3FB7] =	sst s0;
	s0 =	simm.s32 @!p2 $0x0  }
0x16: {  	s3 =	sld [smem:$0x3FDB];
	s0 =	simm.s32 @p2 $0x1  }
0x17: {  	s4 =	simm.s32 $0x1BF5;
	[smem:$0x3FB9] =	sst s0  }
0x18: {  	s0 =	sld [smem:$0x3F9C];
	_ =	swait.ge [sflag:s4], $0x0  }
0x19: {  	s7 =	sld [smem:$0x3F9D]  }
0x1a: {  	s8 =	sadd.s32 $0xFFFFE003, lr  }
0x1b: {  	s9 =	sadd.s32 $0xFFFFFEF7, lr;
	s5 =	simm.s32 $0xFFFFFFFF;
	p2 =	slt.u32 s8, $0xFFFFF086  }
0x1c: {  	p1 =	slt.u32 s9, $0xF7A;
	s5 =	simm.s32 @!p2 $0x0  }
0x1d: {  	s5 =	simm.s32 @p1 $0x1;
	p0 =	seq.s32 s7, s2  }
0x1e: {  	s7 =	smul.u32 @!p0 $0xF7A, s2;
	p2 =	seq.s32 @!p0 s5, $0x0  }
0x1f: {  	s9 =	smul.u32 $0xF7A, s1;
	s8 =	simm.s32 @!p0 $0x1BF5;
	p2 =	por !p2, p0  }
0x20: {  	[sflag:s8] =	ssyncset.s32 @!p0 $0xFFFFF086;
	s6 =	sadd.s32 @!p0 s3, s7;
	s7 =	simm.s32 @!p0 $0x108  }
0x21: {  	s3 =	sadd.s32 s3, s9;
	s6 =	sadd.s32 @!p0 $0x88, s6;
	s7 =	simm.s32 @p2 $0x1082  }
0x22: {  	[simem:s7], [sflag:s8] =	dma.local @!p0 [hbm:s6], $0xF7A  }
0x23: {  	s9 =	sor.u32 $0xD0000000, s2;
	s6 =	simm.s32 $0x108;
	_ =	swait.ge @!p0 [sflag:s8], $0x0  }
0x24: {  	s3 =	sadd.s32 $0x88, s3;
	s6 =	simm.s32 @!p1 $0x1082;
	[sflag:s4] =	ssyncset.s32 $0xFFFFF086  }
0x25: {  	[simem:s6], [sflag:s4] =	dma.local [hbm:s3], $0xF7A  }
0x26: {  	[smem:$0x3F9D] =	sst s1;
	(tag) =	ssettag s2;
	_ =	strace s9  }
0x27: {  	s1 =	sld [smem:$0x3FAD]  }
0x28: {  	s2 =	sld [smem:$0x3FAE]  }
0x29: {  	s4 =	sld [smem:$0x3FB0]  }
0x2a: {  	p0 =	seq.s32 s5, $0x0;
	s5 =	sld [smem:$0x3FB1]  }
0x2b: {  	s6 =	sld [smem:$0x3FB2]  }
0x2c: {  	s7 =	sld [smem:$0x3FB3]  }
0x2d: {  	s3 =	simm.s32 $0x108;
	s8 =	sld [smem:$0x3FB4]  }
0x2e: {  	s3 =	simm.s32 @!p0 $0x1082;
	s9 =	sld [smem:$0x3FB5]  }
0x2f: {  	lr =	sadd.s32 s0, s3;
	s0 =	sld [smem:$0x3FAC]  }
0x30: {  	s3 =	sld [smem:$0x3FAF]  }
0x31: {  	[smem:$0x3FB8] =	sst s10  }
0x32: {  	s10 =	sld [smem:$0x3FB6];
	_ =	sdelay $0x3  }
0x33: {  	p0 =	seq.s32 s10, $0x1;
	s10 =	sld [smem:$0x3FB8];
	_ =	sdelay $0x3  }
0x34: {  	[smem:$0x3FB8] =	sst s10  }
0x35: {  	s10 =	sld [smem:$0x3FB7];
	_ =	sdelay $0x3  }
0x36: {  	p1 =	seq.s32 s10, $0x1;
	s10 =	sld [smem:$0x3FB8];
	_ =	sdelay $0x3  }
0x37: {  	[smem:$0x3FB8] =	sst s10  }
0x38: {  	s10 =	sld [smem:$0x3FB9]  }
0x39: {  	_ = 	snop;
	(pc) =	sbr.ind lr, $3  }
0x3a: {  	_ = 	snop  }
0x3b: {  	_ = 	snop  }
0x3c: {  	p2 =	seq.s32 s10, $0x1;
	s10 =	sld [smem:$0x3FB8]  }
0x3d: {  	_ =	shalt  }
0x3e: {  	_ =	shalt  }
0x3f: {  	_ =	shalt  }
0x40: {  	_ =	shalt  }
0x41: {  	_ =	shalt  }
0x42: {  	_ =	shalt  }
0x43: {  	_ =	shalt  }
0x44: {  	_ =	shalt  }
0x45: {  	_ =	shalt  }
0x46: {  	_ =	shalt  }
0x47: {  	_ =	shalt  }
0x48: {  	_ =	shalt  }
0x49: {  	_ =	shalt  }
0x4a: {  	_ =	shalt  }
0x4b: {  	_ =	shalt  }
0x4c: {  	_ =	shalt  }
0x4d: {  	_ =	shalt  }
0x4e: {  	_ =	shalt  }
0x4f: {  	_ =	shalt  }
0x50: {  	_ =	shalt  }
0x51: {  	_ =	shalt  }
0x52: {  	_ =	shalt  }
0x53: {  	_ =	shalt  }
0x54: {  	_ =	shalt  }
0x55: {  	_ =	shalt  }
0x56: {  	_ =	shalt  }
0x57: {  	_ =	shalt  }
0x58: {  	_ =	shalt  }
0x59: {  	_ =	shalt  }
0x5a: {  	_ =	shalt  }
0x5b: {  	_ =	shalt  }
0x5c: {  	_ =	shalt  }
0x5d: {  	_ =	shalt  }
0x5e: {  	_ =	shalt  }
0x5f: {  	_ =	shalt  }
0x60: {  	_ =	shalt  }
0x61: {  	_ =	shalt  }
0x62: {  	_ =	shalt  }
0x63: {  	_ =	shalt  }
0x64: {  	_ =	shalt  }
0x65: {  	_ =	shalt  }
0x66: {  	_ =	shalt  }
0x67: {  	_ =	shalt  }
0x68: {  	_ =	shalt  }
0x69: {  	_ =	shalt  }
0x6a: {  	_ =	shalt  }
0x6b: {  	_ =	shalt  }
0x6c: {  	_ =	shalt  }
0x6d: {  	_ =	shalt  }
0x6e: {  	_ =	shalt  }
0x6f: {  	_ =	shalt  }
0x70: {  	_ =	shalt  }
0x71: {  	_ =	shalt  }
0x72: {  	_ =	shalt  }
0x73: {  	_ =	shalt  }
0x74: {  	_ =	shalt  }
0x75: {  	_ =	shalt  }
0x76: {  	_ =	shalt  }
0x77: {  	_ =	shalt  }
0x78: {  	_ =	shalt  }
0x79: {  	_ =	shalt  }
0x7a: {  	_ =	shalt  }
0x7b: {  	_ =	shalt  }
0x7c: {  	_ =	shalt  }
0x7d: {  	_ =	shalt  }
0x7e: {  	_ =	shalt  }
0x7f: {  	_ =	shalt  }
0x80: {  	_ =	shalt  }
0x81: {  	_ =	shalt  }
0x82: {  	_ =	shalt  }
0x83: {  	_ =	shalt  }
0x84: {  	_ =	shalt  }
0x85: {  	_ =	shalt  }
0x86: {  	_ =	shalt  }
0x87: {  	_ =	shalt  }
.Lfunc_end0:
.L_simem_size_0:
called_computation_lowered:
.L_overlay_start_0:
0x88: {  	s2 =	sld [smem:$0x3FD9]  }
0x89: {  	s3 =	sld [smem:$0x3FFE];
	_ =	sdelay $0x1  }
0x8a: {  	s1 =	srdreg.scid  }
0x8b: {  	s0 =	sand.u32 $0x1, s1  }
0x8c: {  	s17 =	sshll.u32 s0, $0xA;
	s2 =	sadd.s32 s3, s2  }
0x8d: {  	s2 =	sadd.s32 s2, s17  }
0x8e: {  	[smem:$0x3FC4] =	sst s2  }
0x8f: {  	_ = 	snop  }
0x90: {  	s2 =	sld [smem:$0x3FC9]  }
0x91: {  	s18 =	sld [smem:$0x3FC8]  }
0x92: {  	s4 =	sld [smem:$0x3FC7];
	(tm) =	ssettm $0x1  }
0x93: {  	s5 =	sld [smem:$0x3FFB];
	_ =	sdelay $0x3  }
0x94: {  	_ =	strace s5  }
0x95: {  	s5 =	sld [smem:$0x3FFC];
	_ =	sdelay $0x3  }
0x96: {  	_ =	strace s5  }
0x97: {  	s5 =	sld [smem:$0x3FFD];
	_ =	sdelay $0x3  }
0x98: {  	_ =	strace s5  }
0x99: {  	_ =	strace $0x8FFFFFFF  }
0x9a: {  	s19 =	sld [smem:$0x3FDB];
	_ =	sdelay $0x1  }
0x9b: {  	s6 =	simm.s32 $_scs_section_size  }
0x9c: {  	s7 =	simm.s32 $_size__tile_overlayer_lowered;
	s8 =	simm.s32 $_tile_overlayer_lowered  }
0x9d: {  	s22 =	simm.s32 $0x1BFF;
	s21 =	sshll.u32 s8, $0x1;
	s5 =	sadd.s32 s6, s19  }
0x9e: {  	s9 =	simm.s32 $0x0;
	s20 =	sshll.u32 s7, $0x1;
	s7 =	sadd.s32 s21, s5  }
0x9f: {  	[timem:s9], [sflag:s22] =	dma.local [hbm:s7], s20  }
0xa0: {  	_ =	swait.ge [sflag:s22], s20  }
0xa1: {  	s6 =	ssub.s32 $0x0, s20;
	[sflag:s22] =	ssyncset.done $0x0  }
0xa2: {  	[sflag:s22] =	ssyncadd.s32 s6;
	_ =	sdelay $0x1  }
0xa3: {  	s23 =	simm.s32 $0x1B8B  }
0xa4: {  	_ =	swait.ge [sflag:s23], $0x1  }
0xa5: {  	[sflag:s23] =	ssyncset.done $0x0  }
0xa6: {  	s25 =	simm.s32 $0x1B8E;
	s24 =	sld [smem:$0x3FFE];
	[sflag:s23] =	ssyncadd.s32 $0xFFFFFFFF  }
0xa7: {  	s26 =	simm.s32 $execute0_lowered;
	[smem:$0x3FD2] =	sst s25  }
0xa8: {  	s7 =	sshll.u32 s26, $0x1;
	_ =	strace $0x80000046;
	[dreg:$0x1] =	wrdreg $0xFFFFFFFF  }
0xa9: {  	s28 =	simm.s32 $_size_execute0_lowered;
	s5 =	sadd.s32 s5, s7;
	[dreg:$0x0] =	wrdreg $0x0  }
0xaa: {  	s7 =	sshll.u32 s28, $0x1;
	[dreg:$0x2] =	wrdreg s5  }
0xab: {  	[dreg:$0x3] =	wrdreg s7  }
0xac: {  	[dreg:$0x4] =	wrdreg $0xC0  }
0xad: {  	_ =	task [dreg:s9], $0x5FFFF  }
0xae: {  	[dreg:$0x1] =	wrdreg $0xFFFFFFFF  }
0xaf: {  	[dreg:$0x0] =	wrdreg $0x60  }
0xb0: {  	[dreg:$0x2] =	wrdreg s2  }
0xb1: {  	[dreg:$0x3] =	wrdreg s18  }
0xb2: {  	[dreg:$0x4] =	wrdreg s4  }
0xb3: {  	[dreg:$0x5] =	wrdreg s24  }
0xb4: {  	[dreg:$0x6] =	wrdreg $0x9  }
0xb5: {  	_ =	task.clear_ibuf [dreg:s9], $0x7FFFF;
	_ =	strace $0x90000046  }
0xb6: {  	s29 =	simm.s32 $0x9;
	_ =	strace $0x80000048  }
0xb7: {  	_ =	swait.ge [sflag:s29], $0x1  }
0xb8: {  	[sflag:s29] =	ssyncadd.s32 $0xFFFFFFFF  }
0xb9: {  	_ =	strace $0x90000048  }
0xba: {  	_ =	sfence  }
0xbb: {  	s30 =	sld [smem:$0x0];
	_ =	sdelay $0x2  }
0xbc: {  	s31 =	sshll.u32 s1, $0xD;
	s1 =	sshrl.u32 s1, $0x2  }
0xbd: {  	s3 =	sand.u32 $0x4000, s31;
	s1 =	sadd.s32 s1, s30  }
0xbe: {  	s0 =	sor.u32 s3, s0;
	s1 =	sshll.u32 s1, $0x11  }
0xbf: {  	s0 =	sor.u32 s1, s0  }
0xc0: {  	s0 =	sadd.s32 $0x8F2B, s0  }
0xc1: {  	[sflag:s0] =	ssyncadd.remote.s32 $0x1  }
0xc2: {  	_ =	sfence.sel $0xFFFF  }
0xc3: {  	[dreg:$0x0] =	wrdreg $0xFFFFFFFF;
	(pc) =	sbr.abs _section_cstart, $3  }
0xc4: {  	[dreg:$0x1] =	wrdreg $0xFFFFFFFF  }
0xc5: {  	_ =	task.clear_ibuf [dreg:s9], $0x2FFFF;
	_ =	strace $0x9FFFFFFF  }
0xc6: {  	(tm) =	ssettm $0x7FFFFFFF  }
0xc7: {  	_ =	shalt  }
tec
execute0_lowered:
.L_overlay_start_1:
0x0: {  	(tag) =	ssettag $0x1  }
0x1: {  	s1 =	rddreg [dreg:$0x0]  }
0x2: {  	s2 =	rddreg [dreg:$0x1]  }
0x3: {  	s4 =	rddreg [dreg:$0x2]  }
0x4: {  	s0 =	rddreg [dreg:$0x3]  }
0x5: {  	s3 =	srdreg.scid;
	s7 =	stileid.u32  }
0x6: {  	s5 =	simm.s32 $0x0;
	s15 =	simm.s32 $0x1F80;
	s16 =	simm.s32 $0x3F08  }
0x7: {  	s17 =	simm.s32 $0x1;
	s18 =	simm.s32 $0x5E80;
	s19 =	simm.s32 $0x7E00  }
0x8: {  	s20 =	simm.s32 $0x9D88;
	s21 =	simm.s32 $0xBD00;
	s22 =	simm.s32 $0xCD00  }
0x9: {  	s23 =	simm.s32 $0xDD00;
	s3 =	sand.u32 $0x1, s3;
	s6 =	sshll.u32 s7, $0x1  }
0xa: {  	s28 =	simm.s32 $0x3;
	[smem:$0x7FF] =	sst s5;
	s6 =	sor.u32 s3, s6  }
0xb: {  	s3 =	ssub.s32 $0x2, s3;
	s8 =	sshll.u32 s6, $0x4;
	s6 =	smul.u32 $0x30D40, s6  }
0xc: {  	s7 =	sshll.u32 s7, $0xA;
	_ =	strace $0x80000047;
	s24 =	sshrl.u32 s3, $0x1  }
0xd: {  	s7 =	sor.u32 s7, s8;
	s3 =	ssub.s32 s3, s24;
	s9 =	sshrl.u32 s6, $0x3  }
0xe: {  	s24 =	simm.s32 $0x2;
	s7 =	sand.u32 $0x3070, s7;
	s25 =	sadd.s32 s1, s9  }
0xf: {  	s0 =	sadd.s32 s7, s0;
	s26 =	sadd.s32 s2, s9;
	[dreg:$0x5] =	wrdreg s25  }
.Ltmp0:
0x10: {  	s29 =	sadd.s32 s4, s9;
	[dreg:$0x6] =	wrdreg s26;
	(pc) =	sbr.rel .LBB2_1-.Ltmp0, $4  }
0x11: {  	s10 =	sadd.s32 $0x3E80, s6;
	[dreg:$0x7] =	wrdreg s29;
	s30 =	sadd.s32 $0x1200, s0  }
0x12: {  	s14 =	smax.u32 s3, $0x1;
	s31 =	sadd.s32 $0x5200, s0;
	[dreg:$0x8] =	wrdreg s30  }
0x13: {  	s9 =	sadd.s32 $0x1F40, s6;
	s0 =	sadd.s32 $0x9200, s0;
	[dreg:$0x9] =	wrdreg s31  }
0x14: {  	v0 =	vimm.f32 $0.0e+00;
	vm0 =	vmmov $0x1;
	vm1 =	vcmask $0x3F3C;
	s25 =	simm.s32 $0x80;
	s26 =	simm.s32 $0x400;
	[dreg:$0xa] =	wrdreg s0  }
.LBB2_17:
0x15: {  	(xrf2) =	vadd.scan.msk.f32 $0xffff, v3  }
0x16: {  	(xrf2) =	vadd.scan.msk.f32 $0xffff, v2  }
0x17: {  	(xrf2) =	vadd.scan.msk.f32 $0xffff, v1;
	_ =	sdelay $0x2  }
0x18: {  	s0 =	sld [smem:$0x0];
	_ =	sdelay $0x2  }
0x19: {  	v1 =	vmov s0;
	_ =	sdelay $0x1  }
0x1a: {  	v2, _, _ =	vpop (xrf2)  }
0x1b: {  	v3, _, _ =	vpop (xrf2);
	v2 =	vbroadcast v2, $0xF  }
0x1c: {  	v3 =	vbroadcast v3, $0xF;
	v4, _, _ =	vpop (xrf2)  }
0x1d: {  	[tilespmem:v1+s21+$0x0] =	vst.idx.add.f32.msk $0x1, v2;
	v2 =	vbroadcast v4, $0xF  }
0x1e: {  	[tilespmem:v1+s22+$0x0] =	vst.idx.add.f32.msk $0x1, v3  }
0x1f: {  	s29 =	rddreg [dreg:$0x8];
	[tilespmem:v1+s23+$0x0] =	vst.idx.add.f32.msk $0x1, v2  }
0x20: {  	[hbm4b:s29+s25] =	stream.strided.scatter [tilespmem:s21], [sflag:$0x3], $0x1000, s26, s25, $0x38;
	[tilespmem:$0xED00] =	vst v63  }
0x21: {  	_ =	swait.ge [sflag:s28], $0x1000  }
0x22: {  	[sflag:s28] =	ssyncset.done $0x0  }
0x23: {  	s30 =	rddreg [dreg:$0x9];
	[sflag:s28] =	ssyncadd.s32 $0xFFFFF000  }
0x24: {  	[hbm4b:s30+s25] =	stream.strided.scatter [tilespmem:s22], [sflag:$0x3], $0x1000, s26, s25, $0x38;
	[tilespmem:$0xED00] =	vst v63  }
0x25: {  	s5 =	sadd.s32 $0x1, s5;
	_ =	swait.ge [sflag:s28], $0x1000  }
0x26: {  	p0 =	sne.s32 s5, s14;
	[sflag:s28] =	ssyncset.done $0x0  }
.Ltmp1:
0x27: {  	s31 =	rddreg [dreg:$0xa];
	[sflag:s28] =	ssyncadd.s32 $0xFFFFF000;
	(pc) =	sbr.rel @!p0 .LBB2_18-.Ltmp1, $4  }
0x28: {  	[hbm4b:s31+s25] =	stream.strided.scatter [tilespmem:s23], [sflag:$0x3], $0x1000, s26, s25, $0x38;
	[tilespmem:$0xED00] =	vst v63  }
0x29: {  	_ =	swait.ge [sflag:s28], $0x1000  }
0x2a: {  	[sflag:s28] =	ssyncset.done $0x0  }
0x2b: {  	[sflag:s28] =	ssyncadd.s32 $0xFFFFF000  }
.LBB2_1:
0x2c: {  	s0 =	simm.s32 $0x40;
	s3 =	simm.s32 $0x0  }
.LBB2_2:
0x2d: {  	p0 =	sne.s32 s0, $0x3FC0;
	[tilespmem:s3+$0xDD00] =	vst v0;
	s6 =	smov.u32 s0;
	s0 =	sadd.s32 $0x40, s0  }
.Ltmp2:
0x2e: {  	[tilespmem:s3+$0xBD00] =	vst v0;
	(pc) =	sbr.rel @p0 .LBB2_2-.Ltmp2, $2  }
0x2f: {  	[tilespmem:s3+$0xCD00] =	vst v0;
	_ =	sdelay $0x2  }
0x30: {  	s3 =	sshra.s32 s6, $0x2  }
0x31: {  	[tilespmem:s3+$0xDD00] =	vst v0  }
0x32: {  	[tilespmem:s3+$0xBD00] =	vst v0  }
0x33: {  	[tilespmem:s3+$0xCD00] =	vst v0;
	s29 =	simm.s32 $0x0;
	s0 =	rddreg [dreg:$0x5]  }
0x34: {  	[tilespmem:s29], [sflag:$0x1] =	stream.linear.gather [hbm4b:s0+s29], $0x1F40, $0x38;
	[tilespmem:$0xED00] =	vst v63  }
.Ltmp3:
0x35: {  	s13 =	rddreg [dreg:$0x6];
	(pc) =	sbr.rel .LBB2_4-.Ltmp3, $4  }
0x36: {  	s31 =	rddreg [dreg:$0x7]  }
0x37: {  	[tilespmem:s15], [sflag:$0x1] =	stream.linear.gather [hbm4b:s13+s29], $0x1F40, $0x38;
	[tilespmem:$0xED00] =	vst v63  }
0x38: {  	s30 =	simm.s32 $0x0;
	[smem:$0x0] =	sst s29  }
0x39: {  	v1 =	vimm.f32 $0.0e+00;
	v2 =	vimm.f32 $0.0e+00;
	v3 =	vimm.f32 $0.0e+00;
	[tilespmem:s16], [sflag:$0x1] =	stream.linear.gather [hbm4b:s31+s29], $0x1F40, $0x38;
	[tilespmem:$0xED00] =	vst v63  }
.LBB2_12:
0x3a: {  	s30 =	sadd.s32 $0x1, s30  }
0x3b: {  	p0 =	sne.s32 s30, $0xC  }
.Ltmp4:
0x3c: {  	_ = 	snop;
	(pc) =	sbr.rel @!p0 .LBB2_13-.Ltmp4, $1  }
0x3d: {  	_ =	sdelay $0x3  }
.LBB2_4:
0x3e: {  	_ =	swait.ge [sflag:s17], $0x1F40  }
0x3f: {  	[sflag:s17] =	ssyncset.done $0x0  }
0x40: {  	[sflag:s17] =	ssyncadd.s32 $0xFFFFE0C0  }
0x41: {  	_ =	swait.ge [sflag:s17], $0x1F40  }
0x42: {  	s31 =	smul.u32 $0x3E80, s30;
	[sflag:s17] =	ssyncset.done $0x0  }
0x43: {  	[sflag:s17] =	ssyncadd.s32 $0xFFFFE0C0  }
0x44: {  	s0 =	sadd.s32 s31, s9;
	_ =	swait.ge [sflag:s17], $0x1F40  }
0x45: {  	s0 =	sshrl.u32 s0, $0x3;
	[sflag:s17] =	ssyncset.done $0x0  }
0x46: {  	s3 =	sadd.s32 s1, s0;
	[sflag:s17] =	ssyncadd.s32 $0xFFFFE0C0  }
0x47: {  	[tilespmem:s18], [sflag:$0x2] =	stream.linear.gather [hbm4b:s3+s29], $0x1F40, $0x38;
	[tilespmem:$0xED00] =	vst v63  }
.Ltmp5:
0x48: {  	s13 =	sadd.s32 s2, s0;
	(pc) =	sbr.rel .LBB2_5-.Ltmp5, $4  }
0x49: {  	[tilespmem:s19], [sflag:$0x2] =	stream.linear.gather [hbm4b:s13+s29], $0x1F40, $0x38;
	[tilespmem:$0xED00] =	vst v63  }
0x4a: {  	s6 =	simm.s32 $0x50;
	s7 =	simm.s32 $0x0;
	s0 =	sadd.s32 s4, s0  }
0x4b: {  	[tilespmem:s20], [sflag:$0x2] =	stream.linear.gather [hbm4b:s0+s29], $0x1F40, $0x38;
	[tilespmem:$0xED00] =	vst v63  }
0x4c: {  	s3 =	simm.s32 $0x1FD0;
	s8 =	sld [smem:$0x0];
	s0 =	simm.s32 $0x3F57  }
.LBB2_7:
0x4d: {  	vm2 =	vgt.f32 v15, $5.000000000e-01;
	vm3 =	vgt.f32 v16, $5.000000000e-01  }
0x4e: {  	vm4 =	vgt.f32 v17, $5.000000000e-01;
	vm5 =	vgt.f32 v21, $5.000000000e-01;
	vm6 =	vgt.f32 v18, $5.000000000e-01  }
0x4f: {  	vm7 =	vgt.f32 v19, $5.000000000e-01;
	vm8 =	vgt.f32 v22, $5.000000000e-01;
	v54 =	vadd.f32 v10, v9  }
0x50: {  	vm9 =	vgt.f32 v23, $5.000000000e-01;
	v55 =	vadd.f32 v13, v11;
	v62 =	vadd.f32 v12, v7  }
0x51: {  	v15 =	vnsel vm2, $0x0, v4;
	v16 =	vnsel vm3, $0x0, v5;
	v17 =	vnsel vm4, $0x0, v6  }
0x52: {  	v21 =	vnsel vm5, $0x0, v8;
	v18 =	vnsel vm6, $0x0, v9;
	v19 =	vnsel vm7, $0x0, v10  }
0x53: {  	v22 =	vnsel vm8, $0x0, v11;
	v23 =	vnsel vm9, $0x0, v13;
	v42 =	vsel vm2, $0x3F800000, v0  }
0x54: {  	v44 =	vsel vm3, $0x3F800000, v0;
	v45 =	vsel vm4, $0x3F800000, v0;
	vm2 =	vgt.f32 v14, $5.000000000e-01  }
0x55: {  	vm3 =	vgt.f32 v20, $5.000000000e-01;
	v48 =	vsel vm5, $0x3F800000, v0;
	v4 =	vadd.f32 v5, v4  }
0x56: {  	v51 =	vsel vm6, $0x3F800000, v0;
	v5 =	vadd.f32 v8, v6;
	v15 =	vadd.f32 v16, v15  }
0x57: {  	v53 =	vsel vm8, $0x3F800000, v0;
	v41 =	vadd.f32 v21, v17;
	v18 =	vadd.f32 v19, v18  }
0x58: {  	v56 =	vsel vm9, $0x3F800000, v0;
	v43 =	vadd.f32 v23, v22;
	v57 =	vadd.f32 v44, v42  }
0x59: {  	v52 =	vsel vm7, $0x3F800000, v0;
	v58 =	vadd.f32 v48, v45;
	v6 =	vadd.f32 v56, v53  }
0x5a: {  	v49 =	vnsel vm2, $0x0, v7;
	v4 =	vadd.f32 v5, v4;
	v5 =	vadd.f32 v55, v54  }
0x5b: {  	v50 =	vnsel vm3, $0x0, v12;
	v46 =	vadd.f32 v41, v15;
	v15 =	vadd.f32 v52, v51  }
0x5c: {  	v59 =	vsel vm2, $0x3F800000, v0;
	v47 =	vadd.f32 v43, v18;
	v18 =	vadd.f32 v50, v49  }
0x5d: {  	v61 =	vsel vm3, $0x3F800000, v0;
	v60 =	vadd.f32 v58, v57;
	v6 =	vadd.f32 v6, v15  }
0x5e: {  	v4 =	vadd.f32 v5, v4;
	v5 =	vadd.f32 v61, v59  }
0x5f: {  	s7 =	sadd.s32 $0xA0, s7;
	v14 =	vadd.f32 v47, v46;
	v6 =	vadd.f32 v6, v60  }
0x60: {  	p1 =	sne.s32 s7, $0x1F40;
	v4 =	vadd.f32 v62, v4  }
.Ltmp6:
0x61: {  	v63 =	vadd.f32 v18, v14;
	v5 =	vadd.f32 v5, v6;
	(pc) =	sbr.rel @!p1 .LBB2_8-.Ltmp6, $3  }
0x62: {  	v2 =	vadd.f32 v4, v2  }
0x63: {  	v3 =	vadd.f32 v63, v3;
	v1 =	vadd.f32 v5, v1;
	_ =	sdelay $0x1  }
0x64: {  	s0 =	sadd.s32 $0xA0, s0;
	s3 =	sadd.s32 $0xA0, s3;
	s6 =	sadd.s32 $0xA0, s6;
	v2 =	vpsel p0, $0x0, v2;
	v3 =	vpsel p0, $0x0, v3;
	v1 =	vpsel p0, $0x0, v1  }
.LBB2_5:
0x65: {  	v4 =	vld [tilespmem:s0+$0xFFFFFFB1]  }
0x66: {  	v5 =	vld [tilespmem:s0+$0x41];
	_ =	sdelay $0x3  }
0x67: {  	(v2sf) =	vpush v4, $0x0  }
0x68: {  	(v2sf) =	vpush v5, $0xF;
	_ =	sdelay $0x2  }
0x69: {  	v15 =	vld [tilespmem:s3+$0xFFFFFFB0]  }
0x6a: {  	v16 =	vld [tilespmem:s3+$0xFFFFFFC0]  }
0x6b: {  	v6 =	vld [tilespmem:s6+$0xFFFFFFD0]  }
0x6c: {  	v17 =	vld [tilespmem:s3+$0xFFFFFFD0]  }
0x6d: {  	v8 =	vld [tilespmem:s6+$0xFFFFFFE0]  }
0x6e: {  	v21 =	vld [tilespmem:s3+$0xFFFFFFE0]  }
0x6f: {  	v9 =	vld [tilespmem:s6+$0xFFFFFFF0]  }
0x70: {  	v18 =	vld [tilespmem:s3+$0xFFFFFFF0]  }
0x71: {  	v10 =	vld [tilespmem:s6+$0x0]  }
0x72: {  	v19 =	vld [tilespmem:s3+$0x0]  }
0x73: {  	v11 =	vld [tilespmem:s6+$0x10]  }
0x74: {  	v22 =	vld [tilespmem:s3+$0x10];
	s13 =	spop (v2sf)  }
0x75: {  	v13 =	vld [tilespmem:s6+$0x20];
	s12 =	spop (v2sf)  }
0x76: {  	v23 =	vld [tilespmem:s3+$0x20];
	p0 =	sne.s32 s13, s8;
	p1 =	sne.s32 s12, s13  }
0x77: {  	v12 =	vld [tilespmem:s6+$0x40];
	p0 =	por p0, p1  }
.Ltmp7:
0x78: {  	s11 =	sand.u32 $0x3FE0, s7;
	v20 =	vld [tilespmem:s3+$0x40];
	(pc) =	sbr.rel @!p0 .LBB2_7-.Ltmp7, $4  }
0x79: {  	v7 =	vld [tilespmem:s11+$0x80]  }
0x7a: {  	v14 =	vld [tilespmem:s11+$0x2000]  }
0x7b: {  	v4 =	vld [tilespmem:s6+$0xFFFFFFB0]  }
0x7c: {  	v5 =	vld [tilespmem:s6+$0xFFFFFFC0]  }
0x7d: {  	(xrf2) =	vadd.scan.msk.f32 $0xffff, v3  }
0x7e: {  	(xrf2) =	vadd.scan.msk.f32 $0xffff, v2  }
0x7f: {  	(xrf2) =	vadd.scan.msk.f32 $0xffff, v1;
	_ =	sdelay $0x5  }
0x80: {  	v24 =	vmov s8;
	_ =	sdelay $0x1  }
0x81: {  	v25, _, _ =	vpop (xrf2)  }
0x82: {  	v25 =	vbroadcast v25, $0xF;
	v26, _, _ =	vpop (xrf2)  }
0x83: {  	v26 =	vbroadcast v26, $0xF;
	v27, _, _ =	vpop (xrf2)  }
0x84: {  	[tilespmem:v24+s21+$0x0] =	vst.idx.add.f32.msk $0x1, v25;
	v52 =	vbroadcast v27, $0xF  }
0x85: {  	[tilespmem:v24+s22+$0x0] =	vst.idx.add.f32.msk $0x1, v26  }
0x86: {  	[tilespmem:v24+s23+$0x0] =	vst.idx.add.f32.msk $0x1, v52  }
0x87: {  	v24 =	vld [tilespmem:s3+$0xFFFFFFB0]  }
0x88: {  	v25 =	vld [tilespmem:s6+$0xFFFFFFB0];
	_ =	sdelay $0x3  }
0x89: {  	vm2 =	vgt.f32 v24, $5.000000000e-01  }
0x8a: {  	v53 =	vld [tilespmem:s0+$0xFFFFFFB1];
	v54 =	vnsel vm2, $0x0, v25  }
0x8b: {  	v55 =	vld [tilespmem:s0+$0xFFFFFFB2];
	(xrf2) =	vadd.scan.msk.f32 $0xffff, v54  }
0x8c: {  	v28 =	vld [tilespmem:s0+$0xFFFFFFB0]  }
0x8d: {  	(xrf2) =	vadd.scan.msk.f32 $0xffff, v25  }
0x8e: {  	v29 =	vsel vm2, $0x3F800000, v0  }
0x8f: {  	(xrf2) =	vadd.scan.msk.f32 $0xffff, v29  }
0x90: {  	vm2 =	vne.s32 v53, v55  }
0x91: {  	vm3 =	vne.s32 v53, v28;
	vm2 =	vmor vm2, vm1  }
0x92: {  	vm3 =	vmor vm3, vm0;
	_ =	sdelay $0x2  }
0x93: {  	v56, _, _ =	vpop (xrf2)  }
0x94: {  	v26 =	vsub.f32 v54, v56  }
0x95: {  	[tilespmem:v53+s21+$0x0] =	vst.idx.add.f32.msk vm2, v56;
	v57, _, _ =	vpop (xrf2)  }
0x96: {  	v25 =	vsub.f32 v25, v57;
	[tilespmem:v53+s21+$0x0] =	vst.idx.add.f32.msk vm3, v26  }
0x97: {  	v58, _, _ =	vpop (xrf2);
	[tilespmem:v53+s22+$0x0] =	vst.idx.add.f32.msk vm2, v57  }
0x98: {  	v59 =	vsub.f32 v29, v58;
	[tilespmem:v53+s22+$0x0] =	vst.idx.add.f32.msk vm3, v25  }
0x99: {  	[tilespmem:v53+s23+$0x0] =	vst.idx.add.f32.msk vm2, v58  }
0x9a: {  	[tilespmem:v53+s23+$0x0] =	vst.idx.add.f32.msk vm3, v59  }
0x9b: {  	v24 =	vld [tilespmem:s3+$0xFFFFFFC0]  }
0x9c: {  	v25 =	vld [tilespmem:s6+$0xFFFFFFC0];
	_ =	sdelay $0x3  }
0x9d: {  	vm2 =	vgt.f32 v24, $5.000000000e-01  }
0x9e: {  	v60 =	vld [tilespmem:s0+$0xFFFFFFC1];
	v61 =	vnsel vm2, $0x0, v25  }
0x9f: {  	v27 =	vld [tilespmem:s0+$0xFFFFFFC2];
	(xrf2) =	vadd.scan.msk.f32 $0xffff, v61  }
0xa0: {  	v62 =	vld [tilespmem:s0+$0xFFFFFFC0]  }
0xa1: {  	(xrf2) =	vadd.scan.msk.f32 $0xffff, v25  }
0xa2: {  	v63 =	vsel vm2, $0x3F800000, v0  }
0xa3: {  	(xrf2) =	vadd.scan.msk.f32 $0xffff, v63  }
0xa4: {  	vm2 =	vne.s32 v60, v27  }
0xa5: {  	vm3 =	vne.s32 v60, v62;
	vm2 =	vmor vm2, vm1  }
0xa6: {  	vm3 =	vmor vm3, vm0;
	_ =	sdelay $0x2  }
0xa7: {  	v30, _, _ =	vpop (xrf2)  }
0xa8: {  	v26 =	vsub.f32 v61, v30  }
0xa9: {  	[tilespmem:v60+s21+$0x0] =	vst.idx.add.f32.msk vm2, v30;
	v31, _, _ =	vpop (xrf2)  }
0xaa: {  	v25 =	vsub.f32 v25, v31;
	[tilespmem:v60+s21+$0x0] =	vst.idx.add.f32.msk vm3, v26  }
0xab: {  	v32, _, _ =	vpop (xrf2);
	[tilespmem:v60+s22+$0x0] =	vst.idx.add.f32.msk vm2, v31  }
0xac: {  	v33 =	vsub.f32 v63, v32;
	[tilespmem:v60+s22+$0x0] =	vst.idx.add.f32.msk vm3, v25  }
0xad: {  	[tilespmem:v60+s23+$0x0] =	vst.idx.add.f32.msk vm2, v32  }
0xae: {  	[tilespmem:v60+s23+$0x0] =	vst.idx.add.f32.msk vm3, v33  }
0xaf: {  	v24 =	vld [tilespmem:s3+$0xFFFFFFD0]  }
0xb0: {  	v25 =	vld [tilespmem:s6+$0xFFFFFFD0];
	_ =	sdelay $0x3  }
0xb1: {  	vm2 =	vgt.f32 v24, $5.000000000e-01  }
0xb2: {  	v34 =	vld [tilespmem:s0+$0xFFFFFFD1];
	v35 =	vnsel vm2, $0x0, v25  }
0xb3: {  	v27 =	vld [tilespmem:s0+$0xFFFFFFD2];
	(xrf2) =	vadd.scan.msk.f32 $0xffff, v35  }
0xb4: {  	v36 =	vld [tilespmem:s0+$0xFFFFFFD0]  }
0xb5: {  	(xrf2) =	vadd.scan.msk.f32 $0xffff, v25  }
0xb6: {  	v37 =	vsel vm2, $0x3F800000, v0  }
0xb7: {  	(xrf2) =	vadd.scan.msk.f32 $0xffff, v37  }
0xb8: {  	vm2 =	vne.s32 v34, v27  }
0xb9: {  	vm3 =	vne.s32 v34, v36;
	vm2 =	vmor vm2, vm1  }
0xba: {  	vm3 =	vmor vm3, vm0;
	_ =	sdelay $0x2  }
0xbb: {  	v38, _, _ =	vpop (xrf2)  }
0xbc: {  	v26 =	vsub.f32 v35, v38  }
0xbd: {  	[tilespmem:v34+s21+$0x0] =	vst.idx.add.f32.msk vm2, v38;
	v39, _, _ =	vpop (xrf2)  }
0xbe: {  	v25 =	vsub.f32 v25, v39;
	[tilespmem:v34+s21+$0x0] =	vst.idx.add.f32.msk vm3, v26  }
0xbf: {  	v40, _, _ =	vpop (xrf2);
	[tilespmem:v34+s22+$0x0] =	vst.idx.add.f32.msk vm2, v39  }
0xc0: {  	v41 =	vsub.f32 v37, v40;
	[tilespmem:v34+s22+$0x0] =	vst.idx.add.f32.msk vm3, v25  }
0xc1: {  	[tilespmem:v34+s23+$0x0] =	vst.idx.add.f32.msk vm2, v40  }
0xc2: {  	[tilespmem:v34+s23+$0x0] =	vst.idx.add.f32.msk vm3, v41  }
0xc3: {  	v24 =	vld [tilespmem:s3+$0xFFFFFFE0]  }
0xc4: {  	v25 =	vld [tilespmem:s6+$0xFFFFFFE0];
	_ =	sdelay $0x3  }
0xc5: {  	vm2 =	vgt.f32 v24, $5.000000000e-01  }
0xc6: {  	v42 =	vld [tilespmem:s0+$0xFFFFFFE1];
	v43 =	vnsel vm2, $0x0, v25  }
0xc7: {  	v27 =	vld [tilespmem:s0+$0xFFFFFFE2];
	(xrf2) =	vadd.scan.msk.f32 $0xffff, v43  }
0xc8: {  	v44 =	vld [tilespmem:s0+$0xFFFFFFE0]  }
0xc9: {  	(xrf2) =	vadd.scan.msk.f32 $0xffff, v25  }
0xca: {  	v45 =	vsel vm2, $0x3F800000, v0  }
0xcb: {  	(xrf2) =	vadd.scan.msk.f32 $0xffff, v45  }
0xcc: {  	vm2 =	vne.s32 v42, v27  }
0xcd: {  	vm3 =	vne.s32 v42, v44;
	vm2 =	vmor vm2, vm1  }
0xce: {  	vm3 =	vmor vm3, vm0;
	_ =	sdelay $0x2  }
0xcf: {  	v46, _, _ =	vpop (xrf2)  }
0xd0: {  	v26 =	vsub.f32 v43, v46  }
0xd1: {  	[tilespmem:v42+s21+$0x0] =	vst.idx.add.f32.msk vm2, v46;
	v47, _, _ =	vpop (xrf2)  }
0xd2: {  	v25 =	vsub.f32 v25, v47;
	[tilespmem:v42+s21+$0x0] =	vst.idx.add.f32.msk vm3, v26  }
0xd3: {  	v48, _, _ =	vpop (xrf2);
	[tilespmem:v42+s22+$0x0] =	vst.idx.add.f32.msk vm2, v47  }
0xd4: {  	v49 =	vsub.f32 v45, v48;
	[tilespmem:v42+s22+$0x0] =	vst.idx.add.f32.msk vm3, v25  }
0xd5: {  	[tilespmem:v42+s23+$0x0] =	vst.idx.add.f32.msk vm2, v48  }
0xd6: {  	[tilespmem:v42+s23+$0x0] =	vst.idx.add.f32.msk vm3, v49  }
0xd7: {  	v24 =	vld [tilespmem:s3+$0xFFFFFFF0]  }
0xd8: {  	v25 =	vld [tilespmem:s6+$0xFFFFFFF0];
	_ =	sdelay $0x3  }
0xd9: {  	vm2 =	vgt.f32 v24, $5.000000000e-01  }
0xda: {  	v50 =	vld [tilespmem:s0+$0xFFFFFFF1];
	v51 =	vnsel vm2, $0x0, v25  }
0xdb: {  	v27 =	vld [tilespmem:s0+$0xFFFFFFF2];
	(xrf2) =	vadd.scan.msk.f32 $0xffff, v51  }
0xdc: {  	v52 =	vld [tilespmem:s0+$0xFFFFFFF0]  }
0xdd: {  	(xrf2) =	vadd.scan.msk.f32 $0xffff, v25  }
0xde: {  	v53 =	vsel vm2, $0x3F800000, v0  }
0xdf: {  	(xrf2) =	vadd.scan.msk.f32 $0xffff, v53  }
0xe0: {  	vm2 =	vne.s32 v50, v27  }
0xe1: {  	vm3 =	vne.s32 v50, v52;
	vm2 =	vmor vm2, vm1  }
0xe2: {  	vm3 =	vmor vm3, vm0;
	_ =	sdelay $0x2  }
0xe3: {  	v54, _, _ =	vpop (xrf2)  }
0xe4: {  	v26 =	vsub.f32 v51, v54  }
0xe5: {  	[tilespmem:v50+s21+$0x0] =	vst.idx.add.f32.msk vm2, v54;
	v55, _, _ =	vpop (xrf2)  }
0xe6: {  	v25 =	vsub.f32 v25, v55;
	[tilespmem:v50+s21+$0x0] =	vst.idx.add.f32.msk vm3, v26  }
0xe7: {  	v56, _, _ =	vpop (xrf2);
	[tilespmem:v50+s22+$0x0] =	vst.idx.add.f32.msk vm2, v55  }
0xe8: {  	v57 =	vsub.f32 v53, v56;
	[tilespmem:v50+s22+$0x0] =	vst.idx.add.f32.msk vm3, v25  }
0xe9: {  	[tilespmem:v50+s23+$0x0] =	vst.idx.add.f32.msk vm2, v56  }
0xea: {  	[tilespmem:v50+s23+$0x0] =	vst.idx.add.f32.msk vm3, v57  }
0xeb: {  	v24 =	vld [tilespmem:s3+$0x0]  }
0xec: {  	v25 =	vld [tilespmem:s6+$0x0];
	_ =	sdelay $0x3  }
0xed: {  	vm2 =	vgt.f32 v24, $5.000000000e-01  }
0xee: {  	v58 =	vld [tilespmem:s0+$0x1];
	v59 =	vnsel vm2, $0x0, v25  }
0xef: {  	v27 =	vld [tilespmem:s0+$0x2];
	(xrf2) =	vadd.scan.msk.f32 $0xffff, v59  }
0xf0: {  	v60 =	vld [tilespmem:s0+$0x0]  }
0xf1: {  	(xrf2) =	vadd.scan.msk.f32 $0xffff, v25  }
0xf2: {  	v61 =	vsel vm2, $0x3F800000, v0  }
0xf3: {  	(xrf2) =	vadd.scan.msk.f32 $0xffff, v61  }
0xf4: {  	vm2 =	vne.s32 v58, v27  }
0xf5: {  	vm3 =	vne.s32 v58, v60;
	vm2 =	vmor vm2, vm1  }
0xf6: {  	vm3 =	vmor vm3, vm0;
	_ =	sdelay $0x2  }
0xf7: {  	v62, _, _ =	vpop (xrf2)  }
0xf8: {  	v26 =	vsub.f32 v59, v62  }
0xf9: {  	[tilespmem:v58+s21+$0x0] =	vst.idx.add.f32.msk vm2, v62;
	v63, _, _ =	vpop (xrf2)  }
0xfa: {  	v25 =	vsub.f32 v25, v63;
	[tilespmem:v58+s21+$0x0] =	vst.idx.add.f32.msk vm3, v26  }
0xfb: {  	v30, _, _ =	vpop (xrf2);
	[tilespmem:v58+s22+$0x0] =	vst.idx.add.f32.msk vm2, v63  }
0xfc: {  	v31 =	vsub.f32 v61, v30;
	[tilespmem:v58+s22+$0x0] =	vst.idx.add.f32.msk vm3, v25  }
0xfd: {  	[tilespmem:v58+s23+$0x0] =	vst.idx.add.f32.msk vm2, v30  }
0xfe: {  	[tilespmem:v58+s23+$0x0] =	vst.idx.add.f32.msk vm3, v31  }
0xff: {  	v24 =	vld [tilespmem:s3+$0x10]  }
0x100: {  	v25 =	vld [tilespmem:s6+$0x10];
	_ =	sdelay $0x3  }
0x101: {  	vm2 =	vgt.f32 v24, $5.000000000e-01  }
0x102: {  	v32 =	vld [tilespmem:s0+$0x11];
	v33 =	vnsel vm2, $0x0, v25  }
0x103: {  	v27 =	vld [tilespmem:s0+$0x12];
	(xrf2) =	vadd.scan.msk.f32 $0xffff, v33  }
0x104: {  	v34 =	vld [tilespmem:s0+$0x10]  }
0x105: {  	(xrf2) =	vadd.scan.msk.f32 $0xffff, v25  }
0x106: {  	v35 =	vsel vm2, $0x3F800000, v0  }
0x107: {  	(xrf2) =	vadd.scan.msk.f32 $0xffff, v35  }
0x108: {  	vm2 =	vne.s32 v32, v27  }
0x109: {  	vm3 =	vne.s32 v32, v34;
	vm2 =	vmor vm2, vm1  }
0x10a: {  	vm3 =	vmor vm3, vm0;
	_ =	sdelay $0x2  }
0x10b: {  	v36, _, _ =	vpop (xrf2)  }
0x10c: {  	v26 =	vsub.f32 v33, v36  }
0x10d: {  	[tilespmem:v32+s21+$0x0] =	vst.idx.add.f32.msk vm2, v36;
	v37, _, _ =	vpop (xrf2)  }
0x10e: {  	v25 =	vsub.f32 v25, v37;
	[tilespmem:v32+s21+$0x0] =	vst.idx.add.f32.msk vm3, v26  }
0x10f: {  	v38, _, _ =	vpop (xrf2);
	[tilespmem:v32+s22+$0x0] =	vst.idx.add.f32.msk vm2, v37  }
0x110: {  	v39 =	vsub.f32 v35, v38;
	[tilespmem:v32+s22+$0x0] =	vst.idx.add.f32.msk vm3, v25  }
0x111: {  	[tilespmem:v32+s23+$0x0] =	vst.idx.add.f32.msk vm2, v38  }
0x112: {  	[tilespmem:v32+s23+$0x0] =	vst.idx.add.f32.msk vm3, v39  }
0x113: {  	v24 =	vld [tilespmem:s3+$0x20]  }
0x114: {  	v25 =	vld [tilespmem:s6+$0x20];
	_ =	sdelay $0x3  }
0x115: {  	vm2 =	vgt.f32 v24, $5.000000000e-01  }
0x116: {  	v40 =	vld [tilespmem:s0+$0x21];
	v41 =	vnsel vm2, $0x0, v25  }
0x117: {  	v27 =	vld [tilespmem:s0+$0x22];
	(xrf2) =	vadd.scan.msk.f32 $0xffff, v41  }
0x118: {  	v42 =	vld [tilespmem:s0+$0x20]  }
0x119: {  	(xrf2) =	vadd.scan.msk.f32 $0xffff, v25  }
0x11a: {  	v43 =	vsel vm2, $0x3F800000, v0  }
0x11b: {  	(xrf2) =	vadd.scan.msk.f32 $0xffff, v43  }
0x11c: {  	vm2 =	vne.s32 v40, v27  }
0x11d: {  	vm3 =	vne.s32 v40, v42;
	vm2 =	vmor vm2, vm1  }
0x11e: {  	vm3 =	vmor vm3, vm0;
	_ =	sdelay $0x2  }
0x11f: {  	v44, _, _ =	vpop (xrf2)  }
0x120: {  	v26 =	vsub.f32 v41, v44  }
0x121: {  	[tilespmem:v40+s21+$0x0] =	vst.idx.add.f32.msk vm2, v44;
	v45, _, _ =	vpop (xrf2)  }
0x122: {  	v25 =	vsub.f32 v25, v45;
	[tilespmem:v40+s21+$0x0] =	vst.idx.add.f32.msk vm3, v26  }
0x123: {  	v46, _, _ =	vpop (xrf2);
	[tilespmem:v40+s22+$0x0] =	vst.idx.add.f32.msk vm2, v45  }
0x124: {  	v47 =	vsub.f32 v43, v46;
	[tilespmem:v40+s22+$0x0] =	vst.idx.add.f32.msk vm3, v25  }
0x125: {  	[tilespmem:v40+s23+$0x0] =	vst.idx.add.f32.msk vm2, v46  }
0x126: {  	s13 =	sadd.s32 $0x80, s11;
	[tilespmem:v40+s23+$0x0] =	vst.idx.add.f32.msk vm3, v47  }
0x127: {  	v24 =	vld [tilespmem:s13+$0x1F80]  }
0x128: {  	v25 =	vld [tilespmem:s11+$0x80];
	_ =	sdelay $0x3  }
0x129: {  	vm2 =	vgt.f32 v24, $5.000000000e-01  }
0x12a: {  	v48 =	vld [tilespmem:s0+$0x31];
	v49 =	vnsel vm2, $0x0, v25  }
0x12b: {  	v27 =	vld [tilespmem:s0+$0x32];
	(xrf2) =	vadd.scan.msk.f32 $0xffff, v49  }
0x12c: {  	v50 =	vld [tilespmem:s0+$0x30]  }
0x12d: {  	(xrf2) =	vadd.scan.msk.f32 $0xffff, v25  }
0x12e: {  	v51 =	vsel vm2, $0x3F800000, v0  }
0x12f: {  	(xrf2) =	vadd.scan.msk.f32 $0xffff, v51  }
0x130: {  	vm2 =	vne.s32 v48, v27  }
0x131: {  	vm3 =	vne.s32 v48, v50;
	vm2 =	vmor vm2, vm1  }
0x132: {  	vm3 =	vmor vm3, vm0;
	_ =	sdelay $0x2  }
0x133: {  	v52, _, _ =	vpop (xrf2)  }
0x134: {  	v26 =	vsub.f32 v49, v52  }
0x135: {  	[tilespmem:v48+s21+$0x0] =	vst.idx.add.f32.msk vm2, v52;
	v53, _, _ =	vpop (xrf2)  }
0x136: {  	v25 =	vsub.f32 v25, v53;
	[tilespmem:v48+s21+$0x0] =	vst.idx.add.f32.msk vm3, v26  }
0x137: {  	v54, _, _ =	vpop (xrf2);
	[tilespmem:v48+s22+$0x0] =	vst.idx.add.f32.msk vm2, v53  }
0x138: {  	v55 =	vsub.f32 v51, v54;
	[tilespmem:v48+s22+$0x0] =	vst.idx.add.f32.msk vm3, v25  }
0x139: {  	[tilespmem:v48+s23+$0x0] =	vst.idx.add.f32.msk vm2, v54  }
0x13a: {  	[tilespmem:v48+s23+$0x0] =	vst.idx.add.f32.msk vm3, v55  }
0x13b: {  	v24 =	vld [tilespmem:s3+$0x40]  }
0x13c: {  	v25 =	vld [tilespmem:s6+$0x40];
	_ =	sdelay $0x3  }
0x13d: {  	vm2 =	vgt.f32 v24, $5.000000000e-01  }
0x13e: {  	v56 =	vld [tilespmem:s0+$0x41];
	v57 =	vnsel vm2, $0x0, v25  }
0x13f: {  	v27 =	vld [tilespmem:s0+$0x42];
	(xrf2) =	vadd.scan.msk.f32 $0xffff, v57  }
0x140: {  	v58 =	vld [tilespmem:s0+$0x40]  }
0x141: {  	(xrf2) =	vadd.scan.msk.f32 $0xffff, v25  }
0x142: {  	v59 =	vsel vm2, $0x3F800000, v0  }
0x143: {  	(xrf2) =	vadd.scan.msk.f32 $0xffff, v59  }
0x144: {  	vm2 =	vne.s32 v56, v27  }
0x145: {  	vm3 =	vne.s32 v56, v58;
	vm2 =	vmor vm2, vm1  }
0x146: {  	vm3 =	vmor vm3, vm0;
	_ =	sdelay $0x2  }
0x147: {  	v60, _, _ =	vpop (xrf2)  }
0x148: {  	v26 =	vsub.f32 v57, v60  }
0x149: {  	v61, _, _ =	vpop (xrf2);
	[tilespmem:v56+s21+$0x0] =	vst.idx.add.f32.msk vm2, v60  }
.Ltmp8:
0x14a: {  	v25 =	vsub.f32 v25, v61;
	[tilespmem:v56+s21+$0x0] =	vst.idx.add.f32.msk vm3, v26;
	(pc) =	sbr.rel .LBB2_7-.Ltmp8, $4  }
0x14b: {  	v62, _, _ =	vpop (xrf2);
	[tilespmem:v56+s22+$0x0] =	vst.idx.add.f32.msk vm2, v61  }
0x14c: {  	v63 =	vsub.f32 v59, v62;
	[tilespmem:v56+s22+$0x0] =	vst.idx.add.f32.msk vm3, v25  }
0x14d: {  	[tilespmem:v56+s23+$0x0] =	vst.idx.add.f32.msk vm2, v62  }
0x14e: {  	[smem:$0x0] =	sst s12;
	s8 =	smov.u32 s12;
	[tilespmem:v56+s23+$0x0] =	vst.idx.add.f32.msk vm3, v63  }
.LBB2_8:
0x14f: {  	_ =	swait.ge [sflag:s24], $0x1F40  }
0x150: {  	[sflag:s24] =	ssyncset.done $0x0  }
0x151: {  	[sflag:s24] =	ssyncadd.s32 $0xFFFFE0C0  }
0x152: {  	_ =	swait.ge [sflag:s24], $0x1F40  }
0x153: {  	[sflag:s24] =	ssyncset.done $0x0  }
0x154: {  	[sflag:s24] =	ssyncadd.s32 $0xFFFFE0C0  }
0x155: {  	s0 =	sadd.s32 s31, s10;
	_ =	swait.ge [sflag:s24], $0x1F40  }
0x156: {  	s0 =	sshrl.u32 s0, $0x3;
	[sflag:s24] =	ssyncset.done $0x0  }
0x157: {  	s31 =	simm.s32 $0x0;
	s3 =	sadd.s32 s1, s0;
	[sflag:s24] =	ssyncadd.s32 $0xFFFFE0C0  }
0x158: {  	[tilespmem:s31], [sflag:$0x1] =	stream.linear.gather [hbm4b:s3+s31], $0x1F40, $0x38;
	[tilespmem:$0xED00] =	vst v63  }
.Ltmp9:
0x159: {  	s13 =	sadd.s32 s2, s0;
	(pc) =	sbr.rel .LBB2_9-.Ltmp9, $4  }
0x15a: {  	[tilespmem:s15], [sflag:$0x1] =	stream.linear.gather [hbm4b:s13+s31], $0x1F40, $0x38;
	[tilespmem:$0xED00] =	vst v63  }
0x15b: {  	s6 =	simm.s32 $0x5ED0;
	s0 =	sadd.s32 s4, s0  }
0x15c: {  	[tilespmem:s16], [sflag:$0x1] =	stream.linear.gather [hbm4b:s0+s31], $0x1F40, $0x38;
	[tilespmem:$0xED00] =	vst v63  }
0x15d: {  	s3 =	simm.s32 $0x7E50;
	s11 =	sld [smem:$0x0];
	s0 =	simm.s32 $0x9DD7  }
.LBB2_11:
0x15e: {  	vm2 =	vgt.f32 v15, $5.000000000e-01;
	vm3 =	vgt.f32 v16, $5.000000000e-01  }
0x15f: {  	vm4 =	vgt.f32 v17, $5.000000000e-01;
	vm5 =	vgt.f32 v21, $5.000000000e-01;
	vm6 =	vgt.f32 v18, $5.000000000e-01  }
0x160: {  	vm7 =	vgt.f32 v19, $5.000000000e-01;
	vm8 =	vgt.f32 v22, $5.000000000e-01;
	v54 =	vadd.f32 v10, v9  }
0x161: {  	vm9 =	vgt.f32 v23, $5.000000000e-01;
	v55 =	vadd.f32 v13, v11;
	v62 =	vadd.f32 v12, v7  }
0x162: {  	v15 =	vnsel vm2, $0x0, v4;
	v16 =	vnsel vm3, $0x0, v5;
	v17 =	vnsel vm4, $0x0, v6  }
0x163: {  	v21 =	vnsel vm5, $0x0, v8;
	v18 =	vnsel vm6, $0x0, v9;
	v19 =	vnsel vm7, $0x0, v10  }
0x164: {  	v22 =	vnsel vm8, $0x0, v11;
	v23 =	vnsel vm9, $0x0, v13;
	v42 =	vsel vm2, $0x3F800000, v0  }
0x165: {  	v44 =	vsel vm3, $0x3F800000, v0;
	v45 =	vsel vm4, $0x3F800000, v0;
	vm2 =	vgt.f32 v14, $5.000000000e-01  }
0x166: {  	vm3 =	vgt.f32 v20, $5.000000000e-01;
	v48 =	vsel vm5, $0x3F800000, v0;
	v4 =	vadd.f32 v5, v4  }
0x167: {  	v51 =	vsel vm6, $0x3F800000, v0;
	v5 =	vadd.f32 v8, v6;
	v15 =	vadd.f32 v16, v15  }
0x168: {  	v53 =	vsel vm8, $0x3F800000, v0;
	v41 =	vadd.f32 v21, v17;
	v18 =	vadd.f32 v19, v18  }
0x169: {  	v56 =	vsel vm9, $0x3F800000, v0;
	v43 =	vadd.f32 v23, v22;
	v57 =	vadd.f32 v44, v42  }
0x16a: {  	v52 =	vsel vm7, $0x3F800000, v0;
	v58 =	vadd.f32 v48, v45;
	v6 =	vadd.f32 v56, v53  }
0x16b: {  	v49 =	vnsel vm2, $0x0, v7;
	v4 =	vadd.f32 v5, v4;
	v5 =	vadd.f32 v55, v54  }
0x16c: {  	v50 =	vnsel vm3, $0x0, v12;
	v46 =	vadd.f32 v41, v15;
	v15 =	vadd.f32 v52, v51  }
0x16d: {  	v59 =	vsel vm2, $0x3F800000, v0;
	v47 =	vadd.f32 v43, v18;
	v18 =	vadd.f32 v50, v49  }
0x16e: {  	v61 =	vsel vm3, $0x3F800000, v0;
	v60 =	vadd.f32 v58, v57;
	v6 =	vadd.f32 v6, v15  }
0x16f: {  	v4 =	vadd.f32 v5, v4;
	v5 =	vadd.f32 v61, v59  }
0x170: {  	s31 =	sadd.s32 $0xA0, s31;
	v14 =	vadd.f32 v47, v46;
	v6 =	vadd.f32 v6, v60  }
0x171: {  	p1 =	sne.s32 s31, $0x1F40;
	v4 =	vadd.f32 v62, v4  }
.Ltmp10:
0x172: {  	v63 =	vadd.f32 v18, v14;
	v5 =	vadd.f32 v5, v6;
	(pc) =	sbr.rel @!p1 .LBB2_12-.Ltmp10, $3  }
0x173: {  	v2 =	vadd.f32 v4, v2  }
0x174: {  	v3 =	vadd.f32 v63, v3;
	v1 =	vadd.f32 v5, v1;
	_ =	sdelay $0x1  }
0x175: {  	s0 =	sadd.s32 $0xA0, s0;
	s3 =	sadd.s32 $0xA0, s3;
	s6 =	sadd.s32 $0xA0, s6;
	v2 =	vpsel p0, $0x0, v2;
	v3 =	vpsel p0, $0x0, v3;
	v1 =	vpsel p0, $0x0, v1  }
.LBB2_9:
0x176: {  	v4 =	vld [tilespmem:s0+$0xFFFFFFB1]  }
0x177: {  	v5 =	vld [tilespmem:s0+$0x41];
	_ =	sdelay $0x3  }
0x178: {  	(v2sf) =	vpush v4, $0x0  }
0x179: {  	(v2sf) =	vpush v5, $0xF;
	_ =	sdelay $0x2  }
0x17a: {  	v15 =	vld [tilespmem:s3+$0xFFFFFFB0]  }
0x17b: {  	v16 =	vld [tilespmem:s3+$0xFFFFFFC0]  }
0x17c: {  	v6 =	vld [tilespmem:s6+$0xFFFFFFD0]  }
0x17d: {  	v17 =	vld [tilespmem:s3+$0xFFFFFFD0]  }
0x17e: {  	v8 =	vld [tilespmem:s6+$0xFFFFFFE0]  }
0x17f: {  	v21 =	vld [tilespmem:s3+$0xFFFFFFE0]  }
0x180: {  	v9 =	vld [tilespmem:s6+$0xFFFFFFF0]  }
0x181: {  	v18 =	vld [tilespmem:s3+$0xFFFFFFF0]  }
0x182: {  	v10 =	vld [tilespmem:s6+$0x0]  }
0x183: {  	v19 =	vld [tilespmem:s3+$0x0]  }
0x184: {  	v11 =	vld [tilespmem:s6+$0x10]  }
0x185: {  	v22 =	vld [tilespmem:s3+$0x10];
	s12 =	spop (v2sf)  }
0x186: {  	v13 =	vld [tilespmem:s6+$0x20];
	s7 =	spop (v2sf)  }
0x187: {  	v23 =	vld [tilespmem:s3+$0x20];
	p0 =	sne.s32 s12, s11;
	p1 =	sne.s32 s7, s12  }
0x188: {  	v12 =	vld [tilespmem:s6+$0x40];
	p0 =	por p0, p1  }
.Ltmp11:
0x189: {  	s8 =	sand.u32 $0x3FE0, s31;
	v20 =	vld [tilespmem:s3+$0x40];
	(pc) =	sbr.rel @!p0 .LBB2_11-.Ltmp11, $4  }
0x18a: {  	v7 =	vld [tilespmem:s8+$0x5F00]  }
0x18b: {  	v14 =	vld [tilespmem:s8+$0x7E80]  }
0x18c: {  	v4 =	vld [tilespmem:s6+$0xFFFFFFB0]  }
0x18d: {  	v5 =	vld [tilespmem:s6+$0xFFFFFFC0]  }
0x18e: {  	(xrf2) =	vadd.scan.msk.f32 $0xffff, v3  }
0x18f: {  	(xrf2) =	vadd.scan.msk.f32 $0xffff, v2  }
0x190: {  	(xrf2) =	vadd.scan.msk.f32 $0xffff, v1;
	_ =	sdelay $0x5  }
0x191: {  	v24 =	vmov s11;
	_ =	sdelay $0x1  }
0x192: {  	v25, _, _ =	vpop (xrf2)  }
0x193: {  	v25 =	vbroadcast v25, $0xF;
	v26, _, _ =	vpop (xrf2)  }
0x194: {  	v26 =	vbroadcast v26, $0xF;
	v27, _, _ =	vpop (xrf2)  }
0x195: {  	[tilespmem:v24+s21+$0x0] =	vst.idx.add.f32.msk $0x1, v25;
	v52 =	vbroadcast v27, $0xF  }
0x196: {  	[tilespmem:v24+s22+$0x0] =	vst.idx.add.f32.msk $0x1, v26  }
0x197: {  	[tilespmem:v24+s23+$0x0] =	vst.idx.add.f32.msk $0x1, v52  }
0x198: {  	v24 =	vld [tilespmem:s3+$0xFFFFFFB0]  }
0x199: {  	v25 =	vld [tilespmem:s6+$0xFFFFFFB0];
	_ =	sdelay $0x3  }
0x19a: {  	vm2 =	vgt.f32 v24, $5.000000000e-01  }
0x19b: {  	v53 =	vld [tilespmem:s0+$0xFFFFFFB1];
	v54 =	vnsel vm2, $0x0, v25  }
0x19c: {  	v55 =	vld [tilespmem:s0+$0xFFFFFFB2];
	(xrf2) =	vadd.scan.msk.f32 $0xffff, v54  }
0x19d: {  	v28 =	vld [tilespmem:s0+$0xFFFFFFB0]  }
0x19e: {  	(xrf2) =	vadd.scan.msk.f32 $0xffff, v25  }
0x19f: {  	v29 =	vsel vm2, $0x3F800000, v0  }
0x1a0: {  	(xrf2) =	vadd.scan.msk.f32 $0xffff, v29  }
0x1a1: {  	vm2 =	vne.s32 v53, v55  }
0x1a2: {  	vm3 =	vne.s32 v53, v28;
	vm2 =	vmor vm2, vm1  }
0x1a3: {  	vm3 =	vmor vm3, vm0;
	_ =	sdelay $0x2  }
0x1a4: {  	v56, _, _ =	vpop (xrf2)  }
0x1a5: {  	v26 =	vsub.f32 v54, v56  }
0x1a6: {  	[tilespmem:v53+s21+$0x0] =	vst.idx.add.f32.msk vm2, v56;
	v57, _, _ =	vpop (xrf2)  }
0x1a7: {  	v25 =	vsub.f32 v25, v57;
	[tilespmem:v53+s21+$0x0] =	vst.idx.add.f32.msk vm3, v26  }
0x1a8: {  	v58, _, _ =	vpop (xrf2);
	[tilespmem:v53+s22+$0x0] =	vst.idx.add.f32.msk vm2, v57  }
0x1a9: {  	v59 =	vsub.f32 v29, v58;
	[tilespmem:v53+s22+$0x0] =	vst.idx.add.f32.msk vm3, v25  }
0x1aa: {  	[tilespmem:v53+s23+$0x0] =	vst.idx.add.f32.msk vm2, v58  }
0x1ab: {  	[tilespmem:v53+s23+$0x0] =	vst.idx.add.f32.msk vm3, v59  }
0x1ac: {  	v24 =	vld [tilespmem:s3+$0xFFFFFFC0]  }
0x1ad: {  	v25 =	vld [tilespmem:s6+$0xFFFFFFC0];
	_ =	sdelay $0x3  }
0x1ae: {  	vm2 =	vgt.f32 v24, $5.000000000e-01  }
0x1af: {  	v60 =	vld [tilespmem:s0+$0xFFFFFFC1];
	v61 =	vnsel vm2, $0x0, v25  }
0x1b0: {  	v27 =	vld [tilespmem:s0+$0xFFFFFFC2];
	(xrf2) =	vadd.scan.msk.f32 $0xffff, v61  }
0x1b1: {  	v62 =	vld [tilespmem:s0+$0xFFFFFFC0]  }
0x1b2: {  	(xrf2) =	vadd.scan.msk.f32 $0xffff, v25  }
0x1b3: {  	v63 =	vsel vm2, $0x3F800000, v0  }
0x1b4: {  	(xrf2) =	vadd.scan.msk.f32 $0xffff, v63  }
0x1b5: {  	vm2 =	vne.s32 v60, v27  }
0x1b6: {  	vm3 =	vne.s32 v60, v62;
	vm2 =	vmor vm2, vm1  }
0x1b7: {  	vm3 =	vmor vm3, vm0;
	_ =	sdelay $0x2  }
0x1b8: {  	v30, _, _ =	vpop (xrf2)  }
0x1b9: {  	v26 =	vsub.f32 v61, v30  }
0x1ba: {  	[tilespmem:v60+s21+$0x0] =	vst.idx.add.f32.msk vm2, v30;
	v31, _, _ =	vpop (xrf2)  }
0x1bb: {  	v25 =	vsub.f32 v25, v31;
	[tilespmem:v60+s21+$0x0] =	vst.idx.add.f32.msk vm3, v26  }
0x1bc: {  	v32, _, _ =	vpop (xrf2);
	[tilespmem:v60+s22+$0x0] =	vst.idx.add.f32.msk vm2, v31  }
0x1bd: {  	v33 =	vsub.f32 v63, v32;
	[tilespmem:v60+s22+$0x0] =	vst.idx.add.f32.msk vm3, v25  }
0x1be: {  	[tilespmem:v60+s23+$0x0] =	vst.idx.add.f32.msk vm2, v32  }
0x1bf: {  	[tilespmem:v60+s23+$0x0] =	vst.idx.add.f32.msk vm3, v33  }
0x1c0: {  	v24 =	vld [tilespmem:s3+$0xFFFFFFD0]  }
0x1c1: {  	v25 =	vld [tilespmem:s6+$0xFFFFFFD0];
	_ =	sdelay $0x3  }
0x1c2: {  	vm2 =	vgt.f32 v24, $5.000000000e-01  }
0x1c3: {  	v34 =	vld [tilespmem:s0+$0xFFFFFFD1];
	v35 =	vnsel vm2, $0x0, v25  }
0x1c4: {  	v27 =	vld [tilespmem:s0+$0xFFFFFFD2];
	(xrf2) =	vadd.scan.msk.f32 $0xffff, v35  }
0x1c5: {  	v36 =	vld [tilespmem:s0+$0xFFFFFFD0]  }
0x1c6: {  	(xrf2) =	vadd.scan.msk.f32 $0xffff, v25  }
0x1c7: {  	v37 =	vsel vm2, $0x3F800000, v0  }
0x1c8: {  	(xrf2) =	vadd.scan.msk.f32 $0xffff, v37  }
0x1c9: {  	vm2 =	vne.s32 v34, v27  }
0x1ca: {  	vm3 =	vne.s32 v34, v36;
	vm2 =	vmor vm2, vm1  }
0x1cb: {  	vm3 =	vmor vm3, vm0;
	_ =	sdelay $0x2  }
0x1cc: {  	v38, _, _ =	vpop (xrf2)  }
0x1cd: {  	v26 =	vsub.f32 v35, v38  }
0x1ce: {  	[tilespmem:v34+s21+$0x0] =	vst.idx.add.f32.msk vm2, v38;
	v39, _, _ =	vpop (xrf2)  }
0x1cf: {  	v25 =	vsub.f32 v25, v39;
	[tilespmem:v34+s21+$0x0] =	vst.idx.add.f32.msk vm3, v26  }
0x1d0: {  	v40, _, _ =	vpop (xrf2);
	[tilespmem:v34+s22+$0x0] =	vst.idx.add.f32.msk vm2, v39  }
0x1d1: {  	v41 =	vsub.f32 v37, v40;
	[tilespmem:v34+s22+$0x0] =	vst.idx.add.f32.msk vm3, v25  }
0x1d2: {  	[tilespmem:v34+s23+$0x0] =	vst.idx.add.f32.msk vm2, v40  }
0x1d3: {  	[tilespmem:v34+s23+$0x0] =	vst.idx.add.f32.msk vm3, v41  }
0x1d4: {  	v24 =	vld [tilespmem:s3+$0xFFFFFFE0]  }
0x1d5: {  	v25 =	vld [tilespmem:s6+$0xFFFFFFE0];
	_ =	sdelay $0x3  }
0x1d6: {  	vm2 =	vgt.f32 v24, $5.000000000e-01  }
0x1d7: {  	v42 =	vld [tilespmem:s0+$0xFFFFFFE1];
	v43 =	vnsel vm2, $0x0, v25  }
0x1d8: {  	v27 =	vld [tilespmem:s0+$0xFFFFFFE2];
	(xrf2) =	vadd.scan.msk.f32 $0xffff, v43  }
0x1d9: {  	v44 =	vld [tilespmem:s0+$0xFFFFFFE0]  }
0x1da: {  	(xrf2) =	vadd.scan.msk.f32 $0xffff, v25  }
0x1db: {  	v45 =	vsel vm2, $0x3F800000, v0  }
0x1dc: {  	(xrf2) =	vadd.scan.msk.f32 $0xffff, v45  }
0x1dd: {  	vm2 =	vne.s32 v42, v27  }
0x1de: {  	vm3 =	vne.s32 v42, v44;
	vm2 =	vmor vm2, vm1  }
0x1df: {  	vm3 =	vmor vm3, vm0;
	_ =	sdelay $0x2  }
0x1e0: {  	v46, _, _ =	vpop (xrf2)  }
0x1e1: {  	v26 =	vsub.f32 v43, v46  }
0x1e2: {  	[tilespmem:v42+s21+$0x0] =	vst.idx.add.f32.msk vm2, v46;
	v47, _, _ =	vpop (xrf2)  }
0x1e3: {  	v25 =	vsub.f32 v25, v47;
	[tilespmem:v42+s21+$0x0] =	vst.idx.add.f32.msk vm3, v26  }
0x1e4: {  	v48, _, _ =	vpop (xrf2);
	[tilespmem:v42+s22+$0x0] =	vst.idx.add.f32.msk vm2, v47  }
0x1e5: {  	v49 =	vsub.f32 v45, v48;
	[tilespmem:v42+s22+$0x0] =	vst.idx.add.f32.msk vm3, v25  }
0x1e6: {  	[tilespmem:v42+s23+$0x0] =	vst.idx.add.f32.msk vm2, v48  }
0x1e7: {  	[tilespmem:v42+s23+$0x0] =	vst.idx.add.f32.msk vm3, v49  }
0x1e8: {  	v24 =	vld [tilespmem:s3+$0xFFFFFFF0]  }
0x1e9: {  	v25 =	vld [tilespmem:s6+$0xFFFFFFF0];
	_ =	sdelay $0x3  }
0x1ea: {  	vm2 =	vgt.f32 v24, $5.000000000e-01  }
0x1eb: {  	v50 =	vld [tilespmem:s0+$0xFFFFFFF1];
	v51 =	vnsel vm2, $0x0, v25  }
0x1ec: {  	v27 =	vld [tilespmem:s0+$0xFFFFFFF2];
	(xrf2) =	vadd.scan.msk.f32 $0xffff, v51  }
0x1ed: {  	v52 =	vld [tilespmem:s0+$0xFFFFFFF0]  }
0x1ee: {  	(xrf2) =	vadd.scan.msk.f32 $0xffff, v25  }
0x1ef: {  	v53 =	vsel vm2, $0x3F800000, v0  }
0x1f0: {  	(xrf2) =	vadd.scan.msk.f32 $0xffff, v53  }
0x1f1: {  	vm2 =	vne.s32 v50, v27  }
0x1f2: {  	vm3 =	vne.s32 v50, v52;
	vm2 =	vmor vm2, vm1  }
0x1f3: {  	vm3 =	vmor vm3, vm0;
	_ =	sdelay $0x2  }
0x1f4: {  	v54, _, _ =	vpop (xrf2)  }
0x1f5: {  	v26 =	vsub.f32 v51, v54  }
0x1f6: {  	[tilespmem:v50+s21+$0x0] =	vst.idx.add.f32.msk vm2, v54;
	v55, _, _ =	vpop (xrf2)  }
0x1f7: {  	v25 =	vsub.f32 v25, v55;
	[tilespmem:v50+s21+$0x0] =	vst.idx.add.f32.msk vm3, v26  }
0x1f8: {  	v56, _, _ =	vpop (xrf2);
	[tilespmem:v50+s22+$0x0] =	vst.idx.add.f32.msk vm2, v55  }
0x1f9: {  	v57 =	vsub.f32 v53, v56;
	[tilespmem:v50+s22+$0x0] =	vst.idx.add.f32.msk vm3, v25  }
0x1fa: {  	[tilespmem:v50+s23+$0x0] =	vst.idx.add.f32.msk vm2, v56  }
0x1fb: {  	[tilespmem:v50+s23+$0x0] =	vst.idx.add.f32.msk vm3, v57  }
0x1fc: {  	v24 =	vld [tilespmem:s3+$0x0]  }
0x1fd: {  	v25 =	vld [tilespmem:s6+$0x0];
	_ =	sdelay $0x3  }
0x1fe: {  	vm2 =	vgt.f32 v24, $5.000000000e-01  }
0x1ff: {  	v58 =	vld [tilespmem:s0+$0x1];
	v59 =	vnsel vm2, $0x0, v25  }
0x200: {  	v27 =	vld [tilespmem:s0+$0x2];
	(xrf2) =	vadd.scan.msk.f32 $0xffff, v59  }
0x201: {  	v60 =	vld [tilespmem:s0+$0x0]  }
0x202: {  	(xrf2) =	vadd.scan.msk.f32 $0xffff, v25  }
0x203: {  	v61 =	vsel vm2, $0x3F800000, v0  }
0x204: {  	(xrf2) =	vadd.scan.msk.f32 $0xffff, v61  }
0x205: {  	vm2 =	vne.s32 v58, v27  }
0x206: {  	vm3 =	vne.s32 v58, v60;
	vm2 =	vmor vm2, vm1  }
0x207: {  	vm3 =	vmor vm3, vm0;
	_ =	sdelay $0x2  }
0x208: {  	v62, _, _ =	vpop (xrf2)  }
0x209: {  	v26 =	vsub.f32 v59, v62  }
0x20a: {  	[tilespmem:v58+s21+$0x0] =	vst.idx.add.f32.msk vm2, v62;
	v63, _, _ =	vpop (xrf2)  }
0x20b: {  	v25 =	vsub.f32 v25, v63;
	[tilespmem:v58+s21+$0x0] =	vst.idx.add.f32.msk vm3, v26  }
0x20c: {  	v30, _, _ =	vpop (xrf2);
	[tilespmem:v58+s22+$0x0] =	vst.idx.add.f32.msk vm2, v63  }
0x20d: {  	v31 =	vsub.f32 v61, v30;
	[tilespmem:v58+s22+$0x0] =	vst.idx.add.f32.msk vm3, v25  }
0x20e: {  	[tilespmem:v58+s23+$0x0] =	vst.idx.add.f32.msk vm2, v30  }
0x20f: {  	[tilespmem:v58+s23+$0x0] =	vst.idx.add.f32.msk vm3, v31  }
0x210: {  	v24 =	vld [tilespmem:s3+$0x10]  }
0x211: {  	v25 =	vld [tilespmem:s6+$0x10];
	_ =	sdelay $0x3  }
0x212: {  	vm2 =	vgt.f32 v24, $5.000000000e-01  }
0x213: {  	v32 =	vld [tilespmem:s0+$0x11];
	v33 =	vnsel vm2, $0x0, v25  }
0x214: {  	v27 =	vld [tilespmem:s0+$0x12];
	(xrf2) =	vadd.scan.msk.f32 $0xffff, v33  }
0x215: {  	v34 =	vld [tilespmem:s0+$0x10]  }
0x216: {  	(xrf2) =	vadd.scan.msk.f32 $0xffff, v25  }
0x217: {  	v35 =	vsel vm2, $0x3F800000, v0  }
0x218: {  	(xrf2) =	vadd.scan.msk.f32 $0xffff, v35  }
0x219: {  	vm2 =	vne.s32 v32, v27  }
0x21a: {  	vm3 =	vne.s32 v32, v34;
	vm2 =	vmor vm2, vm1  }
0x21b: {  	vm3 =	vmor vm3, vm0;
	_ =	sdelay $0x2  }
0x21c: {  	v36, _, _ =	vpop (xrf2)  }
0x21d: {  	v26 =	vsub.f32 v33, v36  }
0x21e: {  	[tilespmem:v32+s21+$0x0] =	vst.idx.add.f32.msk vm2, v36;
	v37, _, _ =	vpop (xrf2)  }
0x21f: {  	v25 =	vsub.f32 v25, v37;
	[tilespmem:v32+s21+$0x0] =	vst.idx.add.f32.msk vm3, v26  }
0x220: {  	v38, _, _ =	vpop (xrf2);
	[tilespmem:v32+s22+$0x0] =	vst.idx.add.f32.msk vm2, v37  }
0x221: {  	v39 =	vsub.f32 v35, v38;
	[tilespmem:v32+s22+$0x0] =	vst.idx.add.f32.msk vm3, v25  }
0x222: {  	[tilespmem:v32+s23+$0x0] =	vst.idx.add.f32.msk vm2, v38  }
0x223: {  	[tilespmem:v32+s23+$0x0] =	vst.idx.add.f32.msk vm3, v39  }
0x224: {  	v24 =	vld [tilespmem:s3+$0x20]  }
0x225: {  	v25 =	vld [tilespmem:s6+$0x20];
	_ =	sdelay $0x3  }
0x226: {  	vm2 =	vgt.f32 v24, $5.000000000e-01  }
0x227: {  	v40 =	vld [tilespmem:s0+$0x21];
	v41 =	vnsel vm2, $0x0, v25  }
0x228: {  	v27 =	vld [tilespmem:s0+$0x22];
	(xrf2) =	vadd.scan.msk.f32 $0xffff, v41  }
0x229: {  	v42 =	vld [tilespmem:s0+$0x20]  }
0x22a: {  	(xrf2) =	vadd.scan.msk.f32 $0xffff, v25  }
0x22b: {  	v43 =	vsel vm2, $0x3F800000, v0  }
0x22c: {  	(xrf2) =	vadd.scan.msk.f32 $0xffff, v43  }
0x22d: {  	vm2 =	vne.s32 v40, v27  }
0x22e: {  	vm3 =	vne.s32 v40, v42;
	vm2 =	vmor vm2, vm1  }
0x22f: {  	vm3 =	vmor vm3, vm0;
	_ =	sdelay $0x2  }
0x230: {  	v44, _, _ =	vpop (xrf2)  }
0x231: {  	v26 =	vsub.f32 v41, v44  }
0x232: {  	[tilespmem:v40+s21+$0x0] =	vst.idx.add.f32.msk vm2, v44;
	v45, _, _ =	vpop (xrf2)  }
0x233: {  	v25 =	vsub.f32 v25, v45;
	[tilespmem:v40+s21+$0x0] =	vst.idx.add.f32.msk vm3, v26  }
0x234: {  	v46, _, _ =	vpop (xrf2);
	[tilespmem:v40+s22+$0x0] =	vst.idx.add.f32.msk vm2, v45  }
0x235: {  	v47 =	vsub.f32 v43, v46;
	[tilespmem:v40+s22+$0x0] =	vst.idx.add.f32.msk vm3, v25  }
0x236: {  	[tilespmem:v40+s23+$0x0] =	vst.idx.add.f32.msk vm2, v46  }
0x237: {  	s8 =	sadd.s32 $0x80, s8;
	[tilespmem:v40+s23+$0x0] =	vst.idx.add.f32.msk vm3, v47  }
0x238: {  	v24 =	vld [tilespmem:s8+$0x7E00]  }
0x239: {  	v25 =	vld [tilespmem:s8+$0x5E80];
	_ =	sdelay $0x3  }
0x23a: {  	vm2 =	vgt.f32 v24, $5.000000000e-01  }
0x23b: {  	v48 =	vld [tilespmem:s0+$0x31];
	v49 =	vnsel vm2, $0x0, v25  }
0x23c: {  	v27 =	vld [tilespmem:s0+$0x32];
	(xrf2) =	vadd.scan.msk.f32 $0xffff, v49  }
0x23d: {  	v50 =	vld [tilespmem:s0+$0x30]  }
0x23e: {  	(xrf2) =	vadd.scan.msk.f32 $0xffff, v25  }
0x23f: {  	v51 =	vsel vm2, $0x3F800000, v0  }
0x240: {  	(xrf2) =	vadd.scan.msk.f32 $0xffff, v51  }
0x241: {  	vm2 =	vne.s32 v48, v27  }
0x242: {  	vm3 =	vne.s32 v48, v50;
	vm2 =	vmor vm2, vm1  }
0x243: {  	vm3 =	vmor vm3, vm0;
	_ =	sdelay $0x2  }
0x244: {  	v52, _, _ =	vpop (xrf2)  }
0x245: {  	v26 =	vsub.f32 v49, v52  }
0x246: {  	[tilespmem:v48+s21+$0x0] =	vst.idx.add.f32.msk vm2, v52;
	v53, _, _ =	vpop (xrf2)  }
0x247: {  	v25 =	vsub.f32 v25, v53;
	[tilespmem:v48+s21+$0x0] =	vst.idx.add.f32.msk vm3, v26  }
0x248: {  	v54, _, _ =	vpop (xrf2);
	[tilespmem:v48+s22+$0x0] =	vst.idx.add.f32.msk vm2, v53  }
0x249: {  	v55 =	vsub.f32 v51, v54;
	[tilespmem:v48+s22+$0x0] =	vst.idx.add.f32.msk vm3, v25  }
0x24a: {  	[tilespmem:v48+s23+$0x0] =	vst.idx.add.f32.msk vm2, v54  }
0x24b: {  	[tilespmem:v48+s23+$0x0] =	vst.idx.add.f32.msk vm3, v55  }
0x24c: {  	v24 =	vld [tilespmem:s3+$0x40]  }
0x24d: {  	v25 =	vld [tilespmem:s6+$0x40];
	_ =	sdelay $0x3  }
0x24e: {  	vm2 =	vgt.f32 v24, $5.000000000e-01  }
0x24f: {  	v56 =	vld [tilespmem:s0+$0x41];
	v57 =	vnsel vm2, $0x0, v25  }
0x250: {  	v27 =	vld [tilespmem:s0+$0x42];
	(xrf2) =	vadd.scan.msk.f32 $0xffff, v57  }
0x251: {  	v58 =	vld [tilespmem:s0+$0x40]  }
0x252: {  	(xrf2) =	vadd.scan.msk.f32 $0xffff, v25  }
0x253: {  	v59 =	vsel vm2, $0x3F800000, v0  }
0x254: {  	(xrf2) =	vadd.scan.msk.f32 $0xffff, v59  }
0x255: {  	vm2 =	vne.s32 v56, v27  }
0x256: {  	vm3 =	vne.s32 v56, v58;
	vm2 =	vmor vm2, vm1  }
0x257: {  	vm3 =	vmor vm3, vm0;
	_ =	sdelay $0x2  }
0x258: {  	v60, _, _ =	vpop (xrf2)  }
0x259: {  	v26 =	vsub.f32 v57, v60  }
0x25a: {  	v61, _, _ =	vpop (xrf2);
	[tilespmem:v56+s21+$0x0] =	vst.idx.add.f32.msk vm2, v60  }
.Ltmp12:
0x25b: {  	v25 =	vsub.f32 v25, v61;
	[tilespmem:v56+s21+$0x0] =	vst.idx.add.f32.msk vm3, v26;
	(pc) =	sbr.rel .LBB2_11-.Ltmp12, $4  }
0x25c: {  	v62, _, _ =	vpop (xrf2);
	[tilespmem:v56+s22+$0x0] =	vst.idx.add.f32.msk vm2, v61  }
0x25d: {  	v63 =	vsub.f32 v59, v62;
	[tilespmem:v56+s22+$0x0] =	vst.idx.add.f32.msk vm3, v25  }
0x25e: {  	[tilespmem:v56+s23+$0x0] =	vst.idx.add.f32.msk vm2, v62  }
0x25f: {  	[smem:$0x0] =	sst s7;
	s11 =	smov.u32 s7;
	[tilespmem:v56+s23+$0x0] =	vst.idx.add.f32.msk vm3, v63  }
.LBB2_13:
0x260: {  	_ =	swait.ge [sflag:s17], $0x1F40  }
0x261: {  	[sflag:s17] =	ssyncset.done $0x0  }
0x262: {  	[sflag:s17] =	ssyncadd.s32 $0xFFFFE0C0  }
0x263: {  	_ =	swait.ge [sflag:s17], $0x1F40  }
0x264: {  	[sflag:s17] =	ssyncset.done $0x0  }
.Ltmp13:
0x265: {  	[sflag:s17] =	ssyncadd.s32 $0xFFFFE0C0;
	(pc) =	sbr.rel .LBB2_14-.Ltmp13, $4  }
0x266: {  	_ =	swait.ge [sflag:s17], $0x1F40  }
0x267: {  	[sflag:s17] =	ssyncset.done $0x0  }
0x268: {  	s0 =	simm.s32 $0x0;
	s3 =	simm.s32 $0x3F57;
	[sflag:s17] =	ssyncadd.s32 $0xFFFFE0C0  }
0x269: {  	s6 =	simm.s32 $0x1FD0;
	s29 =	simm.s32 $0x50;
	s11 =	sld [smem:$0x0]  }
.LBB2_16:
0x26a: {  	vm2 =	vgt.f32 v15, $5.000000000e-01;
	vm3 =	vgt.f32 v16, $5.000000000e-01  }
0x26b: {  	vm4 =	vgt.f32 v17, $5.000000000e-01;
	vm5 =	vgt.f32 v21, $5.000000000e-01;
	vm6 =	vgt.f32 v18, $5.000000000e-01  }
0x26c: {  	vm7 =	vgt.f32 v19, $5.000000000e-01;
	vm8 =	vgt.f32 v22, $5.000000000e-01;
	v54 =	vadd.f32 v10, v9  }
0x26d: {  	vm9 =	vgt.f32 v23, $5.000000000e-01;
	v55 =	vadd.f32 v13, v11;
	v62 =	vadd.f32 v12, v7  }
0x26e: {  	v15 =	vnsel vm2, $0x0, v4;
	v16 =	vnsel vm3, $0x0, v5;
	v17 =	vnsel vm4, $0x0, v6  }
0x26f: {  	v21 =	vnsel vm5, $0x0, v8;
	v18 =	vnsel vm6, $0x0, v9;
	v19 =	vnsel vm7, $0x0, v10  }
0x270: {  	v22 =	vnsel vm8, $0x0, v11;
	v23 =	vnsel vm9, $0x0, v13;
	v42 =	vsel vm2, $0x3F800000, v0  }
0x271: {  	v44 =	vsel vm3, $0x3F800000, v0;
	v45 =	vsel vm4, $0x3F800000, v0;
	vm2 =	vgt.f32 v14, $5.000000000e-01  }
0x272: {  	vm3 =	vgt.f32 v20, $5.000000000e-01;
	v48 =	vsel vm5, $0x3F800000, v0;
	v4 =	vadd.f32 v5, v4  }
0x273: {  	v51 =	vsel vm6, $0x3F800000, v0;
	v5 =	vadd.f32 v8, v6;
	v15 =	vadd.f32 v16, v15  }
0x274: {  	v53 =	vsel vm8, $0x3F800000, v0;
	v41 =	vadd.f32 v21, v17;
	v18 =	vadd.f32 v19, v18  }
0x275: {  	v56 =	vsel vm9, $0x3F800000, v0;
	v43 =	vadd.f32 v23, v22;
	v57 =	vadd.f32 v44, v42  }
0x276: {  	v52 =	vsel vm7, $0x3F800000, v0;
	v58 =	vadd.f32 v48, v45;
	v6 =	vadd.f32 v56, v53  }
0x277: {  	v49 =	vnsel vm2, $0x0, v7;
	v4 =	vadd.f32 v5, v4;
	v5 =	vadd.f32 v55, v54  }
0x278: {  	v50 =	vnsel vm3, $0x0, v12;
	v46 =	vadd.f32 v41, v15;
	v15 =	vadd.f32 v52, v51  }
0x279: {  	v59 =	vsel vm2, $0x3F800000, v0;
	v47 =	vadd.f32 v43, v18;
	v18 =	vadd.f32 v50, v49  }
0x27a: {  	v61 =	vsel vm3, $0x3F800000, v0;
	v60 =	vadd.f32 v58, v57;
	v6 =	vadd.f32 v6, v15  }
0x27b: {  	v4 =	vadd.f32 v5, v4;
	v5 =	vadd.f32 v61, v59  }
0x27c: {  	s0 =	sadd.s32 $0xA0, s0;
	v14 =	vadd.f32 v47, v46;
	v6 =	vadd.f32 v6, v60  }
0x27d: {  	p1 =	sne.s32 s0, $0x1F40;
	v4 =	vadd.f32 v62, v4  }
.Ltmp14:
0x27e: {  	v63 =	vadd.f32 v18, v14;
	v5 =	vadd.f32 v5, v6;
	(pc) =	sbr.rel @!p1 .LBB2_17-.Ltmp14, $3  }
0x27f: {  	v2 =	vadd.f32 v4, v2  }
0x280: {  	v3 =	vadd.f32 v63, v3;
	v1 =	vadd.f32 v5, v1;
	_ =	sdelay $0x1  }
0x281: {  	s3 =	sadd.s32 $0xA0, s3;
	s6 =	sadd.s32 $0xA0, s6;
	s29 =	sadd.s32 $0xA0, s29;
	v2 =	vpsel p0, $0x0, v2;
	v3 =	vpsel p0, $0x0, v3;
	v1 =	vpsel p0, $0x0, v1  }
.LBB2_14:
0x282: {  	v4 =	vld [tilespmem:s3+$0xFFFFFFB1]  }
0x283: {  	v5 =	vld [tilespmem:s3+$0x41];
	_ =	sdelay $0x3  }
0x284: {  	(v2sf) =	vpush v4, $0x0  }
0x285: {  	(v2sf) =	vpush v5, $0xF;
	_ =	sdelay $0x2  }
0x286: {  	v15 =	vld [tilespmem:s6+$0xFFFFFFB0]  }
0x287: {  	v16 =	vld [tilespmem:s6+$0xFFFFFFC0]  }
0x288: {  	v6 =	vld [tilespmem:s29+$0xFFFFFFD0]  }
0x289: {  	v17 =	vld [tilespmem:s6+$0xFFFFFFD0]  }
0x28a: {  	v8 =	vld [tilespmem:s29+$0xFFFFFFE0]  }
0x28b: {  	v21 =	vld [tilespmem:s6+$0xFFFFFFE0]  }
0x28c: {  	v9 =	vld [tilespmem:s29+$0xFFFFFFF0]  }
0x28d: {  	v18 =	vld [tilespmem:s6+$0xFFFFFFF0]  }
0x28e: {  	v10 =	vld [tilespmem:s29+$0x0]  }
0x28f: {  	v19 =	vld [tilespmem:s6+$0x0]  }
0x290: {  	v11 =	vld [tilespmem:s29+$0x10]  }
0x291: {  	v22 =	vld [tilespmem:s6+$0x10];
	s12 =	spop (v2sf)  }
0x292: {  	v13 =	vld [tilespmem:s29+$0x20];
	s7 =	spop (v2sf)  }
0x293: {  	v23 =	vld [tilespmem:s6+$0x20];
	p0 =	sne.s32 s12, s11;
	p1 =	sne.s32 s7, s12  }
0x294: {  	v12 =	vld [tilespmem:s29+$0x40];
	p0 =	por p0, p1  }
.Ltmp15:
0x295: {  	s8 =	sand.u32 $0x3FE0, s0;
	v20 =	vld [tilespmem:s6+$0x40];
	(pc) =	sbr.rel @!p0 .LBB2_16-.Ltmp15, $4  }
0x296: {  	v7 =	vld [tilespmem:s8+$0x80]  }
0x297: {  	v14 =	vld [tilespmem:s8+$0x2000]  }
0x298: {  	v4 =	vld [tilespmem:s29+$0xFFFFFFB0]  }
0x299: {  	v5 =	vld [tilespmem:s29+$0xFFFFFFC0]  }
0x29a: {  	(xrf2) =	vadd.scan.msk.f32 $0xffff, v3  }
0x29b: {  	(xrf2) =	vadd.scan.msk.f32 $0xffff, v2  }
0x29c: {  	(xrf2) =	vadd.scan.msk.f32 $0xffff, v1;
	_ =	sdelay $0x5  }
0x29d: {  	v24 =	vmov s11;
	_ =	sdelay $0x1  }
0x29e: {  	v25, _, _ =	vpop (xrf2)  }
0x29f: {  	v25 =	vbroadcast v25, $0xF;
	v26, _, _ =	vpop (xrf2)  }
0x2a0: {  	v26 =	vbroadcast v26, $0xF;
	v27, _, _ =	vpop (xrf2)  }
0x2a1: {  	[tilespmem:v24+s21+$0x0] =	vst.idx.add.f32.msk $0x1, v25;
	v52 =	vbroadcast v27, $0xF  }
0x2a2: {  	[tilespmem:v24+s22+$0x0] =	vst.idx.add.f32.msk $0x1, v26  }
0x2a3: {  	[tilespmem:v24+s23+$0x0] =	vst.idx.add.f32.msk $0x1, v52  }
0x2a4: {  	v24 =	vld [tilespmem:s6+$0xFFFFFFB0]  }
0x2a5: {  	v25 =	vld [tilespmem:s29+$0xFFFFFFB0];
	_ =	sdelay $0x3  }
0x2a6: {  	vm2 =	vgt.f32 v24, $5.000000000e-01  }
0x2a7: {  	v53 =	vld [tilespmem:s3+$0xFFFFFFB1];
	v54 =	vnsel vm2, $0x0, v25  }
0x2a8: {  	v55 =	vld [tilespmem:s3+$0xFFFFFFB2];
	(xrf2) =	vadd.scan.msk.f32 $0xffff, v54  }
0x2a9: {  	v28 =	vld [tilespmem:s3+$0xFFFFFFB0]  }
0x2aa: {  	(xrf2) =	vadd.scan.msk.f32 $0xffff, v25  }
0x2ab: {  	v29 =	vsel vm2, $0x3F800000, v0  }
0x2ac: {  	(xrf2) =	vadd.scan.msk.f32 $0xffff, v29  }
0x2ad: {  	vm2 =	vne.s32 v53, v55  }
0x2ae: {  	vm3 =	vne.s32 v53, v28;
	vm2 =	vmor vm2, vm1  }
0x2af: {  	vm3 =	vmor vm3, vm0;
	_ =	sdelay $0x2  }
0x2b0: {  	v56, _, _ =	vpop (xrf2)  }
0x2b1: {  	v26 =	vsub.f32 v54, v56  }
0x2b2: {  	[tilespmem:v53+s21+$0x0] =	vst.idx.add.f32.msk vm2, v56;
	v57, _, _ =	vpop (xrf2)  }
0x2b3: {  	v25 =	vsub.f32 v25, v57;
	[tilespmem:v53+s21+$0x0] =	vst.idx.add.f32.msk vm3, v26  }
0x2b4: {  	v58, _, _ =	vpop (xrf2);
	[tilespmem:v53+s22+$0x0] =	vst.idx.add.f32.msk vm2, v57  }
0x2b5: {  	v59 =	vsub.f32 v29, v58;
	[tilespmem:v53+s22+$0x0] =	vst.idx.add.f32.msk vm3, v25  }
0x2b6: {  	[tilespmem:v53+s23+$0x0] =	vst.idx.add.f32.msk vm2, v58  }
0x2b7: {  	[tilespmem:v53+s23+$0x0] =	vst.idx.add.f32.msk vm3, v59  }
0x2b8: {  	v24 =	vld [tilespmem:s6+$0xFFFFFFC0]  }
0x2b9: {  	v25 =	vld [tilespmem:s29+$0xFFFFFFC0];
	_ =	sdelay $0x3  }
0x2ba: {  	vm2 =	vgt.f32 v24, $5.000000000e-01  }
0x2bb: {  	v60 =	vld [tilespmem:s3+$0xFFFFFFC1];
	v61 =	vnsel vm2, $0x0, v25  }
0x2bc: {  	v27 =	vld [tilespmem:s3+$0xFFFFFFC2];
	(xrf2) =	vadd.scan.msk.f32 $0xffff, v61  }
0x2bd: {  	v62 =	vld [tilespmem:s3+$0xFFFFFFC0]  }
0x2be: {  	(xrf2) =	vadd.scan.msk.f32 $0xffff, v25  }
0x2bf: {  	v63 =	vsel vm2, $0x3F800000, v0  }
0x2c0: {  	(xrf2) =	vadd.scan.msk.f32 $0xffff, v63  }
0x2c1: {  	vm2 =	vne.s32 v60, v27  }
0x2c2: {  	vm3 =	vne.s32 v60, v62;
	vm2 =	vmor vm2, vm1  }
0x2c3: {  	vm3 =	vmor vm3, vm0;
	_ =	sdelay $0x2  }
0x2c4: {  	v30, _, _ =	vpop (xrf2)  }
0x2c5: {  	v26 =	vsub.f32 v61, v30  }
0x2c6: {  	[tilespmem:v60+s21+$0x0] =	vst.idx.add.f32.msk vm2, v30;
	v31, _, _ =	vpop (xrf2)  }
0x2c7: {  	v25 =	vsub.f32 v25, v31;
	[tilespmem:v60+s21+$0x0] =	vst.idx.add.f32.msk vm3, v26  }
0x2c8: {  	v32, _, _ =	vpop (xrf2);
	[tilespmem:v60+s22+$0x0] =	vst.idx.add.f32.msk vm2, v31  }
0x2c9: {  	v33 =	vsub.f32 v63, v32;
	[tilespmem:v60+s22+$0x0] =	vst.idx.add.f32.msk vm3, v25  }
0x2ca: {  	[tilespmem:v60+s23+$0x0] =	vst.idx.add.f32.msk vm2, v32  }
0x2cb: {  	[tilespmem:v60+s23+$0x0] =	vst.idx.add.f32.msk vm3, v33  }
0x2cc: {  	v24 =	vld [tilespmem:s6+$0xFFFFFFD0]  }
0x2cd: {  	v25 =	vld [tilespmem:s29+$0xFFFFFFD0];
	_ =	sdelay $0x3  }
0x2ce: {  	vm2 =	vgt.f32 v24, $5.000000000e-01  }
0x2cf: {  	v34 =	vld [tilespmem:s3+$0xFFFFFFD1];
	v35 =	vnsel vm2, $0x0, v25  }
0x2d0: {  	v27 =	vld [tilespmem:s3+$0xFFFFFFD2];
	(xrf2) =	vadd.scan.msk.f32 $0xffff, v35  }
0x2d1: {  	v36 =	vld [tilespmem:s3+$0xFFFFFFD0]  }
0x2d2: {  	(xrf2) =	vadd.scan.msk.f32 $0xffff, v25  }
0x2d3: {  	v37 =	vsel vm2, $0x3F800000, v0  }
0x2d4: {  	(xrf2) =	vadd.scan.msk.f32 $0xffff, v37  }
0x2d5: {  	vm2 =	vne.s32 v34, v27  }
0x2d6: {  	vm3 =	vne.s32 v34, v36;
	vm2 =	vmor vm2, vm1  }
0x2d7: {  	vm3 =	vmor vm3, vm0;
	_ =	sdelay $0x2  }
0x2d8: {  	v38, _, _ =	vpop (xrf2)  }
0x2d9: {  	v26 =	vsub.f32 v35, v38  }
0x2da: {  	[tilespmem:v34+s21+$0x0] =	vst.idx.add.f32.msk vm2, v38;
	v39, _, _ =	vpop (xrf2)  }
0x2db: {  	v25 =	vsub.f32 v25, v39;
	[tilespmem:v34+s21+$0x0] =	vst.idx.add.f32.msk vm3, v26  }
0x2dc: {  	v40, _, _ =	vpop (xrf2);
	[tilespmem:v34+s22+$0x0] =	vst.idx.add.f32.msk vm2, v39  }
0x2dd: {  	v41 =	vsub.f32 v37, v40;
	[tilespmem:v34+s22+$0x0] =	vst.idx.add.f32.msk vm3, v25  }
0x2de: {  	[tilespmem:v34+s23+$0x0] =	vst.idx.add.f32.msk vm2, v40  }
0x2df: {  	[tilespmem:v34+s23+$0x0] =	vst.idx.add.f32.msk vm3, v41  }
0x2e0: {  	v24 =	vld [tilespmem:s6+$0xFFFFFFE0]  }
0x2e1: {  	v25 =	vld [tilespmem:s29+$0xFFFFFFE0];
	_ =	sdelay $0x3  }
0x2e2: {  	vm2 =	vgt.f32 v24, $5.000000000e-01  }
0x2e3: {  	v42 =	vld [tilespmem:s3+$0xFFFFFFE1];
	v43 =	vnsel vm2, $0x0, v25  }
0x2e4: {  	v27 =	vld [tilespmem:s3+$0xFFFFFFE2];
	(xrf2) =	vadd.scan.msk.f32 $0xffff, v43  }
0x2e5: {  	v44 =	vld [tilespmem:s3+$0xFFFFFFE0]  }
0x2e6: {  	(xrf2) =	vadd.scan.msk.f32 $0xffff, v25  }
0x2e7: {  	v45 =	vsel vm2, $0x3F800000, v0  }
0x2e8: {  	(xrf2) =	vadd.scan.msk.f32 $0xffff, v45  }
0x2e9: {  	vm2 =	vne.s32 v42, v27  }
0x2ea: {  	vm3 =	vne.s32 v42, v44;
	vm2 =	vmor vm2, vm1  }
0x2eb: {  	vm3 =	vmor vm3, vm0;
	_ =	sdelay $0x2  }
0x2ec: {  	v46, _, _ =	vpop (xrf2)  }
0x2ed: {  	v26 =	vsub.f32 v43, v46  }
0x2ee: {  	[tilespmem:v42+s21+$0x0] =	vst.idx.add.f32.msk vm2, v46;
	v47, _, _ =	vpop (xrf2)  }
0x2ef: {  	v25 =	vsub.f32 v25, v47;
	[tilespmem:v42+s21+$0x0] =	vst.idx.add.f32.msk vm3, v26  }
0x2f0: {  	v48, _, _ =	vpop (xrf2);
	[tilespmem:v42+s22+$0x0] =	vst.idx.add.f32.msk vm2, v47  }
0x2f1: {  	v49 =	vsub.f32 v45, v48;
	[tilespmem:v42+s22+$0x0] =	vst.idx.add.f32.msk vm3, v25  }
0x2f2: {  	[tilespmem:v42+s23+$0x0] =	vst.idx.add.f32.msk vm2, v48  }
0x2f3: {  	[tilespmem:v42+s23+$0x0] =	vst.idx.add.f32.msk vm3, v49  }
0x2f4: {  	v24 =	vld [tilespmem:s6+$0xFFFFFFF0]  }
0x2f5: {  	v25 =	vld [tilespmem:s29+$0xFFFFFFF0];
	_ =	sdelay $0x3  }
0x2f6: {  	vm2 =	vgt.f32 v24, $5.000000000e-01  }
0x2f7: {  	v50 =	vld [tilespmem:s3+$0xFFFFFFF1];
	v51 =	vnsel vm2, $0x0, v25  }
0x2f8: {  	v27 =	vld [tilespmem:s3+$0xFFFFFFF2];
	(xrf2) =	vadd.scan.msk.f32 $0xffff, v51  }
0x2f9: {  	v52 =	vld [tilespmem:s3+$0xFFFFFFF0]  }
0x2fa: {  	(xrf2) =	vadd.scan.msk.f32 $0xffff, v25  }
0x2fb: {  	v53 =	vsel vm2, $0x3F800000, v0  }
0x2fc: {  	(xrf2) =	vadd.scan.msk.f32 $0xffff, v53  }
0x2fd: {  	vm2 =	vne.s32 v50, v27  }
0x2fe: {  	vm3 =	vne.s32 v50, v52;
	vm2 =	vmor vm2, vm1  }
0x2ff: {  	vm3 =	vmor vm3, vm0;
	_ =	sdelay $0x2  }
0x300: {  	v54, _, _ =	vpop (xrf2)  }
0x301: {  	v26 =	vsub.f32 v51, v54  }
0x302: {  	[tilespmem:v50+s21+$0x0] =	vst.idx.add.f32.msk vm2, v54;
	v55, _, _ =	vpop (xrf2)  }
0x303: {  	v25 =	vsub.f32 v25, v55;
	[tilespmem:v50+s21+$0x0] =	vst.idx.add.f32.msk vm3, v26  }
0x304: {  	v56, _, _ =	vpop (xrf2);
	[tilespmem:v50+s22+$0x0] =	vst.idx.add.f32.msk vm2, v55  }
0x305: {  	v57 =	vsub.f32 v53, v56;
	[tilespmem:v50+s22+$0x0] =	vst.idx.add.f32.msk vm3, v25  }
0x306: {  	[tilespmem:v50+s23+$0x0] =	vst.idx.add.f32.msk vm2, v56  }
0x307: {  	[tilespmem:v50+s23+$0x0] =	vst.idx.add.f32.msk vm3, v57  }
0x308: {  	v24 =	vld [tilespmem:s6+$0x0]  }
0x309: {  	v25 =	vld [tilespmem:s29+$0x0];
	_ =	sdelay $0x3  }
0x30a: {  	vm2 =	vgt.f32 v24, $5.000000000e-01  }
0x30b: {  	v58 =	vld [tilespmem:s3+$0x1];
	v59 =	vnsel vm2, $0x0, v25  }
0x30c: {  	v27 =	vld [tilespmem:s3+$0x2];
	(xrf2) =	vadd.scan.msk.f32 $0xffff, v59  }
0x30d: {  	v60 =	vld [tilespmem:s3+$0x0]  }
0x30e: {  	(xrf2) =	vadd.scan.msk.f32 $0xffff, v25  }
0x30f: {  	v61 =	vsel vm2, $0x3F800000, v0  }
0x310: {  	(xrf2) =	vadd.scan.msk.f32 $0xffff, v61  }
0x311: {  	vm2 =	vne.s32 v58, v27  }
0x312: {  	vm3 =	vne.s32 v58, v60;
	vm2 =	vmor vm2, vm1  }
0x313: {  	vm3 =	vmor vm3, vm0;
	_ =	sdelay $0x2  }
0x314: {  	v62, _, _ =	vpop (xrf2)  }
0x315: {  	v26 =	vsub.f32 v59, v62  }
0x316: {  	[tilespmem:v58+s21+$0x0] =	vst.idx.add.f32.msk vm2, v62;
	v63, _, _ =	vpop (xrf2)  }
0x317: {  	v25 =	vsub.f32 v25, v63;
	[tilespmem:v58+s21+$0x0] =	vst.idx.add.f32.msk vm3, v26  }
0x318: {  	v30, _, _ =	vpop (xrf2);
	[tilespmem:v58+s22+$0x0] =	vst.idx.add.f32.msk vm2, v63  }
0x319: {  	v31 =	vsub.f32 v61, v30;
	[tilespmem:v58+s22+$0x0] =	vst.idx.add.f32.msk vm3, v25  }
0x31a: {  	[tilespmem:v58+s23+$0x0] =	vst.idx.add.f32.msk vm2, v30  }
0x31b: {  	[tilespmem:v58+s23+$0x0] =	vst.idx.add.f32.msk vm3, v31  }
0x31c: {  	v24 =	vld [tilespmem:s6+$0x10]  }
0x31d: {  	v25 =	vld [tilespmem:s29+$0x10];
	_ =	sdelay $0x3  }
0x31e: {  	vm2 =	vgt.f32 v24, $5.000000000e-01  }
0x31f: {  	v32 =	vld [tilespmem:s3+$0x11];
	v33 =	vnsel vm2, $0x0, v25  }
0x320: {  	v27 =	vld [tilespmem:s3+$0x12];
	(xrf2) =	vadd.scan.msk.f32 $0xffff, v33  }
0x321: {  	v34 =	vld [tilespmem:s3+$0x10]  }
0x322: {  	(xrf2) =	vadd.scan.msk.f32 $0xffff, v25  }
0x323: {  	v35 =	vsel vm2, $0x3F800000, v0  }
0x324: {  	(xrf2) =	vadd.scan.msk.f32 $0xffff, v35  }
0x325: {  	vm2 =	vne.s32 v32, v27  }
0x326: {  	vm3 =	vne.s32 v32, v34;
	vm2 =	vmor vm2, vm1  }
0x327: {  	vm3 =	vmor vm3, vm0;
	_ =	sdelay $0x2  }
0x328: {  	v36, _, _ =	vpop (xrf2)  }
0x329: {  	v26 =	vsub.f32 v33, v36  }
0x32a: {  	[tilespmem:v32+s21+$0x0] =	vst.idx.add.f32.msk vm2, v36;
	v37, _, _ =	vpop (xrf2)  }
0x32b: {  	v25 =	vsub.f32 v25, v37;
	[tilespmem:v32+s21+$0x0] =	vst.idx.add.f32.msk vm3, v26  }
0x32c: {  	v38, _, _ =	vpop (xrf2);
	[tilespmem:v32+s22+$0x0] =	vst.idx.add.f32.msk vm2, v37  }
0x32d: {  	v39 =	vsub.f32 v35, v38;
	[tilespmem:v32+s22+$0x0] =	vst.idx.add.f32.msk vm3, v25  }
0x32e: {  	[tilespmem:v32+s23+$0x0] =	vst.idx.add.f32.msk vm2, v38  }
0x32f: {  	[tilespmem:v32+s23+$0x0] =	vst.idx.add.f32.msk vm3, v39  }
0x330: {  	v24 =	vld [tilespmem:s6+$0x20]  }
0x331: {  	v25 =	vld [tilespmem:s29+$0x20];
	_ =	sdelay $0x3  }
0x332: {  	vm2 =	vgt.f32 v24, $5.000000000e-01  }
0x333: {  	v40 =	vld [tilespmem:s3+$0x21];
	v41 =	vnsel vm2, $0x0, v25  }
0x334: {  	v27 =	vld [tilespmem:s3+$0x22];
	(xrf2) =	vadd.scan.msk.f32 $0xffff, v41  }
0x335: {  	v42 =	vld [tilespmem:s3+$0x20]  }
0x336: {  	(xrf2) =	vadd.scan.msk.f32 $0xffff, v25  }
0x337: {  	v43 =	vsel vm2, $0x3F800000, v0  }
0x338: {  	(xrf2) =	vadd.scan.msk.f32 $0xffff, v43  }
0x339: {  	vm2 =	vne.s32 v40, v27  }
0x33a: {  	vm3 =	vne.s32 v40, v42;
	vm2 =	vmor vm2, vm1  }
0x33b: {  	vm3 =	vmor vm3, vm0;
	_ =	sdelay $0x2  }
0x33c: {  	v44, _, _ =	vpop (xrf2)  }
0x33d: {  	v26 =	vsub.f32 v41, v44  }
0x33e: {  	[tilespmem:v40+s21+$0x0] =	vst.idx.add.f32.msk vm2, v44;
	v45, _, _ =	vpop (xrf2)  }
0x33f: {  	v25 =	vsub.f32 v25, v45;
	[tilespmem:v40+s21+$0x0] =	vst.idx.add.f32.msk vm3, v26  }
0x340: {  	v46, _, _ =	vpop (xrf2);
	[tilespmem:v40+s22+$0x0] =	vst.idx.add.f32.msk vm2, v45  }
0x341: {  	v47 =	vsub.f32 v43, v46;
	[tilespmem:v40+s22+$0x0] =	vst.idx.add.f32.msk vm3, v25  }
0x342: {  	[tilespmem:v40+s23+$0x0] =	vst.idx.add.f32.msk vm2, v46  }
0x343: {  	s31 =	sadd.s32 $0x80, s8;
	[tilespmem:v40+s23+$0x0] =	vst.idx.add.f32.msk vm3, v47  }
0x344: {  	v24 =	vld [tilespmem:s31+$0x1F80]  }
0x345: {  	v25 =	vld [tilespmem:s8+$0x80];
	_ =	sdelay $0x3  }
0x346: {  	vm2 =	vgt.f32 v24, $5.000000000e-01  }
0x347: {  	v48 =	vld [tilespmem:s3+$0x31];
	v49 =	vnsel vm2, $0x0, v25  }
0x348: {  	v27 =	vld [tilespmem:s3+$0x32];
	(xrf2) =	vadd.scan.msk.f32 $0xffff, v49  }
0x349: {  	v50 =	vld [tilespmem:s3+$0x30]  }
0x34a: {  	(xrf2) =	vadd.scan.msk.f32 $0xffff, v25  }
0x34b: {  	v51 =	vsel vm2, $0x3F800000, v0  }
0x34c: {  	(xrf2) =	vadd.scan.msk.f32 $0xffff, v51  }
0x34d: {  	vm2 =	vne.s32 v48, v27  }
0x34e: {  	vm3 =	vne.s32 v48, v50;
	vm2 =	vmor vm2, vm1  }
0x34f: {  	vm3 =	vmor vm3, vm0;
	_ =	sdelay $0x2  }
0x350: {  	v52, _, _ =	vpop (xrf2)  }
0x351: {  	v26 =	vsub.f32 v49, v52  }
0x352: {  	[tilespmem:v48+s21+$0x0] =	vst.idx.add.f32.msk vm2, v52;
	v53, _, _ =	vpop (xrf2)  }
0x353: {  	v25 =	vsub.f32 v25, v53;
	[tilespmem:v48+s21+$0x0] =	vst.idx.add.f32.msk vm3, v26  }
0x354: {  	v54, _, _ =	vpop (xrf2);
	[tilespmem:v48+s22+$0x0] =	vst.idx.add.f32.msk vm2, v53  }
0x355: {  	v55 =	vsub.f32 v51, v54;
	[tilespmem:v48+s22+$0x0] =	vst.idx.add.f32.msk vm3, v25  }
0x356: {  	[tilespmem:v48+s23+$0x0] =	vst.idx.add.f32.msk vm2, v54  }
0x357: {  	[tilespmem:v48+s23+$0x0] =	vst.idx.add.f32.msk vm3, v55  }
0x358: {  	v24 =	vld [tilespmem:s6+$0x40]  }
0x359: {  	v25 =	vld [tilespmem:s29+$0x40];
	_ =	sdelay $0x3  }
0x35a: {  	vm2 =	vgt.f32 v24, $5.000000000e-01  }
0x35b: {  	v56 =	vld [tilespmem:s3+$0x41];
	v57 =	vnsel vm2, $0x0, v25  }
0x35c: {  	v27 =	vld [tilespmem:s3+$0x42];
	(xrf2) =	vadd.scan.msk.f32 $0xffff, v57  }
0x35d: {  	v58 =	vld [tilespmem:s3+$0x40]  }
0x35e: {  	(xrf2) =	vadd.scan.msk.f32 $0xffff, v25  }
0x35f: {  	v59 =	vsel vm2, $0x3F800000, v0  }
0x360: {  	(xrf2) =	vadd.scan.msk.f32 $0xffff, v59  }
0x361: {  	vm2 =	vne.s32 v56, v27  }
0x362: {  	vm3 =	vne.s32 v56, v58;
	vm2 =	vmor vm2, vm1  }
0x363: {  	vm3 =	vmor vm3, vm0;
	_ =	sdelay $0x2  }
0x364: {  	v60, _, _ =	vpop (xrf2)  }
0x365: {  	v26 =	vsub.f32 v57, v60  }
0x366: {  	v61, _, _ =	vpop (xrf2);
	[tilespmem:v56+s21+$0x0] =	vst.idx.add.f32.msk vm2, v60  }
.Ltmp16:
0x367: {  	v25 =	vsub.f32 v25, v61;
	[tilespmem:v56+s21+$0x0] =	vst.idx.add.f32.msk vm3, v26;
	(pc) =	sbr.rel .LBB2_16-.Ltmp16, $4  }
0x368: {  	v62, _, _ =	vpop (xrf2);
	[tilespmem:v56+s22+$0x0] =	vst.idx.add.f32.msk vm2, v61  }
0x369: {  	v63 =	vsub.f32 v59, v62;
	[tilespmem:v56+s22+$0x0] =	vst.idx.add.f32.msk vm3, v25  }
0x36a: {  	[tilespmem:v56+s23+$0x0] =	vst.idx.add.f32.msk vm2, v62  }
0x36b: {  	[smem:$0x0] =	sst s7;
	s11 =	smov.u32 s7;
	[tilespmem:v56+s23+$0x0] =	vst.idx.add.f32.msk vm3, v63  }
.LBB2_18:
0x36c: {  	_ =	sfence.sel $0x180000  }
0x36d: {  	[bflag:$0x0] =	sbarrier.arrive $0xFFFF  }
0x36e: {  	_ =	strace $0x90000047  }
0x36f: {  	s0 =	stileid.u32;
	[bflag:$0x2] =	sbarrier.arrive $0xFFFF  }
0x370: {  	p0 =	sne.s32 s0, $0x0;
	s0 =	rddreg [dreg:$0x4]  }
0x371: {  	s0 =	sadd.s32 @!p0 $0x100000, s0  }
0x372: {  	[sflag:s0] =	ssyncadd.tile.s32 @!p0 $0x1;
	_ =	shalt  }
.Lfunc_end2:
_tile_overlayer_lowered:
.L_overlay_start_2:
0x373: {  	(tag) =	ssettag $0x2  }
0x374: {  	s0 =	rddreg [dreg:$0x0];
	s2 =	stileid.u32  }
0x375: {  	s1 =	rddreg [dreg:$0x1];
	p0 =	sne.s32 s2, $0x0  }
0x376: {  	s3 =	rddreg [dreg:$0x2];
	[bflag:$0x3] =	sbarrier.arrive $0xFFFF;
	s2 =	simm.s32 @!p0 $0x1C03  }
0x377: {  	[timem:s3], [sflag:s2] =	dma.local @!p0 [hbm:s0], s1  }
0x378: {  	s0 =	simm.s32 @!p0 $0x3  }
0x379: {  	_ =	swait.ge @!p0 [sflag:s0], s1  }
0x37a: {  	s1 =	ssub.s32 @!p0 $0x0, s1;
	[sflag:s0] =	ssyncset.done @!p0 $0x0  }
0x37b: {  	[sflag:s0] =	ssyncadd.s32 @!p0 s1  }
0x37c: {  	[bflag:$0x3] =	sbarrier.arrive $0xFFFF  }
0x37d: {  	_ =	shalt  }

</sc_bundles>
